<compile_context>
chip_gen: v7x
topology: tpu7x:2x2x1
jax: 0.10.2.dev20260603
libtpu: 0.0.44.dev20260713+nightly
codegen_flags: <defaults>
</compile_context>

<pallas_src>
import functools

import jax
import jax.numpy as jnp
from jax import lax
from jax.experimental import pallas as pl
from jax.experimental.pallas import tpu as pltpu
from jax.experimental.pallas import tpu_sc as plsc

N = 10000
D = 128
DOUT = 64
E = 320000

NC = 2
NS = 16
NW = NC * NS
CH = 96
NCH = 105
EW = NCH * CH
EP = NW * EW
NPAD = 10112
RPT = NPAD // NS
NB = 3
NPAD_DEG = 10240
RPT_DEG = NPAD_DEG // NS

_mesh = plsc.VectorSubcoreMesh(
    core_axis_name="c", subcore_axis_name="s", num_cores=NC, num_subcores=NS)


def _worker_id():
  return lax.axis_index("s") * NC + lax.axis_index("c")


@functools.partial(
    pl.kernel,
    out_type=jax.ShapeDtypeStruct((NC, NPAD_DEG), jnp.float32),
    mesh=_mesh,
    scratch_types=[
        pltpu.VMEM((NCH, CH), jnp.int32),
        pltpu.VMEM((2, CH), jnp.int32),
        pltpu.VMEM((CH,), jnp.float32),
        pltpu.VMEM((RPT_DEG,), jnp.float32),
        pltpu.VMEM_SHARED((NPAD_DEG,), jnp.float32),
        pltpu.SemaphoreType.DMA,
    ],
)
def _deg_sc(pidx_hbm, out_hbm, pbuf, dstage, ones, zbuf, acc, ssem):
  cid = lax.axis_index("c")
  sid = lax.axis_index("s")
  wid = _worker_id()

  onev = jnp.ones((16,), jnp.float32)
  zerov = jnp.zeros((16,), jnp.float32)

  @pl.loop(0, CH // 16)
  def _(i):
    ones[pl.ds(i * 16, 16)] = onev

  @pl.loop(0, RPT_DEG // 16)
  def _(i):
    zbuf[pl.ds(i * 16, 16)] = zerov

  pltpu.sync_copy(pidx_hbm.at[wid], pbuf)
  pltpu.sync_copy(zbuf, acc.at[pl.ds(sid * RPT_DEG, RPT_DEG)])
  plsc.subcore_barrier()

  def _unpack_dst(c, b):
    @pl.loop(0, CH // 16)
    def _(k):
      v = pbuf[c, pl.ds(k * 16, 16)]
      dstage[b, pl.ds(k * 16, 16)] = lax.shift_right_logical(v, 16)

  def _drain_one():
    pltpu.make_async_copy(out_hbm.at[0, pl.ds(0, CH)], ones, ssem).wait()

  @pl.loop(0, NCH - 1, step=2)
  def _(c):
    for b in range(2):
      j = c + b
      @pl.when(j >= 2)
      def _():
        _drain_one()

      _unpack_dst(j, b)
      pltpu.async_copy(ones, acc.at[dstage.at[b]], ssem, add=True)

  _drain_one()
  _unpack_dst(NCH - 1, 0)
  pltpu.async_copy(ones, acc.at[dstage.at[0]], ssem, add=True)
  _drain_one()
  _drain_one()

  plsc.subcore_barrier()
  pltpu.sync_copy(acc.at[pl.ds(sid * RPT_DEG, RPT_DEG)],
                  out_hbm.at[cid, pl.ds(sid * RPT_DEG, RPT_DEG)])


_spmm_scratch = (
    [pltpu.VMEM((EW,), jnp.int32)]
    + [pltpu.VMEM((CH,), jnp.int32) for _ in range(NB)]
    + [pltpu.VMEM((CH,), jnp.int32) for _ in range(NB)]
    + [pltpu.VMEM((NB, CH, D), jnp.float32)]
    + [pltpu.VMEM_SHARED((NPAD, D), jnp.float32)]
    + [pltpu.SemaphoreType.DMA for _ in range(NB)]
    + [pltpu.SemaphoreType.DMA]
)

_STRIPES = []
_off = 0
while _off < RPT:
  _STRIPES.append((_off, min(CH, RPT - _off)))
  _off += CH


@functools.partial(
    pl.kernel,
    out_type=jax.ShapeDtypeStruct((NC, NPAD, D), jnp.float32),
    mesh=_mesh,
    scratch_types=_spmm_scratch,
)
def _spmm_sc(h_hbm, pidx_hbm, out_hbm, pbuf, *rest):
  ss = rest[0:NB]
  dd = rest[NB:2 * NB]
  gbuf = rest[2 * NB]
  acc = rest[2 * NB + 1]
  gsem = rest[2 * NB + 2:2 * NB + 2 + NB]
  ssem = rest[2 * NB + 2 + NB]

  cid = lax.axis_index("c")
  sid = lax.axis_index("s")
  wid = _worker_id()

  pltpu.sync_copy(pidx_hbm.at[wid], pbuf)

  zerov = jnp.zeros((16,), jnp.float32)

  @pl.loop(0, CH)
  def _(r):
    @pl.loop(0, D // 16)
    def _(k):
      gbuf[0, r, pl.ds(k * 16, 16)] = zerov

  for off, rows in _STRIPES:
    pltpu.sync_copy(gbuf.at[0, pl.ds(0, rows)],
                    acc.at[pl.ds(sid * RPT + off, rows)])

  plsc.subcore_barrier()

  def _unpack_src(j, b):
    @pl.loop(0, CH // 16)
    def _(k):
      v = pbuf[pl.ds(j * CH + k * 16, 16)]
      ss[b][pl.ds(k * 16, 16)] = jnp.bitwise_and(v, 0xFFFF)

  def _unpack_dst(j, b):
    @pl.loop(0, CH // 16)
    def _(k):
      v = pbuf[pl.ds(j * CH + k * 16, 16)]
      dd[b][pl.ds(k * 16, 16)] = lax.shift_right_logical(v, 16)

  def _gather(b):
    return pltpu.make_async_copy(h_hbm.at[ss[b]], gbuf.at[b], gsem[b])

  def _drain_one():
    pltpu.make_async_copy(h_hbm.at[pl.ds(0, CH)], gbuf.at[0], ssem).wait()

  _unpack_src(0, 0)
  _gather(0).start()
  _unpack_src(1, 1)
  _gather(1).start()

  @pl.loop(0, NCH, step=NB)
  def _(c):
    for b in range(NB):
      j = c + b
      b2 = (b + 2) % NB
      _gather(b).wait()
      _unpack_dst(j, b)
      pltpu.async_copy(gbuf.at[b], acc.at[dd[b]], ssem, add=True)

      @pl.when(j + 2 < NCH)
      def _():
        @pl.when(j >= 1)
        def _():
          _drain_one()

        _unpack_src(j + 2, b2)
        _gather(b2).start()

  for _ in range(3):
    _drain_one()

  plsc.subcore_barrier()

  for off, rows in _STRIPES:
    row = sid * RPT + off
    pltpu.sync_copy(acc.at[pl.ds(row, rows)],
                    out_hbm.at[cid, pl.ds(row, rows)])


def _tc1_body(p_ref, x_ref, w_ref, hp_ref, dinv_ref):
  deg = 1.0 + p_ref[0, :N] + p_ref[1, :N]
  dinv = lax.rsqrt(deg)
  dinv_ref[...] = dinv
  h = jnp.dot(x_ref[...], w_ref[...], preferred_element_type=jnp.float32)
  hp_ref[...] = h * dinv[:, None]


_tc1 = pl.pallas_call(
    _tc1_body,
    out_shape=[
        jax.ShapeDtypeStruct((N, D), jnp.float32),
        jax.ShapeDtypeStruct((N,), jnp.float32),
    ],
)


def _tc_mid_body(p_ref, hp_ref, dinv_ref, b_ref, w_ref, out_ref):
  dinv = dinv_ref[...]
  agg = p_ref[0, :N] + p_ref[1, :N] + hp_ref[...]
  z = jnp.maximum(agg * dinv[:, None] + b_ref[...], 0.0)
  h = jnp.dot(z, w_ref[...], preferred_element_type=jnp.float32)
  out_ref[...] = h * dinv[:, None]


_tc_mid = pl.pallas_call(
    _tc_mid_body,
    out_shape=jax.ShapeDtypeStruct((N, D), jnp.float32),
)


def _tc_final_body(p_ref, hp_ref, dinv_ref, b_ref, wout_ref, bout_ref,
                   node_ref, graph_ref):
  dinv = dinv_ref[...]
  agg = p_ref[0, :N] + p_ref[1, :N] + hp_ref[...]
  z = jnp.maximum(agg * dinv[:, None] + b_ref[...], 0.0)
  node = jnp.dot(z, wout_ref[...], preferred_element_type=jnp.float32)
  node = node + bout_ref[...]
  node_ref[...] = node
  graph_ref[...] = jnp.mean(node, axis=0, keepdims=True)


_tc_final = pl.pallas_call(
    _tc_final_body,
    out_shape=[
        jax.ShapeDtypeStruct((N, DOUT), jnp.float32),
        jax.ShapeDtypeStruct((1, DOUT), jnp.float32),
    ],
)


def kernel(x, edge_index, W1, b1, W2, b2, W3, b3, Wout, bout):
  npad = EP - E
  pad_src = jnp.arange(npad, dtype=jnp.int32) % N
  pad_dst = N + jnp.arange(npad, dtype=jnp.int32) % (NPAD - N)
  sidx = jnp.concatenate([edge_index[0], pad_src])
  didx = jnp.concatenate([edge_index[1], pad_dst])
  pidx = (sidx | (didx << 16)).reshape(NW, EW)

  degp = _deg_sc(pidx.reshape(NW, NCH, CH))
  h1p, dinv = _tc1(degp, x, W1)
  p = _spmm_sc(h1p, pidx)
  h2p = _tc_mid(p, h1p, dinv, b1, W2)
  p = _spmm_sc(h2p, pidx)
  h3p = _tc_mid(p, h2p, dinv, b2, W3)
  p = _spmm_sc(h3p, pidx)
  node_preds, graph_preds = _tc_final(p, h3p, dinv, b3, Wout, bout)
  return node_preds, graph_preds

# --- scband reference (transcript-rebuilt; emitter-appended) ---
"""Pipeline reference for scband-simplified-gnn-52158082843042 (READ-ONLY COPY).

The authoritative reference and input builder live on the scoring server;
editing this copy changes nothing except your own understanding.
"""

import jax, jax.numpy as jnp
import numpy as np

N = 10000
E = 320000
D_IN = 128
D_HID = 128
D_OUT = 64


def _glorot(key, shape):
    fan_in = shape[0]
    return (jax.random.normal(key, shape, dtype=jnp.float32) / np.sqrt(fan_in)).astype(jnp.float32)


def setup_inputs(seed: int = 0) -> dict:
    key = jax.random.key(seed)
    ks = jax.random.split(key, 12)
    x = jax.random.normal(ks[0], (N, D_IN), dtype=jnp.float32)
    edge_index = jax.random.randint(ks[1], (2, E), 0, N, dtype=jnp.int32)
    W1 = _glorot(ks[2], (D_IN, D_HID)); b1 = jnp.zeros((D_HID,), jnp.float32)
    W2 = _glorot(ks[3], (D_HID, D_HID)); b2 = jnp.zeros((D_HID,), jnp.float32)
    W3 = _glorot(ks[4], (D_HID, D_HID)); b3 = jnp.zeros((D_HID,), jnp.float32)
    Wout = _glorot(ks[5], (D_HID, D_OUT)); bout = jnp.zeros((D_OUT,), jnp.float32)
    return {"x": x, "edge_index": edge_index, "W1": W1, "b1": b1,
            "W2": W2, "b2": b2, "W3": W3, "b3": b3, "Wout": Wout, "bout": bout}


def _gcn_conv(x, src, dst, W, b):
    # GCNConv with added self-loops and symmetric normalization (torch_geometric semantics)
    n = x.shape[0]
    h = x @ W
    deg = jnp.zeros((n,), jnp.float32).at[dst].add(1.0)
    deg_inv_sqrt = jnp.where(deg > 0, deg ** -0.5, 0.0)
    norm = deg_inv_sqrt[src] * deg_inv_sqrt[dst]
    msgs = h[src] * norm[:, None]
    out = jnp.zeros_like(h).at[dst].add(msgs)
    return out + b


def reference(x, edge_index, W1, b1, W2, b2, W3, b3, Wout, bout):
    n = x.shape[0]
    loop = jnp.arange(n, dtype=edge_index.dtype)
    src = jnp.concatenate([edge_index[0], loop])
    dst = jnp.concatenate([edge_index[1], loop])
    h = jax.nn.relu(_gcn_conv(x, src, dst, W1, b1))
    h = jax.nn.relu(_gcn_conv(h, src, dst, W2, b2))
    h = jax.nn.relu(_gcn_conv(h, src, dst, W3, b3))
    node_preds = h @ Wout + bout
    # global_mean_pool with batch == zeros -> mean over all nodes, shape [1, D_OUT]
    graph_preds = jnp.mean(node_preds, axis=0, keepdims=True)
    return node_preds, graph_preds

if __name__ == "__main__":
    import jax
    _d = setup_inputs()
    print(jax.jit(kernel)(*tuple(_d.values())))

</pallas_src>

<mosaic_0001>
#map = affine_map<(d0, d1) -> (0, 0)>
#map1 = affine_map<(d0, d1) -> (0, 0, 0)>
module attributes {stable_mosaic.version = 14 : i64} {
  func.func @_spmm_sc(%arg0: i32, %arg1: i32, %arg2: memref<10000x128xf32, #tpu.memory_space<hbm>>, %arg3: memref<32x10080xi32, #tpu.memory_space<hbm>>, %arg4: memref<2x10112x128xf32, #tpu.memory_space<hbm>>, %arg5: memref<10080xi32, #tpu.memory_space<vmem>>, %arg6: memref<96xi32, #tpu.memory_space<vmem>>, %arg7: memref<96xi32, #tpu.memory_space<vmem>>, %arg8: memref<96xi32, #tpu.memory_space<vmem>>, %arg9: memref<96xi32, #tpu.memory_space<vmem>>, %arg10: memref<96xi32, #tpu.memory_space<vmem>>, %arg11: memref<96xi32, #tpu.memory_space<vmem>>, %arg12: memref<3x96x128xf32, #tpu.memory_space<vmem>>, %arg13: memref<10112x128xf32, #tpu.memory_space<vmem_shared>>, %arg14: memref<!tpu.dma_semaphore, #tpu.memory_space<semaphore_mem>>, %arg15: memref<!tpu.dma_semaphore, #tpu.memory_space<semaphore_mem>>, %arg16: memref<!tpu.dma_semaphore, #tpu.memory_space<semaphore_mem>>, %arg17: memref<!tpu.dma_semaphore, #tpu.memory_space<semaphore_mem>>) attributes {dimension_semantics = [#tpu.dimension_semantics<core_parallel>, #tpu.dimension_semantics<subcore_parallel>], iteration_bounds = array<i64: 2, 16>, scalar_prefetch = 0 : i64, scratch_operands = 13 : i64, tpu.core_type = #tpu.core_type<sc_vector_subcore>, window_params = [{transform_indices = #map}, {transform_indices = #map}, {transform_indices = #map1}]} {
    %mul3A = arith.constant 2 : i32
    %mul3A_0 = arith.muli %arg1, %mul3A : i32
    %add3A = arith.addi %mul3A_0, %arg0 : i32
    "tpu.region"() ({
      %run_scoped3A_143 = tpu.sem_alloc : memref<!tpu.dma_semaphore, #tpu.memory_space<semaphore_mem>>
      %dma_start3A_144 = arith.constant 0 : i32
      %dma_start3A_145 = tpu.memref_slice %arg3[%add3A, %dma_start3A_144] : memref<32x10080xi32, #tpu.memory_space<hbm>> -> memref<1x10080xi32, #tpu.memory_space<hbm>>
      %dma_start3A_146 = tpu.memref_squeeze %dma_start3A_145 : memref<1x10080xi32, #tpu.memory_space<hbm>> -> memref<10080xi32, #tpu.memory_space<hbm>>
      %dma_start3A_147 = arith.constant 0 : i32
      %dma_start3A_148 = tpu.memref_slice %arg3[%add3A, %dma_start3A_147] : memref<32x10080xi32, #tpu.memory_space<hbm>> -> memref<1x10080xi32, #tpu.memory_space<hbm>>
      %dma_start3A_149 = tpu.memref_squeeze %dma_start3A_148 : memref<1x10080xi32, #tpu.memory_space<hbm>> -> memref<10080xi32, #tpu.memory_space<hbm>>
      tpu.enqueue_dma source(%dma_start3A_149 : memref<10080xi32, #tpu.memory_space<hbm>>) target(%arg5 : memref<10080xi32, #tpu.memory_space<vmem>>) target_semaphore(%run_scoped3A_143 : memref<!tpu.dma_semaphore, #tpu.memory_space<semaphore_mem>>)
      %dma_wait3A_150 = arith.constant 0 : i32
      %dma_wait3A_151 = tpu.memref_slice %arg3[%add3A, %dma_wait3A_150] : memref<32x10080xi32, #tpu.memory_space<hbm>> -> memref<1x10080xi32, #tpu.memory_space<hbm>>
      %dma_wait3A_152 = tpu.memref_squeeze %dma_wait3A_151 : memref<1x10080xi32, #tpu.memory_space<hbm>> -> memref<10080xi32, #tpu.memory_space<hbm>>
      %dma_wait3A_153 = arith.constant 0 : i32
      %dma_wait3A_154 = tpu.memref_slice %arg3[%add3A, %dma_wait3A_153] : memref<32x10080xi32, #tpu.memory_space<hbm>> -> memref<1x10080xi32, #tpu.memory_space<hbm>>
      %dma_wait3A_155 = tpu.memref_squeeze %dma_wait3A_154 : memref<1x10080xi32, #tpu.memory_space<hbm>> -> memref<10080xi32, #tpu.memory_space<hbm>>
      tpu.wait_dma2 semaphore(%run_scoped3A_143 : memref<!tpu.dma_semaphore, #tpu.memory_space<semaphore_mem>>) src(%dma_wait3A_155 : memref<10080xi32, #tpu.memory_space<hbm>>) dst(%arg5 : memref<10080xi32, #tpu.memory_space<vmem>>)
      tpu.yield
    }) : () -> ()
    %broadcast_in_dim3A = arith.constant 0.000000e+00 : f32
    %broadcast_in_dim3A_1 = vector.broadcast %broadcast_in_dim3A : f32 to vector<16xf32>
    %scan3A = arith.constant 0 : i32
    %scan3A_2 = arith.constant 96 : i32
    %scan3A_3 = arith.addi %scan3A, %scan3A_2 : i32
    %scan3A_4 = arith.constant 1 : i32
    scf.for %scan3A_143 = %scan3A to %scan3A_3 step %scan3A_4  : i32 {
      %mul3A_144 = arith.constant 1 : i32
      %mul3A_145 = arith.muli %scan3A_143, %mul3A_144 : i32
      %add3A_146 = arith.constant 0 : i32
      %add3A_147 = arith.addi %add3A_146, %mul3A_145 : i32
      %scan3A_148 = arith.constant 0 : i32
      %scan3A_149 = arith.constant 8 : i32
      %scan3A_150 = arith.addi %scan3A_148, %scan3A_149 : i32
      %scan3A_151 = arith.constant 1 : i32
      scf.for %scan3A_153 = %scan3A_148 to %scan3A_150 step %scan3A_151  : i32 {
        %mul3A_154 = arith.constant 1 : i32
        %mul3A_155 = arith.muli %scan3A_153, %mul3A_154 : i32
        %add3A_156 = arith.constant 0 : i32
        %add3A_157 = arith.addi %add3A_156, %mul3A_155 : i32
        %mul3A_158 = arith.constant 16 : i32
        %mul3A_159 = arith.muli %add3A_157, %mul3A_158 : i32
        %swap3A = arith.constant 0 : i32
        %swap3A_160 = arith.index_cast %swap3A : i32 to index
        %swap3A_161 = arith.index_cast %add3A_147 : i32 to index
        %swap3A_162 = arith.index_cast %mul3A_159 : i32 to index
        %swap3A_163 = tpu.vector_load %arg12[%swap3A_160, %swap3A_161, %swap3A_162] {strides = array<i32>} : memref<3x96x128xf32, #tpu.memory_space<vmem>>, vector<1x1x16xf32>,
        %swap3A_164 = vector.shape_cast %swap3A_163 : vector<1x1x16xf32> to vector<16xf32>
        %swap3A_165 = vector.shape_cast %broadcast_in_dim3A_1 : vector<16xf32> to vector<1x1x16xf32>
        tpu.vector_store %arg12[%swap3A_160, %swap3A_161, %swap3A_162], %swap3A_165 {strides = array<i32>} : memref<3x96x128xf32, #tpu.memory_space<vmem>>, vector<1x1x16xf32>,
      }
      %scan3A_152 = arith.constant 8 : i32
    }
    %scan3A_5 = arith.constant 96 : i32
    %mul3A_6 = arith.constant 632 : i32
    %mul3A_7 = arith.muli %arg1, %mul3A_6 : i32
    %add3A_8 = arith.constant 0 : i32
    %add3A_9 = arith.addi %mul3A_7, %add3A_8 : i32
    %run_scoped3A = arith.constant 0 : i32
    "tpu.region"() ({
      %run_scoped3A_143 = tpu.sem_alloc : memref<!tpu.dma_semaphore, #tpu.memory_space<semaphore_mem>>
      %dma_start3A_144 = arith.constant 0 : i32
      %dma_start3A_145 = arith.constant 0 : i32
      %dma_start3A_146 = tpu.memref_slice %arg12[%run_scoped3A, %dma_start3A_144, %dma_start3A_145] : memref<3x96x128xf32, #tpu.memory_space<vmem>> -> memref<1x96x128xf32, #tpu.memory_space<vmem>>
      %dma_start3A_147 = tpu.memref_squeeze %dma_start3A_146 : memref<1x96x128xf32, #tpu.memory_space<vmem>> -> memref<96x128xf32, #tpu.memory_space<vmem>>
      %dma_start3A_148 = arith.constant 0 : i32
      %dma_start3A_149 = tpu.memref_slice %arg13[%add3A_9, %dma_start3A_148] : memref<10112x128xf32, #tpu.memory_space<vmem_shared>> -> memref<96x128xf32, #tpu.memory_space<vmem_shared>>
      %dma_start3A_150 = arith.constant 0 : i32
      %dma_start3A_151 = tpu.memref_slice %arg13[%add3A_9, %dma_start3A_150] : memref<10112x128xf32, #tpu.memory_space<vmem_shared>> -> memref<96x128xf32, #tpu.memory_space<vmem_shared>>
      %dma_start3A_152 = arith.constant 0 : i32
      %dma_start3A_153 = arith.constant 0 : i32
      %dma_start3A_154 = tpu.memref_slice %arg12[%run_scoped3A, %dma_start3A_152, %dma_start3A_153] : memref<3x96x128xf32, #tpu.memory_space<vmem>> -> memref<1x96x128xf32, #tpu.memory_space<vmem>>
      %dma_start3A_155 = tpu.memref_squeeze %dma_start3A_154 : memref<1x96x128xf32, #tpu.memory_space<vmem>> -> memref<96x128xf32, #tpu.memory_space<vmem>>
      tpu.enqueue_dma source(%dma_start3A_155 : memref<96x128xf32, #tpu.memory_space<vmem>>) target(%dma_start3A_151 : memref<96x128xf32, #tpu.memory_space<vmem_shared>>) target_semaphore(%run_scoped3A_143 : memref<!tpu.dma_semaphore, #tpu.memory_space<semaphore_mem>>)
      %dma_wait3A_156 = arith.constant 0 : i32
      %dma_wait3A_157 = arith.constant 0 : i32
      %dma_wait3A_158 = tpu.memref_slice %arg12[%run_scoped3A, %dma_wait3A_156, %dma_wait3A_157] : memref<3x96x128xf32, #tpu.memory_space<vmem>> -> memref<1x96x128xf32, #tpu.memory_space<vmem>>
      %dma_wait3A_159 = tpu.memref_squeeze %dma_wait3A_158 : memref<1x96x128xf32, #tpu.memory_space<vmem>> -> memref<96x128xf32, #tpu.memory_space<vmem>>
      %dma_wait3A_160 = arith.constant 0 : i32
      %dma_wait3A_161 = tpu.memref_slice %arg13[%add3A_9, %dma_wait3A_160] : memref<10112x128xf32, #tpu.memory_space<vmem_shared>> -> memref<96x128xf32, #tpu.memory_space<vmem_shared>>
      %dma_wait3A_162 = arith.constant 0 : i32
      %dma_wait3A_163 = tpu.memref_slice %arg13[%add3A_9, %dma_wait3A_162] : memref<10112x128xf32, #tpu.memory_space<vmem_shared>> -> memref<96x128xf32, #tpu.memory_space<vmem_shared>>
      %dma_wait3A_164 = arith.constant 0 : i32
      %dma_wait3A_165 = arith.constant 0 : i32
      %dma_wait3A_166 = tpu.memref_slice %arg12[%run_scoped3A, %dma_wait3A_164, %dma_wait3A_165] : memref<3x96x128xf32, #tpu.memory_space<vmem>> -> memref<1x96x128xf32, #tpu.memory_space<vmem>>
      %dma_wait3A_167 = tpu.memref_squeeze %dma_wait3A_166 : memref<1x96x128xf32, #tpu.memory_space<vmem>> -> memref<96x128xf32, #tpu.memory_space<vmem>>
      tpu.wait_dma2 semaphore(%run_scoped3A_143 : memref<!tpu.dma_semaphore, #tpu.memory_space<semaphore_mem>>) src(%dma_wait3A_167 : memref<96x128xf32, #tpu.memory_space<vmem>>) dst(%dma_wait3A_163 : memref<96x128xf32, #tpu.memory_space<vmem_shared>>)
      tpu.yield
    }) : () -> ()
    %mul3A_10 = arith.constant 632 : i32
    %mul3A_11 = arith.muli %arg1, %mul3A_10 : i32
    %add3A_12 = arith.constant 96 : i32
    %add3A_13 = arith.addi %mul3A_11, %add3A_12 : i32
    %run_scoped3A_14 = arith.constant 0 : i32
    "tpu.region"() ({
      %run_scoped3A_143 = tpu.sem_alloc : memref<!tpu.dma_semaphore, #tpu.memory_space<semaphore_mem>>
      %dma_start3A_144 = arith.constant 0 : i32
      %dma_start3A_145 = arith.constant 0 : i32
      %dma_start3A_146 = tpu.memref_slice %arg12[%run_scoped3A_14, %dma_start3A_144, %dma_start3A_145] : memref<3x96x128xf32, #tpu.memory_space<vmem>> -> memref<1x96x128xf32, #tpu.memory_space<vmem>>
      %dma_start3A_147 = tpu.memref_squeeze %dma_start3A_146 : memref<1x96x128xf32, #tpu.memory_space<vmem>> -> memref<96x128xf32, #tpu.memory_space<vmem>>
      %dma_start3A_148 = arith.constant 0 : i32
      %dma_start3A_149 = tpu.memref_slice %arg13[%add3A_13, %dma_start3A_148] : memref<10112x128xf32, #tpu.memory_space<vmem_shared>> -> memref<96x128xf32, #tpu.memory_space<vmem_shared>>
      %dma_start3A_150 = arith.constant 0 : i32
      %dma_start3A_151 = tpu.memref_slice %arg13[%add3A_13, %dma_start3A_150] : memref<10112x128xf32, #tpu.memory_space<vmem_shared>> -> memref<96x128xf32, #tpu.memory_space<vmem_shared>>
      %dma_start3A_152 = arith.constant 0 : i32
      %dma_start3A_153 = arith.constant 0 : i32
      %dma_start3A_154 = tpu.memref_slice %arg12[%run_scoped3A_14, %dma_start3A_152, %dma_start3A_153] : memref<3x96x128xf32, #tpu.memory_space<vmem>> -> memref<1x96x128xf32, #tpu.memory_space<vmem>>
      %dma_start3A_155 = tpu.memref_squeeze %dma_start3A_154 : memref<1x96x128xf32, #tpu.memory_space<vmem>> -> memref<96x128xf32, #tpu.memory_space<vmem>>
      tpu.enqueue_dma source(%dma_start3A_155 : memref<96x128xf32, #tpu.memory_space<vmem>>) target(%dma_start3A_151 : memref<96x128xf32, #tpu.memory_space<vmem_shared>>) target_semaphore(%run_scoped3A_143 : memref<!tpu.dma_semaphore, #tpu.memory_space<semaphore_mem>>)
      %dma_wait3A_156 = arith.constant 0 : i32
      %dma_wait3A_157 = arith.constant 0 : i32
      %dma_wait3A_158 = tpu.memref_slice %arg12[%run_scoped3A_14, %dma_wait3A_156, %dma_wait3A_157] : memref<3x96x128xf32, #tpu.memory_space<vmem>> -> memref<1x96x128xf32, #tpu.memory_space<vmem>>
      %dma_wait3A_159 = tpu.memref_squeeze %dma_wait3A_158 : memref<1x96x128xf32, #tpu.memory_space<vmem>> -> memref<96x128xf32, #tpu.memory_space<vmem>>
      %dma_wait3A_160 = arith.constant 0 : i32
      %dma_wait3A_161 = tpu.memref_slice %arg13[%add3A_13, %dma_wait3A_160] : memref<10112x128xf32, #tpu.memory_space<vmem_shared>> -> memref<96x128xf32, #tpu.memory_space<vmem_shared>>
      %dma_wait3A_162 = arith.constant 0 : i32
      %dma_wait3A_163 = tpu.memref_slice %arg13[%add3A_13, %dma_wait3A_162] : memref<10112x128xf32, #tpu.memory_space<vmem_shared>> -> memref<96x128xf32, #tpu.memory_space<vmem_shared>>
      %dma_wait3A_164 = arith.constant 0 : i32
      %dma_wait3A_165 = arith.constant 0 : i32
      %dma_wait3A_166 = tpu.memref_slice %arg12[%run_scoped3A_14, %dma_wait3A_164, %dma_wait3A_165] : memref<3x96x128xf32, #tpu.memory_space<vmem>> -> memref<1x96x128xf32, #tpu.memory_space<vmem>>
      %dma_wait3A_167 = tpu.memref_squeeze %dma_wait3A_166 : memref<1x96x128xf32, #tpu.memory_space<vmem>> -> memref<96x128xf32, #tpu.memory_space<vmem>>
      tpu.wait_dma2 semaphore(%run_scoped3A_143 : memref<!tpu.dma_semaphore, #tpu.memory_space<semaphore_mem>>) src(%dma_wait3A_167 : memref<96x128xf32, #tpu.memory_space<vmem>>) dst(%dma_wait3A_163 : memref<96x128xf32, #tpu.memory_space<vmem_shared>>)
      tpu.yield
    }) : () -> ()
    %mul3A_15 = arith.constant 632 : i32
    %mul3A_16 = arith.muli %arg1, %mul3A_15 : i32
    %add3A_17 = arith.constant 192 : i32
    %add3A_18 = arith.addi %mul3A_16, %add3A_17 : i32
    %run_scoped3A_19 = arith.constant 0 : i32
    "tpu.region"() ({
      %run_scoped3A_143 = tpu.sem_alloc : memref<!tpu.dma_semaphore, #tpu.memory_space<semaphore_mem>>
      %dma_start3A_144 = arith.constant 0 : i32
      %dma_start3A_145 = arith.constant 0 : i32
      %dma_start3A_146 = tpu.memref_slice %arg12[%run_scoped3A_19, %dma_start3A_144, %dma_start3A_145] : memref<3x96x128xf32, #tpu.memory_space<vmem>> -> memref<1x96x128xf32, #tpu.memory_space<vmem>>
      %dma_start3A_147 = tpu.memref_squeeze %dma_start3A_146 : memref<1x96x128xf32, #tpu.memory_space<vmem>> -> memref<96x128xf32, #tpu.memory_space<vmem>>
      %dma_start3A_148 = arith.constant 0 : i32
      %dma_start3A_149 = tpu.memref_slice %arg13[%add3A_18, %dma_start3A_148] : memref<10112x128xf32, #tpu.memory_space<vmem_shared>> -> memref<96x128xf32, #tpu.memory_space<vmem_shared>>
      %dma_start3A_150 = arith.constant 0 : i32
      %dma_start3A_151 = tpu.memref_slice %arg13[%add3A_18, %dma_start3A_150] : memref<10112x128xf32, #tpu.memory_space<vmem_shared>> -> memref<96x128xf32, #tpu.memory_space<vmem_shared>>
      %dma_start3A_152 = arith.constant 0 : i32
      %dma_start3A_153 = arith.constant 0 : i32
      %dma_start3A_154 = tpu.memref_slice %arg12[%run_scoped3A_19, %dma_start3A_152, %dma_start3A_153] : memref<3x96x128xf32, #tpu.memory_space<vmem>> -> memref<1x96x128xf32, #tpu.memory_space<vmem>>
      %dma_start3A_155 = tpu.memref_squeeze %dma_start3A_154 : memref<1x96x128xf32, #tpu.memory_space<vmem>> -> memref<96x128xf32, #tpu.memory_space<vmem>>
      tpu.enqueue_dma source(%dma_start3A_155 : memref<96x128xf32, #tpu.memory_space<vmem>>) target(%dma_start3A_151 : memref<96x128xf32, #tpu.memory_space<vmem_shared>>) target_semaphore(%run_scoped3A_143 : memref<!tpu.dma_semaphore, #tpu.memory_space<semaphore_mem>>)
      %dma_wait3A_156 = arith.constant 0 : i32
      %dma_wait3A_157 = arith.constant 0 : i32
      %dma_wait3A_158 = tpu.memref_slice %arg12[%run_scoped3A_19, %dma_wait3A_156, %dma_wait3A_157] : memref<3x96x128xf32, #tpu.memory_space<vmem>> -> memref<1x96x128xf32, #tpu.memory_space<vmem>>
      %dma_wait3A_159 = tpu.memref_squeeze %dma_wait3A_158 : memref<1x96x128xf32, #tpu.memory_space<vmem>> -> memref<96x128xf32, #tpu.memory_space<vmem>>
      %dma_wait3A_160 = arith.constant 0 : i32
      %dma_wait3A_161 = tpu.memref_slice %arg13[%add3A_18, %dma_wait3A_160] : memref<10112x128xf32, #tpu.memory_space<vmem_shared>> -> memref<96x128xf32, #tpu.memory_space<vmem_shared>>
      %dma_wait3A_162 = arith.constant 0 : i32
      %dma_wait3A_163 = tpu.memref_slice %arg13[%add3A_18, %dma_wait3A_162] : memref<10112x128xf32, #tpu.memory_space<vmem_shared>> -> memref<96x128xf32, #tpu.memory_space<vmem_shared>>
      %dma_wait3A_164 = arith.constant 0 : i32
      %dma_wait3A_165 = arith.constant 0 : i32
      %dma_wait3A_166 = tpu.memref_slice %arg12[%run_scoped3A_19, %dma_wait3A_164, %dma_wait3A_165] : memref<3x96x128xf32, #tpu.memory_space<vmem>> -> memref<1x96x128xf32, #tpu.memory_space<vmem>>
      %dma_wait3A_167 = tpu.memref_squeeze %dma_wait3A_166 : memref<1x96x128xf32, #tpu.memory_space<vmem>> -> memref<96x128xf32, #tpu.memory_space<vmem>>
      tpu.wait_dma2 semaphore(%run_scoped3A_143 : memref<!tpu.dma_semaphore, #tpu.memory_space<semaphore_mem>>) src(%dma_wait3A_167 : memref<96x128xf32, #tpu.memory_space<vmem>>) dst(%dma_wait3A_163 : memref<96x128xf32, #tpu.memory_space<vmem_shared>>)
      tpu.yield
    }) : () -> ()
    %mul3A_20 = arith.constant 632 : i32
    %mul3A_21 = arith.muli %arg1, %mul3A_20 : i32
    %add3A_22 = arith.constant 288 : i32
    %add3A_23 = arith.addi %mul3A_21, %add3A_22 : i32
    %run_scoped3A_24 = arith.constant 0 : i32
    "tpu.region"() ({
      %run_scoped3A_143 = tpu.sem_alloc : memref<!tpu.dma_semaphore, #tpu.memory_space<semaphore_mem>>
      %dma_start3A_144 = arith.constant 0 : i32
      %dma_start3A_145 = arith.constant 0 : i32
      %dma_start3A_146 = tpu.memref_slice %arg12[%run_scoped3A_24, %dma_start3A_144, %dma_start3A_145] : memref<3x96x128xf32, #tpu.memory_space<vmem>> -> memref<1x96x128xf32, #tpu.memory_space<vmem>>
      %dma_start3A_147 = tpu.memref_squeeze %dma_start3A_146 : memref<1x96x128xf32, #tpu.memory_space<vmem>> -> memref<96x128xf32, #tpu.memory_space<vmem>>
      %dma_start3A_148 = arith.constant 0 : i32
      %dma_start3A_149 = tpu.memref_slice %arg13[%add3A_23, %dma_start3A_148] : memref<10112x128xf32, #tpu.memory_space<vmem_shared>> -> memref<96x128xf32, #tpu.memory_space<vmem_shared>>
      %dma_start3A_150 = arith.constant 0 : i32
      %dma_start3A_151 = tpu.memref_slice %arg13[%add3A_23, %dma_start3A_150] : memref<10112x128xf32, #tpu.memory_space<vmem_shared>> -> memref<96x128xf32, #tpu.memory_space<vmem_shared>>
      %dma_start3A_152 = arith.constant 0 : i32
      %dma_start3A_153 = arith.constant 0 : i32
      %dma_start3A_154 = tpu.memref_slice %arg12[%run_scoped3A_24, %dma_start3A_152, %dma_start3A_153] : memref<3x96x128xf32, #tpu.memory_space<vmem>> -> memref<1x96x128xf32, #tpu.memory_space<vmem>>
      %dma_start3A_155 = tpu.memref_squeeze %dma_start3A_154 : memref<1x96x128xf32, #tpu.memory_space<vmem>> -> memref<96x128xf32, #tpu.memory_space<vmem>>
      tpu.enqueue_dma source(%dma_start3A_155 : memref<96x128xf32, #tpu.memory_space<vmem>>) target(%dma_start3A_151 : memref<96x128xf32, #tpu.memory_space<vmem_shared>>) target_semaphore(%run_scoped3A_143 : memref<!tpu.dma_semaphore, #tpu.memory_space<semaphore_mem>>)
      %dma_wait3A_156 = arith.constant 0 : i32
      %dma_wait3A_157 = arith.constant 0 : i32
      %dma_wait3A_158 = tpu.memref_slice %arg12[%run_scoped3A_24, %dma_wait3A_156, %dma_wait3A_157] : memref<3x96x128xf32, #tpu.memory_space<vmem>> -> memref<1x96x128xf32, #tpu.memory_space<vmem>>
      %dma_wait3A_159 = tpu.memref_squeeze %dma_wait3A_158 : memref<1x96x128xf32, #tpu.memory_space<vmem>> -> memref<96x128xf32, #tpu.memory_space<vmem>>
      %dma_wait3A_160 = arith.constant 0 : i32
      %dma_wait3A_161 = tpu.memref_slice %arg13[%add3A_23, %dma_wait3A_160] : memref<10112x128xf32, #tpu.memory_space<vmem_shared>> -> memref<96x128xf32, #tpu.memory_space<vmem_shared>>
      %dma_wait3A_162 = arith.constant 0 : i32
      %dma_wait3A_163 = tpu.memref_slice %arg13[%add3A_23, %dma_wait3A_162] : memref<10112x128xf32, #tpu.memory_space<vmem_shared>> -> memref<96x128xf32, #tpu.memory_space<vmem_shared>>
      %dma_wait3A_164 = arith.constant 0 : i32
      %dma_wait3A_165 = arith.constant 0 : i32
      %dma_wait3A_166 = tpu.memref_slice %arg12[%run_scoped3A_24, %dma_wait3A_164, %dma_wait3A_165] : memref<3x96x128xf32, #tpu.memory_space<vmem>> -> memref<1x96x128xf32, #tpu.memory_space<vmem>>
      %dma_wait3A_167 = tpu.memref_squeeze %dma_wait3A_166 : memref<1x96x128xf32, #tpu.memory_space<vmem>> -> memref<96x128xf32, #tpu.memory_space<vmem>>
      tpu.wait_dma2 semaphore(%run_scoped3A_143 : memref<!tpu.dma_semaphore, #tpu.memory_space<semaphore_mem>>) src(%dma_wait3A_167 : memref<96x128xf32, #tpu.memory_space<vmem>>) dst(%dma_wait3A_163 : memref<96x128xf32, #tpu.memory_space<vmem_shared>>)
      tpu.yield
    }) : () -> ()
    %mul3A_25 = arith.constant 632 : i32
    %mul3A_26 = arith.muli %arg1, %mul3A_25 : i32
    %add3A_27 = arith.constant 384 : i32
    %add3A_28 = arith.addi %mul3A_26, %add3A_27 : i32
    %run_scoped3A_29 = arith.constant 0 : i32
    "tpu.region"() ({
      %run_scoped3A_143 = tpu.sem_alloc : memref<!tpu.dma_semaphore, #tpu.memory_space<semaphore_mem>>
      %dma_start3A_144 = arith.constant 0 : i32
      %dma_start3A_145 = arith.constant 0 : i32
      %dma_start3A_146 = tpu.memref_slice %arg12[%run_scoped3A_29, %dma_start3A_144, %dma_start3A_145] : memref<3x96x128xf32, #tpu.memory_space<vmem>> -> memref<1x96x128xf32, #tpu.memory_space<vmem>>
      %dma_start3A_147 = tpu.memref_squeeze %dma_start3A_146 : memref<1x96x128xf32, #tpu.memory_space<vmem>> -> memref<96x128xf32, #tpu.memory_space<vmem>>
      %dma_start3A_148 = arith.constant 0 : i32
      %dma_start3A_149 = tpu.memref_slice %arg13[%add3A_28, %dma_start3A_148] : memref<10112x128xf32, #tpu.memory_space<vmem_shared>> -> memref<96x128xf32, #tpu.memory_space<vmem_shared>>
      %dma_start3A_150 = arith.constant 0 : i32
      %dma_start3A_151 = tpu.memref_slice %arg13[%add3A_28, %dma_start3A_150] : memref<10112x128xf32, #tpu.memory_space<vmem_shared>> -> memref<96x128xf32, #tpu.memory_space<vmem_shared>>
      %dma_start3A_152 = arith.constant 0 : i32
      %dma_start3A_153 = arith.constant 0 : i32
      %dma_start3A_154 = tpu.memref_slice %arg12[%run_scoped3A_29, %dma_start3A_152, %dma_start3A_153] : memref<3x96x128xf32, #tpu.memory_space<vmem>> -> memref<1x96x128xf32, #tpu.memory_space<vmem>>
      %dma_start3A_155 = tpu.memref_squeeze %dma_start3A_154 : memref<1x96x128xf32, #tpu.memory_space<vmem>> -> memref<96x128xf32, #tpu.memory_space<vmem>>
      tpu.enqueue_dma source(%dma_start3A_155 : memref<96x128xf32, #tpu.memory_space<vmem>>) target(%dma_start3A_151 : memref<96x128xf32, #tpu.memory_space<vmem_shared>>) target_semaphore(%run_scoped3A_143 : memref<!tpu.dma_semaphore, #tpu.memory_space<semaphore_mem>>)
      %dma_wait3A_156 = arith.constant 0 : i32
      %dma_wait3A_157 = arith.constant 0 : i32
      %dma_wait3A_158 = tpu.memref_slice %arg12[%run_scoped3A_29, %dma_wait3A_156, %dma_wait3A_157] : memref<3x96x128xf32, #tpu.memory_space<vmem>> -> memref<1x96x128xf32, #tpu.memory_space<vmem>>
      %dma_wait3A_159 = tpu.memref_squeeze %dma_wait3A_158 : memref<1x96x128xf32, #tpu.memory_space<vmem>> -> memref<96x128xf32, #tpu.memory_space<vmem>>
      %dma_wait3A_160 = arith.constant 0 : i32
      %dma_wait3A_161 = tpu.memref_slice %arg13[%add3A_28, %dma_wait3A_160] : memref<10112x128xf32, #tpu.memory_space<vmem_shared>> -> memref<96x128xf32, #tpu.memory_space<vmem_shared>>
      %dma_wait3A_162 = arith.constant 0 : i32
      %dma_wait3A_163 = tpu.memref_slice %arg13[%add3A_28, %dma_wait3A_162] : memref<10112x128xf32, #tpu.memory_space<vmem_shared>> -> memref<96x128xf32, #tpu.memory_space<vmem_shared>>
      %dma_wait3A_164 = arith.constant 0 : i32
      %dma_wait3A_165 = arith.constant 0 : i32
      %dma_wait3A_166 = tpu.memref_slice %arg12[%run_scoped3A_29, %dma_wait3A_164, %dma_wait3A_165] : memref<3x96x128xf32, #tpu.memory_space<vmem>> -> memref<1x96x128xf32, #tpu.memory_space<vmem>>
      %dma_wait3A_167 = tpu.memref_squeeze %dma_wait3A_166 : memref<1x96x128xf32, #tpu.memory_space<vmem>> -> memref<96x128xf32, #tpu.memory_space<vmem>>
      tpu.wait_dma2 semaphore(%run_scoped3A_143 : memref<!tpu.dma_semaphore, #tpu.memory_space<semaphore_mem>>) src(%dma_wait3A_167 : memref<96x128xf32, #tpu.memory_space<vmem>>) dst(%dma_wait3A_163 : memref<96x128xf32, #tpu.memory_space<vmem_shared>>)
      tpu.yield
    }) : () -> ()
    %mul3A_30 = arith.constant 632 : i32
    %mul3A_31 = arith.muli %arg1, %mul3A_30 : i32
    %add3A_32 = arith.constant 480 : i32
    %add3A_33 = arith.addi %mul3A_31, %add3A_32 : i32
    %run_scoped3A_34 = arith.constant 0 : i32
    "tpu.region"() ({
      %run_scoped3A_143 = tpu.sem_alloc : memref<!tpu.dma_semaphore, #tpu.memory_space<semaphore_mem>>
      %dma_start3A_144 = arith.constant 0 : i32
      %dma_start3A_145 = arith.constant 0 : i32
      %dma_start3A_146 = tpu.memref_slice %arg12[%run_scoped3A_34, %dma_start3A_144, %dma_start3A_145] : memref<3x96x128xf32, #tpu.memory_space<vmem>> -> memref<1x96x128xf32, #tpu.memory_space<vmem>>
      %dma_start3A_147 = tpu.memref_squeeze %dma_start3A_146 : memref<1x96x128xf32, #tpu.memory_space<vmem>> -> memref<96x128xf32, #tpu.memory_space<vmem>>
      %dma_start3A_148 = arith.constant 0 : i32
      %dma_start3A_149 = tpu.memref_slice %arg13[%add3A_33, %dma_start3A_148] : memref<10112x128xf32, #tpu.memory_space<vmem_shared>> -> memref<96x128xf32, #tpu.memory_space<vmem_shared>>
      %dma_start3A_150 = arith.constant 0 : i32
      %dma_start3A_151 = tpu.memref_slice %arg13[%add3A_33, %dma_start3A_150] : memref<10112x128xf32, #tpu.memory_space<vmem_shared>> -> memref<96x128xf32, #tpu.memory_space<vmem_shared>>
      %dma_start3A_152 = arith.constant 0 : i32
      %dma_start3A_153 = arith.constant 0 : i32
      %dma_start3A_154 = tpu.memref_slice %arg12[%run_scoped3A_34, %dma_start3A_152, %dma_start3A_153] : memref<3x96x128xf32, #tpu.memory_space<vmem>> -> memref<1x96x128xf32, #tpu.memory_space<vmem>>
      %dma_start3A_155 = tpu.memref_squeeze %dma_start3A_154 : memref<1x96x128xf32, #tpu.memory_space<vmem>> -> memref<96x128xf32, #tpu.memory_space<vmem>>
      tpu.enqueue_dma source(%dma_start3A_155 : memref<96x128xf32, #tpu.memory_space<vmem>>) target(%dma_start3A_151 : memref<96x128xf32, #tpu.memory_space<vmem_shared>>) target_semaphore(%run_scoped3A_143 : memref<!tpu.dma_semaphore, #tpu.memory_space<semaphore_mem>>)
      %dma_wait3A_156 = arith.constant 0 : i32
      %dma_wait3A_157 = arith.constant 0 : i32
      %dma_wait3A_158 = tpu.memref_slice %arg12[%run_scoped3A_34, %dma_wait3A_156, %dma_wait3A_157] : memref<3x96x128xf32, #tpu.memory_space<vmem>> -> memref<1x96x128xf32, #tpu.memory_space<vmem>>
      %dma_wait3A_159 = tpu.memref_squeeze %dma_wait3A_158 : memref<1x96x128xf32, #tpu.memory_space<vmem>> -> memref<96x128xf32, #tpu.memory_space<vmem>>
      %dma_wait3A_160 = arith.constant 0 : i32
      %dma_wait3A_161 = tpu.memref_slice %arg13[%add3A_33, %dma_wait3A_160] : memref<10112x128xf32, #tpu.memory_space<vmem_shared>> -> memref<96x128xf32, #tpu.memory_space<vmem_shared>>
      %dma_wait3A_162 = arith.constant 0 : i32
      %dma_wait3A_163 = tpu.memref_slice %arg13[%add3A_33, %dma_wait3A_162] : memref<10112x128xf32, #tpu.memory_space<vmem_shared>> -> memref<96x128xf32, #tpu.memory_space<vmem_shared>>
      %dma_wait3A_164 = arith.constant 0 : i32
      %dma_wait3A_165 = arith.constant 0 : i32
      %dma_wait3A_166 = tpu.memref_slice %arg12[%run_scoped3A_34, %dma_wait3A_164, %dma_wait3A_165] : memref<3x96x128xf32, #tpu.memory_space<vmem>> -> memref<1x96x128xf32, #tpu.memory_space<vmem>>
      %dma_wait3A_167 = tpu.memref_squeeze %dma_wait3A_166 : memref<1x96x128xf32, #tpu.memory_space<vmem>> -> memref<96x128xf32, #tpu.memory_space<vmem>>
      tpu.wait_dma2 semaphore(%run_scoped3A_143 : memref<!tpu.dma_semaphore, #tpu.memory_space<semaphore_mem>>) src(%dma_wait3A_167 : memref<96x128xf32, #tpu.memory_space<vmem>>) dst(%dma_wait3A_163 : memref<96x128xf32, #tpu.memory_space<vmem_shared>>)
      tpu.yield
    }) : () -> ()
    %mul3A_35 = arith.constant 632 : i32
    %mul3A_36 = arith.muli %arg1, %mul3A_35 : i32
    %add3A_37 = arith.constant 576 : i32
    %add3A_38 = arith.addi %mul3A_36, %add3A_37 : i32
    %run_scoped3A_39 = arith.constant 0 : i32
    "tpu.region"() ({
      %run_scoped3A_143 = tpu.sem_alloc : memref<!tpu.dma_semaphore, #tpu.memory_space<semaphore_mem>>
      %dma_start3A_144 = arith.constant 0 : i32
      %dma_start3A_145 = arith.constant 0 : i32
      %dma_start3A_146 = tpu.memref_slice %arg12[%run_scoped3A_39, %dma_start3A_144, %dma_start3A_145] : memref<3x96x128xf32, #tpu.memory_space<vmem>> -> memref<1x56x128xf32, #tpu.memory_space<vmem>>
      %dma_start3A_147 = tpu.memref_squeeze %dma_start3A_146 : memref<1x56x128xf32, #tpu.memory_space<vmem>> -> memref<56x128xf32, #tpu.memory_space<vmem>>
      %dma_start3A_148 = arith.constant 0 : i32
      %dma_start3A_149 = tpu.memref_slice %arg13[%add3A_38, %dma_start3A_148] : memref<10112x128xf32, #tpu.memory_space<vmem_shared>> -> memref<56x128xf32, #tpu.memory_space<vmem_shared>>
      %dma_start3A_150 = arith.constant 0 : i32
      %dma_start3A_151 = tpu.memref_slice %arg13[%add3A_38, %dma_start3A_150] : memref<10112x128xf32, #tpu.memory_space<vmem_shared>> -> memref<56x128xf32, #tpu.memory_space<vmem_shared>>
      %dma_start3A_152 = arith.constant 0 : i32
      %dma_start3A_153 = arith.constant 0 : i32
      %dma_start3A_154 = tpu.memref_slice %arg12[%run_scoped3A_39, %dma_start3A_152, %dma_start3A_153] : memref<3x96x128xf32, #tpu.memory_space<vmem>> -> memref<1x56x128xf32, #tpu.memory_space<vmem>>
      %dma_start3A_155 = tpu.memref_squeeze %dma_start3A_154 : memref<1x56x128xf32, #tpu.memory_space<vmem>> -> memref<56x128xf32, #tpu.memory_space<vmem>>
      tpu.enqueue_dma source(%dma_start3A_155 : memref<56x128xf32, #tpu.memory_space<vmem>>) target(%dma_start3A_151 : memref<56x128xf32, #tpu.memory_space<vmem_shared>>) target_semaphore(%run_scoped3A_143 : memref<!tpu.dma_semaphore, #tpu.memory_space<semaphore_mem>>)
      %dma_wait3A_156 = arith.constant 0 : i32
      %dma_wait3A_157 = arith.constant 0 : i32
      %dma_wait3A_158 = tpu.memref_slice %arg12[%run_scoped3A_39, %dma_wait3A_156, %dma_wait3A_157] : memref<3x96x128xf32, #tpu.memory_space<vmem>> -> memref<1x56x128xf32, #tpu.memory_space<vmem>>
      %dma_wait3A_159 = tpu.memref_squeeze %dma_wait3A_158 : memref<1x56x128xf32, #tpu.memory_space<vmem>> -> memref<56x128xf32, #tpu.memory_space<vmem>>
      %dma_wait3A_160 = arith.constant 0 : i32
      %dma_wait3A_161 = tpu.memref_slice %arg13[%add3A_38, %dma_wait3A_160] : memref<10112x128xf32, #tpu.memory_space<vmem_shared>> -> memref<56x128xf32, #tpu.memory_space<vmem_shared>>
      %dma_wait3A_162 = arith.constant 0 : i32
      %dma_wait3A_163 = tpu.memref_slice %arg13[%add3A_38, %dma_wait3A_162] : memref<10112x128xf32, #tpu.memory_space<vmem_shared>> -> memref<56x128xf32, #tpu.memory_space<vmem_shared>>
      %dma_wait3A_164 = arith.constant 0 : i32
      %dma_wait3A_165 = arith.constant 0 : i32
      %dma_wait3A_166 = tpu.memref_slice %arg12[%run_scoped3A_39, %dma_wait3A_164, %dma_wait3A_165] : memref<3x96x128xf32, #tpu.memory_space<vmem>> -> memref<1x56x128xf32, #tpu.memory_space<vmem>>
      %dma_wait3A_167 = tpu.memref_squeeze %dma_wait3A_166 : memref<1x56x128xf32, #tpu.memory_space<vmem>> -> memref<56x128xf32, #tpu.memory_space<vmem>>
      tpu.wait_dma2 semaphore(%run_scoped3A_143 : memref<!tpu.dma_semaphore, #tpu.memory_space<semaphore_mem>>) src(%dma_wait3A_167 : memref<56x128xf32, #tpu.memory_space<vmem>>) dst(%dma_wait3A_163 : memref<56x128xf32, #tpu.memory_space<vmem_shared>>)
      tpu.yield
    }) : () -> ()
    %barrier3A = arith.constant 0 : index
    tpu.barrier barrier_id(%barrier3A)
    %scan3A_40 = arith.constant 0 : i32
    %scan3A_41 = arith.constant 6 : i32
    %scan3A_42 = arith.addi %scan3A_40, %scan3A_41 : i32
    %scan3A_43 = arith.constant 1 : i32
    scf.for %scan3A_143 = %scan3A_40 to %scan3A_42 step %scan3A_43  : i32 {
      %mul3A_144 = arith.constant 1 : i32
      %mul3A_145 = arith.muli %scan3A_143, %mul3A_144 : i32
      %add3A_146 = arith.constant 0 : i32
      %add3A_147 = arith.addi %add3A_146, %mul3A_145 : i32
      %mul3A_148 = arith.constant 16 : i32
      %mul3A_149 = arith.muli %add3A_147, %mul3A_148 : i32
      %add3A_150 = arith.constant 0 : i32
      %add3A_151 = arith.addi %add3A_150, %mul3A_149 : i32
      %get3A = arith.index_cast %add3A_151 : i32 to index
      %get3A_152 = tpu.vector_load %arg5[%get3A] {strides = array<i32>} : memref<10080xi32, #tpu.memory_space<vmem>>, vector<16xi32>,
      %get3A_153 = vector.shape_cast %get3A_152 : vector<16xi32> to vector<16xi32>
      %and3A = arith.constant 65535 : i32
      %and3A_154 = vector.broadcast %and3A : i32 to vector<16xi32>
      %and3A_155 = arith.andi %get3A_153, %and3A_154 : vector<16xi32>
      %mul3A_156 = arith.constant 16 : i32
      %mul3A_157 = arith.muli %add3A_147, %mul3A_156 : i32
      %swap3A = arith.index_cast %mul3A_157 : i32 to index
      %swap3A_158 = tpu.vector_load %arg6[%swap3A] {strides = array<i32>} : memref<96xi32, #tpu.memory_space<vmem>>, vector<16xi32>,
      %swap3A_159 = vector.shape_cast %swap3A_158 : vector<16xi32> to vector<16xi32>
      %swap3A_160 = vector.shape_cast %and3A_155 : vector<16xi32> to vector<16xi32>
      tpu.vector_store %arg6[%swap3A], %swap3A_160 {strides = array<i32>} : memref<96xi32, #tpu.memory_space<vmem>>, vector<16xi32>,
    }
    %scan3A_44 = arith.constant 6 : i32
    %dma_start3A = arith.constant 0 : i32
    %dma_start3A_45 = arith.constant 0 : i32
    %dma_start3A_46 = arith.constant 0 : i32
    %dma_start3A_47 = tpu.memref_slice %arg12[%dma_start3A, %dma_start3A_45, %dma_start3A_46] : memref<3x96x128xf32, #tpu.memory_space<vmem>> -> memref<1x96x128xf32, #tpu.memory_space<vmem>>
    %dma_start3A_48 = tpu.memref_squeeze %dma_start3A_47 : memref<1x96x128xf32, #tpu.memory_space<vmem>> -> memref<96x128xf32, #tpu.memory_space<vmem>>
    %dma_start3A_49 = arith.constant 0 : i32
    %dma_start3A_50 = arith.constant 0 : i32
    %dma_start3A_51 = tpu.memref_slice %arg2[%dma_start3A_49, %dma_start3A_50] : memref<10000x128xf32, #tpu.memory_space<hbm>> -> memref<10000x128xf32, #tpu.memory_space<hbm>>
    tpu.enqueue_indirect_dma source(%dma_start3A_51 : memref<10000x128xf32, #tpu.memory_space<hbm>>) target(%dma_start3A_48 : memref<96x128xf32, #tpu.memory_space<vmem>>) offsets(%arg6 : memref<96xi32, #tpu.memory_space<vmem>>) semaphore(%arg14 : memref<!tpu.dma_semaphore, #tpu.memory_space<semaphore_mem>>)
    %scan3A_52 = arith.constant 0 : i32
    %scan3A_53 = arith.constant 6 : i32
    %scan3A_54 = arith.addi %scan3A_52, %scan3A_53 : i32
    %scan3A_55 = arith.constant 1 : i32
    scf.for %scan3A_143 = %scan3A_52 to %scan3A_54 step %scan3A_55  : i32 {
      %mul3A_144 = arith.constant 1 : i32
      %mul3A_145 = arith.muli %scan3A_143, %mul3A_144 : i32
      %add3A_146 = arith.constant 0 : i32
      %add3A_147 = arith.addi %add3A_146, %mul3A_145 : i32
      %mul3A_148 = arith.constant 16 : i32
      %mul3A_149 = arith.muli %add3A_147, %mul3A_148 : i32
      %add3A_150 = arith.constant 96 : i32
      %add3A_151 = arith.addi %add3A_150, %mul3A_149 : i32
      %get3A = arith.index_cast %add3A_151 : i32 to index
      %get3A_152 = tpu.vector_load %arg5[%get3A] {strides = array<i32>} : memref<10080xi32, #tpu.memory_space<vmem>>, vector<16xi32>,
      %get3A_153 = vector.shape_cast %get3A_152 : vector<16xi32> to vector<16xi32>
      %and3A = arith.constant 65535 : i32
      %and3A_154 = vector.broadcast %and3A : i32 to vector<16xi32>
      %and3A_155 = arith.andi %get3A_153, %and3A_154 : vector<16xi32>
      %mul3A_156 = arith.constant 16 : i32
      %mul3A_157 = arith.muli %add3A_147, %mul3A_156 : i32
      %swap3A = arith.index_cast %mul3A_157 : i32 to index
      %swap3A_158 = tpu.vector_load %arg7[%swap3A] {strides = array<i32>} : memref<96xi32, #tpu.memory_space<vmem>>, vector<16xi32>,
      %swap3A_159 = vector.shape_cast %swap3A_158 : vector<16xi32> to vector<16xi32>
      %swap3A_160 = vector.shape_cast %and3A_155 : vector<16xi32> to vector<16xi32>
      tpu.vector_store %arg7[%swap3A], %swap3A_160 {strides = array<i32>} : memref<96xi32, #tpu.memory_space<vmem>>, vector<16xi32>,
    }
    %scan3A_56 = arith.constant 6 : i32
    %dma_start3A_57 = arith.constant 1 : i32
    %dma_start3A_58 = arith.constant 0 : i32
    %dma_start3A_59 = arith.constant 0 : i32
    %dma_start3A_60 = tpu.memref_slice %arg12[%dma_start3A_57, %dma_start3A_58, %dma_start3A_59] : memref<3x96x128xf32, #tpu.memory_space<vmem>> -> memref<1x96x128xf32, #tpu.memory_space<vmem>>
    %dma_start3A_61 = tpu.memref_squeeze %dma_start3A_60 : memref<1x96x128xf32, #tpu.memory_space<vmem>> -> memref<96x128xf32, #tpu.memory_space<vmem>>
    %dma_start3A_62 = arith.constant 0 : i32
    %dma_start3A_63 = arith.constant 0 : i32
    %dma_start3A_64 = tpu.memref_slice %arg2[%dma_start3A_62, %dma_start3A_63] : memref<10000x128xf32, #tpu.memory_space<hbm>> -> memref<10000x128xf32, #tpu.memory_space<hbm>>
    tpu.enqueue_indirect_dma source(%dma_start3A_64 : memref<10000x128xf32, #tpu.memory_space<hbm>>) target(%dma_start3A_61 : memref<96x128xf32, #tpu.memory_space<vmem>>) offsets(%arg7 : memref<96xi32, #tpu.memory_space<vmem>>) semaphore(%arg15 : memref<!tpu.dma_semaphore, #tpu.memory_space<semaphore_mem>>)
    %scan3A_65 = arith.constant 0 : i32
    %scan3A_66 = arith.constant 35 : i32
    %scan3A_67 = arith.addi %scan3A_65, %scan3A_66 : i32
    %scan3A_68 = arith.constant 1 : i32
    scf.for %scan3A_143 = %scan3A_65 to %scan3A_67 step %scan3A_68  : i32 {
      %mul3A_144 = arith.constant 3 : i32
      %mul3A_145 = arith.muli %scan3A_143, %mul3A_144 : i32
      %add3A_146 = arith.constant 0 : i32
      %add3A_147 = arith.addi %add3A_146, %mul3A_145 : i32
      %add3A_148 = arith.constant 0 : i32
      %add3A_149 = arith.addi %add3A_147, %add3A_148 : i32
      %dma_wait3A_150 = arith.constant 0 : i32
      %dma_wait3A_151 = arith.constant 0 : i32
      %dma_wait3A_152 = arith.constant 0 : i32
      %dma_wait3A_153 = tpu.memref_slice %arg12[%dma_wait3A_150, %dma_wait3A_151, %dma_wait3A_152] : memref<3x96x128xf32, #tpu.memory_space<vmem>> -> memref<1x96x128xf32, #tpu.memory_space<vmem>>
      %dma_wait3A_154 = tpu.memref_squeeze %dma_wait3A_153 : memref<1x96x128xf32, #tpu.memory_space<vmem>> -> memref<96x128xf32, #tpu.memory_space<vmem>>
      %dma_wait3A_155 = arith.constant 0 : i32
      %dma_wait3A_156 = arith.constant 0 : i32
      %dma_wait3A_157 = tpu.memref_slice %arg2[%dma_wait3A_155, %dma_wait3A_156] : memref<10000x128xf32, #tpu.memory_space<hbm>> -> memref<10000x128xf32, #tpu.memory_space<hbm>>
      tpu.wait_indirect_dma semaphore(%arg14 : memref<!tpu.dma_semaphore, #tpu.memory_space<semaphore_mem>>) src(%dma_wait3A_157 : memref<10000x128xf32, #tpu.memory_space<hbm>>) dst(%dma_wait3A_154 : memref<96x128xf32, #tpu.memory_space<vmem>>)
      %scan3A_158 = arith.constant 0 : i32
      %scan3A_159 = arith.constant 6 : i32
      %scan3A_160 = arith.addi %scan3A_158, %scan3A_159 : i32
      %scan3A_161 = arith.constant 1 : i32
      scf.for %scan3A_235 = %scan3A_158 to %scan3A_160 step %scan3A_161  : i32 {
        %mul3A_236 = arith.constant 1 : i32
        %mul3A_237 = arith.muli %scan3A_235, %mul3A_236 : i32
        %add3A_238 = arith.constant 0 : i32
        %add3A_239 = arith.addi %add3A_238, %mul3A_237 : i32
        %mul3A_240 = arith.constant 96 : i32
        %mul3A_241 = arith.muli %add3A_149, %mul3A_240 : i32
        %mul3A_242 = arith.constant 16 : i32
        %mul3A_243 = arith.muli %add3A_239, %mul3A_242 : i32
        %add3A_244 = arith.addi %mul3A_241, %mul3A_243 : i32
        %get3A = arith.index_cast %add3A_244 : i32 to index
        %get3A_245 = tpu.vector_load %arg5[%get3A] {strides = array<i32>} : memref<10080xi32, #tpu.memory_space<vmem>>, vector<16xi32>,
        %get3A_246 = vector.shape_cast %get3A_245 : vector<16xi32> to vector<16xi32>
        %shift_right_logical3A = arith.constant 16 : i32
        %shift_right_logical3A_247 = vector.broadcast %shift_right_logical3A : i32 to vector<16xi32>
        %shift_right_logical3A_248 = arith.shrui %get3A_246, %shift_right_logical3A_247 : vector<16xi32>
        %mul3A_249 = arith.constant 16 : i32
        %mul3A_250 = arith.muli %add3A_239, %mul3A_249 : i32
        %swap3A = arith.index_cast %mul3A_250 : i32 to index
        %swap3A_251 = tpu.vector_load %arg9[%swap3A] {strides = array<i32>} : memref<96xi32, #tpu.memory_space<vmem>>, vector<16xi32>,
        %swap3A_252 = vector.shape_cast %swap3A_251 : vector<16xi32> to vector<16xi32>
        %swap3A_253 = vector.shape_cast %shift_right_logical3A_248 : vector<16xi32> to vector<16xi32>
        tpu.vector_store %arg9[%swap3A], %swap3A_253 {strides = array<i32>} : memref<96xi32, #tpu.memory_space<vmem>>, vector<16xi32>,
      }
      %scan3A_162 = arith.constant 6 : i32
      %dma_start3A_163 = arith.constant 0 : i32
      %dma_start3A_164 = arith.constant 0 : i32
      %dma_start3A_165 = arith.constant 0 : i32
      %dma_start3A_166 = tpu.memref_slice %arg12[%dma_start3A_163, %dma_start3A_164, %dma_start3A_165] : memref<3x96x128xf32, #tpu.memory_space<vmem>> -> memref<1x96x128xf32, #tpu.memory_space<vmem>>
      %dma_start3A_167 = tpu.memref_squeeze %dma_start3A_166 : memref<1x96x128xf32, #tpu.memory_space<vmem>> -> memref<96x128xf32, #tpu.memory_space<vmem>>
      %dma_start3A_168 = arith.constant 0 : i32
      %dma_start3A_169 = arith.constant 0 : i32
      %dma_start3A_170 = tpu.memref_slice %arg13[%dma_start3A_168, %dma_start3A_169] : memref<10112x128xf32, #tpu.memory_space<vmem_shared>> -> memref<10112x128xf32, #tpu.memory_space<vmem_shared>>
      tpu.enqueue_indirect_dma source(%dma_start3A_167 : memref<96x128xf32, #tpu.memory_space<vmem>>) target(%dma_start3A_170 : memref<10112x128xf32, #tpu.memory_space<vmem_shared>>) offsets(%arg9 : memref<96xi32, #tpu.memory_space<vmem>>) semaphore(%arg17 : memref<!tpu.dma_semaphore, #tpu.memory_space<semaphore_mem>>) {add = true}
      %add3A_171 = arith.constant 2 : i32
      %add3A_172 = arith.addi %add3A_149, %add3A_171 : i32
      %lt3A = arith.constant 105 : i32
      %lt3A_173 = arith.cmpi slt, %add3A_172, %lt3A : i32
      %convert_element_type3A = arith.extui %lt3A_173 : i1 to i32
      %cond3A = arith.constant 0 : i32
      %cond3A_174 = arith.cmpi ne, %convert_element_type3A, %cond3A : i32
      scf.if %cond3A_174 {
        %ge3A = arith.constant 1 : i32
        %ge3A_235 = arith.cmpi sge, %add3A_149, %ge3A : i32
        %convert_element_type3A_236 = arith.extui %ge3A_235 : i1 to i32
        %cond3A_237 = arith.constant 0 : i32
        %cond3A_238 = arith.cmpi ne, %convert_element_type3A_236, %cond3A_237 : i32
        scf.if %cond3A_238 {
          %dma_wait3A_254 = arith.constant 0 : i32
          %dma_wait3A_255 = arith.constant 0 : i32
          %dma_wait3A_256 = arith.constant 0 : i32
          %dma_wait3A_257 = tpu.memref_slice %arg12[%dma_wait3A_254, %dma_wait3A_255, %dma_wait3A_256] : memref<3x96x128xf32, #tpu.memory_space<vmem>> -> memref<1x96x128xf32, #tpu.memory_space<vmem>>
          %dma_wait3A_258 = tpu.memref_squeeze %dma_wait3A_257 : memref<1x96x128xf32, #tpu.memory_space<vmem>> -> memref<96x128xf32, #tpu.memory_space<vmem>>
          %dma_wait3A_259 = arith.constant 0 : i32
          %dma_wait3A_260 = arith.constant 0 : i32
          %dma_wait3A_261 = tpu.memref_slice %arg2[%dma_wait3A_259, %dma_wait3A_260] : memref<10000x128xf32, #tpu.memory_space<hbm>> -> memref<96x128xf32, #tpu.memory_space<hbm>>
          %dma_wait3A_262 = arith.constant 0 : i32
          %dma_wait3A_263 = arith.constant 0 : i32
          %dma_wait3A_264 = tpu.memref_slice %arg12[%dma_wait3A_254, %dma_wait3A_262, %dma_wait3A_263] : memref<3x96x128xf32, #tpu.memory_space<vmem>> -> memref<1x96x128xf32, #tpu.memory_space<vmem>>
          %dma_wait3A_265 = tpu.memref_squeeze %dma_wait3A_264 : memref<1x96x128xf32, #tpu.memory_space<vmem>> -> memref<96x128xf32, #tpu.memory_space<vmem>>
          %dma_wait3A_266 = arith.constant 0 : i32
          %dma_wait3A_267 = arith.constant 0 : i32
          %dma_wait3A_268 = tpu.memref_slice %arg2[%dma_wait3A_266, %dma_wait3A_267] : memref<10000x128xf32, #tpu.memory_space<hbm>> -> memref<96x128xf32, #tpu.memory_space<hbm>>
          tpu.wait_dma2 semaphore(%arg17 : memref<!tpu.dma_semaphore, #tpu.memory_space<semaphore_mem>>) src(%dma_wait3A_268 : memref<96x128xf32, #tpu.memory_space<hbm>>) dst(%dma_wait3A_265 : memref<96x128xf32, #tpu.memory_space<vmem>>)
        } else {
        }
        %add3A_239 = arith.constant 2 : i32
        %add3A_240 = arith.addi %add3A_149, %add3A_239 : i32
        %scan3A_241 = arith.constant 0 : i32
        %scan3A_242 = arith.constant 6 : i32
        %scan3A_243 = arith.addi %scan3A_241, %scan3A_242 : i32
        %scan3A_244 = arith.constant 1 : i32
        scf.for %scan3A_254 = %scan3A_241 to %scan3A_243 step %scan3A_244  : i32 {
          %mul3A_255 = arith.constant 1 : i32
          %mul3A_256 = arith.muli %scan3A_254, %mul3A_255 : i32
          %add3A_257 = arith.constant 0 : i32
          %add3A_258 = arith.addi %add3A_257, %mul3A_256 : i32
          %mul3A_259 = arith.constant 96 : i32
          %mul3A_260 = arith.muli %add3A_240, %mul3A_259 : i32
          %mul3A_261 = arith.constant 16 : i32
          %mul3A_262 = arith.muli %add3A_258, %mul3A_261 : i32
          %add3A_263 = arith.addi %mul3A_260, %mul3A_262 : i32
          %get3A = arith.index_cast %add3A_263 : i32 to index
          %get3A_264 = tpu.vector_load %arg5[%get3A] {strides = array<i32>} : memref<10080xi32, #tpu.memory_space<vmem>>, vector<16xi32>,
          %get3A_265 = vector.shape_cast %get3A_264 : vector<16xi32> to vector<16xi32>
          %and3A = arith.constant 65535 : i32
          %and3A_266 = vector.broadcast %and3A : i32 to vector<16xi32>
          %and3A_267 = arith.andi %get3A_265, %and3A_266 : vector<16xi32>
          %mul3A_268 = arith.constant 16 : i32
          %mul3A_269 = arith.muli %add3A_258, %mul3A_268 : i32
          %swap3A = arith.index_cast %mul3A_269 : i32 to index
          %swap3A_270 = tpu.vector_load %arg8[%swap3A] {strides = array<i32>} : memref<96xi32, #tpu.memory_space<vmem>>, vector<16xi32>,
          %swap3A_271 = vector.shape_cast %swap3A_270 : vector<16xi32> to vector<16xi32>
          %swap3A_272 = vector.shape_cast %and3A_267 : vector<16xi32> to vector<16xi32>
          tpu.vector_store %arg8[%swap3A], %swap3A_272 {strides = array<i32>} : memref<96xi32, #tpu.memory_space<vmem>>, vector<16xi32>,
        }
        %scan3A_245 = arith.constant 6 : i32
        %dma_start3A_246 = arith.constant 2 : i32
        %dma_start3A_247 = arith.constant 0 : i32
        %dma_start3A_248 = arith.constant 0 : i32
        %dma_start3A_249 = tpu.memref_slice %arg12[%dma_start3A_246, %dma_start3A_247, %dma_start3A_248] : memref<3x96x128xf32, #tpu.memory_space<vmem>> -> memref<1x96x128xf32, #tpu.memory_space<vmem>>
        %dma_start3A_250 = tpu.memref_squeeze %dma_start3A_249 : memref<1x96x128xf32, #tpu.memory_space<vmem>> -> memref<96x128xf32, #tpu.memory_space<vmem>>
        %dma_start3A_251 = arith.constant 0 : i32
        %dma_start3A_252 = arith.constant 0 : i32
        %dma_start3A_253 = tpu.memref_slice %arg2[%dma_start3A_251, %dma_start3A_252] : memref<10000x128xf32, #tpu.memory_space<hbm>> -> memref<10000x128xf32, #tpu.memory_space<hbm>>
        tpu.enqueue_indirect_dma source(%dma_start3A_253 : memref<10000x128xf32, #tpu.memory_space<hbm>>) target(%dma_start3A_250 : memref<96x128xf32, #tpu.memory_space<vmem>>) offsets(%arg8 : memref<96xi32, #tpu.memory_space<vmem>>) semaphore(%arg16 : memref<!tpu.dma_semaphore, #tpu.memory_space<semaphore_mem>>)
      } else {
      }
      %add3A_175 = arith.constant 1 : i32
      %add3A_176 = arith.addi %add3A_147, %add3A_175 : i32
      %dma_wait3A_177 = arith.constant 1 : i32
      %dma_wait3A_178 = arith.constant 0 : i32
      %dma_wait3A_179 = arith.constant 0 : i32
      %dma_wait3A_180 = tpu.memref_slice %arg12[%dma_wait3A_177, %dma_wait3A_178, %dma_wait3A_179] : memref<3x96x128xf32, #tpu.memory_space<vmem>> -> memref<1x96x128xf32, #tpu.memory_space<vmem>>
      %dma_wait3A_181 = tpu.memref_squeeze %dma_wait3A_180 : memref<1x96x128xf32, #tpu.memory_space<vmem>> -> memref<96x128xf32, #tpu.memory_space<vmem>>
      %dma_wait3A_182 = arith.constant 0 : i32
      %dma_wait3A_183 = arith.constant 0 : i32
      %dma_wait3A_184 = tpu.memref_slice %arg2[%dma_wait3A_182, %dma_wait3A_183] : memref<10000x128xf32, #tpu.memory_space<hbm>> -> memref<10000x128xf32, #tpu.memory_space<hbm>>
      tpu.wait_indirect_dma semaphore(%arg15 : memref<!tpu.dma_semaphore, #tpu.memory_space<semaphore_mem>>) src(%dma_wait3A_184 : memref<10000x128xf32, #tpu.memory_space<hbm>>) dst(%dma_wait3A_181 : memref<96x128xf32, #tpu.memory_space<vmem>>)
      %scan3A_185 = arith.constant 0 : i32
      %scan3A_186 = arith.constant 6 : i32
      %scan3A_187 = arith.addi %scan3A_185, %scan3A_186 : i32
      %scan3A_188 = arith.constant 1 : i32
      scf.for %scan3A_235 = %scan3A_185 to %scan3A_187 step %scan3A_188  : i32 {
        %mul3A_236 = arith.constant 1 : i32
        %mul3A_237 = arith.muli %scan3A_235, %mul3A_236 : i32
        %add3A_238 = arith.constant 0 : i32
        %add3A_239 = arith.addi %add3A_238, %mul3A_237 : i32
        %mul3A_240 = arith.constant 96 : i32
        %mul3A_241 = arith.muli %add3A_176, %mul3A_240 : i32
        %mul3A_242 = arith.constant 16 : i32
        %mul3A_243 = arith.muli %add3A_239, %mul3A_242 : i32
        %add3A_244 = arith.addi %mul3A_241, %mul3A_243 : i32
        %get3A = arith.index_cast %add3A_244 : i32 to index
        %get3A_245 = tpu.vector_load %arg5[%get3A] {strides = array<i32>} : memref<10080xi32, #tpu.memory_space<vmem>>, vector<16xi32>,
        %get3A_246 = vector.shape_cast %get3A_245 : vector<16xi32> to vector<16xi32>
        %shift_right_logical3A = arith.constant 16 : i32
        %shift_right_logical3A_247 = vector.broadcast %shift_right_logical3A : i32 to vector<16xi32>
        %shift_right_logical3A_248 = arith.shrui %get3A_246, %shift_right_logical3A_247 : vector<16xi32>
        %mul3A_249 = arith.constant 16 : i32
        %mul3A_250 = arith.muli %add3A_239, %mul3A_249 : i32
        %swap3A = arith.index_cast %mul3A_250 : i32 to index
        %swap3A_251 = tpu.vector_load %arg10[%swap3A] {strides = array<i32>} : memref<96xi32, #tpu.memory_space<vmem>>, vector<16xi32>,
        %swap3A_252 = vector.shape_cast %swap3A_251 : vector<16xi32> to vector<16xi32>
        %swap3A_253 = vector.shape_cast %shift_right_logical3A_248 : vector<16xi32> to vector<16xi32>
        tpu.vector_store %arg10[%swap3A], %swap3A_253 {strides = array<i32>} : memref<96xi32, #tpu.memory_space<vmem>>, vector<16xi32>,
      }
      %scan3A_189 = arith.constant 6 : i32
      %dma_start3A_190 = arith.constant 1 : i32
      %dma_start3A_191 = arith.constant 0 : i32
      %dma_start3A_192 = arith.constant 0 : i32
      %dma_start3A_193 = tpu.memref_slice %arg12[%dma_start3A_190, %dma_start3A_191, %dma_start3A_192] : memref<3x96x128xf32, #tpu.memory_space<vmem>> -> memref<1x96x128xf32, #tpu.memory_space<vmem>>
      %dma_start3A_194 = tpu.memref_squeeze %dma_start3A_193 : memref<1x96x128xf32, #tpu.memory_space<vmem>> -> memref<96x128xf32, #tpu.memory_space<vmem>>
      %dma_start3A_195 = arith.constant 0 : i32
      %dma_start3A_196 = arith.constant 0 : i32
      %dma_start3A_197 = tpu.memref_slice %arg13[%dma_start3A_195, %dma_start3A_196] : memref<10112x128xf32, #tpu.memory_space<vmem_shared>> -> memref<10112x128xf32, #tpu.memory_space<vmem_shared>>
      tpu.enqueue_indirect_dma source(%dma_start3A_194 : memref<96x128xf32, #tpu.memory_space<vmem>>) target(%dma_start3A_197 : memref<10112x128xf32, #tpu.memory_space<vmem_shared>>) offsets(%arg10 : memref<96xi32, #tpu.memory_space<vmem>>) semaphore(%arg17 : memref<!tpu.dma_semaphore, #tpu.memory_space<semaphore_mem>>) {add = true}
      %add3A_198 = arith.constant 2 : i32
      %add3A_199 = arith.addi %add3A_176, %add3A_198 : i32
      %lt3A_200 = arith.constant 105 : i32
      %lt3A_201 = arith.cmpi slt, %add3A_199, %lt3A_200 : i32
      %convert_element_type3A_202 = arith.extui %lt3A_201 : i1 to i32
      %cond3A_203 = arith.constant 0 : i32
      %cond3A_204 = arith.cmpi ne, %convert_element_type3A_202, %cond3A_203 : i32
      scf.if %cond3A_204 {
        %ge3A = arith.constant 1 : i32
        %ge3A_235 = arith.cmpi sge, %add3A_176, %ge3A : i32
        %convert_element_type3A_236 = arith.extui %ge3A_235 : i1 to i32
        %cond3A_237 = arith.constant 0 : i32
        %cond3A_238 = arith.cmpi ne, %convert_element_type3A_236, %cond3A_237 : i32
        scf.if %cond3A_238 {
          %dma_wait3A_254 = arith.constant 0 : i32
          %dma_wait3A_255 = arith.constant 0 : i32
          %dma_wait3A_256 = arith.constant 0 : i32
          %dma_wait3A_257 = tpu.memref_slice %arg12[%dma_wait3A_254, %dma_wait3A_255, %dma_wait3A_256] : memref<3x96x128xf32, #tpu.memory_space<vmem>> -> memref<1x96x128xf32, #tpu.memory_space<vmem>>
          %dma_wait3A_258 = tpu.memref_squeeze %dma_wait3A_257 : memref<1x96x128xf32, #tpu.memory_space<vmem>> -> memref<96x128xf32, #tpu.memory_space<vmem>>
          %dma_wait3A_259 = arith.constant 0 : i32
          %dma_wait3A_260 = arith.constant 0 : i32
          %dma_wait3A_261 = tpu.memref_slice %arg2[%dma_wait3A_259, %dma_wait3A_260] : memref<10000x128xf32, #tpu.memory_space<hbm>> -> memref<96x128xf32, #tpu.memory_space<hbm>>
          %dma_wait3A_262 = arith.constant 0 : i32
          %dma_wait3A_263 = arith.constant 0 : i32
          %dma_wait3A_264 = tpu.memref_slice %arg12[%dma_wait3A_254, %dma_wait3A_262, %dma_wait3A_263] : memref<3x96x128xf32, #tpu.memory_space<vmem>> -> memref<1x96x128xf32, #tpu.memory_space<vmem>>
          %dma_wait3A_265 = tpu.memref_squeeze %dma_wait3A_264 : memref<1x96x128xf32, #tpu.memory_space<vmem>> -> memref<96x128xf32, #tpu.memory_space<vmem>>
          %dma_wait3A_266 = arith.constant 0 : i32
          %dma_wait3A_267 = arith.constant 0 : i32
          %dma_wait3A_268 = tpu.memref_slice %arg2[%dma_wait3A_266, %dma_wait3A_267] : memref<10000x128xf32, #tpu.memory_space<hbm>> -> memref<96x128xf32, #tpu.memory_space<hbm>>
          tpu.wait_dma2 semaphore(%arg17 : memref<!tpu.dma_semaphore, #tpu.memory_space<semaphore_mem>>) src(%dma_wait3A_268 : memref<96x128xf32, #tpu.memory_space<hbm>>) dst(%dma_wait3A_265 : memref<96x128xf32, #tpu.memory_space<vmem>>)
        } else {
        }
        %add3A_239 = arith.constant 2 : i32
        %add3A_240 = arith.addi %add3A_176, %add3A_239 : i32
        %scan3A_241 = arith.constant 0 : i32
        %scan3A_242 = arith.constant 6 : i32
        %scan3A_243 = arith.addi %scan3A_241, %scan3A_242 : i32
        %scan3A_244 = arith.constant 1 : i32
        scf.for %scan3A_254 = %scan3A_241 to %scan3A_243 step %scan3A_244  : i32 {
          %mul3A_255 = arith.constant 1 : i32
          %mul3A_256 = arith.muli %scan3A_254, %mul3A_255 : i32
          %add3A_257 = arith.constant 0 : i32
          %add3A_258 = arith.addi %add3A_257, %mul3A_256 : i32
          %mul3A_259 = arith.constant 96 : i32
          %mul3A_260 = arith.muli %add3A_240, %mul3A_259 : i32
          %mul3A_261 = arith.constant 16 : i32
          %mul3A_262 = arith.muli %add3A_258, %mul3A_261 : i32
          %add3A_263 = arith.addi %mul3A_260, %mul3A_262 : i32
          %get3A = arith.index_cast %add3A_263 : i32 to index
          %get3A_264 = tpu.vector_load %arg5[%get3A] {strides = array<i32>} : memref<10080xi32, #tpu.memory_space<vmem>>, vector<16xi32>,
          %get3A_265 = vector.shape_cast %get3A_264 : vector<16xi32> to vector<16xi32>
          %and3A = arith.constant 65535 : i32
          %and3A_266 = vector.broadcast %and3A : i32 to vector<16xi32>
          %and3A_267 = arith.andi %get3A_265, %and3A_266 : vector<16xi32>
          %mul3A_268 = arith.constant 16 : i32
          %mul3A_269 = arith.muli %add3A_258, %mul3A_268 : i32
          %swap3A = arith.index_cast %mul3A_269 : i32 to index
          %swap3A_270 = tpu.vector_load %arg6[%swap3A] {strides = array<i32>} : memref<96xi32, #tpu.memory_space<vmem>>, vector<16xi32>,
          %swap3A_271 = vector.shape_cast %swap3A_270 : vector<16xi32> to vector<16xi32>
          %swap3A_272 = vector.shape_cast %and3A_267 : vector<16xi32> to vector<16xi32>
          tpu.vector_store %arg6[%swap3A], %swap3A_272 {strides = array<i32>} : memref<96xi32, #tpu.memory_space<vmem>>, vector<16xi32>,
        }
        %scan3A_245 = arith.constant 6 : i32
        %dma_start3A_246 = arith.constant 0 : i32
        %dma_start3A_247 = arith.constant 0 : i32
        %dma_start3A_248 = arith.constant 0 : i32
        %dma_start3A_249 = tpu.memref_slice %arg12[%dma_start3A_246, %dma_start3A_247, %dma_start3A_248] : memref<3x96x128xf32, #tpu.memory_space<vmem>> -> memref<1x96x128xf32, #tpu.memory_space<vmem>>
        %dma_start3A_250 = tpu.memref_squeeze %dma_start3A_249 : memref<1x96x128xf32, #tpu.memory_space<vmem>> -> memref<96x128xf32, #tpu.memory_space<vmem>>
        %dma_start3A_251 = arith.constant 0 : i32
        %dma_start3A_252 = arith.constant 0 : i32
        %dma_start3A_253 = tpu.memref_slice %arg2[%dma_start3A_251, %dma_start3A_252] : memref<10000x128xf32, #tpu.memory_space<hbm>> -> memref<10000x128xf32, #tpu.memory_space<hbm>>
        tpu.enqueue_indirect_dma source(%dma_start3A_253 : memref<10000x128xf32, #tpu.memory_space<hbm>>) target(%dma_start3A_250 : memref<96x128xf32, #tpu.memory_space<vmem>>) offsets(%arg6 : memref<96xi32, #tpu.memory_space<vmem>>) semaphore(%arg14 : memref<!tpu.dma_semaphore, #tpu.memory_space<semaphore_mem>>)
      } else {
      }
      %add3A_205 = arith.constant 2 : i32
      %add3A_206 = arith.addi %add3A_147, %add3A_205 : i32
      %dma_wait3A_207 = arith.constant 2 : i32
      %dma_wait3A_208 = arith.constant 0 : i32
      %dma_wait3A_209 = arith.constant 0 : i32
      %dma_wait3A_210 = tpu.memref_slice %arg12[%dma_wait3A_207, %dma_wait3A_208, %dma_wait3A_209] : memref<3x96x128xf32, #tpu.memory_space<vmem>> -> memref<1x96x128xf32, #tpu.memory_space<vmem>>
      %dma_wait3A_211 = tpu.memref_squeeze %dma_wait3A_210 : memref<1x96x128xf32, #tpu.memory_space<vmem>> -> memref<96x128xf32, #tpu.memory_space<vmem>>
      %dma_wait3A_212 = arith.constant 0 : i32
      %dma_wait3A_213 = arith.constant 0 : i32
      %dma_wait3A_214 = tpu.memref_slice %arg2[%dma_wait3A_212, %dma_wait3A_213] : memref<10000x128xf32, #tpu.memory_space<hbm>> -> memref<10000x128xf32, #tpu.memory_space<hbm>>
      tpu.wait_indirect_dma semaphore(%arg16 : memref<!tpu.dma_semaphore, #tpu.memory_space<semaphore_mem>>) src(%dma_wait3A_214 : memref<10000x128xf32, #tpu.memory_space<hbm>>) dst(%dma_wait3A_211 : memref<96x128xf32, #tpu.memory_space<vmem>>)
      %scan3A_215 = arith.constant 0 : i32
      %scan3A_216 = arith.constant 6 : i32
      %scan3A_217 = arith.addi %scan3A_215, %scan3A_216 : i32
      %scan3A_218 = arith.constant 1 : i32
      scf.for %scan3A_235 = %scan3A_215 to %scan3A_217 step %scan3A_218  : i32 {
        %mul3A_236 = arith.constant 1 : i32
        %mul3A_237 = arith.muli %scan3A_235, %mul3A_236 : i32
        %add3A_238 = arith.constant 0 : i32
        %add3A_239 = arith.addi %add3A_238, %mul3A_237 : i32
        %mul3A_240 = arith.constant 96 : i32
        %mul3A_241 = arith.muli %add3A_206, %mul3A_240 : i32
        %mul3A_242 = arith.constant 16 : i32
        %mul3A_243 = arith.muli %add3A_239, %mul3A_242 : i32
        %add3A_244 = arith.addi %mul3A_241, %mul3A_243 : i32
        %get3A = arith.index_cast %add3A_244 : i32 to index
        %get3A_245 = tpu.vector_load %arg5[%get3A] {strides = array<i32>} : memref<10080xi32, #tpu.memory_space<vmem>>, vector<16xi32>,
        %get3A_246 = vector.shape_cast %get3A_245 : vector<16xi32> to vector<16xi32>
        %shift_right_logical3A = arith.constant 16 : i32
        %shift_right_logical3A_247 = vector.broadcast %shift_right_logical3A : i32 to vector<16xi32>
        %shift_right_logical3A_248 = arith.shrui %get3A_246, %shift_right_logical3A_247 : vector<16xi32>
        %mul3A_249 = arith.constant 16 : i32
        %mul3A_250 = arith.muli %add3A_239, %mul3A_249 : i32
        %swap3A = arith.index_cast %mul3A_250 : i32 to index
        %swap3A_251 = tpu.vector_load %arg11[%swap3A] {strides = array<i32>} : memref<96xi32, #tpu.memory_space<vmem>>, vector<16xi32>,
        %swap3A_252 = vector.shape_cast %swap3A_251 : vector<16xi32> to vector<16xi32>
        %swap3A_253 = vector.shape_cast %shift_right_logical3A_248 : vector<16xi32> to vector<16xi32>
        tpu.vector_store %arg11[%swap3A], %swap3A_253 {strides = array<i32>} : memref<96xi32, #tpu.memory_space<vmem>>, vector<16xi32>,
      }
      %scan3A_219 = arith.constant 6 : i32
      %dma_start3A_220 = arith.constant 2 : i32
      %dma_start3A_221 = arith.constant 0 : i32
      %dma_start3A_222 = arith.constant 0 : i32
      %dma_start3A_223 = tpu.memref_slice %arg12[%dma_start3A_220, %dma_start3A_221, %dma_start3A_222] : memref<3x96x128xf32, #tpu.memory_space<vmem>> -> memref<1x96x128xf32, #tpu.memory_space<vmem>>
      %dma_start3A_224 = tpu.memref_squeeze %dma_start3A_223 : memref<1x96x128xf32, #tpu.memory_space<vmem>> -> memref<96x128xf32, #tpu.memory_space<vmem>>
      %dma_start3A_225 = arith.constant 0 : i32
      %dma_start3A_226 = arith.constant 0 : i32
      %dma_start3A_227 = tpu.memref_slice %arg13[%dma_start3A_225, %dma_start3A_226] : memref<10112x128xf32, #tpu.memory_space<vmem_shared>> -> memref<10112x128xf32, #tpu.memory_space<vmem_shared>>
      tpu.enqueue_indirect_dma source(%dma_start3A_224 : memref<96x128xf32, #tpu.memory_space<vmem>>) target(%dma_start3A_227 : memref<10112x128xf32, #tpu.memory_space<vmem_shared>>) offsets(%arg11 : memref<96xi32, #tpu.memory_space<vmem>>) semaphore(%arg17 : memref<!tpu.dma_semaphore, #tpu.memory_space<semaphore_mem>>) {add = true}
      %add3A_228 = arith.constant 2 : i32
      %add3A_229 = arith.addi %add3A_206, %add3A_228 : i32
      %lt3A_230 = arith.constant 105 : i32
      %lt3A_231 = arith.cmpi slt, %add3A_229, %lt3A_230 : i32
      %convert_element_type3A_232 = arith.extui %lt3A_231 : i1 to i32
      %cond3A_233 = arith.constant 0 : i32
      %cond3A_234 = arith.cmpi ne, %convert_element_type3A_232, %cond3A_233 : i32
      scf.if %cond3A_234 {
        %ge3A = arith.constant 1 : i32
        %ge3A_235 = arith.cmpi sge, %add3A_206, %ge3A : i32
        %convert_element_type3A_236 = arith.extui %ge3A_235 : i1 to i32
        %cond3A_237 = arith.constant 0 : i32
        %cond3A_238 = arith.cmpi ne, %convert_element_type3A_236, %cond3A_237 : i32
        scf.if %cond3A_238 {
          %dma_wait3A_254 = arith.constant 0 : i32
          %dma_wait3A_255 = arith.constant 0 : i32
          %dma_wait3A_256 = arith.constant 0 : i32
          %dma_wait3A_257 = tpu.memref_slice %arg12[%dma_wait3A_254, %dma_wait3A_255, %dma_wait3A_256] : memref<3x96x128xf32, #tpu.memory_space<vmem>> -> memref<1x96x128xf32, #tpu.memory_space<vmem>>
          %dma_wait3A_258 = tpu.memref_squeeze %dma_wait3A_257 : memref<1x96x128xf32, #tpu.memory_space<vmem>> -> memref<96x128xf32, #tpu.memory_space<vmem>>
          %dma_wait3A_259 = arith.constant 0 : i32
          %dma_wait3A_260 = arith.constant 0 : i32
          %dma_wait3A_261 = tpu.memref_slice %arg2[%dma_wait3A_259, %dma_wait3A_260] : memref<10000x128xf32, #tpu.memory_space<hbm>> -> memref<96x128xf32, #tpu.memory_space<hbm>>
          %dma_wait3A_262 = arith.constant 0 : i32
          %dma_wait3A_263 = arith.constant 0 : i32
          %dma_wait3A_264 = tpu.memref_slice %arg12[%dma_wait3A_254, %dma_wait3A_262, %dma_wait3A_263] : memref<3x96x128xf32, #tpu.memory_space<vmem>> -> memref<1x96x128xf32, #tpu.memory_space<vmem>>
          %dma_wait3A_265 = tpu.memref_squeeze %dma_wait3A_264 : memref<1x96x128xf32, #tpu.memory_space<vmem>> -> memref<96x128xf32, #tpu.memory_space<vmem>>
          %dma_wait3A_266 = arith.constant 0 : i32
          %dma_wait3A_267 = arith.constant 0 : i32
          %dma_wait3A_268 = tpu.memref_slice %arg2[%dma_wait3A_266, %dma_wait3A_267] : memref<10000x128xf32, #tpu.memory_space<hbm>> -> memref<96x128xf32, #tpu.memory_space<hbm>>
          tpu.wait_dma2 semaphore(%arg17 : memref<!tpu.dma_semaphore, #tpu.memory_space<semaphore_mem>>) src(%dma_wait3A_268 : memref<96x128xf32, #tpu.memory_space<hbm>>) dst(%dma_wait3A_265 : memref<96x128xf32, #tpu.memory_space<vmem>>)
        } else {
        }
        %add3A_239 = arith.constant 2 : i32
        %add3A_240 = arith.addi %add3A_206, %add3A_239 : i32
        %scan3A_241 = arith.constant 0 : i32
        %scan3A_242 = arith.constant 6 : i32
        %scan3A_243 = arith.addi %scan3A_241, %scan3A_242 : i32
        %scan3A_244 = arith.constant 1 : i32
        scf.for %scan3A_254 = %scan3A_241 to %scan3A_243 step %scan3A_244  : i32 {
          %mul3A_255 = arith.constant 1 : i32
          %mul3A_256 = arith.muli %scan3A_254, %mul3A_255 : i32
          %add3A_257 = arith.constant 0 : i32
          %add3A_258 = arith.addi %add3A_257, %mul3A_256 : i32
          %mul3A_259 = arith.constant 96 : i32
          %mul3A_260 = arith.muli %add3A_240, %mul3A_259 : i32
          %mul3A_261 = arith.constant 16 : i32
          %mul3A_262 = arith.muli %add3A_258, %mul3A_261 : i32
          %add3A_263 = arith.addi %mul3A_260, %mul3A_262 : i32
          %get3A = arith.index_cast %add3A_263 : i32 to index
          %get3A_264 = tpu.vector_load %arg5[%get3A] {strides = array<i32>} : memref<10080xi32, #tpu.memory_space<vmem>>, vector<16xi32>,
          %get3A_265 = vector.shape_cast %get3A_264 : vector<16xi32> to vector<16xi32>
          %and3A = arith.constant 65535 : i32
          %and3A_266 = vector.broadcast %and3A : i32 to vector<16xi32>
          %and3A_267 = arith.andi %get3A_265, %and3A_266 : vector<16xi32>
          %mul3A_268 = arith.constant 16 : i32
          %mul3A_269 = arith.muli %add3A_258, %mul3A_268 : i32
          %swap3A = arith.index_cast %mul3A_269 : i32 to index
          %swap3A_270 = tpu.vector_load %arg7[%swap3A] {strides = array<i32>} : memref<96xi32, #tpu.memory_space<vmem>>, vector<16xi32>,
          %swap3A_271 = vector.shape_cast %swap3A_270 : vector<16xi32> to vector<16xi32>
          %swap3A_272 = vector.shape_cast %and3A_267 : vector<16xi32> to vector<16xi32>
          tpu.vector_store %arg7[%swap3A], %swap3A_272 {strides = array<i32>} : memref<96xi32, #tpu.memory_space<vmem>>, vector<16xi32>,
        }
        %scan3A_245 = arith.constant 6 : i32
        %dma_start3A_246 = arith.constant 1 : i32
        %dma_start3A_247 = arith.constant 0 : i32
        %dma_start3A_248 = arith.constant 0 : i32
        %dma_start3A_249 = tpu.memref_slice %arg12[%dma_start3A_246, %dma_start3A_247, %dma_start3A_248] : memref<3x96x128xf32, #tpu.memory_space<vmem>> -> memref<1x96x128xf32, #tpu.memory_space<vmem>>
        %dma_start3A_250 = tpu.memref_squeeze %dma_start3A_249 : memref<1x96x128xf32, #tpu.memory_space<vmem>> -> memref<96x128xf32, #tpu.memory_space<vmem>>
        %dma_start3A_251 = arith.constant 0 : i32
        %dma_start3A_252 = arith.constant 0 : i32
        %dma_start3A_253 = tpu.memref_slice %arg2[%dma_start3A_251, %dma_start3A_252] : memref<10000x128xf32, #tpu.memory_space<hbm>> -> memref<10000x128xf32, #tpu.memory_space<hbm>>
        tpu.enqueue_indirect_dma source(%dma_start3A_253 : memref<10000x128xf32, #tpu.memory_space<hbm>>) target(%dma_start3A_250 : memref<96x128xf32, #tpu.memory_space<vmem>>) offsets(%arg7 : memref<96xi32, #tpu.memory_space<vmem>>) semaphore(%arg15 : memref<!tpu.dma_semaphore, #tpu.memory_space<semaphore_mem>>)
      } else {
      }
    }
    %scan3A_69 = arith.constant 35 : i32
    %dma_wait3A = arith.constant 0 : i32
    %dma_wait3A_70 = arith.constant 0 : i32
    %dma_wait3A_71 = arith.constant 0 : i32
    %dma_wait3A_72 = tpu.memref_slice %arg12[%dma_wait3A, %dma_wait3A_70, %dma_wait3A_71] : memref<3x96x128xf32, #tpu.memory_space<vmem>> -> memref<1x96x128xf32, #tpu.memory_space<vmem>>
    %dma_wait3A_73 = tpu.memref_squeeze %dma_wait3A_72 : memref<1x96x128xf32, #tpu.memory_space<vmem>> -> memref<96x128xf32, #tpu.memory_space<vmem>>
    %dma_wait3A_74 = arith.constant 0 : i32
    %dma_wait3A_75 = arith.constant 0 : i32
    %dma_wait3A_76 = tpu.memref_slice %arg2[%dma_wait3A_74, %dma_wait3A_75] : memref<10000x128xf32, #tpu.memory_space<hbm>> -> memref<96x128xf32, #tpu.memory_space<hbm>>
    %dma_wait3A_77 = arith.constant 0 : i32
    %dma_wait3A_78 = arith.constant 0 : i32
    %dma_wait3A_79 = tpu.memref_slice %arg12[%dma_wait3A, %dma_wait3A_77, %dma_wait3A_78] : memref<3x96x128xf32, #tpu.memory_space<vmem>> -> memref<1x96x128xf32, #tpu.memory_space<vmem>>
    %dma_wait3A_80 = tpu.memref_squeeze %dma_wait3A_79 : memref<1x96x128xf32, #tpu.memory_space<vmem>> -> memref<96x128xf32, #tpu.memory_space<vmem>>
    %dma_wait3A_81 = arith.constant 0 : i32
    %dma_wait3A_82 = arith.constant 0 : i32
    %dma_wait3A_83 = tpu.memref_slice %arg2[%dma_wait3A_81, %dma_wait3A_82] : memref<10000x128xf32, #tpu.memory_space<hbm>> -> memref<96x128xf32, #tpu.memory_space<hbm>>
    tpu.wait_dma2 semaphore(%arg17 : memref<!tpu.dma_semaphore, #tpu.memory_space<semaphore_mem>>) src(%dma_wait3A_83 : memref<96x128xf32, #tpu.memory_space<hbm>>) dst(%dma_wait3A_80 : memref<96x128xf32, #tpu.memory_space<vmem>>)
    %dma_wait3A_84 = arith.constant 0 : i32
    %dma_wait3A_85 = arith.constant 0 : i32
    %dma_wait3A_86 = arith.constant 0 : i32
    %dma_wait3A_87 = tpu.memref_slice %arg12[%dma_wait3A_84, %dma_wait3A_85, %dma_wait3A_86] : memref<3x96x128xf32, #tpu.memory_space<vmem>> -> memref<1x96x128xf32, #tpu.memory_space<vmem>>
    %dma_wait3A_88 = tpu.memref_squeeze %dma_wait3A_87 : memref<1x96x128xf32, #tpu.memory_space<vmem>> -> memref<96x128xf32, #tpu.memory_space<vmem>>
    %dma_wait3A_89 = arith.constant 0 : i32
    %dma_wait3A_90 = arith.constant 0 : i32
    %dma_wait3A_91 = tpu.memref_slice %arg2[%dma_wait3A_89, %dma_wait3A_90] : memref<10000x128xf32, #tpu.memory_space<hbm>> -> memref<96x128xf32, #tpu.memory_space<hbm>>
    %dma_wait3A_92 = arith.constant 0 : i32
    %dma_wait3A_93 = arith.constant 0 : i32
    %dma_wait3A_94 = tpu.memref_slice %arg12[%dma_wait3A_84, %dma_wait3A_92, %dma_wait3A_93] : memref<3x96x128xf32, #tpu.memory_space<vmem>> -> memref<1x96x128xf32, #tpu.memory_space<vmem>>
    %dma_wait3A_95 = tpu.memref_squeeze %dma_wait3A_94 : memref<1x96x128xf32, #tpu.memory_space<vmem>> -> memref<96x128xf32, #tpu.memory_space<vmem>>
    %dma_wait3A_96 = arith.constant 0 : i32
    %dma_wait3A_97 = arith.constant 0 : i32
    %dma_wait3A_98 = tpu.memref_slice %arg2[%dma_wait3A_96, %dma_wait3A_97] : memref<10000x128xf32, #tpu.memory_space<hbm>> -> memref<96x128xf32, #tpu.memory_space<hbm>>
    tpu.wait_dma2 semaphore(%arg17 : memref<!tpu.dma_semaphore, #tpu.memory_space<semaphore_mem>>) src(%dma_wait3A_98 : memref<96x128xf32, #tpu.memory_space<hbm>>) dst(%dma_wait3A_95 : memref<96x128xf32, #tpu.memory_space<vmem>>)
    %dma_wait3A_99 = arith.constant 0 : i32
    %dma_wait3A_100 = arith.constant 0 : i32
    %dma_wait3A_101 = arith.constant 0 : i32
    %dma_wait3A_102 = tpu.memref_slice %arg12[%dma_wait3A_99, %dma_wait3A_100, %dma_wait3A_101] : memref<3x96x128xf32, #tpu.memory_space<vmem>> -> memref<1x96x128xf32, #tpu.memory_space<vmem>>
    %dma_wait3A_103 = tpu.memref_squeeze %dma_wait3A_102 : memref<1x96x128xf32, #tpu.memory_space<vmem>> -> memref<96x128xf32, #tpu.memory_space<vmem>>
    %dma_wait3A_104 = arith.constant 0 : i32
    %dma_wait3A_105 = arith.constant 0 : i32
    %dma_wait3A_106 = tpu.memref_slice %arg2[%dma_wait3A_104, %dma_wait3A_105] : memref<10000x128xf32, #tpu.memory_space<hbm>> -> memref<96x128xf32, #tpu.memory_space<hbm>>
    %dma_wait3A_107 = arith.constant 0 : i32
    %dma_wait3A_108 = arith.constant 0 : i32
    %dma_wait3A_109 = tpu.memref_slice %arg12[%dma_wait3A_99, %dma_wait3A_107, %dma_wait3A_108] : memref<3x96x128xf32, #tpu.memory_space<vmem>> -> memref<1x96x128xf32, #tpu.memory_space<vmem>>
    %dma_wait3A_110 = tpu.memref_squeeze %dma_wait3A_109 : memref<1x96x128xf32, #tpu.memory_space<vmem>> -> memref<96x128xf32, #tpu.memory_space<vmem>>
    %dma_wait3A_111 = arith.constant 0 : i32
    %dma_wait3A_112 = arith.constant 0 : i32
    %dma_wait3A_113 = tpu.memref_slice %arg2[%dma_wait3A_111, %dma_wait3A_112] : memref<10000x128xf32, #tpu.memory_space<hbm>> -> memref<96x128xf32, #tpu.memory_space<hbm>>
    tpu.wait_dma2 semaphore(%arg17 : memref<!tpu.dma_semaphore, #tpu.memory_space<semaphore_mem>>) src(%dma_wait3A_113 : memref<96x128xf32, #tpu.memory_space<hbm>>) dst(%dma_wait3A_110 : memref<96x128xf32, #tpu.memory_space<vmem>>)
    %barrier3A_114 = arith.constant 0 : index
    tpu.barrier barrier_id(%barrier3A_114)
    %mul3A_115 = arith.constant 632 : i32
    %mul3A_116 = arith.muli %arg1, %mul3A_115 : i32
    %add3A_117 = arith.constant 0 : i32
    %add3A_118 = arith.addi %mul3A_116, %add3A_117 : i32
    "tpu.region"() ({
      %run_scoped3A_143 = tpu.sem_alloc : memref<!tpu.dma_semaphore, #tpu.memory_space<semaphore_mem>>
      %dma_start3A_144 = arith.constant 0 : i32
      %dma_start3A_145 = tpu.memref_slice %arg4[%arg0, %add3A_118, %dma_start3A_144] : memref<2x10112x128xf32, #tpu.memory_space<hbm>> -> memref<1x96x128xf32, #tpu.memory_space<hbm>>
      %dma_start3A_146 = tpu.memref_squeeze %dma_start3A_145 : memref<1x96x128xf32, #tpu.memory_space<hbm>> -> memref<96x128xf32, #tpu.memory_space<hbm>>
      %dma_start3A_147 = arith.constant 0 : i32
      %dma_start3A_148 = tpu.memref_slice %arg13[%add3A_118, %dma_start3A_147] : memref<10112x128xf32, #tpu.memory_space<vmem_shared>> -> memref<96x128xf32, #tpu.memory_space<vmem_shared>>
      tpu.enqueue_dma source(%dma_start3A_148 : memref<96x128xf32, #tpu.memory_space<vmem_shared>>) target(%dma_start3A_146 : memref<96x128xf32, #tpu.memory_space<hbm>>) target_semaphore(%run_scoped3A_143 : memref<!tpu.dma_semaphore, #tpu.memory_space<semaphore_mem>>)
      %dma_wait3A_149 = arith.constant 0 : i32
      %dma_wait3A_150 = tpu.memref_slice %arg4[%arg0, %add3A_118, %dma_wait3A_149] : memref<2x10112x128xf32, #tpu.memory_space<hbm>> -> memref<1x96x128xf32, #tpu.memory_space<hbm>>
      %dma_wait3A_151 = tpu.memref_squeeze %dma_wait3A_150 : memref<1x96x128xf32, #tpu.memory_space<hbm>> -> memref<96x128xf32, #tpu.memory_space<hbm>>
      %dma_wait3A_152 = arith.constant 0 : i32
      %dma_wait3A_153 = tpu.memref_slice %arg13[%add3A_118, %dma_wait3A_152] : memref<10112x128xf32, #tpu.memory_space<vmem_shared>> -> memref<96x128xf32, #tpu.memory_space<vmem_shared>>
      tpu.wait_dma2 semaphore(%run_scoped3A_143 : memref<!tpu.dma_semaphore, #tpu.memory_space<semaphore_mem>>) src(%dma_wait3A_153 : memref<96x128xf32, #tpu.memory_space<vmem_shared>>) dst(%dma_wait3A_151 : memref<96x128xf32, #tpu.memory_space<hbm>>)
      tpu.yield
    }) : () -> ()
    %mul3A_119 = arith.constant 632 : i32
    %mul3A_120 = arith.muli %arg1, %mul3A_119 : i32
    %add3A_121 = arith.constant 96 : i32
    %add3A_122 = arith.addi %mul3A_120, %add3A_121 : i32
    "tpu.region"() ({
      %run_scoped3A_143 = tpu.sem_alloc : memref<!tpu.dma_semaphore, #tpu.memory_space<semaphore_mem>>
      %dma_start3A_144 = arith.constant 0 : i32
      %dma_start3A_145 = tpu.memref_slice %arg4[%arg0, %add3A_122, %dma_start3A_144] : memref<2x10112x128xf32, #tpu.memory_space<hbm>> -> memref<1x96x128xf32, #tpu.memory_space<hbm>>
      %dma_start3A_146 = tpu.memref_squeeze %dma_start3A_145 : memref<1x96x128xf32, #tpu.memory_space<hbm>> -> memref<96x128xf32, #tpu.memory_space<hbm>>
      %dma_start3A_147 = arith.constant 0 : i32
      %dma_start3A_148 = tpu.memref_slice %arg13[%add3A_122, %dma_start3A_147] : memref<10112x128xf32, #tpu.memory_space<vmem_shared>> -> memref<96x128xf32, #tpu.memory_space<vmem_shared>>
      tpu.enqueue_dma source(%dma_start3A_148 : memref<96x128xf32, #tpu.memory_space<vmem_shared>>) target(%dma_start3A_146 : memref<96x128xf32, #tpu.memory_space<hbm>>) target_semaphore(%run_scoped3A_143 : memref<!tpu.dma_semaphore, #tpu.memory_space<semaphore_mem>>)
      %dma_wait3A_149 = arith.constant 0 : i32
      %dma_wait3A_150 = tpu.memref_slice %arg4[%arg0, %add3A_122, %dma_wait3A_149] : memref<2x10112x128xf32, #tpu.memory_space<hbm>> -> memref<1x96x128xf32, #tpu.memory_space<hbm>>
      %dma_wait3A_151 = tpu.memref_squeeze %dma_wait3A_150 : memref<1x96x128xf32, #tpu.memory_space<hbm>> -> memref<96x128xf32, #tpu.memory_space<hbm>>
      %dma_wait3A_152 = arith.constant 0 : i32
      %dma_wait3A_153 = tpu.memref_slice %arg13[%add3A_122, %dma_wait3A_152] : memref<10112x128xf32, #tpu.memory_space<vmem_shared>> -> memref<96x128xf32, #tpu.memory_space<vmem_shared>>
      tpu.wait_dma2 semaphore(%run_scoped3A_143 : memref<!tpu.dma_semaphore, #tpu.memory_space<semaphore_mem>>) src(%dma_wait3A_153 : memref<96x128xf32, #tpu.memory_space<vmem_shared>>) dst(%dma_wait3A_151 : memref<96x128xf32, #tpu.memory_space<hbm>>)
      tpu.yield
    }) : () -> ()
    %mul3A_123 = arith.constant 632 : i32
    %mul3A_124 = arith.muli %arg1, %mul3A_123 : i32
    %add3A_125 = arith.constant 192 : i32
    %add3A_126 = arith.addi %mul3A_124, %add3A_125 : i32
    "tpu.region"() ({
      %run_scoped3A_143 = tpu.sem_alloc : memref<!tpu.dma_semaphore, #tpu.memory_space<semaphore_mem>>
      %dma_start3A_144 = arith.constant 0 : i32
      %dma_start3A_145 = tpu.memref_slice %arg4[%arg0, %add3A_126, %dma_start3A_144] : memref<2x10112x128xf32, #tpu.memory_space<hbm>> -> memref<1x96x128xf32, #tpu.memory_space<hbm>>
      %dma_start3A_146 = tpu.memref_squeeze %dma_start3A_145 : memref<1x96x128xf32, #tpu.memory_space<hbm>> -> memref<96x128xf32, #tpu.memory_space<hbm>>
      %dma_start3A_147 = arith.constant 0 : i32
      %dma_start3A_148 = tpu.memref_slice %arg13[%add3A_126, %dma_start3A_147] : memref<10112x128xf32, #tpu.memory_space<vmem_shared>> -> memref<96x128xf32, #tpu.memory_space<vmem_shared>>
      tpu.enqueue_dma source(%dma_start3A_148 : memref<96x128xf32, #tpu.memory_space<vmem_shared>>) target(%dma_start3A_146 : memref<96x128xf32, #tpu.memory_space<hbm>>) target_semaphore(%run_scoped3A_143 : memref<!tpu.dma_semaphore, #tpu.memory_space<semaphore_mem>>)
      %dma_wait3A_149 = arith.constant 0 : i32
      %dma_wait3A_150 = tpu.memref_slice %arg4[%arg0, %add3A_126, %dma_wait3A_149] : memref<2x10112x128xf32, #tpu.memory_space<hbm>> -> memref<1x96x128xf32, #tpu.memory_space<hbm>>
      %dma_wait3A_151 = tpu.memref_squeeze %dma_wait3A_150 : memref<1x96x128xf32, #tpu.memory_space<hbm>> -> memref<96x128xf32, #tpu.memory_space<hbm>>
      %dma_wait3A_152 = arith.constant 0 : i32
      %dma_wait3A_153 = tpu.memref_slice %arg13[%add3A_126, %dma_wait3A_152] : memref<10112x128xf32, #tpu.memory_space<vmem_shared>> -> memref<96x128xf32, #tpu.memory_space<vmem_shared>>
      tpu.wait_dma2 semaphore(%run_scoped3A_143 : memref<!tpu.dma_semaphore, #tpu.memory_space<semaphore_mem>>) src(%dma_wait3A_153 : memref<96x128xf32, #tpu.memory_space<vmem_shared>>) dst(%dma_wait3A_151 : memref<96x128xf32, #tpu.memory_space<hbm>>)
      tpu.yield
    }) : () -> ()
    %mul3A_127 = arith.constant 632 : i32
    %mul3A_128 = arith.muli %arg1, %mul3A_127 : i32
    %add3A_129 = arith.constant 288 : i32
    %add3A_130 = arith.addi %mul3A_128, %add3A_129 : i32
    "tpu.region"() ({
      %run_scoped3A_143 = tpu.sem_alloc : memref<!tpu.dma_semaphore, #tpu.memory_space<semaphore_mem>>
      %dma_start3A_144 = arith.constant 0 : i32
      %dma_start3A_145 = tpu.memref_slice %arg4[%arg0, %add3A_130, %dma_start3A_144] : memref<2x10112x128xf32, #tpu.memory_space<hbm>> -> memref<1x96x128xf32, #tpu.memory_space<hbm>>
      %dma_start3A_146 = tpu.memref_squeeze %dma_start3A_145 : memref<1x96x128xf32, #tpu.memory_space<hbm>> -> memref<96x128xf32, #tpu.memory_space<hbm>>
      %dma_start3A_147 = arith.constant 0 : i32
      %dma_start3A_148 = tpu.memref_slice %arg13[%add3A_130, %dma_start3A_147] : memref<10112x128xf32, #tpu.memory_space<vmem_shared>> -> memref<96x128xf32, #tpu.memory_space<vmem_shared>>
      tpu.enqueue_dma source(%dma_start3A_148 : memref<96x128xf32, #tpu.memory_space<vmem_shared>>) target(%dma_start3A_146 : memref<96x128xf32, #tpu.memory_space<hbm>>) target_semaphore(%run_scoped3A_143 : memref<!tpu.dma_semaphore, #tpu.memory_space<semaphore_mem>>)
      %dma_wait3A_149 = arith.constant 0 : i32
      %dma_wait3A_150 = tpu.memref_slice %arg4[%arg0, %add3A_130, %dma_wait3A_149] : memref<2x10112x128xf32, #tpu.memory_space<hbm>> -> memref<1x96x128xf32, #tpu.memory_space<hbm>>
      %dma_wait3A_151 = tpu.memref_squeeze %dma_wait3A_150 : memref<1x96x128xf32, #tpu.memory_space<hbm>> -> memref<96x128xf32, #tpu.memory_space<hbm>>
      %dma_wait3A_152 = arith.constant 0 : i32
      %dma_wait3A_153 = tpu.memref_slice %arg13[%add3A_130, %dma_wait3A_152] : memref<10112x128xf32, #tpu.memory_space<vmem_shared>> -> memref<96x128xf32, #tpu.memory_space<vmem_shared>>
      tpu.wait_dma2 semaphore(%run_scoped3A_143 : memref<!tpu.dma_semaphore, #tpu.memory_space<semaphore_mem>>) src(%dma_wait3A_153 : memref<96x128xf32, #tpu.memory_space<vmem_shared>>) dst(%dma_wait3A_151 : memref<96x128xf32, #tpu.memory_space<hbm>>)
      tpu.yield
    }) : () -> ()
    %mul3A_131 = arith.constant 632 : i32
    %mul3A_132 = arith.muli %arg1, %mul3A_131 : i32
    %add3A_133 = arith.constant 384 : i32
    %add3A_134 = arith.addi %mul3A_132, %add3A_133 : i32
    "tpu.region"() ({
      %run_scoped3A_143 = tpu.sem_alloc : memref<!tpu.dma_semaphore, #tpu.memory_space<semaphore_mem>>
      %dma_start3A_144 = arith.constant 0 : i32
      %dma_start3A_145 = tpu.memref_slice %arg4[%arg0, %add3A_134, %dma_start3A_144] : memref<2x10112x128xf32, #tpu.memory_space<hbm>> -> memref<1x96x128xf32, #tpu.memory_space<hbm>>
      %dma_start3A_146 = tpu.memref_squeeze %dma_start3A_145 : memref<1x96x128xf32, #tpu.memory_space<hbm>> -> memref<96x128xf32, #tpu.memory_space<hbm>>
      %dma_start3A_147 = arith.constant 0 : i32
      %dma_start3A_148 = tpu.memref_slice %arg13[%add3A_134, %dma_start3A_147] : memref<10112x128xf32, #tpu.memory_space<vmem_shared>> -> memref<96x128xf32, #tpu.memory_space<vmem_shared>>
      tpu.enqueue_dma source(%dma_start3A_148 : memref<96x128xf32, #tpu.memory_space<vmem_shared>>) target(%dma_start3A_146 : memref<96x128xf32, #tpu.memory_space<hbm>>) target_semaphore(%run_scoped3A_143 : memref<!tpu.dma_semaphore, #tpu.memory_space<semaphore_mem>>)
      %dma_wait3A_149 = arith.constant 0 : i32
      %dma_wait3A_150 = tpu.memref_slice %arg4[%arg0, %add3A_134, %dma_wait3A_149] : memref<2x10112x128xf32, #tpu.memory_space<hbm>> -> memref<1x96x128xf32, #tpu.memory_space<hbm>>
      %dma_wait3A_151 = tpu.memref_squeeze %dma_wait3A_150 : memref<1x96x128xf32, #tpu.memory_space<hbm>> -> memref<96x128xf32, #tpu.memory_space<hbm>>
      %dma_wait3A_152 = arith.constant 0 : i32
      %dma_wait3A_153 = tpu.memref_slice %arg13[%add3A_134, %dma_wait3A_152] : memref<10112x128xf32, #tpu.memory_space<vmem_shared>> -> memref<96x128xf32, #tpu.memory_space<vmem_shared>>
      tpu.wait_dma2 semaphore(%run_scoped3A_143 : memref<!tpu.dma_semaphore, #tpu.memory_space<semaphore_mem>>) src(%dma_wait3A_153 : memref<96x128xf32, #tpu.memory_space<vmem_shared>>) dst(%dma_wait3A_151 : memref<96x128xf32, #tpu.memory_space<hbm>>)
      tpu.yield
    }) : () -> ()
    %mul3A_135 = arith.constant 632 : i32
    %mul3A_136 = arith.muli %arg1, %mul3A_135 : i32
    %add3A_137 = arith.constant 480 : i32
    %add3A_138 = arith.addi %mul3A_136, %add3A_137 : i32
    "tpu.region"() ({
      %run_scoped3A_143 = tpu.sem_alloc : memref<!tpu.dma_semaphore, #tpu.memory_space<semaphore_mem>>
      %dma_start3A_144 = arith.constant 0 : i32
      %dma_start3A_145 = tpu.memref_slice %arg4[%arg0, %add3A_138, %dma_start3A_144] : memref<2x10112x128xf32, #tpu.memory_space<hbm>> -> memref<1x96x128xf32, #tpu.memory_space<hbm>>
      %dma_start3A_146 = tpu.memref_squeeze %dma_start3A_145 : memref<1x96x128xf32, #tpu.memory_space<hbm>> -> memref<96x128xf32, #tpu.memory_space<hbm>>
      %dma_start3A_147 = arith.constant 0 : i32
      %dma_start3A_148 = tpu.memref_slice %arg13[%add3A_138, %dma_start3A_147] : memref<10112x128xf32, #tpu.memory_space<vmem_shared>> -> memref<96x128xf32, #tpu.memory_space<vmem_shared>>
      tpu.enqueue_dma source(%dma_start3A_148 : memref<96x128xf32, #tpu.memory_space<vmem_shared>>) target(%dma_start3A_146 : memref<96x128xf32, #tpu.memory_space<hbm>>) target_semaphore(%run_scoped3A_143 : memref<!tpu.dma_semaphore, #tpu.memory_space<semaphore_mem>>)
      %dma_wait3A_149 = arith.constant 0 : i32
      %dma_wait3A_150 = tpu.memref_slice %arg4[%arg0, %add3A_138, %dma_wait3A_149] : memref<2x10112x128xf32, #tpu.memory_space<hbm>> -> memref<1x96x128xf32, #tpu.memory_space<hbm>>
      %dma_wait3A_151 = tpu.memref_squeeze %dma_wait3A_150 : memref<1x96x128xf32, #tpu.memory_space<hbm>> -> memref<96x128xf32, #tpu.memory_space<hbm>>
      %dma_wait3A_152 = arith.constant 0 : i32
      %dma_wait3A_153 = tpu.memref_slice %arg13[%add3A_138, %dma_wait3A_152] : memref<10112x128xf32, #tpu.memory_space<vmem_shared>> -> memref<96x128xf32, #tpu.memory_space<vmem_shared>>
      tpu.wait_dma2 semaphore(%run_scoped3A_143 : memref<!tpu.dma_semaphore, #tpu.memory_space<semaphore_mem>>) src(%dma_wait3A_153 : memref<96x128xf32, #tpu.memory_space<vmem_shared>>) dst(%dma_wait3A_151 : memref<96x128xf32, #tpu.memory_space<hbm>>)
      tpu.yield
    }) : () -> ()
    %mul3A_139 = arith.constant 632 : i32
    %mul3A_140 = arith.muli %arg1, %mul3A_139 : i32
    %add3A_141 = arith.constant 576 : i32
    %add3A_142 = arith.addi %mul3A_140, %add3A_141 : i32
    "tpu.region"() ({
      %run_scoped3A_143 = tpu.sem_alloc : memref<!tpu.dma_semaphore, #tpu.memory_space<semaphore_mem>>
      %dma_start3A_144 = arith.constant 0 : i32
      %dma_start3A_145 = tpu.memref_slice %arg4[%arg0, %add3A_142, %dma_start3A_144] : memref<2x10112x128xf32, #tpu.memory_space<hbm>> -> memref<1x56x128xf32, #tpu.memory_space<hbm>>
      %dma_start3A_146 = tpu.memref_squeeze %dma_start3A_145 : memref<1x56x128xf32, #tpu.memory_space<hbm>> -> memref<56x128xf32, #tpu.memory_space<hbm>>
      %dma_start3A_147 = arith.constant 0 : i32
      %dma_start3A_148 = tpu.memref_slice %arg13[%add3A_142, %dma_start3A_147] : memref<10112x128xf32, #tpu.memory_space<vmem_shared>> -> memref<56x128xf32, #tpu.memory_space<vmem_shared>>
      tpu.enqueue_dma source(%dma_start3A_148 : memref<56x128xf32, #tpu.memory_space<vmem_shared>>) target(%dma_start3A_146 : memref<56x128xf32, #tpu.memory_space<hbm>>) target_semaphore(%run_scoped3A_143 : memref<!tpu.dma_semaphore, #tpu.memory_space<semaphore_mem>>)
      %dma_wait3A_149 = arith.constant 0 : i32
      %dma_wait3A_150 = tpu.memref_slice %arg4[%arg0, %add3A_142, %dma_wait3A_149] : memref<2x10112x128xf32, #tpu.memory_space<hbm>> -> memref<1x56x128xf32, #tpu.memory_space<hbm>>
      %dma_wait3A_151 = tpu.memref_squeeze %dma_wait3A_150 : memref<1x56x128xf32, #tpu.memory_space<hbm>> -> memref<56x128xf32, #tpu.memory_space<hbm>>
      %dma_wait3A_152 = arith.constant 0 : i32
      %dma_wait3A_153 = tpu.memref_slice %arg13[%add3A_142, %dma_wait3A_152] : memref<10112x128xf32, #tpu.memory_space<vmem_shared>> -> memref<56x128xf32, #tpu.memory_space<vmem_shared>>
      tpu.wait_dma2 semaphore(%run_scoped3A_143 : memref<!tpu.dma_semaphore, #tpu.memory_space<semaphore_mem>>) src(%dma_wait3A_153 : memref<56x128xf32, #tpu.memory_space<vmem_shared>>) dst(%dma_wait3A_151 : memref<56x128xf32, #tpu.memory_space<hbm>>)
      tpu.yield
    }) : () -> ()
    return
  }
}

#map = affine_map<(d0, d1) -> (0, 0, 0)>
#map1 = affine_map<(d0, d1) -> (0, 0)>
module attributes {stable_mosaic.version = 14 : i64} {
  func.func @_deg_sc(%arg0: i32, %arg1: i32, %arg2: memref<32x105x96xi32, #tpu.memory_space<hbm>>, %arg3: memref<2x10240xf32, #tpu.memory_space<hbm>>, %arg4: memref<105x96xi32, #tpu.memory_space<vmem>>, %arg5: memref<2x96xi32, #tpu.memory_space<vmem>>, %arg6: memref<96xf32, #tpu.memory_space<vmem>>, %arg7: memref<640xf32, #tpu.memory_space<vmem>>, %arg8: memref<10240xf32, #tpu.memory_space<vmem_shared>>, %arg9: memref<!tpu.dma_semaphore, #tpu.memory_space<semaphore_mem>>) attributes {dimension_semantics = [#tpu.dimension_semantics<core_parallel>, #tpu.dimension_semantics<subcore_parallel>], iteration_bounds = array<i64: 2, 16>, scalar_prefetch = 0 : i64, scratch_operands = 6 : i64, tpu.core_type = #tpu.core_type<sc_vector_subcore>, window_params = [{transform_indices = #map}, {transform_indices = #map1}]} {
    %mul3A = arith.constant 2 : i32
    %mul3A_0 = arith.muli %arg1, %mul3A : i32
    %add3A = arith.addi %mul3A_0, %arg0 : i32
    %broadcast_in_dim3A = arith.constant 1.000000e+00 : f32
    %broadcast_in_dim3A_1 = vector.broadcast %broadcast_in_dim3A : f32 to vector<16xf32>
    %broadcast_in_dim3A_2 = arith.constant 0.000000e+00 : f32
    %broadcast_in_dim3A_3 = vector.broadcast %broadcast_in_dim3A_2 : f32 to vector<16xf32>
    %scan3A = arith.constant 0 : i32
    %scan3A_4 = arith.constant 6 : i32
    %scan3A_5 = arith.addi %scan3A, %scan3A_4 : i32
    %scan3A_6 = arith.constant 1 : i32
    scf.for %scan3A_55 = %scan3A to %scan3A_5 step %scan3A_6  : i32 {
      %mul3A_56 = arith.constant 1 : i32
      %mul3A_57 = arith.muli %scan3A_55, %mul3A_56 : i32
      %add3A_58 = arith.constant 0 : i32
      %add3A_59 = arith.addi %add3A_58, %mul3A_57 : i32
      %mul3A_60 = arith.constant 16 : i32
      %mul3A_61 = arith.muli %add3A_59, %mul3A_60 : i32
      %swap3A = arith.index_cast %mul3A_61 : i32 to index
      %swap3A_62 = tpu.vector_load %arg6[%swap3A] {strides = array<i32>} : memref<96xf32, #tpu.memory_space<vmem>>, vector<16xf32>,
      %swap3A_63 = vector.shape_cast %swap3A_62 : vector<16xf32> to vector<16xf32>
      %swap3A_64 = vector.shape_cast %broadcast_in_dim3A_1 : vector<16xf32> to vector<16xf32>
      tpu.vector_store %arg6[%swap3A], %swap3A_64 {strides = array<i32>} : memref<96xf32, #tpu.memory_space<vmem>>, vector<16xf32>,
    }
    %scan3A_7 = arith.constant 6 : i32
    %scan3A_8 = arith.constant 0 : i32
    %scan3A_9 = arith.constant 40 : i32
    %scan3A_10 = arith.addi %scan3A_8, %scan3A_9 : i32
    %scan3A_11 = arith.constant 1 : i32
    scf.for %scan3A_55 = %scan3A_8 to %scan3A_10 step %scan3A_11  : i32 {
      %mul3A_56 = arith.constant 1 : i32
      %mul3A_57 = arith.muli %scan3A_55, %mul3A_56 : i32
      %add3A_58 = arith.constant 0 : i32
      %add3A_59 = arith.addi %add3A_58, %mul3A_57 : i32
      %mul3A_60 = arith.constant 16 : i32
      %mul3A_61 = arith.muli %add3A_59, %mul3A_60 : i32
      %swap3A = arith.index_cast %mul3A_61 : i32 to index
      %swap3A_62 = tpu.vector_load %arg7[%swap3A] {strides = array<i32>} : memref<640xf32, #tpu.memory_space<vmem>>, vector<16xf32>,
      %swap3A_63 = vector.shape_cast %swap3A_62 : vector<16xf32> to vector<16xf32>
      %swap3A_64 = vector.shape_cast %broadcast_in_dim3A_3 : vector<16xf32> to vector<16xf32>
      tpu.vector_store %arg7[%swap3A], %swap3A_64 {strides = array<i32>} : memref<640xf32, #tpu.memory_space<vmem>>, vector<16xf32>,
    }
    %scan3A_12 = arith.constant 40 : i32
    "tpu.region"() ({
      %run_scoped3A = tpu.sem_alloc : memref<!tpu.dma_semaphore, #tpu.memory_space<semaphore_mem>>
      %dma_start3A_55 = arith.constant 0 : i32
      %dma_start3A_56 = arith.constant 0 : i32
      %dma_start3A_57 = tpu.memref_slice %arg2[%add3A, %dma_start3A_55, %dma_start3A_56] : memref<32x105x96xi32, #tpu.memory_space<hbm>> -> memref<1x105x96xi32, #tpu.memory_space<hbm>>
      %dma_start3A_58 = tpu.memref_squeeze %dma_start3A_57 : memref<1x105x96xi32, #tpu.memory_space<hbm>> -> memref<105x96xi32, #tpu.memory_space<hbm>>
      %dma_start3A_59 = arith.constant 0 : i32
      %dma_start3A_60 = arith.constant 0 : i32
      %dma_start3A_61 = tpu.memref_slice %arg2[%add3A, %dma_start3A_59, %dma_start3A_60] : memref<32x105x96xi32, #tpu.memory_space<hbm>> -> memref<1x105x96xi32, #tpu.memory_space<hbm>>
      %dma_start3A_62 = tpu.memref_squeeze %dma_start3A_61 : memref<1x105x96xi32, #tpu.memory_space<hbm>> -> memref<105x96xi32, #tpu.memory_space<hbm>>
      tpu.enqueue_dma source(%dma_start3A_62 : memref<105x96xi32, #tpu.memory_space<hbm>>) target(%arg4 : memref<105x96xi32, #tpu.memory_space<vmem>>) target_semaphore(%run_scoped3A : memref<!tpu.dma_semaphore, #tpu.memory_space<semaphore_mem>>)
      %dma_wait3A_63 = arith.constant 0 : i32
      %dma_wait3A_64 = arith.constant 0 : i32
      %dma_wait3A_65 = tpu.memref_slice %arg2[%add3A, %dma_wait3A_63, %dma_wait3A_64] : memref<32x105x96xi32, #tpu.memory_space<hbm>> -> memref<1x105x96xi32, #tpu.memory_space<hbm>>
      %dma_wait3A_66 = tpu.memref_squeeze %dma_wait3A_65 : memref<1x105x96xi32, #tpu.memory_space<hbm>> -> memref<105x96xi32, #tpu.memory_space<hbm>>
      %dma_wait3A_67 = arith.constant 0 : i32
      %dma_wait3A_68 = arith.constant 0 : i32
      %dma_wait3A_69 = tpu.memref_slice %arg2[%add3A, %dma_wait3A_67, %dma_wait3A_68] : memref<32x105x96xi32, #tpu.memory_space<hbm>> -> memref<1x105x96xi32, #tpu.memory_space<hbm>>
      %dma_wait3A_70 = tpu.memref_squeeze %dma_wait3A_69 : memref<1x105x96xi32, #tpu.memory_space<hbm>> -> memref<105x96xi32, #tpu.memory_space<hbm>>
      tpu.wait_dma2 semaphore(%run_scoped3A : memref<!tpu.dma_semaphore, #tpu.memory_space<semaphore_mem>>) src(%dma_wait3A_70 : memref<105x96xi32, #tpu.memory_space<hbm>>) dst(%arg4 : memref<105x96xi32, #tpu.memory_space<vmem>>)
      tpu.yield
    }) : () -> ()
    %mul3A_13 = arith.constant 640 : i32
    %mul3A_14 = arith.muli %arg1, %mul3A_13 : i32
    "tpu.region"() ({
      %run_scoped3A = tpu.sem_alloc : memref<!tpu.dma_semaphore, #tpu.memory_space<semaphore_mem>>
      %dma_start3A_55 = tpu.memref_slice %arg8[%mul3A_14] : memref<10240xf32, #tpu.memory_space<vmem_shared>> -> memref<640xf32, #tpu.memory_space<vmem_shared>>
      %dma_start3A_56 = tpu.memref_slice %arg8[%mul3A_14] : memref<10240xf32, #tpu.memory_space<vmem_shared>> -> memref<640xf32, #tpu.memory_space<vmem_shared>>
      tpu.enqueue_dma source(%arg7 : memref<640xf32, #tpu.memory_space<vmem>>) target(%dma_start3A_56 : memref<640xf32, #tpu.memory_space<vmem_shared>>) target_semaphore(%run_scoped3A : memref<!tpu.dma_semaphore, #tpu.memory_space<semaphore_mem>>)
      %dma_wait3A_57 = tpu.memref_slice %arg8[%mul3A_14] : memref<10240xf32, #tpu.memory_space<vmem_shared>> -> memref<640xf32, #tpu.memory_space<vmem_shared>>
      %dma_wait3A_58 = tpu.memref_slice %arg8[%mul3A_14] : memref<10240xf32, #tpu.memory_space<vmem_shared>> -> memref<640xf32, #tpu.memory_space<vmem_shared>>
      tpu.wait_dma2 semaphore(%run_scoped3A : memref<!tpu.dma_semaphore, #tpu.memory_space<semaphore_mem>>) src(%arg7 : memref<640xf32, #tpu.memory_space<vmem>>) dst(%dma_wait3A_58 : memref<640xf32, #tpu.memory_space<vmem_shared>>)
      tpu.yield
    }) : () -> ()
    %barrier3A = arith.constant 0 : index
    tpu.barrier barrier_id(%barrier3A)
    %scan3A_15 = arith.constant 0 : i32
    %scan3A_16 = arith.constant 52 : i32
    %scan3A_17 = arith.addi %scan3A_15, %scan3A_16 : i32
    %scan3A_18 = arith.constant 1 : i32
    scf.for %scan3A_55 = %scan3A_15 to %scan3A_17 step %scan3A_18  : i32 {
      %mul3A_56 = arith.constant 2 : i32
      %mul3A_57 = arith.muli %scan3A_55, %mul3A_56 : i32
      %add3A_58 = arith.constant 0 : i32
      %add3A_59 = arith.addi %add3A_58, %mul3A_57 : i32
      %add3A_60 = arith.constant 0 : i32
      %add3A_61 = arith.addi %add3A_59, %add3A_60 : i32
      %ge3A = arith.constant 2 : i32
      %ge3A_62 = arith.cmpi sge, %add3A_61, %ge3A : i32
      %convert_element_type3A = arith.extui %ge3A_62 : i1 to i32
      %cond3A = arith.constant 0 : i32
      %cond3A_63 = arith.cmpi ne, %convert_element_type3A, %cond3A : i32
      scf.if %cond3A_63 {
        %dma_wait3A_93 = arith.constant 0 : i32
        %dma_wait3A_94 = arith.constant 0 : i32
        %dma_wait3A_95 = tpu.memref_slice %arg3[%dma_wait3A_93, %dma_wait3A_94] : memref<2x10240xf32, #tpu.memory_space<hbm>> -> memref<1x96xf32, #tpu.memory_space<hbm>>
        %dma_wait3A_96 = tpu.memref_squeeze %dma_wait3A_95 : memref<1x96xf32, #tpu.memory_space<hbm>> -> memref<96xf32, #tpu.memory_space<hbm>>
        %dma_wait3A_97 = arith.constant 0 : i32
        %dma_wait3A_98 = tpu.memref_slice %arg3[%dma_wait3A_93, %dma_wait3A_97] : memref<2x10240xf32, #tpu.memory_space<hbm>> -> memref<1x96xf32, #tpu.memory_space<hbm>>
        %dma_wait3A_99 = tpu.memref_squeeze %dma_wait3A_98 : memref<1x96xf32, #tpu.memory_space<hbm>> -> memref<96xf32, #tpu.memory_space<hbm>>
        tpu.wait_dma2 semaphore(%arg9 : memref<!tpu.dma_semaphore, #tpu.memory_space<semaphore_mem>>) src(%dma_wait3A_99 : memref<96xf32, #tpu.memory_space<hbm>>) dst(%arg6 : memref<96xf32, #tpu.memory_space<vmem>>)
      } else {
      }
      %scan3A_64 = arith.constant 0 : i32
      %scan3A_65 = arith.constant 6 : i32
      %scan3A_66 = arith.addi %scan3A_64, %scan3A_65 : i32
      %scan3A_67 = arith.constant 1 : i32
      scf.for %scan3A_93 = %scan3A_64 to %scan3A_66 step %scan3A_67  : i32 {
        %mul3A_94 = arith.constant 1 : i32
        %mul3A_95 = arith.muli %scan3A_93, %mul3A_94 : i32
        %add3A_96 = arith.constant 0 : i32
        %add3A_97 = arith.addi %add3A_96, %mul3A_95 : i32
        %mul3A_98 = arith.constant 16 : i32
        %mul3A_99 = arith.muli %add3A_97, %mul3A_98 : i32
        %get3A = arith.index_cast %add3A_61 : i32 to index
        %get3A_100 = arith.index_cast %mul3A_99 : i32 to index
        %get3A_101 = tpu.vector_load %arg4[%get3A, %get3A_100] {strides = array<i32>} : memref<105x96xi32, #tpu.memory_space<vmem>>, vector<1x16xi32>,
        %get3A_102 = vector.shape_cast %get3A_101 : vector<1x16xi32> to vector<16xi32>
        %shift_right_logical3A = arith.constant 16 : i32
        %shift_right_logical3A_103 = vector.broadcast %shift_right_logical3A : i32 to vector<16xi32>
        %shift_right_logical3A_104 = arith.shrui %get3A_102, %shift_right_logical3A_103 : vector<16xi32>
        %mul3A_105 = arith.constant 16 : i32
        %mul3A_106 = arith.muli %add3A_97, %mul3A_105 : i32
        %swap3A = arith.constant 0 : i32
        %swap3A_107 = arith.index_cast %swap3A : i32 to index
        %swap3A_108 = arith.index_cast %mul3A_106 : i32 to index
        %swap3A_109 = tpu.vector_load %arg5[%swap3A_107, %swap3A_108] {strides = array<i32>} : memref<2x96xi32, #tpu.memory_space<vmem>>, vector<1x16xi32>,
        %swap3A_110 = vector.shape_cast %swap3A_109 : vector<1x16xi32> to vector<16xi32>
        %swap3A_111 = vector.shape_cast %shift_right_logical3A_104 : vector<16xi32> to vector<1x16xi32>
        tpu.vector_store %arg5[%swap3A_107, %swap3A_108], %swap3A_111 {strides = array<i32>} : memref<2x96xi32, #tpu.memory_space<vmem>>, vector<1x16xi32>,
      }
      %scan3A_68 = arith.constant 6 : i32
      %dma_start3A_69 = arith.constant 0 : i32
      %dma_start3A_70 = arith.constant 0 : i32
      %dma_start3A_71 = tpu.memref_slice %arg5[%dma_start3A_69, %dma_start3A_70] : memref<2x96xi32, #tpu.memory_space<vmem>> -> memref<1x96xi32, #tpu.memory_space<vmem>>
      %dma_start3A_72 = tpu.memref_squeeze %dma_start3A_71 : memref<1x96xi32, #tpu.memory_space<vmem>> -> memref<96xi32, #tpu.memory_space<vmem>>
      %dma_start3A_73 = arith.constant 0 : i32
      %dma_start3A_74 = tpu.memref_slice %arg8[%dma_start3A_73] : memref<10240xf32, #tpu.memory_space<vmem_shared>> -> memref<10240xf32, #tpu.memory_space<vmem_shared>>
      tpu.enqueue_indirect_dma source(%arg6 : memref<96xf32, #tpu.memory_space<vmem>>) target(%dma_start3A_74 : memref<10240xf32, #tpu.memory_space<vmem_shared>>) offsets(%dma_start3A_72 : memref<96xi32, #tpu.memory_space<vmem>>) semaphore(%arg9 : memref<!tpu.dma_semaphore, #tpu.memory_space<semaphore_mem>>) {add = true}
      %add3A_75 = arith.constant 1 : i32
      %add3A_76 = arith.addi %add3A_59, %add3A_75 : i32
      %ge3A_77 = arith.constant 2 : i32
      %ge3A_78 = arith.cmpi sge, %add3A_76, %ge3A_77 : i32
      %convert_element_type3A_79 = arith.extui %ge3A_78 : i1 to i32
      %cond3A_80 = arith.constant 0 : i32
      %cond3A_81 = arith.cmpi ne, %convert_element_type3A_79, %cond3A_80 : i32
      scf.if %cond3A_81 {
        %dma_wait3A_93 = arith.constant 0 : i32
        %dma_wait3A_94 = arith.constant 0 : i32
        %dma_wait3A_95 = tpu.memref_slice %arg3[%dma_wait3A_93, %dma_wait3A_94] : memref<2x10240xf32, #tpu.memory_space<hbm>> -> memref<1x96xf32, #tpu.memory_space<hbm>>
        %dma_wait3A_96 = tpu.memref_squeeze %dma_wait3A_95 : memref<1x96xf32, #tpu.memory_space<hbm>> -> memref<96xf32, #tpu.memory_space<hbm>>
        %dma_wait3A_97 = arith.constant 0 : i32
        %dma_wait3A_98 = tpu.memref_slice %arg3[%dma_wait3A_93, %dma_wait3A_97] : memref<2x10240xf32, #tpu.memory_space<hbm>> -> memref<1x96xf32, #tpu.memory_space<hbm>>
        %dma_wait3A_99 = tpu.memref_squeeze %dma_wait3A_98 : memref<1x96xf32, #tpu.memory_space<hbm>> -> memref<96xf32, #tpu.memory_space<hbm>>
        tpu.wait_dma2 semaphore(%arg9 : memref<!tpu.dma_semaphore, #tpu.memory_space<semaphore_mem>>) src(%dma_wait3A_99 : memref<96xf32, #tpu.memory_space<hbm>>) dst(%arg6 : memref<96xf32, #tpu.memory_space<vmem>>)
      } else {
      }
      %scan3A_82 = arith.constant 0 : i32
      %scan3A_83 = arith.constant 6 : i32
      %scan3A_84 = arith.addi %scan3A_82, %scan3A_83 : i32
      %scan3A_85 = arith.constant 1 : i32
      scf.for %scan3A_93 = %scan3A_82 to %scan3A_84 step %scan3A_85  : i32 {
        %mul3A_94 = arith.constant 1 : i32
        %mul3A_95 = arith.muli %scan3A_93, %mul3A_94 : i32
        %add3A_96 = arith.constant 0 : i32
        %add3A_97 = arith.addi %add3A_96, %mul3A_95 : i32
        %mul3A_98 = arith.constant 16 : i32
        %mul3A_99 = arith.muli %add3A_97, %mul3A_98 : i32
        %get3A = arith.index_cast %add3A_76 : i32 to index
        %get3A_100 = arith.index_cast %mul3A_99 : i32 to index
        %get3A_101 = tpu.vector_load %arg4[%get3A, %get3A_100] {strides = array<i32>} : memref<105x96xi32, #tpu.memory_space<vmem>>, vector<1x16xi32>,
        %get3A_102 = vector.shape_cast %get3A_101 : vector<1x16xi32> to vector<16xi32>
        %shift_right_logical3A = arith.constant 16 : i32
        %shift_right_logical3A_103 = vector.broadcast %shift_right_logical3A : i32 to vector<16xi32>
        %shift_right_logical3A_104 = arith.shrui %get3A_102, %shift_right_logical3A_103 : vector<16xi32>
        %mul3A_105 = arith.constant 16 : i32
        %mul3A_106 = arith.muli %add3A_97, %mul3A_105 : i32
        %swap3A = arith.constant 1 : i32
        %swap3A_107 = arith.index_cast %swap3A : i32 to index
        %swap3A_108 = arith.index_cast %mul3A_106 : i32 to index
        %swap3A_109 = tpu.vector_load %arg5[%swap3A_107, %swap3A_108] {strides = array<i32>} : memref<2x96xi32, #tpu.memory_space<vmem>>, vector<1x16xi32>,
        %swap3A_110 = vector.shape_cast %swap3A_109 : vector<1x16xi32> to vector<16xi32>
        %swap3A_111 = vector.shape_cast %shift_right_logical3A_104 : vector<16xi32> to vector<1x16xi32>
        tpu.vector_store %arg5[%swap3A_107, %swap3A_108], %swap3A_111 {strides = array<i32>} : memref<2x96xi32, #tpu.memory_space<vmem>>, vector<1x16xi32>,
      }
      %scan3A_86 = arith.constant 6 : i32
      %dma_start3A_87 = arith.constant 1 : i32
      %dma_start3A_88 = arith.constant 0 : i32
      %dma_start3A_89 = tpu.memref_slice %arg5[%dma_start3A_87, %dma_start3A_88] : memref<2x96xi32, #tpu.memory_space<vmem>> -> memref<1x96xi32, #tpu.memory_space<vmem>>
      %dma_start3A_90 = tpu.memref_squeeze %dma_start3A_89 : memref<1x96xi32, #tpu.memory_space<vmem>> -> memref<96xi32, #tpu.memory_space<vmem>>
      %dma_start3A_91 = arith.constant 0 : i32
      %dma_start3A_92 = tpu.memref_slice %arg8[%dma_start3A_91] : memref<10240xf32, #tpu.memory_space<vmem_shared>> -> memref<10240xf32, #tpu.memory_space<vmem_shared>>
      tpu.enqueue_indirect_dma source(%arg6 : memref<96xf32, #tpu.memory_space<vmem>>) target(%dma_start3A_92 : memref<10240xf32, #tpu.memory_space<vmem_shared>>) offsets(%dma_start3A_90 : memref<96xi32, #tpu.memory_space<vmem>>) semaphore(%arg9 : memref<!tpu.dma_semaphore, #tpu.memory_space<semaphore_mem>>) {add = true}
    }
    %scan3A_19 = arith.constant 52 : i32
    %dma_wait3A = arith.constant 0 : i32
    %dma_wait3A_20 = arith.constant 0 : i32
    %dma_wait3A_21 = tpu.memref_slice %arg3[%dma_wait3A, %dma_wait3A_20] : memref<2x10240xf32, #tpu.memory_space<hbm>> -> memref<1x96xf32, #tpu.memory_space<hbm>>
    %dma_wait3A_22 = tpu.memref_squeeze %dma_wait3A_21 : memref<1x96xf32, #tpu.memory_space<hbm>> -> memref<96xf32, #tpu.memory_space<hbm>>
    %dma_wait3A_23 = arith.constant 0 : i32
    %dma_wait3A_24 = tpu.memref_slice %arg3[%dma_wait3A, %dma_wait3A_23] : memref<2x10240xf32, #tpu.memory_space<hbm>> -> memref<1x96xf32, #tpu.memory_space<hbm>>
    %dma_wait3A_25 = tpu.memref_squeeze %dma_wait3A_24 : memref<1x96xf32, #tpu.memory_space<hbm>> -> memref<96xf32, #tpu.memory_space<hbm>>
    tpu.wait_dma2 semaphore(%arg9 : memref<!tpu.dma_semaphore, #tpu.memory_space<semaphore_mem>>) src(%dma_wait3A_25 : memref<96xf32, #tpu.memory_space<hbm>>) dst(%arg6 : memref<96xf32, #tpu.memory_space<vmem>>)
    %scan3A_26 = arith.constant 0 : i32
    %scan3A_27 = arith.constant 6 : i32
    %scan3A_28 = arith.addi %scan3A_26, %scan3A_27 : i32
    %scan3A_29 = arith.constant 1 : i32
    scf.for %scan3A_55 = %scan3A_26 to %scan3A_28 step %scan3A_29  : i32 {
      %mul3A_56 = arith.constant 1 : i32
      %mul3A_57 = arith.muli %scan3A_55, %mul3A_56 : i32
      %add3A_58 = arith.constant 0 : i32
      %add3A_59 = arith.addi %add3A_58, %mul3A_57 : i32
      %mul3A_60 = arith.constant 16 : i32
      %mul3A_61 = arith.muli %add3A_59, %mul3A_60 : i32
      %get3A = arith.constant 104 : i32
      %get3A_62 = arith.index_cast %get3A : i32 to index
      %get3A_63 = arith.index_cast %mul3A_61 : i32 to index
      %get3A_64 = tpu.vector_load %arg4[%get3A_62, %get3A_63] {strides = array<i32>} : memref<105x96xi32, #tpu.memory_space<vmem>>, vector<1x16xi32>,
      %get3A_65 = vector.shape_cast %get3A_64 : vector<1x16xi32> to vector<16xi32>
      %shift_right_logical3A = arith.constant 16 : i32
      %shift_right_logical3A_66 = vector.broadcast %shift_right_logical3A : i32 to vector<16xi32>
      %shift_right_logical3A_67 = arith.shrui %get3A_65, %shift_right_logical3A_66 : vector<16xi32>
      %mul3A_68 = arith.constant 16 : i32
      %mul3A_69 = arith.muli %add3A_59, %mul3A_68 : i32
      %swap3A = arith.constant 0 : i32
      %swap3A_70 = arith.index_cast %swap3A : i32 to index
      %swap3A_71 = arith.index_cast %mul3A_69 : i32 to index
      %swap3A_72 = tpu.vector_load %arg5[%swap3A_70, %swap3A_71] {strides = array<i32>} : memref<2x96xi32, #tpu.memory_space<vmem>>, vector<1x16xi32>,
      %swap3A_73 = vector.shape_cast %swap3A_72 : vector<1x16xi32> to vector<16xi32>
      %swap3A_74 = vector.shape_cast %shift_right_logical3A_67 : vector<16xi32> to vector<1x16xi32>
      tpu.vector_store %arg5[%swap3A_70, %swap3A_71], %swap3A_74 {strides = array<i32>} : memref<2x96xi32, #tpu.memory_space<vmem>>, vector<1x16xi32>,
    }
    %scan3A_30 = arith.constant 6 : i32
    %dma_start3A = arith.constant 0 : i32
    %dma_start3A_31 = arith.constant 0 : i32
    %dma_start3A_32 = tpu.memref_slice %arg5[%dma_start3A, %dma_start3A_31] : memref<2x96xi32, #tpu.memory_space<vmem>> -> memref<1x96xi32, #tpu.memory_space<vmem>>
    %dma_start3A_33 = tpu.memref_squeeze %dma_start3A_32 : memref<1x96xi32, #tpu.memory_space<vmem>> -> memref<96xi32, #tpu.memory_space<vmem>>
    %dma_start3A_34 = arith.constant 0 : i32
    %dma_start3A_35 = tpu.memref_slice %arg8[%dma_start3A_34] : memref<10240xf32, #tpu.memory_space<vmem_shared>> -> memref<10240xf32, #tpu.memory_space<vmem_shared>>
    tpu.enqueue_indirect_dma source(%arg6 : memref<96xf32, #tpu.memory_space<vmem>>) target(%dma_start3A_35 : memref<10240xf32, #tpu.memory_space<vmem_shared>>) offsets(%dma_start3A_33 : memref<96xi32, #tpu.memory_space<vmem>>) semaphore(%arg9 : memref<!tpu.dma_semaphore, #tpu.memory_space<semaphore_mem>>) {add = true}
    %dma_wait3A_36 = arith.constant 0 : i32
    %dma_wait3A_37 = arith.constant 0 : i32
    %dma_wait3A_38 = tpu.memref_slice %arg3[%dma_wait3A_36, %dma_wait3A_37] : memref<2x10240xf32, #tpu.memory_space<hbm>> -> memref<1x96xf32, #tpu.memory_space<hbm>>
    %dma_wait3A_39 = tpu.memref_squeeze %dma_wait3A_38 : memref<1x96xf32, #tpu.memory_space<hbm>> -> memref<96xf32, #tpu.memory_space<hbm>>
    %dma_wait3A_40 = arith.constant 0 : i32
    %dma_wait3A_41 = tpu.memref_slice %arg3[%dma_wait3A_36, %dma_wait3A_40] : memref<2x10240xf32, #tpu.memory_space<hbm>> -> memref<1x96xf32, #tpu.memory_space<hbm>>
    %dma_wait3A_42 = tpu.memref_squeeze %dma_wait3A_41 : memref<1x96xf32, #tpu.memory_space<hbm>> -> memref<96xf32, #tpu.memory_space<hbm>>
    tpu.wait_dma2 semaphore(%arg9 : memref<!tpu.dma_semaphore, #tpu.memory_space<semaphore_mem>>) src(%dma_wait3A_42 : memref<96xf32, #tpu.memory_space<hbm>>) dst(%arg6 : memref<96xf32, #tpu.memory_space<vmem>>)
    %dma_wait3A_43 = arith.constant 0 : i32
    %dma_wait3A_44 = arith.constant 0 : i32
    %dma_wait3A_45 = tpu.memref_slice %arg3[%dma_wait3A_43, %dma_wait3A_44] : memref<2x10240xf32, #tpu.memory_space<hbm>> -> memref<1x96xf32, #tpu.memory_space<hbm>>
    %dma_wait3A_46 = tpu.memref_squeeze %dma_wait3A_45 : memref<1x96xf32, #tpu.memory_space<hbm>> -> memref<96xf32, #tpu.memory_space<hbm>>
    %dma_wait3A_47 = arith.constant 0 : i32
    %dma_wait3A_48 = tpu.memref_slice %arg3[%dma_wait3A_43, %dma_wait3A_47] : memref<2x10240xf32, #tpu.memory_space<hbm>> -> memref<1x96xf32, #tpu.memory_space<hbm>>
    %dma_wait3A_49 = tpu.memref_squeeze %dma_wait3A_48 : memref<1x96xf32, #tpu.memory_space<hbm>> -> memref<96xf32, #tpu.memory_space<hbm>>
    tpu.wait_dma2 semaphore(%arg9 : memref<!tpu.dma_semaphore, #tpu.memory_space<semaphore_mem>>) src(%dma_wait3A_49 : memref<96xf32, #tpu.memory_space<hbm>>) dst(%arg6 : memref<96xf32, #tpu.memory_space<vmem>>)
    %barrier3A_50 = arith.constant 0 : index
    tpu.barrier barrier_id(%barrier3A_50)
    %mul3A_51 = arith.constant 640 : i32
    %mul3A_52 = arith.muli %arg1, %mul3A_51 : i32
    %mul3A_53 = arith.constant 640 : i32
    %mul3A_54 = arith.muli %arg1, %mul3A_53 : i32
    "tpu.region"() ({
      %run_scoped3A = tpu.sem_alloc : memref<!tpu.dma_semaphore, #tpu.memory_space<semaphore_mem>>
      %dma_start3A_55 = tpu.memref_slice %arg3[%arg0, %mul3A_54] : memref<2x10240xf32, #tpu.memory_space<hbm>> -> memref<1x640xf32, #tpu.memory_space<hbm>>
      %dma_start3A_56 = tpu.memref_squeeze %dma_start3A_55 : memref<1x640xf32, #tpu.memory_space<hbm>> -> memref<640xf32, #tpu.memory_space<hbm>>
      %dma_start3A_57 = tpu.memref_slice %arg8[%mul3A_52] : memref<10240xf32, #tpu.memory_space<vmem_shared>> -> memref<640xf32, #tpu.memory_space<vmem_shared>>
      tpu.enqueue_dma source(%dma_start3A_57 : memref<640xf32, #tpu.memory_space<vmem_shared>>) target(%dma_start3A_56 : memref<640xf32, #tpu.memory_space<hbm>>) target_semaphore(%run_scoped3A : memref<!tpu.dma_semaphore, #tpu.memory_space<semaphore_mem>>)
      %dma_wait3A_58 = tpu.memref_slice %arg3[%arg0, %mul3A_54] : memref<2x10240xf32, #tpu.memory_space<hbm>> -> memref<1x640xf32, #tpu.memory_space<hbm>>
      %dma_wait3A_59 = tpu.memref_squeeze %dma_wait3A_58 : memref<1x640xf32, #tpu.memory_space<hbm>> -> memref<640xf32, #tpu.memory_space<hbm>>
      %dma_wait3A_60 = tpu.memref_slice %arg8[%mul3A_52] : memref<10240xf32, #tpu.memory_space<vmem_shared>> -> memref<640xf32, #tpu.memory_space<vmem_shared>>
      tpu.wait_dma2 semaphore(%run_scoped3A : memref<!tpu.dma_semaphore, #tpu.memory_space<semaphore_mem>>) src(%dma_wait3A_60 : memref<640xf32, #tpu.memory_space<vmem_shared>>) dst(%dma_wait3A_59 : memref<640xf32, #tpu.memory_space<hbm>>)
      tpu.yield
    }) : () -> ()
    return
  }
}

#map = affine_map<(d0, d1) -> (0, 0)>
#map1 = affine_map<(d0, d1) -> (0, 0, 0)>
module attributes {stable_mosaic.version = 14 : i64} {
  func.func @_spmm_sc(%arg0: i32, %arg1: i32, %arg2: memref<10000x128xf32, #tpu.memory_space<hbm>>, %arg3: memref<32x10080xi32, #tpu.memory_space<hbm>>, %arg4: memref<2x10112x128xf32, #tpu.memory_space<hbm>>, %arg5: memref<10080xi32, #tpu.memory_space<vmem>>, %arg6: memref<96xi32, #tpu.memory_space<vmem>>, %arg7: memref<96xi32, #tpu.memory_space<vmem>>, %arg8: memref<96xi32, #tpu.memory_space<vmem>>, %arg9: memref<96xi32, #tpu.memory_space<vmem>>, %arg10: memref<96xi32, #tpu.memory_space<vmem>>, %arg11: memref<96xi32, #tpu.memory_space<vmem>>, %arg12: memref<3x96x128xf32, #tpu.memory_space<vmem>>, %arg13: memref<10112x128xf32, #tpu.memory_space<vmem_shared>>, %arg14: memref<!tpu.dma_semaphore, #tpu.memory_space<semaphore_mem>>, %arg15: memref<!tpu.dma_semaphore, #tpu.memory_space<semaphore_mem>>, %arg16: memref<!tpu.dma_semaphore, #tpu.memory_space<semaphore_mem>>, %arg17: memref<!tpu.dma_semaphore, #tpu.memory_space<semaphore_mem>>) attributes {dimension_semantics = [#tpu.dimension_semantics<core_parallel>, #tpu.dimension_semantics<subcore_parallel>], iteration_bounds = array<i64: 2, 16>, scalar_prefetch = 0 : i64, scratch_operands = 13 : i64, tpu.core_type = #tpu.core_type<sc_vector_subcore>, window_params = [{transform_indices = #map}, {transform_indices = #map}, {transform_indices = #map1}]} {
    %mul3A = arith.constant 2 : i32
    %mul3A_0 = arith.muli %arg1, %mul3A : i32
    %add3A = arith.addi %mul3A_0, %arg0 : i32
    "tpu.region"() ({
      %run_scoped3A_143 = tpu.sem_alloc : memref<!tpu.dma_semaphore, #tpu.memory_space<semaphore_mem>>
      %dma_start3A_144 = arith.constant 0 : i32
      %dma_start3A_145 = tpu.memref_slice %arg3[%add3A, %dma_start3A_144] : memref<32x10080xi32, #tpu.memory_space<hbm>> -> memref<1x10080xi32, #tpu.memory_space<hbm>>
      %dma_start3A_146 = tpu.memref_squeeze %dma_start3A_145 : memref<1x10080xi32, #tpu.memory_space<hbm>> -> memref<10080xi32, #tpu.memory_space<hbm>>
      %dma_start3A_147 = arith.constant 0 : i32
      %dma_start3A_148 = tpu.memref_slice %arg3[%add3A, %dma_start3A_147] : memref<32x10080xi32, #tpu.memory_space<hbm>> -> memref<1x10080xi32, #tpu.memory_space<hbm>>
      %dma_start3A_149 = tpu.memref_squeeze %dma_start3A_148 : memref<1x10080xi32, #tpu.memory_space<hbm>> -> memref<10080xi32, #tpu.memory_space<hbm>>
      tpu.enqueue_dma source(%dma_start3A_149 : memref<10080xi32, #tpu.memory_space<hbm>>) target(%arg5 : memref<10080xi32, #tpu.memory_space<vmem>>) target_semaphore(%run_scoped3A_143 : memref<!tpu.dma_semaphore, #tpu.memory_space<semaphore_mem>>)
      %dma_wait3A_150 = arith.constant 0 : i32
      %dma_wait3A_151 = tpu.memref_slice %arg3[%add3A, %dma_wait3A_150] : memref<32x10080xi32, #tpu.memory_space<hbm>> -> memref<1x10080xi32, #tpu.memory_space<hbm>>
      %dma_wait3A_152 = tpu.memref_squeeze %dma_wait3A_151 : memref<1x10080xi32, #tpu.memory_space<hbm>> -> memref<10080xi32, #tpu.memory_space<hbm>>
      %dma_wait3A_153 = arith.constant 0 : i32
      %dma_wait3A_154 = tpu.memref_slice %arg3[%add3A, %dma_wait3A_153] : memref<32x10080xi32, #tpu.memory_space<hbm>> -> memref<1x10080xi32, #tpu.memory_space<hbm>>
      %dma_wait3A_155 = tpu.memref_squeeze %dma_wait3A_154 : memref<1x10080xi32, #tpu.memory_space<hbm>> -> memref<10080xi32, #tpu.memory_space<hbm>>
      tpu.wait_dma2 semaphore(%run_scoped3A_143 : memref<!tpu.dma_semaphore, #tpu.memory_space<semaphore_mem>>) src(%dma_wait3A_155 : memref<10080xi32, #tpu.memory_space<hbm>>) dst(%arg5 : memref<10080xi32, #tpu.memory_space<vmem>>)
      tpu.yield
    }) : () -> ()
    %broadcast_in_dim3A = arith.constant 0.000000e+00 : f32
    %broadcast_in_dim3A_1 = vector.broadcast %broadcast_in_dim3A : f32 to vector<16xf32>
    %scan3A = arith.constant 0 : i32
    %scan3A_2 = arith.constant 96 : i32
    %scan3A_3 = arith.addi %scan3A, %scan3A_2 : i32
    %scan3A_4 = arith.constant 1 : i32
    scf.for %scan3A_143 = %scan3A to %scan3A_3 step %scan3A_4  : i32 {
      %mul3A_144 = arith.constant 1 : i32
      %mul3A_145 = arith.muli %scan3A_143, %mul3A_144 : i32
      %add3A_146 = arith.constant 0 : i32
      %add3A_147 = arith.addi %add3A_146, %mul3A_145 : i32
      %scan3A_148 = arith.constant 0 : i32
      %scan3A_149 = arith.constant 8 : i32
      %scan3A_150 = arith.addi %scan3A_148, %scan3A_149 : i32
      %scan3A_151 = arith.constant 1 : i32
      scf.for %scan3A_153 = %scan3A_148 to %scan3A_150 step %scan3A_151  : i32 {
        %mul3A_154 = arith.constant 1 : i32
        %mul3A_155 = arith.muli %scan3A_153, %mul3A_154 : i32
        %add3A_156 = arith.constant 0 : i32
        %add3A_157 = arith.addi %add3A_156, %mul3A_155 : i32
        %mul3A_158 = arith.constant 16 : i32
        %mul3A_159 = arith.muli %add3A_157, %mul3A_158 : i32
        %swap3A = arith.constant 0 : i32
        %swap3A_160 = arith.index_cast %swap3A : i32 to index
        %swap3A_161 = arith.index_cast %add3A_147 : i32 to index
        %swap3A_162 = arith.index_cast %mul3A_159 : i32 to index
        %swap3A_163 = tpu.vector_load %arg12[%swap3A_160, %swap3A_161, %swap3A_162] {strides = array<i32>} : memref<3x96x128xf32, #tpu.memory_space<vmem>>, vector<1x1x16xf32>,
        %swap3A_164 = vector.shape_cast %swap3A_163 : vector<1x1x16xf32> to vector<16xf32>
        %swap3A_165 = vector.shape_cast %broadcast_in_dim3A_1 : vector<16xf32> to vector<1x1x16xf32>
        tpu.vector_store %arg12[%swap3A_160, %swap3A_161, %swap3A_162], %swap3A_165 {strides = array<i32>} : memref<3x96x128xf32, #tpu.memory_space<vmem>>, vector<1x1x16xf32>,
      }
      %scan3A_152 = arith.constant 8 : i32
    }
    %scan3A_5 = arith.constant 96 : i32
    %mul3A_6 = arith.constant 632 : i32
    %mul3A_7 = arith.muli %arg1, %mul3A_6 : i32
    %add3A_8 = arith.constant 0 : i32
    %add3A_9 = arith.addi %mul3A_7, %add3A_8 : i32
    %run_scoped3A = arith.constant 0 : i32
    "tpu.region"() ({
      %run_scoped3A_143 = tpu.sem_alloc : memref<!tpu.dma_semaphore, #tpu.memory_space<semaphore_mem>>
      %dma_start3A_144 = arith.constant 0 : i32
      %dma_start3A_145 = arith.constant 0 : i32
      %dma_start3A_146 = tpu.memref_slice %arg12[%run_scoped3A, %dma_start3A_144, %dma_start3A_145] : memref<3x96x128xf32, #tpu.memory_space<vmem>> -> memref<1x96x128xf32, #tpu.memory_space<vmem>>
      %dma_start3A_147 = tpu.memref_squeeze %dma_start3A_146 : memref<1x96x128xf32, #tpu.memory_space<vmem>> -> memref<96x128xf32, #tpu.memory_space<vmem>>
      %dma_start3A_148 = arith.constant 0 : i32
      %dma_start3A_149 = tpu.memref_slice %arg13[%add3A_9, %dma_start3A_148] : memref<10112x128xf32, #tpu.memory_space<vmem_shared>> -> memref<96x128xf32, #tpu.memory_space<vmem_shared>>
      %dma_start3A_150 = arith.constant 0 : i32
      %dma_start3A_151 = tpu.memref_slice %arg13[%add3A_9, %dma_start3A_150] : memref<10112x128xf32, #tpu.memory_space<vmem_shared>> -> memref<96x128xf32, #tpu.memory_space<vmem_shared>>
      %dma_start3A_152 = arith.constant 0 : i32
      %dma_start3A_153 = arith.constant 0 : i32
      %dma_start3A_154 = tpu.memref_slice %arg12[%run_scoped3A, %dma_start3A_152, %dma_start3A_153] : memref<3x96x128xf32, #tpu.memory_space<vmem>> -> memref<1x96x128xf32, #tpu.memory_space<vmem>>
      %dma_start3A_155 = tpu.memref_squeeze %dma_start3A_154 : memref<1x96x128xf32, #tpu.memory_space<vmem>> -> memref<96x128xf32, #tpu.memory_space<vmem>>
      tpu.enqueue_dma source(%dma_start3A_155 : memref<96x128xf32, #tpu.memory_space<vmem>>) target(%dma_start3A_151 : memref<96x128xf32, #tpu.memory_space<vmem_shared>>) target_semaphore(%run_scoped3A_143 : memref<!tpu.dma_semaphore, #tpu.memory_space<semaphore_mem>>)
      %dma_wait3A_156 = arith.constant 0 : i32
      %dma_wait3A_157 = arith.constant 0 : i32
      %dma_wait3A_158 = tpu.memref_slice %arg12[%run_scoped3A, %dma_wait3A_156, %dma_wait3A_157] : memref<3x96x128xf32, #tpu.memory_space<vmem>> -> memref<1x96x128xf32, #tpu.memory_space<vmem>>
      %dma_wait3A_159 = tpu.memref_squeeze %dma_wait3A_158 : memref<1x96x128xf32, #tpu.memory_space<vmem>> -> memref<96x128xf32, #tpu.memory_space<vmem>>
      %dma_wait3A_160 = arith.constant 0 : i32
      %dma_wait3A_161 = tpu.memref_slice %arg13[%add3A_9, %dma_wait3A_160] : memref<10112x128xf32, #tpu.memory_space<vmem_shared>> -> memref<96x128xf32, #tpu.memory_space<vmem_shared>>
      %dma_wait3A_162 = arith.constant 0 : i32
      %dma_wait3A_163 = tpu.memref_slice %arg13[%add3A_9, %dma_wait3A_162] : memref<10112x128xf32, #tpu.memory_space<vmem_shared>> -> memref<96x128xf32, #tpu.memory_space<vmem_shared>>
      %dma_wait3A_164 = arith.constant 0 : i32
      %dma_wait3A_165 = arith.constant 0 : i32
      %dma_wait3A_166 = tpu.memref_slice %arg12[%run_scoped3A, %dma_wait3A_164, %dma_wait3A_165] : memref<3x96x128xf32, #tpu.memory_space<vmem>> -> memref<1x96x128xf32, #tpu.memory_space<vmem>>
      %dma_wait3A_167 = tpu.memref_squeeze %dma_wait3A_166 : memref<1x96x128xf32, #tpu.memory_space<vmem>> -> memref<96x128xf32, #tpu.memory_space<vmem>>
      tpu.wait_dma2 semaphore(%run_scoped3A_143 : memref<!tpu.dma_semaphore, #tpu.memory_space<semaphore_mem>>) src(%dma_wait3A_167 : memref<96x128xf32, #tpu.memory_space<vmem>>) dst(%dma_wait3A_163 : memref<96x128xf32, #tpu.memory_space<vmem_shared>>)
      tpu.yield
    }) : () -> ()
    %mul3A_10 = arith.constant 632 : i32
    %mul3A_11 = arith.muli %arg1, %mul3A_10 : i32
    %add3A_12 = arith.constant 96 : i32
    %add3A_13 = arith.addi %mul3A_11, %add3A_12 : i32
    %run_scoped3A_14 = arith.constant 0 : i32
    "tpu.region"() ({
      %run_scoped3A_143 = tpu.sem_alloc : memref<!tpu.dma_semaphore, #tpu.memory_space<semaphore_mem>>
      %dma_start3A_144 = arith.constant 0 : i32
      %dma_start3A_145 = arith.constant 0 : i32
      %dma_start3A_146 = tpu.memref_slice %arg12[%run_scoped3A_14, %dma_start3A_144, %dma_start3A_145] : memref<3x96x128xf32, #tpu.memory_space<vmem>> -> memref<1x96x128xf32, #tpu.memory_space<vmem>>
      %dma_start3A_147 = tpu.memref_squeeze %dma_start3A_146 : memref<1x96x128xf32, #tpu.memory_space<vmem>> -> memref<96x128xf32, #tpu.memory_space<vmem>>
      %dma_start3A_148 = arith.constant 0 : i32
      %dma_start3A_149 = tpu.memref_slice %arg13[%add3A_13, %dma_start3A_148] : memref<10112x128xf32, #tpu.memory_space<vmem_shared>> -> memref<96x128xf32, #tpu.memory_space<vmem_shared>>
      %dma_start3A_150 = arith.constant 0 : i32
      %dma_start3A_151 = tpu.memref_slice %arg13[%add3A_13, %dma_start3A_150] : memref<10112x128xf32, #tpu.memory_space<vmem_shared>> -> memref<96x128xf32, #tpu.memory_space<vmem_shared>>
      %dma_start3A_152 = arith.constant 0 : i32
      %dma_start3A_153 = arith.constant 0 : i32
      %dma_start3A_154 = tpu.memref_slice %arg12[%run_scoped3A_14, %dma_start3A_152, %dma_start3A_153] : memref<3x96x128xf32, #tpu.memory_space<vmem>> -> memref<1x96x128xf32, #tpu.memory_space<vmem>>
      %dma_start3A_155 = tpu.memref_squeeze %dma_start3A_154 : memref<1x96x128xf32, #tpu.memory_space<vmem>> -> memref<96x128xf32, #tpu.memory_space<vmem>>
      tpu.enqueue_dma source(%dma_start3A_155 : memref<96x128xf32, #tpu.memory_space<vmem>>) target(%dma_start3A_151 : memref<96x128xf32, #tpu.memory_space<vmem_shared>>) target_semaphore(%run_scoped3A_143 : memref<!tpu.dma_semaphore, #tpu.memory_space<semaphore_mem>>)
      %dma_wait3A_156 = arith.constant 0 : i32
      %dma_wait3A_157 = arith.constant 0 : i32
      %dma_wait3A_158 = tpu.memref_slice %arg12[%run_scoped3A_14, %dma_wait3A_156, %dma_wait3A_157] : memref<3x96x128xf32, #tpu.memory_space<vmem>> -> memref<1x96x128xf32, #tpu.memory_space<vmem>>
      %dma_wait3A_159 = tpu.memref_squeeze %dma_wait3A_158 : memref<1x96x128xf32, #tpu.memory_space<vmem>> -> memref<96x128xf32, #tpu.memory_space<vmem>>
      %dma_wait3A_160 = arith.constant 0 : i32
      %dma_wait3A_161 = tpu.memref_slice %arg13[%add3A_13, %dma_wait3A_160] : memref<10112x128xf32, #tpu.memory_space<vmem_shared>> -> memref<96x128xf32, #tpu.memory_space<vmem_shared>>
      %dma_wait3A_162 = arith.constant 0 : i32
      %dma_wait3A_163 = tpu.memref_slice %arg13[%add3A_13, %dma_wait3A_162] : memref<10112x128xf32, #tpu.memory_space<vmem_shared>> -> memref<96x128xf32, #tpu.memory_space<vmem_shared>>
      %dma_wait3A_164 = arith.constant 0 : i32
      %dma_wait3A_165 = arith.constant 0 : i32
      %dma_wait3A_166 = tpu.memref_slice %arg12[%run_scoped3A_14, %dma_wait3A_164, %dma_wait3A_165] : memref<3x96x128xf32, #tpu.memory_space<vmem>> -> memref<1x96x128xf32, #tpu.memory_space<vmem>>
      %dma_wait3A_167 = tpu.memref_squeeze %dma_wait3A_166 : memref<1x96x128xf32, #tpu.memory_space<vmem>> -> memref<96x128xf32, #tpu.memory_space<vmem>>
      tpu.wait_dma2 semaphore(%run_scoped3A_143 : memref<!tpu.dma_semaphore, #tpu.memory_space<semaphore_mem>>) src(%dma_wait3A_167 : memref<96x128xf32, #tpu.memory_space<vmem>>) dst(%dma_wait3A_163 : memref<96x128xf32, #tpu.memory_space<vmem_shared>>)
      tpu.yield
    }) : () -> ()
    %mul3A_15 = arith.constant 632 : i32
    %mul3A_16 = arith.muli %arg1, %mul3A_15 : i32
    %add3A_17 = arith.constant 192 : i32
    %add3A_18 = arith.addi %mul3A_16, %add3A_17 : i32
    %run_scoped3A_19 = arith.constant 0 : i32
    "tpu.region"() ({
      %run_scoped3A_143 = tpu.sem_alloc : memref<!tpu.dma_semaphore, #tpu.memory_space<semaphore_mem>>
      %dma_start3A_144 = arith.constant 0 : i32
      %dma_start3A_145 = arith.constant 0 : i32
      %dma_start3A_146 = tpu.memref_slice %arg12[%run_scoped3A_19, %dma_start3A_144, %dma_start3A_145] : memref<3x96x128xf32, #tpu.memory_space<vmem>> -> memref<1x96x128xf32, #tpu.memory_space<vmem>>
      %dma_start3A_147 = tpu.memref_squeeze %dma_start3A_146 : memref<1x96x128xf32, #tpu.memory_space<vmem>> -> memref<96x128xf32, #tpu.memory_space<vmem>>
      %dma_start3A_148 = arith.constant 0 : i32
      %dma_start3A_149 = tpu.memref_slice %arg13[%add3A_18, %dma_start3A_148] : memref<10112x128xf32, #tpu.memory_space<vmem_shared>> -> memref<96x128xf32, #tpu.memory_space<vmem_shared>>
      %dma_start3A_150 = arith.constant 0 : i32
      %dma_start3A_151 = tpu.memref_slice %arg13[%add3A_18, %dma_start3A_150] : memref<10112x128xf32, #tpu.memory_space<vmem_shared>> -> memref<96x128xf32, #tpu.memory_space<vmem_shared>>
      %dma_start3A_152 = arith.constant 0 : i32
      %dma_start3A_153 = arith.constant 0 : i32
      %dma_start3A_154 = tpu.memref_slice %arg12[%run_scoped3A_19, %dma_start3A_152, %dma_start3A_153] : memref<3x96x128xf32, #tpu.memory_space<vmem>> -> memref<1x96x128xf32, #tpu.memory_space<vmem>>
      %dma_start3A_155 = tpu.memref_squeeze %dma_start3A_154 : memref<1x96x128xf32, #tpu.memory_space<vmem>> -> memref<96x128xf32, #tpu.memory_space<vmem>>
      tpu.enqueue_dma source(%dma_start3A_155 : memref<96x128xf32, #tpu.memory_space<vmem>>) target(%dma_start3A_151 : memref<96x128xf32, #tpu.memory_space<vmem_shared>>) target_semaphore(%run_scoped3A_143 : memref<!tpu.dma_semaphore, #tpu.memory_space<semaphore_mem>>)
      %dma_wait3A_156 = arith.constant 0 : i32
      %dma_wait3A_157 = arith.constant 0 : i32
      %dma_wait3A_158 = tpu.memref_slice %arg12[%run_scoped3A_19, %dma_wait3A_156, %dma_wait3A_157] : memref<3x96x128xf32, #tpu.memory_space<vmem>> -> memref<1x96x128xf32, #tpu.memory_space<vmem>>
      %dma_wait3A_159 = tpu.memref_squeeze %dma_wait3A_158 : memref<1x96x128xf32, #tpu.memory_space<vmem>> -> memref<96x128xf32, #tpu.memory_space<vmem>>
      %dma_wait3A_160 = arith.constant 0 : i32
      %dma_wait3A_161 = tpu.memref_slice %arg13[%add3A_18, %dma_wait3A_160] : memref<10112x128xf32, #tpu.memory_space<vmem_shared>> -> memref<96x128xf32, #tpu.memory_space<vmem_shared>>
      %dma_wait3A_162 = arith.constant 0 : i32
      %dma_wait3A_163 = tpu.memref_slice %arg13[%add3A_18, %dma_wait3A_162] : memref<10112x128xf32, #tpu.memory_space<vmem_shared>> -> memref<96x128xf32, #tpu.memory_space<vmem_shared>>
      %dma_wait3A_164 = arith.constant 0 : i32
      %dma_wait3A_165 = arith.constant 0 : i32
      %dma_wait3A_166 = tpu.memref_slice %arg12[%run_scoped3A_19, %dma_wait3A_164, %dma_wait3A_165] : memref<3x96x128xf32, #tpu.memory_space<vmem>> -> memref<1x96x128xf32, #tpu.memory_space<vmem>>
      %dma_wait3A_167 = tpu.memref_squeeze %dma_wait3A_166 : memref<1x96x128xf32, #tpu.memory_space<vmem>> -> memref<96x128xf32, #tpu.memory_space<vmem>>
      tpu.wait_dma2 semaphore(%run_scoped3A_143 : memref<!tpu.dma_semaphore, #tpu.memory_space<semaphore_mem>>) src(%dma_wait3A_167 : memref<96x128xf32, #tpu.memory_space<vmem>>) dst(%dma_wait3A_163 : memref<96x128xf32, #tpu.memory_space<vmem_shared>>)
      tpu.yield
    }) : () -> ()
    %mul3A_20 = arith.constant 632 : i32
    %mul3A_21 = arith.muli %arg1, %mul3A_20 : i32
    %add3A_22 = arith.constant 288 : i32
    %add3A_23 = arith.addi %mul3A_21, %add3A_22 : i32
    %run_scoped3A_24 = arith.constant 0 : i32
    "tpu.region"() ({
      %run_scoped3A_143 = tpu.sem_alloc : memref<!tpu.dma_semaphore, #tpu.memory_space<semaphore_mem>>
      %dma_start3A_144 = arith.constant 0 : i32
      %dma_start3A_145 = arith.constant 0 : i32
      %dma_start3A_146 = tpu.memref_slice %arg12[%run_scoped3A_24, %dma_start3A_144, %dma_start3A_145] : memref<3x96x128xf32, #tpu.memory_space<vmem>> -> memref<1x96x128xf32, #tpu.memory_space<vmem>>
      %dma_start3A_147 = tpu.memref_squeeze %dma_start3A_146 : memref<1x96x128xf32, #tpu.memory_space<vmem>> -> memref<96x128xf32, #tpu.memory_space<vmem>>
      %dma_start3A_148 = arith.constant 0 : i32
      %dma_start3A_149 = tpu.memref_slice %arg13[%add3A_23, %dma_start3A_148] : memref<10112x128xf32, #tpu.memory_space<vmem_shared>> -> memref<96x128xf32, #tpu.memory_space<vmem_shared>>
      %dma_start3A_150 = arith.constant 0 : i32
      %dma_start3A_151 = tpu.memref_slice %arg13[%add3A_23, %dma_start3A_150] : memref<10112x128xf32, #tpu.memory_space<vmem_shared>> -> memref<96x128xf32, #tpu.memory_space<vmem_shared>>
      %dma_start3A_152 = arith.constant 0 : i32
      %dma_start3A_153 = arith.constant 0 : i32
      %dma_start3A_154 = tpu.memref_slice %arg12[%run_scoped3A_24, %dma_start3A_152, %dma_start3A_153] : memref<3x96x128xf32, #tpu.memory_space<vmem>> -> memref<1x96x128xf32, #tpu.memory_space<vmem>>
      %dma_start3A_155 = tpu.memref_squeeze %dma_start3A_154 : memref<1x96x128xf32, #tpu.memory_space<vmem>> -> memref<96x128xf32, #tpu.memory_space<vmem>>
      tpu.enqueue_dma source(%dma_start3A_155 : memref<96x128xf32, #tpu.memory_space<vmem>>) target(%dma_start3A_151 : memref<96x128xf32, #tpu.memory_space<vmem_shared>>) target_semaphore(%run_scoped3A_143 : memref<!tpu.dma_semaphore, #tpu.memory_space<semaphore_mem>>)
      %dma_wait3A_156 = arith.constant 0 : i32
      %dma_wait3A_157 = arith.constant 0 : i32
      %dma_wait3A_158 = tpu.memref_slice %arg12[%run_scoped3A_24, %dma_wait3A_156, %dma_wait3A_157] : memref<3x96x128xf32, #tpu.memory_space<vmem>> -> memref<1x96x128xf32, #tpu.memory_space<vmem>>
      %dma_wait3A_159 = tpu.memref_squeeze %dma_wait3A_158 : memref<1x96x128xf32, #tpu.memory_space<vmem>> -> memref<96x128xf32, #tpu.memory_space<vmem>>
      %dma_wait3A_160 = arith.constant 0 : i32
      %dma_wait3A_161 = tpu.memref_slice %arg13[%add3A_23, %dma_wait3A_160] : memref<10112x128xf32, #tpu.memory_space<vmem_shared>> -> memref<96x128xf32, #tpu.memory_space<vmem_shared>>
      %dma_wait3A_162 = arith.constant 0 : i32
      %dma_wait3A_163 = tpu.memref_slice %arg13[%add3A_23, %dma_wait3A_162] : memref<10112x128xf32, #tpu.memory_space<vmem_shared>> -> memref<96x128xf32, #tpu.memory_space<vmem_shared>>
      %dma_wait3A_164 = arith.constant 0 : i32
      %dma_wait3A_165 = arith.constant 0 : i32
      %dma_wait3A_166 = tpu.memref_slice %arg12[%run_scoped3A_24, %dma_wait3A_164, %dma_wait3A_165] : memref<3x96x128xf32, #tpu.memory_space<vmem>> -> memref<1x96x128xf32, #tpu.memory_space<vmem>>
      %dma_wait3A_167 = tpu.memref_squeeze %dma_wait3A_166 : memref<1x96x128xf32, #tpu.memory_space<vmem>> -> memref<96x128xf32, #tpu.memory_space<vmem>>
      tpu.wait_dma2 semaphore(%run_scoped3A_143 : memref<!tpu.dma_semaphore, #tpu.memory_space<semaphore_mem>>) src(%dma_wait3A_167 : memref<96x128xf32, #tpu.memory_space<vmem>>) dst(%dma_wait3A_163 : memref<96x128xf32, #tpu.memory_space<vmem_shared>>)
      tpu.yield
    }) : () -> ()
    %mul3A_25 = arith.constant 632 : i32
    %mul3A_26 = arith.muli %arg1, %mul3A_25 : i32
    %add3A_27 = arith.constant 384 : i32
    %add3A_28 = arith.addi %mul3A_26, %add3A_27 : i32
    %run_scoped3A_29 = arith.constant 0 : i32
    "tpu.region"() ({
      %run_scoped3A_143 = tpu.sem_alloc : memref<!tpu.dma_semaphore, #tpu.memory_space<semaphore_mem>>
      %dma_start3A_144 = arith.constant 0 : i32
      %dma_start3A_145 = arith.constant 0 : i32
      %dma_start3A_146 = tpu.memref_slice %arg12[%run_scoped3A_29, %dma_start3A_144, %dma_start3A_145] : memref<3x96x128xf32, #tpu.memory_space<vmem>> -> memref<1x96x128xf32, #tpu.memory_space<vmem>>
      %dma_start3A_147 = tpu.memref_squeeze %dma_start3A_146 : memref<1x96x128xf32, #tpu.memory_space<vmem>> -> memref<96x128xf32, #tpu.memory_space<vmem>>
      %dma_start3A_148 = arith.constant 0 : i32
      %dma_start3A_149 = tpu.memref_slice %arg13[%add3A_28, %dma_start3A_148] : memref<10112x128xf32, #tpu.memory_space<vmem_shared>> -> memref<96x128xf32, #tpu.memory_space<vmem_shared>>
      %dma_start3A_150 = arith.constant 0 : i32
      %dma_start3A_151 = tpu.memref_slice %arg13[%add3A_28, %dma_start3A_150] : memref<10112x128xf32, #tpu.memory_space<vmem_shared>> -> memref<96x128xf32, #tpu.memory_space<vmem_shared>>
      %dma_start3A_152 = arith.constant 0 : i32
      %dma_start3A_153 = arith.constant 0 : i32
      %dma_start3A_154 = tpu.memref_slice %arg12[%run_scoped3A_29, %dma_start3A_152, %dma_start3A_153] : memref<3x96x128xf32, #tpu.memory_space<vmem>> -> memref<1x96x128xf32, #tpu.memory_space<vmem>>
      %dma_start3A_155 = tpu.memref_squeeze %dma_start3A_154 : memref<1x96x128xf32, #tpu.memory_space<vmem>> -> memref<96x128xf32, #tpu.memory_space<vmem>>
      tpu.enqueue_dma source(%dma_start3A_155 : memref<96x128xf32, #tpu.memory_space<vmem>>) target(%dma_start3A_151 : memref<96x128xf32, #tpu.memory_space<vmem_shared>>) target_semaphore(%run_scoped3A_143 : memref<!tpu.dma_semaphore, #tpu.memory_space<semaphore_mem>>)
      %dma_wait3A_156 = arith.constant 0 : i32
      %dma_wait3A_157 = arith.constant 0 : i32
      %dma_wait3A_158 = tpu.memref_slice %arg12[%run_scoped3A_29, %dma_wait3A_156, %dma_wait3A_157] : memref<3x96x128xf32, #tpu.memory_space<vmem>> -> memref<1x96x128xf32, #tpu.memory_space<vmem>>
      %dma_wait3A_159 = tpu.memref_squeeze %dma_wait3A_158 : memref<1x96x128xf32, #tpu.memory_space<vmem>> -> memref<96x128xf32, #tpu.memory_space<vmem>>
      %dma_wait3A_160 = arith.constant 0 : i32
      %dma_wait3A_161 = tpu.memref_slice %arg13[%add3A_28, %dma_wait3A_160] : memref<10112x128xf32, #tpu.memory_space<vmem_shared>> -> memref<96x128xf32, #tpu.memory_space<vmem_shared>>
      %dma_wait3A_162 = arith.constant 0 : i32
      %dma_wait3A_163 = tpu.memref_slice %arg13[%add3A_28, %dma_wait3A_162] : memref<10112x128xf32, #tpu.memory_space<vmem_shared>> -> memref<96x128xf32, #tpu.memory_space<vmem_shared>>
      %dma_wait3A_164 = arith.constant 0 : i32
      %dma_wait3A_165 = arith.constant 0 : i32
      %dma_wait3A_166 = tpu.memref_slice %arg12[%run_scoped3A_29, %dma_wait3A_164, %dma_wait3A_165] : memref<3x96x128xf32, #tpu.memory_space<vmem>> -> memref<1x96x128xf32, #tpu.memory_space<vmem>>
      %dma_wait3A_167 = tpu.memref_squeeze %dma_wait3A_166 : memref<1x96x128xf32, #tpu.memory_space<vmem>> -> memref<96x128xf32, #tpu.memory_space<vmem>>
      tpu.wait_dma2 semaphore(%run_scoped3A_143 : memref<!tpu.dma_semaphore, #tpu.memory_space<semaphore_mem>>) src(%dma_wait3A_167 : memref<96x128xf32, #tpu.memory_space<vmem>>) dst(%dma_wait3A_163 : memref<96x128xf32, #tpu.memory_space<vmem_shared>>)
      tpu.yield
    }) : () -> ()
    %mul3A_30 = arith.constant 632 : i32
    %mul3A_31 = arith.muli %arg1, %mul3A_30 : i32
    %add3A_32 = arith.constant 480 : i32
    %add3A_33 = arith.addi %mul3A_31, %add3A_32 : i32
    %run_scoped3A_34 = arith.constant 0 : i32
    "tpu.region"() ({
      %run_scoped3A_143 = tpu.sem_alloc : memref<!tpu.dma_semaphore, #tpu.memory_space<semaphore_mem>>
      %dma_start3A_144 = arith.constant 0 : i32
      %dma_start3A_145 = arith.constant 0 : i32
      %dma_start3A_146 = tpu.memref_slice %arg12[%run_scoped3A_34, %dma_start3A_144, %dma_start3A_145] : memref<3x96x128xf32, #tpu.memory_space<vmem>> -> memref<1x96x128xf32, #tpu.memory_space<vmem>>
      %dma_start3A_147 = tpu.memref_squeeze %dma_start3A_146 : memref<1x96x128xf32, #tpu.memory_space<vmem>> -> memref<96x128xf32, #tpu.memory_space<vmem>>
      %dma_start3A_148 = arith.constant 0 : i32
      %dma_start3A_149 = tpu.memref_slice %arg13[%add3A_33, %dma_start3A_148] : memref<10112x128xf32, #tpu.memory_space<vmem_shared>> -> memref<96x128xf32, #tpu.memory_space<vmem_shared>>
      %dma_start3A_150 = arith.constant 0 : i32
      %dma_start3A_151 = tpu.memref_slice %arg13[%add3A_33, %dma_start3A_150] : memref<10112x128xf32, #tpu.memory_space<vmem_shared>> -> memref<96x128xf32, #tpu.memory_space<vmem_shared>>
      %dma_start3A_152 = arith.constant 0 : i32
      %dma_start3A_153 = arith.constant 0 : i32
      %dma_start3A_154 = tpu.memref_slice %arg12[%run_scoped3A_34, %dma_start3A_152, %dma_start3A_153] : memref<3x96x128xf32, #tpu.memory_space<vmem>> -> memref<1x96x128xf32, #tpu.memory_space<vmem>>
      %dma_start3A_155 = tpu.memref_squeeze %dma_start3A_154 : memref<1x96x128xf32, #tpu.memory_space<vmem>> -> memref<96x128xf32, #tpu.memory_space<vmem>>
      tpu.enqueue_dma source(%dma_start3A_155 : memref<96x128xf32, #tpu.memory_space<vmem>>) target(%dma_start3A_151 : memref<96x128xf32, #tpu.memory_space<vmem_shared>>) target_semaphore(%run_scoped3A_143 : memref<!tpu.dma_semaphore, #tpu.memory_space<semaphore_mem>>)
      %dma_wait3A_156 = arith.constant 0 : i32
      %dma_wait3A_157 = arith.constant 0 : i32
      %dma_wait3A_158 = tpu.memref_slice %arg12[%run_scoped3A_34, %dma_wait3A_156, %dma_wait3A_157] : memref<3x96x128xf32, #tpu.memory_space<vmem>> -> memref<1x96x128xf32, #tpu.memory_space<vmem>>
      %dma_wait3A_159 = tpu.memref_squeeze %dma_wait3A_158 : memref<1x96x128xf32, #tpu.memory_space<vmem>> -> memref<96x128xf32, #tpu.memory_space<vmem>>
      %dma_wait3A_160 = arith.constant 0 : i32
      %dma_wait3A_161 = tpu.memref_slice %arg13[%add3A_33, %dma_wait3A_160] : memref<10112x128xf32, #tpu.memory_space<vmem_shared>> -> memref<96x128xf32, #tpu.memory_space<vmem_shared>>
      %dma_wait3A_162 = arith.constant 0 : i32
      %dma_wait3A_163 = tpu.memref_slice %arg13[%add3A_33, %dma_wait3A_162] : memref<10112x128xf32, #tpu.memory_space<vmem_shared>> -> memref<96x128xf32, #tpu.memory_space<vmem_shared>>
      %dma_wait3A_164 = arith.constant 0 : i32
      %dma_wait3A_165 = arith.constant 0 : i32
      %dma_wait3A_166 = tpu.memref_slice %arg12[%run_scoped3A_34, %dma_wait3A_164, %dma_wait3A_165] : memref<3x96x128xf32, #tpu.memory_space<vmem>> -> memref<1x96x128xf32, #tpu.memory_space<vmem>>
      %dma_wait3A_167 = tpu.memref_squeeze %dma_wait3A_166 : memref<1x96x128xf32, #tpu.memory_space<vmem>> -> memref<96x128xf32, #tpu.memory_space<vmem>>
      tpu.wait_dma2 semaphore(%run_scoped3A_143 : memref<!tpu.dma_semaphore, #tpu.memory_space<semaphore_mem>>) src(%dma_wait3A_167 : memref<96x128xf32, #tpu.memory_space<vmem>>) dst(%dma_wait3A_163 : memref<96x128xf32, #tpu.memory_space<vmem_shared>>)
      tpu.yield
    }) : () -> ()
    %mul3A_35 = arith.constant 632 : i32
    %mul3A_36 = arith.muli %arg1, %mul3A_35 : i32
    %add3A_37 = arith.constant 576 : i32
    %add3A_38 = arith.addi %mul3A_36, %add3A_37 : i32
    %run_scoped3A_39 = arith.constant 0 : i32
    "tpu.region"() ({
      %run_scoped3A_143 = tpu.sem_alloc : memref<!tpu.dma_semaphore, #tpu.memory_space<semaphore_mem>>
      %dma_start3A_144 = arith.constant 0 : i32
      %dma_start3A_145 = arith.constant 0 : i32
      %dma_start3A_146 = tpu.memref_slice %arg12[%run_scoped3A_39, %dma_start3A_144, %dma_start3A_145] : memref<3x96x128xf32, #tpu.memory_space<vmem>> -> memref<1x56x128xf32, #tpu.memory_space<vmem>>
      %dma_start3A_147 = tpu.memref_squeeze %dma_start3A_146 : memref<1x56x128xf32, #tpu.memory_space<vmem>> -> memref<56x128xf32, #tpu.memory_space<vmem>>
      %dma_start3A_148 = arith.constant 0 : i32
      %dma_start3A_149 = tpu.memref_slice %arg13[%add3A_38, %dma_start3A_148] : memref<10112x128xf32, #tpu.memory_space<vmem_shared>> -> memref<56x128xf32, #tpu.memory_space<vmem_shared>>
      %dma_start3A_150 = arith.constant 0 : i32
      %dma_start3A_151 = tpu.memref_slice %arg13[%add3A_38, %dma_start3A_150] : memref<10112x128xf32, #tpu.memory_space<vmem_shared>> -> memref<56x128xf32, #tpu.memory_space<vmem_shared>>
      %dma_start3A_152 = arith.constant 0 : i32
      %dma_start3A_153 = arith.constant 0 : i32
      %dma_start3A_154 = tpu.memref_slice %arg12[%run_scoped3A_39, %dma_start3A_152, %dma_start3A_153] : memref<3x96x128xf32, #tpu.memory_space<vmem>> -> memref<1x56x128xf32, #tpu.memory_space<vmem>>
      %dma_start3A_155 = tpu.memref_squeeze %dma_start3A_154 : memref<1x56x128xf32, #tpu.memory_space<vmem>> -> memref<56x128xf32, #tpu.memory_space<vmem>>
      tpu.enqueue_dma source(%dma_start3A_155 : memref<56x128xf32, #tpu.memory_space<vmem>>) target(%dma_start3A_151 : memref<56x128xf32, #tpu.memory_space<vmem_shared>>) target_semaphore(%run_scoped3A_143 : memref<!tpu.dma_semaphore, #tpu.memory_space<semaphore_mem>>)
      %dma_wait3A_156 = arith.constant 0 : i32
      %dma_wait3A_157 = arith.constant 0 : i32
      %dma_wait3A_158 = tpu.memref_slice %arg12[%run_scoped3A_39, %dma_wait3A_156, %dma_wait3A_157] : memref<3x96x128xf32, #tpu.memory_space<vmem>> -> memref<1x56x128xf32, #tpu.memory_space<vmem>>
      %dma_wait3A_159 = tpu.memref_squeeze %dma_wait3A_158 : memref<1x56x128xf32, #tpu.memory_space<vmem>> -> memref<56x128xf32, #tpu.memory_space<vmem>>
      %dma_wait3A_160 = arith.constant 0 : i32
      %dma_wait3A_161 = tpu.memref_slice %arg13[%add3A_38, %dma_wait3A_160] : memref<10112x128xf32, #tpu.memory_space<vmem_shared>> -> memref<56x128xf32, #tpu.memory_space<vmem_shared>>
      %dma_wait3A_162 = arith.constant 0 : i32
      %dma_wait3A_163 = tpu.memref_slice %arg13[%add3A_38, %dma_wait3A_162] : memref<10112x128xf32, #tpu.memory_space<vmem_shared>> -> memref<56x128xf32, #tpu.memory_space<vmem_shared>>
      %dma_wait3A_164 = arith.constant 0 : i32
      %dma_wait3A_165 = arith.constant 0 : i32
      %dma_wait3A_166 = tpu.memref_slice %arg12[%run_scoped3A_39, %dma_wait3A_164, %dma_wait3A_165] : memref<3x96x128xf32, #tpu.memory_space<vmem>> -> memref<1x56x128xf32, #tpu.memory_space<vmem>>
      %dma_wait3A_167 = tpu.memref_squeeze %dma_wait3A_166 : memref<1x56x128xf32, #tpu.memory_space<vmem>> -> memref<56x128xf32, #tpu.memory_space<vmem>>
      tpu.wait_dma2 semaphore(%run_scoped3A_143 : memref<!tpu.dma_semaphore, #tpu.memory_space<semaphore_mem>>) src(%dma_wait3A_167 : memref<56x128xf32, #tpu.memory_space<vmem>>) dst(%dma_wait3A_163 : memref<56x128xf32, #tpu.memory_space<vmem_shared>>)
      tpu.yield
    }) : () -> ()
    %barrier3A = arith.constant 0 : index
    tpu.barrier barrier_id(%barrier3A)
    %scan3A_40 = arith.constant 0 : i32
    %scan3A_41 = arith.constant 6 : i32
    %scan3A_42 = arith.addi %scan3A_40, %scan3A_41 : i32
    %scan3A_43 = arith.constant 1 : i32
    scf.for %scan3A_143 = %scan3A_40 to %scan3A_42 step %scan3A_43  : i32 {
      %mul3A_144 = arith.constant 1 : i32
      %mul3A_145 = arith.muli %scan3A_143, %mul3A_144 : i32
      %add3A_146 = arith.constant 0 : i32
      %add3A_147 = arith.addi %add3A_146, %mul3A_145 : i32
      %mul3A_148 = arith.constant 16 : i32
      %mul3A_149 = arith.muli %add3A_147, %mul3A_148 : i32
      %add3A_150 = arith.constant 0 : i32
      %add3A_151 = arith.addi %add3A_150, %mul3A_149 : i32
      %get3A = arith.index_cast %add3A_151 : i32 to index
      %get3A_152 = tpu.vector_load %arg5[%get3A] {strides = array<i32>} : memref<10080xi32, #tpu.memory_space<vmem>>, vector<16xi32>,
      %get3A_153 = vector.shape_cast %get3A_152 : vector<16xi32> to vector<16xi32>
      %and3A = arith.constant 65535 : i32
      %and3A_154 = vector.broadcast %and3A : i32 to vector<16xi32>
      %and3A_155 = arith.andi %get3A_153, %and3A_154 : vector<16xi32>
      %mul3A_156 = arith.constant 16 : i32
      %mul3A_157 = arith.muli %add3A_147, %mul3A_156 : i32
      %swap3A = arith.index_cast %mul3A_157 : i32 to index
      %swap3A_158 = tpu.vector_load %arg6[%swap3A] {strides = array<i32>} : memref<96xi32, #tpu.memory_space<vmem>>, vector<16xi32>,
      %swap3A_159 = vector.shape_cast %swap3A_158 : vector<16xi32> to vector<16xi32>
      %swap3A_160 = vector.shape_cast %and3A_155 : vector<16xi32> to vector<16xi32>
      tpu.vector_store %arg6[%swap3A], %swap3A_160 {strides = array<i32>} : memref<96xi32, #tpu.memory_space<vmem>>, vector<16xi32>,
    }
    %scan3A_44 = arith.constant 6 : i32
    %dma_start3A = arith.constant 0 : i32
    %dma_start3A_45 = arith.constant 0 : i32
    %dma_start3A_46 = arith.constant 0 : i32
    %dma_start3A_47 = tpu.memref_slice %arg12[%dma_start3A, %dma_start3A_45, %dma_start3A_46] : memref<3x96x128xf32, #tpu.memory_space<vmem>> -> memref<1x96x128xf32, #tpu.memory_space<vmem>>
    %dma_start3A_48 = tpu.memref_squeeze %dma_start3A_47 : memref<1x96x128xf32, #tpu.memory_space<vmem>> -> memref<96x128xf32, #tpu.memory_space<vmem>>
    %dma_start3A_49 = arith.constant 0 : i32
    %dma_start3A_50 = arith.constant 0 : i32
    %dma_start3A_51 = tpu.memref_slice %arg2[%dma_start3A_49, %dma_start3A_50] : memref<10000x128xf32, #tpu.memory_space<hbm>> -> memref<10000x128xf32, #tpu.memory_space<hbm>>
    tpu.enqueue_indirect_dma source(%dma_start3A_51 : memref<10000x128xf32, #tpu.memory_space<hbm>>) target(%dma_start3A_48 : memref<96x128xf32, #tpu.memory_space<vmem>>) offsets(%arg6 : memref<96xi32, #tpu.memory_space<vmem>>) semaphore(%arg14 : memref<!tpu.dma_semaphore, #tpu.memory_space<semaphore_mem>>)
    %scan3A_52 = arith.constant 0 : i32
    %scan3A_53 = arith.constant 6 : i32
    %scan3A_54 = arith.addi %scan3A_52, %scan3A_53 : i32
    %scan3A_55 = arith.constant 1 : i32
    scf.for %scan3A_143 = %scan3A_52 to %scan3A_54 step %scan3A_55  : i32 {
      %mul3A_144 = arith.constant 1 : i32
      %mul3A_145 = arith.muli %scan3A_143, %mul3A_144 : i32
      %add3A_146 = arith.constant 0 : i32
      %add3A_147 = arith.addi %add3A_146, %mul3A_145 : i32
      %mul3A_148 = arith.constant 16 : i32
      %mul3A_149 = arith.muli %add3A_147, %mul3A_148 : i32
      %add3A_150 = arith.constant 96 : i32
      %add3A_151 = arith.addi %add3A_150, %mul3A_149 : i32
      %get3A = arith.index_cast %add3A_151 : i32 to index
      %get3A_152 = tpu.vector_load %arg5[%get3A] {strides = array<i32>} : memref<10080xi32, #tpu.memory_space<vmem>>, vector<16xi32>,
      %get3A_153 = vector.shape_cast %get3A_152 : vector<16xi32> to vector<16xi32>
      %and3A = arith.constant 65535 : i32
      %and3A_154 = vector.broadcast %and3A : i32 to vector<16xi32>
      %and3A_155 = arith.andi %get3A_153, %and3A_154 : vector<16xi32>
      %mul3A_156 = arith.constant 16 : i32
      %mul3A_157 = arith.muli %add3A_147, %mul3A_156 : i32
      %swap3A = arith.index_cast %mul3A_157 : i32 to index
      %swap3A_158 = tpu.vector_load %arg7[%swap3A] {strides = array<i32>} : memref<96xi32, #tpu.memory_space<vmem>>, vector<16xi32>,
      %swap3A_159 = vector.shape_cast %swap3A_158 : vector<16xi32> to vector<16xi32>
      %swap3A_160 = vector.shape_cast %and3A_155 : vector<16xi32> to vector<16xi32>
      tpu.vector_store %arg7[%swap3A], %swap3A_160 {strides = array<i32>} : memref<96xi32, #tpu.memory_space<vmem>>, vector<16xi32>,
    }
    %scan3A_56 = arith.constant 6 : i32
    %dma_start3A_57 = arith.constant 1 : i32
    %dma_start3A_58 = arith.constant 0 : i32
    %dma_start3A_59 = arith.constant 0 : i32
    %dma_start3A_60 = tpu.memref_slice %arg12[%dma_start3A_57, %dma_start3A_58, %dma_start3A_59] : memref<3x96x128xf32, #tpu.memory_space<vmem>> -> memref<1x96x128xf32, #tpu.memory_space<vmem>>
    %dma_start3A_61 = tpu.memref_squeeze %dma_start3A_60 : memref<1x96x128xf32, #tpu.memory_space<vmem>> -> memref<96x128xf32, #tpu.memory_space<vmem>>
    %dma_start3A_62 = arith.constant 0 : i32
    %dma_start3A_63 = arith.constant 0 : i32
    %dma_start3A_64 = tpu.memref_slice %arg2[%dma_start3A_62, %dma_start3A_63] : memref<10000x128xf32, #tpu.memory_space<hbm>> -> memref<10000x128xf32, #tpu.memory_space<hbm>>
    tpu.enqueue_indirect_dma source(%dma_start3A_64 : memref<10000x128xf32, #tpu.memory_space<hbm>>) target(%dma_start3A_61 : memref<96x128xf32, #tpu.memory_space<vmem>>) offsets(%arg7 : memref<96xi32, #tpu.memory_space<vmem>>) semaphore(%arg15 : memref<!tpu.dma_semaphore, #tpu.memory_space<semaphore_mem>>)
    %scan3A_65 = arith.constant 0 : i32
    %scan3A_66 = arith.constant 35 : i32
    %scan3A_67 = arith.addi %scan3A_65, %scan3A_66 : i32
    %scan3A_68 = arith.constant 1 : i32
    scf.for %scan3A_143 = %scan3A_65 to %scan3A_67 step %scan3A_68  : i32 {
      %mul3A_144 = arith.constant 3 : i32
      %mul3A_145 = arith.muli %scan3A_143, %mul3A_144 : i32
      %add3A_146 = arith.constant 0 : i32
      %add3A_147 = arith.addi %add3A_146, %mul3A_145 : i32
      %add3A_148 = arith.constant 0 : i32
      %add3A_149 = arith.addi %add3A_147, %add3A_148 : i32
      %dma_wait3A_150 = arith.constant 0 : i32
      %dma_wait3A_151 = arith.constant 0 : i32
      %dma_wait3A_152 = arith.constant 0 : i32
      %dma_wait3A_153 = tpu.memref_slice %arg12[%dma_wait3A_150, %dma_wait3A_151, %dma_wait3A_152] : memref<3x96x128xf32, #tpu.memory_space<vmem>> -> memref<1x96x128xf32, #tpu.memory_space<vmem>>
      %dma_wait3A_154 = tpu.memref_squeeze %dma_wait3A_153 : memref<1x96x128xf32, #tpu.memory_space<vmem>> -> memref<96x128xf32, #tpu.memory_space<vmem>>
      %dma_wait3A_155 = arith.constant 0 : i32
      %dma_wait3A_156 = arith.constant 0 : i32
      %dma_wait3A_157 = tpu.memref_slice %arg2[%dma_wait3A_155, %dma_wait3A_156] : memref<10000x128xf32, #tpu.memory_space<hbm>> -> memref<10000x128xf32, #tpu.memory_space<hbm>>
      tpu.wait_indirect_dma semaphore(%arg14 : memref<!tpu.dma_semaphore, #tpu.memory_space<semaphore_mem>>) src(%dma_wait3A_157 : memref<10000x128xf32, #tpu.memory_space<hbm>>) dst(%dma_wait3A_154 : memref<96x128xf32, #tpu.memory_space<vmem>>)
      %scan3A_158 = arith.constant 0 : i32
      %scan3A_159 = arith.constant 6 : i32
      %scan3A_160 = arith.addi %scan3A_158, %scan3A_159 : i32
      %scan3A_161 = arith.constant 1 : i32
      scf.for %scan3A_235 = %scan3A_158 to %scan3A_160 step %scan3A_161  : i32 {
        %mul3A_236 = arith.constant 1 : i32
        %mul3A_237 = arith.muli %scan3A_235, %mul3A_236 : i32
        %add3A_238 = arith.constant 0 : i32
        %add3A_239 = arith.addi %add3A_238, %mul3A_237 : i32
        %mul3A_240 = arith.constant 96 : i32
        %mul3A_241 = arith.muli %add3A_149, %mul3A_240 : i32
        %mul3A_242 = arith.constant 16 : i32
        %mul3A_243 = arith.muli %add3A_239, %mul3A_242 : i32
        %add3A_244 = arith.addi %mul3A_241, %mul3A_243 : i32
        %get3A = arith.index_cast %add3A_244 : i32 to index
        %get3A_245 = tpu.vector_load %arg5[%get3A] {strides = array<i32>} : memref<10080xi32, #tpu.memory_space<vmem>>, vector<16xi32>,
        %get3A_246 = vector.shape_cast %get3A_245 : vector<16xi32> to vector<16xi32>
        %shift_right_logical3A = arith.constant 16 : i32
        %shift_right_logical3A_247 = vector.broadcast %shift_right_logical3A : i32 to vector<16xi32>
        %shift_right_logical3A_248 = arith.shrui %get3A_246, %shift_right_logical3A_247 : vector<16xi32>
        %mul3A_249 = arith.constant 16 : i32
        %mul3A_250 = arith.muli %add3A_239, %mul3A_249 : i32
        %swap3A = arith.index_cast %mul3A_250 : i32 to index
        %swap3A_251 = tpu.vector_load %arg9[%swap3A] {strides = array<i32>} : memref<96xi32, #tpu.memory_space<vmem>>, vector<16xi32>,
        %swap3A_252 = vector.shape_cast %swap3A_251 : vector<16xi32> to vector<16xi32>
        %swap3A_253 = vector.shape_cast %shift_right_logical3A_248 : vector<16xi32> to vector<16xi32>
        tpu.vector_store %arg9[%swap3A], %swap3A_253 {strides = array<i32>} : memref<96xi32, #tpu.memory_space<vmem>>, vector<16xi32>,
      }
      %scan3A_162 = arith.constant 6 : i32
      %dma_start3A_163 = arith.constant 0 : i32
      %dma_start3A_164 = arith.constant 0 : i32
      %dma_start3A_165 = arith.constant 0 : i32
      %dma_start3A_166 = tpu.memref_slice %arg12[%dma_start3A_163, %dma_start3A_164, %dma_start3A_165] : memref<3x96x128xf32, #tpu.memory_space<vmem>> -> memref<1x96x128xf32, #tpu.memory_space<vmem>>
      %dma_start3A_167 = tpu.memref_squeeze %dma_start3A_166 : memref<1x96x128xf32, #tpu.memory_space<vmem>> -> memref<96x128xf32, #tpu.memory_space<vmem>>
      %dma_start3A_168 = arith.constant 0 : i32
      %dma_start3A_169 = arith.constant 0 : i32
      %dma_start3A_170 = tpu.memref_slice %arg13[%dma_start3A_168, %dma_start3A_169] : memref<10112x128xf32, #tpu.memory_space<vmem_shared>> -> memref<10112x128xf32, #tpu.memory_space<vmem_shared>>
      tpu.enqueue_indirect_dma source(%dma_start3A_167 : memref<96x128xf32, #tpu.memory_space<vmem>>) target(%dma_start3A_170 : memref<10112x128xf32, #tpu.memory_space<vmem_shared>>) offsets(%arg9 : memref<96xi32, #tpu.memory_space<vmem>>) semaphore(%arg17 : memref<!tpu.dma_semaphore, #tpu.memory_space<semaphore_mem>>) {add = true}
      %add3A_171 = arith.constant 2 : i32
      %add3A_172 = arith.addi %add3A_149, %add3A_171 : i32
      %lt3A = arith.constant 105 : i32
      %lt3A_173 = arith.cmpi slt, %add3A_172, %lt3A : i32
      %convert_element_type3A = arith.extui %lt3A_173 : i1 to i32
      %cond3A = arith.constant 0 : i32
      %cond3A_174 = arith.cmpi ne, %convert_element_type3A, %cond3A : i32
      scf.if %cond3A_174 {
        %ge3A = arith.constant 1 : i32
        %ge3A_235 = arith.cmpi sge, %add3A_149, %ge3A : i32
        %convert_element_type3A_236 = arith.extui %ge3A_235 : i1 to i32
        %cond3A_237 = arith.constant 0 : i32
        %cond3A_238 = arith.cmpi ne, %convert_element_type3A_236, %cond3A_237 : i32
        scf.if %cond3A_238 {
          %dma_wait3A_254 = arith.constant 0 : i32
          %dma_wait3A_255 = arith.constant 0 : i32
          %dma_wait3A_256 = arith.constant 0 : i32
          %dma_wait3A_257 = tpu.memref_slice %arg12[%dma_wait3A_254, %dma_wait3A_255, %dma_wait3A_256] : memref<3x96x128xf32, #tpu.memory_space<vmem>> -> memref<1x96x128xf32, #tpu.memory_space<vmem>>
          %dma_wait3A_258 = tpu.memref_squeeze %dma_wait3A_257 : memref<1x96x128xf32, #tpu.memory_space<vmem>> -> memref<96x128xf32, #tpu.memory_space<vmem>>
          %dma_wait3A_259 = arith.constant 0 : i32
          %dma_wait3A_260 = arith.constant 0 : i32
          %dma_wait3A_261 = tpu.memref_slice %arg2[%dma_wait3A_259, %dma_wait3A_260] : memref<10000x128xf32, #tpu.memory_space<hbm>> -> memref<96x128xf32, #tpu.memory_space<hbm>>
          %dma_wait3A_262 = arith.constant 0 : i32
          %dma_wait3A_263 = arith.constant 0 : i32
          %dma_wait3A_264 = tpu.memref_slice %arg12[%dma_wait3A_254, %dma_wait3A_262, %dma_wait3A_263] : memref<3x96x128xf32, #tpu.memory_space<vmem>> -> memref<1x96x128xf32, #tpu.memory_space<vmem>>
          %dma_wait3A_265 = tpu.memref_squeeze %dma_wait3A_264 : memref<1x96x128xf32, #tpu.memory_space<vmem>> -> memref<96x128xf32, #tpu.memory_space<vmem>>
          %dma_wait3A_266 = arith.constant 0 : i32
          %dma_wait3A_267 = arith.constant 0 : i32
          %dma_wait3A_268 = tpu.memref_slice %arg2[%dma_wait3A_266, %dma_wait3A_267] : memref<10000x128xf32, #tpu.memory_space<hbm>> -> memref<96x128xf32, #tpu.memory_space<hbm>>
          tpu.wait_dma2 semaphore(%arg17 : memref<!tpu.dma_semaphore, #tpu.memory_space<semaphore_mem>>) src(%dma_wait3A_268 : memref<96x128xf32, #tpu.memory_space<hbm>>) dst(%dma_wait3A_265 : memref<96x128xf32, #tpu.memory_space<vmem>>)
        } else {
        }
        %add3A_239 = arith.constant 2 : i32
        %add3A_240 = arith.addi %add3A_149, %add3A_239 : i32
        %scan3A_241 = arith.constant 0 : i32
        %scan3A_242 = arith.constant 6 : i32
        %scan3A_243 = arith.addi %scan3A_241, %scan3A_242 : i32
        %scan3A_244 = arith.constant 1 : i32
        scf.for %scan3A_254 = %scan3A_241 to %scan3A_243 step %scan3A_244  : i32 {
          %mul3A_255 = arith.constant 1 : i32
          %mul3A_256 = arith.muli %scan3A_254, %mul3A_255 : i32
          %add3A_257 = arith.constant 0 : i32
          %add3A_258 = arith.addi %add3A_257, %mul3A_256 : i32
          %mul3A_259 = arith.constant 96 : i32
          %mul3A_260 = arith.muli %add3A_240, %mul3A_259 : i32
          %mul3A_261 = arith.constant 16 : i32
          %mul3A_262 = arith.muli %add3A_258, %mul3A_261 : i32
          %add3A_263 = arith.addi %mul3A_260, %mul3A_262 : i32
          %get3A = arith.index_cast %add3A_263 : i32 to index
          %get3A_264 = tpu.vector_load %arg5[%get3A] {strides = array<i32>} : memref<10080xi32, #tpu.memory_space<vmem>>, vector<16xi32>,
          %get3A_265 = vector.shape_cast %get3A_264 : vector<16xi32> to vector<16xi32>
          %and3A = arith.constant 65535 : i32
          %and3A_266 = vector.broadcast %and3A : i32 to vector<16xi32>
          %and3A_267 = arith.andi %get3A_265, %and3A_266 : vector<16xi32>
          %mul3A_268 = arith.constant 16 : i32
          %mul3A_269 = arith.muli %add3A_258, %mul3A_268 : i32
          %swap3A = arith.index_cast %mul3A_269 : i32 to index
          %swap3A_270 = tpu.vector_load %arg8[%swap3A] {strides = array<i32>} : memref<96xi32, #tpu.memory_space<vmem>>, vector<16xi32>,
          %swap3A_271 = vector.shape_cast %swap3A_270 : vector<16xi32> to vector<16xi32>
          %swap3A_272 = vector.shape_cast %and3A_267 : vector<16xi32> to vector<16xi32>
          tpu.vector_store %arg8[%swap3A], %swap3A_272 {strides = array<i32>} : memref<96xi32, #tpu.memory_space<vmem>>, vector<16xi32>,
        }
        %scan3A_245 = arith.constant 6 : i32
        %dma_start3A_246 = arith.constant 2 : i32
        %dma_start3A_247 = arith.constant 0 : i32
        %dma_start3A_248 = arith.constant 0 : i32
        %dma_start3A_249 = tpu.memref_slice %arg12[%dma_start3A_246, %dma_start3A_247, %dma_start3A_248] : memref<3x96x128xf32, #tpu.memory_space<vmem>> -> memref<1x96x128xf32, #tpu.memory_space<vmem>>
        %dma_start3A_250 = tpu.memref_squeeze %dma_start3A_249 : memref<1x96x128xf32, #tpu.memory_space<vmem>> -> memref<96x128xf32, #tpu.memory_space<vmem>>
        %dma_start3A_251 = arith.constant 0 : i32
        %dma_start3A_252 = arith.constant 0 : i32
        %dma_start3A_253 = tpu.memref_slice %arg2[%dma_start3A_251, %dma_start3A_252] : memref<10000x128xf32, #tpu.memory_space<hbm>> -> memref<10000x128xf32, #tpu.memory_space<hbm>>
        tpu.enqueue_indirect_dma source(%dma_start3A_253 : memref<10000x128xf32, #tpu.memory_space<hbm>>) target(%dma_start3A_250 : memref<96x128xf32, #tpu.memory_space<vmem>>) offsets(%arg8 : memref<96xi32, #tpu.memory_space<vmem>>) semaphore(%arg16 : memref<!tpu.dma_semaphore, #tpu.memory_space<semaphore_mem>>)
      } else {
      }
      %add3A_175 = arith.constant 1 : i32
      %add3A_176 = arith.addi %add3A_147, %add3A_175 : i32
      %dma_wait3A_177 = arith.constant 1 : i32
      %dma_wait3A_178 = arith.constant 0 : i32
      %dma_wait3A_179 = arith.constant 0 : i32
      %dma_wait3A_180 = tpu.memref_slice %arg12[%dma_wait3A_177, %dma_wait3A_178, %dma_wait3A_179] : memref<3x96x128xf32, #tpu.memory_space<vmem>> -> memref<1x96x128xf32, #tpu.memory_space<vmem>>
      %dma_wait3A_181 = tpu.memref_squeeze %dma_wait3A_180 : memref<1x96x128xf32, #tpu.memory_space<vmem>> -> memref<96x128xf32, #tpu.memory_space<vmem>>
      %dma_wait3A_182 = arith.constant 0 : i32
      %dma_wait3A_183 = arith.constant 0 : i32
      %dma_wait3A_184 = tpu.memref_slice %arg2[%dma_wait3A_182, %dma_wait3A_183] : memref<10000x128xf32, #tpu.memory_space<hbm>> -> memref<10000x128xf32, #tpu.memory_space<hbm>>
      tpu.wait_indirect_dma semaphore(%arg15 : memref<!tpu.dma_semaphore, #tpu.memory_space<semaphore_mem>>) src(%dma_wait3A_184 : memref<10000x128xf32, #tpu.memory_space<hbm>>) dst(%dma_wait3A_181 : memref<96x128xf32, #tpu.memory_space<vmem>>)
      %scan3A_185 = arith.constant 0 : i32
      %scan3A_186 = arith.constant 6 : i32
      %scan3A_187 = arith.addi %scan3A_185, %scan3A_186 : i32
      %scan3A_188 = arith.constant 1 : i32
      scf.for %scan3A_235 = %scan3A_185 to %scan3A_187 step %scan3A_188  : i32 {
        %mul3A_236 = arith.constant 1 : i32
        %mul3A_237 = arith.muli %scan3A_235, %mul3A_236 : i32
        %add3A_238 = arith.constant 0 : i32
        %add3A_239 = arith.addi %add3A_238, %mul3A_237 : i32
        %mul3A_240 = arith.constant 96 : i32
        %mul3A_241 = arith.muli %add3A_176, %mul3A_240 : i32
        %mul3A_242 = arith.constant 16 : i32
        %mul3A_243 = arith.muli %add3A_239, %mul3A_242 : i32
        %add3A_244 = arith.addi %mul3A_241, %mul3A_243 : i32
        %get3A = arith.index_cast %add3A_244 : i32 to index
        %get3A_245 = tpu.vector_load %arg5[%get3A] {strides = array<i32>} : memref<10080xi32, #tpu.memory_space<vmem>>, vector<16xi32>,
        %get3A_246 = vector.shape_cast %get3A_245 : vector<16xi32> to vector<16xi32>
        %shift_right_logical3A = arith.constant 16 : i32
        %shift_right_logical3A_247 = vector.broadcast %shift_right_logical3A : i32 to vector<16xi32>
        %shift_right_logical3A_248 = arith.shrui %get3A_246, %shift_right_logical3A_247 : vector<16xi32>
        %mul3A_249 = arith.constant 16 : i32
        %mul3A_250 = arith.muli %add3A_239, %mul3A_249 : i32
        %swap3A = arith.index_cast %mul3A_250 : i32 to index
        %swap3A_251 = tpu.vector_load %arg10[%swap3A] {strides = array<i32>} : memref<96xi32, #tpu.memory_space<vmem>>, vector<16xi32>,
        %swap3A_252 = vector.shape_cast %swap3A_251 : vector<16xi32> to vector<16xi32>
        %swap3A_253 = vector.shape_cast %shift_right_logical3A_248 : vector<16xi32> to vector<16xi32>
        tpu.vector_store %arg10[%swap3A], %swap3A_253 {strides = array<i32>} : memref<96xi32, #tpu.memory_space<vmem>>, vector<16xi32>,
      }
      %scan3A_189 = arith.constant 6 : i32
      %dma_start3A_190 = arith.constant 1 : i32
      %dma_start3A_191 = arith.constant 0 : i32
      %dma_start3A_192 = arith.constant 0 : i32
      %dma_start3A_193 = tpu.memref_slice %arg12[%dma_start3A_190, %dma_start3A_191, %dma_start3A_192] : memref<3x96x128xf32, #tpu.memory_space<vmem>> -> memref<1x96x128xf32, #tpu.memory_space<vmem>>
      %dma_start3A_194 = tpu.memref_squeeze %dma_start3A_193 : memref<1x96x128xf32, #tpu.memory_space<vmem>> -> memref<96x128xf32, #tpu.memory_space<vmem>>
      %dma_start3A_195 = arith.constant 0 : i32
      %dma_start3A_196 = arith.constant 0 : i32
      %dma_start3A_197 = tpu.memref_slice %arg13[%dma_start3A_195, %dma_start3A_196] : memref<10112x128xf32, #tpu.memory_space<vmem_shared>> -> memref<10112x128xf32, #tpu.memory_space<vmem_shared>>
      tpu.enqueue_indirect_dma source(%dma_start3A_194 : memref<96x128xf32, #tpu.memory_space<vmem>>) target(%dma_start3A_197 : memref<10112x128xf32, #tpu.memory_space<vmem_shared>>) offsets(%arg10 : memref<96xi32, #tpu.memory_space<vmem>>) semaphore(%arg17 : memref<!tpu.dma_semaphore, #tpu.memory_space<semaphore_mem>>) {add = true}
      %add3A_198 = arith.constant 2 : i32
      %add3A_199 = arith.addi %add3A_176, %add3A_198 : i32
      %lt3A_200 = arith.constant 105 : i32
      %lt3A_201 = arith.cmpi slt, %add3A_199, %lt3A_200 : i32
      %convert_element_type3A_202 = arith.extui %lt3A_201 : i1 to i32
      %cond3A_203 = arith.constant 0 : i32
      %cond3A_204 = arith.cmpi ne, %convert_element_type3A_202, %cond3A_203 : i32
      scf.if %cond3A_204 {
        %ge3A = arith.constant 1 : i32
        %ge3A_235 = arith.cmpi sge, %add3A_176, %ge3A : i32
        %convert_element_type3A_236 = arith.extui %ge3A_235 : i1 to i32
        %cond3A_237 = arith.constant 0 : i32
        %cond3A_238 = arith.cmpi ne, %convert_element_type3A_236, %cond3A_237 : i32
        scf.if %cond3A_238 {
          %dma_wait3A_254 = arith.constant 0 : i32
          %dma_wait3A_255 = arith.constant 0 : i32
          %dma_wait3A_256 = arith.constant 0 : i32
          %dma_wait3A_257 = tpu.memref_slice %arg12[%dma_wait3A_254, %dma_wait3A_255, %dma_wait3A_256] : memref<3x96x128xf32, #tpu.memory_space<vmem>> -> memref<1x96x128xf32, #tpu.memory_space<vmem>>
          %dma_wait3A_258 = tpu.memref_squeeze %dma_wait3A_257 : memref<1x96x128xf32, #tpu.memory_space<vmem>> -> memref<96x128xf32, #tpu.memory_space<vmem>>
          %dma_wait3A_259 = arith.constant 0 : i32
          %dma_wait3A_260 = arith.constant 0 : i32
          %dma_wait3A_261 = tpu.memref_slice %arg2[%dma_wait3A_259, %dma_wait3A_260] : memref<10000x128xf32, #tpu.memory_space<hbm>> -> memref<96x128xf32, #tpu.memory_space<hbm>>
          %dma_wait3A_262 = arith.constant 0 : i32
          %dma_wait3A_263 = arith.constant 0 : i32
          %dma_wait3A_264 = tpu.memref_slice %arg12[%dma_wait3A_254, %dma_wait3A_262, %dma_wait3A_263] : memref<3x96x128xf32, #tpu.memory_space<vmem>> -> memref<1x96x128xf32, #tpu.memory_space<vmem>>
          %dma_wait3A_265 = tpu.memref_squeeze %dma_wait3A_264 : memref<1x96x128xf32, #tpu.memory_space<vmem>> -> memref<96x128xf32, #tpu.memory_space<vmem>>
          %dma_wait3A_266 = arith.constant 0 : i32
          %dma_wait3A_267 = arith.constant 0 : i32
          %dma_wait3A_268 = tpu.memref_slice %arg2[%dma_wait3A_266, %dma_wait3A_267] : memref<10000x128xf32, #tpu.memory_space<hbm>> -> memref<96x128xf32, #tpu.memory_space<hbm>>
          tpu.wait_dma2 semaphore(%arg17 : memref<!tpu.dma_semaphore, #tpu.memory_space<semaphore_mem>>) src(%dma_wait3A_268 : memref<96x128xf32, #tpu.memory_space<hbm>>) dst(%dma_wait3A_265 : memref<96x128xf32, #tpu.memory_space<vmem>>)
        } else {
        }
        %add3A_239 = arith.constant 2 : i32
        %add3A_240 = arith.addi %add3A_176, %add3A_239 : i32
        %scan3A_241 = arith.constant 0 : i32
        %scan3A_242 = arith.constant 6 : i32
        %scan3A_243 = arith.addi %scan3A_241, %scan3A_242 : i32
        %scan3A_244 = arith.constant 1 : i32
        scf.for %scan3A_254 = %scan3A_241 to %scan3A_243 step %scan3A_244  : i32 {
          %mul3A_255 = arith.constant 1 : i32
          %mul3A_256 = arith.muli %scan3A_254, %mul3A_255 : i32
          %add3A_257 = arith.constant 0 : i32
          %add3A_258 = arith.addi %add3A_257, %mul3A_256 : i32
          %mul3A_259 = arith.constant 96 : i32
          %mul3A_260 = arith.muli %add3A_240, %mul3A_259 : i32
          %mul3A_261 = arith.constant 16 : i32
          %mul3A_262 = arith.muli %add3A_258, %mul3A_261 : i32
          %add3A_263 = arith.addi %mul3A_260, %mul3A_262 : i32
          %get3A = arith.index_cast %add3A_263 : i32 to index
          %get3A_264 = tpu.vector_load %arg5[%get3A] {strides = array<i32>} : memref<10080xi32, #tpu.memory_space<vmem>>, vector<16xi32>,
          %get3A_265 = vector.shape_cast %get3A_264 : vector<16xi32> to vector<16xi32>
          %and3A = arith.constant 65535 : i32
          %and3A_266 = vector.broadcast %and3A : i32 to vector<16xi32>
          %and3A_267 = arith.andi %get3A_265, %and3A_266 : vector<16xi32>
          %mul3A_268 = arith.constant 16 : i32
          %mul3A_269 = arith.muli %add3A_258, %mul3A_268 : i32
          %swap3A = arith.index_cast %mul3A_269 : i32 to index
          %swap3A_270 = tpu.vector_load %arg6[%swap3A] {strides = array<i32>} : memref<96xi32, #tpu.memory_space<vmem>>, vector<16xi32>,
          %swap3A_271 = vector.shape_cast %swap3A_270 : vector<16xi32> to vector<16xi32>
          %swap3A_272 = vector.shape_cast %and3A_267 : vector<16xi32> to vector<16xi32>
          tpu.vector_store %arg6[%swap3A], %swap3A_272 {strides = array<i32>} : memref<96xi32, #tpu.memory_space<vmem>>, vector<16xi32>,
        }
        %scan3A_245 = arith.constant 6 : i32
        %dma_start3A_246 = arith.constant 0 : i32
        %dma_start3A_247 = arith.constant 0 : i32
        %dma_start3A_248 = arith.constant 0 : i32
        %dma_start3A_249 = tpu.memref_slice %arg12[%dma_start3A_246, %dma_start3A_247, %dma_start3A_248] : memref<3x96x128xf32, #tpu.memory_space<vmem>> -> memref<1x96x128xf32, #tpu.memory_space<vmem>>
        %dma_start3A_250 = tpu.memref_squeeze %dma_start3A_249 : memref<1x96x128xf32, #tpu.memory_space<vmem>> -> memref<96x128xf32, #tpu.memory_space<vmem>>
        %dma_start3A_251 = arith.constant 0 : i32
        %dma_start3A_252 = arith.constant 0 : i32
        %dma_start3A_253 = tpu.memref_slice %arg2[%dma_start3A_251, %dma_start3A_252] : memref<10000x128xf32, #tpu.memory_space<hbm>> -> memref<10000x128xf32, #tpu.memory_space<hbm>>
        tpu.enqueue_indirect_dma source(%dma_start3A_253 : memref<10000x128xf32, #tpu.memory_space<hbm>>) target(%dma_start3A_250 : memref<96x128xf32, #tpu.memory_space<vmem>>) offsets(%arg6 : memref<96xi32, #tpu.memory_space<vmem>>) semaphore(%arg14 : memref<!tpu.dma_semaphore, #tpu.memory_space<semaphore_mem>>)
      } else {
      }
      %add3A_205 = arith.constant 2 : i32
      %add3A_206 = arith.addi %add3A_147, %add3A_205 : i32
      %dma_wait3A_207 = arith.constant 2 : i32
      %dma_wait3A_208 = arith.constant 0 : i32
      %dma_wait3A_209 = arith.constant 0 : i32
      %dma_wait3A_210 = tpu.memref_slice %arg12[%dma_wait3A_207, %dma_wait3A_208, %dma_wait3A_209] : memref<3x96x128xf32, #tpu.memory_space<vmem>> -> memref<1x96x128xf32, #tpu.memory_space<vmem>>
      %dma_wait3A_211 = tpu.memref_squeeze %dma_wait3A_210 : memref<1x96x128xf32, #tpu.memory_space<vmem>> -> memref<96x128xf32, #tpu.memory_space<vmem>>
      %dma_wait3A_212 = arith.constant 0 : i32
      %dma_wait3A_213 = arith.constant 0 : i32
      %dma_wait3A_214 = tpu.memref_slice %arg2[%dma_wait3A_212, %dma_wait3A_213] : memref<10000x128xf32, #tpu.memory_space<hbm>> -> memref<10000x128xf32, #tpu.memory_space<hbm>>
      tpu.wait_indirect_dma semaphore(%arg16 : memref<!tpu.dma_semaphore, #tpu.memory_space<semaphore_mem>>) src(%dma_wait3A_214 : memref<10000x128xf32, #tpu.memory_space<hbm>>) dst(%dma_wait3A_211 : memref<96x128xf32, #tpu.memory_space<vmem>>)
      %scan3A_215 = arith.constant 0 : i32
      %scan3A_216 = arith.constant 6 : i32
      %scan3A_217 = arith.addi %scan3A_215, %scan3A_216 : i32
      %scan3A_218 = arith.constant 1 : i32
      scf.for %scan3A_235 = %scan3A_215 to %scan3A_217 step %scan3A_218  : i32 {
        %mul3A_236 = arith.constant 1 : i32
        %mul3A_237 = arith.muli %scan3A_235, %mul3A_236 : i32
        %add3A_238 = arith.constant 0 : i32
        %add3A_239 = arith.addi %add3A_238, %mul3A_237 : i32
        %mul3A_240 = arith.constant 96 : i32
        %mul3A_241 = arith.muli %add3A_206, %mul3A_240 : i32
        %mul3A_242 = arith.constant 16 : i32
        %mul3A_243 = arith.muli %add3A_239, %mul3A_242 : i32
        %add3A_244 = arith.addi %mul3A_241, %mul3A_243 : i32
        %get3A = arith.index_cast %add3A_244 : i32 to index
        %get3A_245 = tpu.vector_load %arg5[%get3A] {strides = array<i32>} : memref<10080xi32, #tpu.memory_space<vmem>>, vector<16xi32>,
        %get3A_246 = vector.shape_cast %get3A_245 : vector<16xi32> to vector<16xi32>
        %shift_right_logical3A = arith.constant 16 : i32
        %shift_right_logical3A_247 = vector.broadcast %shift_right_logical3A : i32 to vector<16xi32>
        %shift_right_logical3A_248 = arith.shrui %get3A_246, %shift_right_logical3A_247 : vector<16xi32>
        %mul3A_249 = arith.constant 16 : i32
        %mul3A_250 = arith.muli %add3A_239, %mul3A_249 : i32
        %swap3A = arith.index_cast %mul3A_250 : i32 to index
        %swap3A_251 = tpu.vector_load %arg11[%swap3A] {strides = array<i32>} : memref<96xi32, #tpu.memory_space<vmem>>, vector<16xi32>,
        %swap3A_252 = vector.shape_cast %swap3A_251 : vector<16xi32> to vector<16xi32>
        %swap3A_253 = vector.shape_cast %shift_right_logical3A_248 : vector<16xi32> to vector<16xi32>
        tpu.vector_store %arg11[%swap3A], %swap3A_253 {strides = array<i32>} : memref<96xi32, #tpu.memory_space<vmem>>, vector<16xi32>,
      }
      %scan3A_219 = arith.constant 6 : i32
      %dma_start3A_220 = arith.constant 2 : i32
      %dma_start3A_221 = arith.constant 0 : i32
      %dma_start3A_222 = arith.constant 0 : i32
      %dma_start3A_223 = tpu.memref_slice %arg12[%dma_start3A_220, %dma_start3A_221, %dma_start3A_222] : memref<3x96x128xf32, #tpu.memory_space<vmem>> -> memref<1x96x128xf32, #tpu.memory_space<vmem>>
      %dma_start3A_224 = tpu.memref_squeeze %dma_start3A_223 : memref<1x96x128xf32, #tpu.memory_space<vmem>> -> memref<96x128xf32, #tpu.memory_space<vmem>>
      %dma_start3A_225 = arith.constant 0 : i32
      %dma_start3A_226 = arith.constant 0 : i32
      %dma_start3A_227 = tpu.memref_slice %arg13[%dma_start3A_225, %dma_start3A_226] : memref<10112x128xf32, #tpu.memory_space<vmem_shared>> -> memref<10112x128xf32, #tpu.memory_space<vmem_shared>>
      tpu.enqueue_indirect_dma source(%dma_start3A_224 : memref<96x128xf32, #tpu.memory_space<vmem>>) target(%dma_start3A_227 : memref<10112x128xf32, #tpu.memory_space<vmem_shared>>) offsets(%arg11 : memref<96xi32, #tpu.memory_space<vmem>>) semaphore(%arg17 : memref<!tpu.dma_semaphore, #tpu.memory_space<semaphore_mem>>) {add = true}
      %add3A_228 = arith.constant 2 : i32
      %add3A_229 = arith.addi %add3A_206, %add3A_228 : i32
      %lt3A_230 = arith.constant 105 : i32
      %lt3A_231 = arith.cmpi slt, %add3A_229, %lt3A_230 : i32
      %convert_element_type3A_232 = arith.extui %lt3A_231 : i1 to i32
      %cond3A_233 = arith.constant 0 : i32
      %cond3A_234 = arith.cmpi ne, %convert_element_type3A_232, %cond3A_233 : i32
      scf.if %cond3A_234 {
        %ge3A = arith.constant 1 : i32
        %ge3A_235 = arith.cmpi sge, %add3A_206, %ge3A : i32
        %convert_element_type3A_236 = arith.extui %ge3A_235 : i1 to i32
        %cond3A_237 = arith.constant 0 : i32
        %cond3A_238 = arith.cmpi ne, %convert_element_type3A_236, %cond3A_237 : i32
        scf.if %cond3A_238 {
          %dma_wait3A_254 = arith.constant 0 : i32
          %dma_wait3A_255 = arith.constant 0 : i32
          %dma_wait3A_256 = arith.constant 0 : i32
          %dma_wait3A_257 = tpu.memref_slice %arg12[%dma_wait3A_254, %dma_wait3A_255, %dma_wait3A_256] : memref<3x96x128xf32, #tpu.memory_space<vmem>> -> memref<1x96x128xf32, #tpu.memory_space<vmem>>
          %dma_wait3A_258 = tpu.memref_squeeze %dma_wait3A_257 : memref<1x96x128xf32, #tpu.memory_space<vmem>> -> memref<96x128xf32, #tpu.memory_space<vmem>>
          %dma_wait3A_259 = arith.constant 0 : i32
          %dma_wait3A_260 = arith.constant 0 : i32
          %dma_wait3A_261 = tpu.memref_slice %arg2[%dma_wait3A_259, %dma_wait3A_260] : memref<10000x128xf32, #tpu.memory_space<hbm>> -> memref<96x128xf32, #tpu.memory_space<hbm>>
          %dma_wait3A_262 = arith.constant 0 : i32
          %dma_wait3A_263 = arith.constant 0 : i32
          %dma_wait3A_264 = tpu.memref_slice %arg12[%dma_wait3A_254, %dma_wait3A_262, %dma_wait3A_263] : memref<3x96x128xf32, #tpu.memory_space<vmem>> -> memref<1x96x128xf32, #tpu.memory_space<vmem>>
          %dma_wait3A_265 = tpu.memref_squeeze %dma_wait3A_264 : memref<1x96x128xf32, #tpu.memory_space<vmem>> -> memref<96x128xf32, #tpu.memory_space<vmem>>
          %dma_wait3A_266 = arith.constant 0 : i32
          %dma_wait3A_267 = arith.constant 0 : i32
          %dma_wait3A_268 = tpu.memref_slice %arg2[%dma_wait3A_266, %dma_wait3A_267] : memref<10000x128xf32, #tpu.memory_space<hbm>> -> memref<96x128xf32, #tpu.memory_space<hbm>>
          tpu.wait_dma2 semaphore(%arg17 : memref<!tpu.dma_semaphore, #tpu.memory_space<semaphore_mem>>) src(%dma_wait3A_268 : memref<96x128xf32, #tpu.memory_space<hbm>>) dst(%dma_wait3A_265 : memref<96x128xf32, #tpu.memory_space<vmem>>)
        } else {
        }
        %add3A_239 = arith.constant 2 : i32
        %add3A_240 = arith.addi %add3A_206, %add3A_239 : i32
        %scan3A_241 = arith.constant 0 : i32
        %scan3A_242 = arith.constant 6 : i32
        %scan3A_243 = arith.addi %scan3A_241, %scan3A_242 : i32
        %scan3A_244 = arith.constant 1 : i32
        scf.for %scan3A_254 = %scan3A_241 to %scan3A_243 step %scan3A_244  : i32 {
          %mul3A_255 = arith.constant 1 : i32
          %mul3A_256 = arith.muli %scan3A_254, %mul3A_255 : i32
          %add3A_257 = arith.constant 0 : i32
          %add3A_258 = arith.addi %add3A_257, %mul3A_256 : i32
          %mul3A_259 = arith.constant 96 : i32
          %mul3A_260 = arith.muli %add3A_240, %mul3A_259 : i32
          %mul3A_261 = arith.constant 16 : i32
          %mul3A_262 = arith.muli %add3A_258, %mul3A_261 : i32
          %add3A_263 = arith.addi %mul3A_260, %mul3A_262 : i32
          %get3A = arith.index_cast %add3A_263 : i32 to index
          %get3A_264 = tpu.vector_load %arg5[%get3A] {strides = array<i32>} : memref<10080xi32, #tpu.memory_space<vmem>>, vector<16xi32>,
          %get3A_265 = vector.shape_cast %get3A_264 : vector<16xi32> to vector<16xi32>
          %and3A = arith.constant 65535 : i32
          %and3A_266 = vector.broadcast %and3A : i32 to vector<16xi32>
          %and3A_267 = arith.andi %get3A_265, %and3A_266 : vector<16xi32>
          %mul3A_268 = arith.constant 16 : i32
          %mul3A_269 = arith.muli %add3A_258, %mul3A_268 : i32
          %swap3A = arith.index_cast %mul3A_269 : i32 to index
          %swap3A_270 = tpu.vector_load %arg7[%swap3A] {strides = array<i32>} : memref<96xi32, #tpu.memory_space<vmem>>, vector<16xi32>,
          %swap3A_271 = vector.shape_cast %swap3A_270 : vector<16xi32> to vector<16xi32>
          %swap3A_272 = vector.shape_cast %and3A_267 : vector<16xi32> to vector<16xi32>
          tpu.vector_store %arg7[%swap3A], %swap3A_272 {strides = array<i32>} : memref<96xi32, #tpu.memory_space<vmem>>, vector<16xi32>,
        }
        %scan3A_245 = arith.constant 6 : i32
        %dma_start3A_246 = arith.constant 1 : i32
        %dma_start3A_247 = arith.constant 0 : i32
        %dma_start3A_248 = arith.constant 0 : i32
        %dma_start3A_249 = tpu.memref_slice %arg12[%dma_start3A_246, %dma_start3A_247, %dma_start3A_248] : memref<3x96x128xf32, #tpu.memory_space<vmem>> -> memref<1x96x128xf32, #tpu.memory_space<vmem>>
        %dma_start3A_250 = tpu.memref_squeeze %dma_start3A_249 : memref<1x96x128xf32, #tpu.memory_space<vmem>> -> memref<96x128xf32, #tpu.memory_space<vmem>>
        %dma_start3A_251 = arith.constant 0 : i32
        %dma_start3A_252 = arith.constant 0 : i32
        %dma_start3A_253 = tpu.memref_slice %arg2[%dma_start3A_251, %dma_start3A_252] : memref<10000x128xf32, #tpu.memory_space<hbm>> -> memref<10000x128xf32, #tpu.memory_space<hbm>>
        tpu.enqueue_indirect_dma source(%dma_start3A_253 : memref<10000x128xf32, #tpu.memory_space<hbm>>) target(%dma_start3A_250 : memref<96x128xf32, #tpu.memory_space<vmem>>) offsets(%arg7 : memref<96xi32, #tpu.memory_space<vmem>>) semaphore(%arg15 : memref<!tpu.dma_semaphore, #tpu.memory_space<semaphore_mem>>)
      } else {
      }
    }
    %scan3A_69 = arith.constant 35 : i32
    %dma_wait3A = arith.constant 0 : i32
    %dma_wait3A_70 = arith.constant 0 : i32
    %dma_wait3A_71 = arith.constant 0 : i32
    %dma_wait3A_72 = tpu.memref_slice %arg12[%dma_wait3A, %dma_wait3A_70, %dma_wait3A_71] : memref<3x96x128xf32, #tpu.memory_space<vmem>> -> memref<1x96x128xf32, #tpu.memory_space<vmem>>
    %dma_wait3A_73 = tpu.memref_squeeze %dma_wait3A_72 : memref<1x96x128xf32, #tpu.memory_space<vmem>> -> memref<96x128xf32, #tpu.memory_space<vmem>>
    %dma_wait3A_74 = arith.constant 0 : i32
    %dma_wait3A_75 = arith.constant 0 : i32
    %dma_wait3A_76 = tpu.memref_slice %arg2[%dma_wait3A_74, %dma_wait3A_75] : memref<10000x128xf32, #tpu.memory_space<hbm>> -> memref<96x128xf32, #tpu.memory_space<hbm>>
    %dma_wait3A_77 = arith.constant 0 : i32
    %dma_wait3A_78 = arith.constant 0 : i32
    %dma_wait3A_79 = tpu.memref_slice %arg12[%dma_wait3A, %dma_wait3A_77, %dma_wait3A_78] : memref<3x96x128xf32, #tpu.memory_space<vmem>> -> memref<1x96x128xf32, #tpu.memory_space<vmem>>
    %dma_wait3A_80 = tpu.memref_squeeze %dma_wait3A_79 : memref<1x96x128xf32, #tpu.memory_space<vmem>> -> memref<96x128xf32, #tpu.memory_space<vmem>>
    %dma_wait3A_81 = arith.constant 0 : i32
    %dma_wait3A_82 = arith.constant 0 : i32
    %dma_wait3A_83 = tpu.memref_slice %arg2[%dma_wait3A_81, %dma_wait3A_82] : memref<10000x128xf32, #tpu.memory_space<hbm>> -> memref<96x128xf32, #tpu.memory_space<hbm>>
    tpu.wait_dma2 semaphore(%arg17 : memref<!tpu.dma_semaphore, #tpu.memory_space<semaphore_mem>>) src(%dma_wait3A_83 : memref<96x128xf32, #tpu.memory_space<hbm>>) dst(%dma_wait3A_80 : memref<96x128xf32, #tpu.memory_space<vmem>>)
    %dma_wait3A_84 = arith.constant 0 : i32
    %dma_wait3A_85 = arith.constant 0 : i32
    %dma_wait3A_86 = arith.constant 0 : i32
    %dma_wait3A_87 = tpu.memref_slice %arg12[%dma_wait3A_84, %dma_wait3A_85, %dma_wait3A_86] : memref<3x96x128xf32, #tpu.memory_space<vmem>> -> memref<1x96x128xf32, #tpu.memory_space<vmem>>
    %dma_wait3A_88 = tpu.memref_squeeze %dma_wait3A_87 : memref<1x96x128xf32, #tpu.memory_space<vmem>> -> memref<96x128xf32, #tpu.memory_space<vmem>>
    %dma_wait3A_89 = arith.constant 0 : i32
    %dma_wait3A_90 = arith.constant 0 : i32
    %dma_wait3A_91 = tpu.memref_slice %arg2[%dma_wait3A_89, %dma_wait3A_90] : memref<10000x128xf32, #tpu.memory_space<hbm>> -> memref<96x128xf32, #tpu.memory_space<hbm>>
    %dma_wait3A_92 = arith.constant 0 : i32
    %dma_wait3A_93 = arith.constant 0 : i32
    %dma_wait3A_94 = tpu.memref_slice %arg12[%dma_wait3A_84, %dma_wait3A_92, %dma_wait3A_93] : memref<3x96x128xf32, #tpu.memory_space<vmem>> -> memref<1x96x128xf32, #tpu.memory_space<vmem>>
    %dma_wait3A_95 = tpu.memref_squeeze %dma_wait3A_94 : memref<1x96x128xf32, #tpu.memory_space<vmem>> -> memref<96x128xf32, #tpu.memory_space<vmem>>
    %dma_wait3A_96 = arith.constant 0 : i32
    %dma_wait3A_97 = arith.constant 0 : i32
    %dma_wait3A_98 = tpu.memref_slice %arg2[%dma_wait3A_96, %dma_wait3A_97] : memref<10000x128xf32, #tpu.memory_space<hbm>> -> memref<96x128xf32, #tpu.memory_space<hbm>>
    tpu.wait_dma2 semaphore(%arg17 : memref<!tpu.dma_semaphore, #tpu.memory_space<semaphore_mem>>) src(%dma_wait3A_98 : memref<96x128xf32, #tpu.memory_space<hbm>>) dst(%dma_wait3A_95 : memref<96x128xf32, #tpu.memory_space<vmem>>)
    %dma_wait3A_99 = arith.constant 0 : i32
    %dma_wait3A_100 = arith.constant 0 : i32
    %dma_wait3A_101 = arith.constant 0 : i32
    %dma_wait3A_102 = tpu.memref_slice %arg12[%dma_wait3A_99, %dma_wait3A_100, %dma_wait3A_101] : memref<3x96x128xf32, #tpu.memory_space<vmem>> -> memref<1x96x128xf32, #tpu.memory_space<vmem>>
    %dma_wait3A_103 = tpu.memref_squeeze %dma_wait3A_102 : memref<1x96x128xf32, #tpu.memory_space<vmem>> -> memref<96x128xf32, #tpu.memory_space<vmem>>
    %dma_wait3A_104 = arith.constant 0 : i32
    %dma_wait3A_105 = arith.constant 0 : i32
    %dma_wait3A_106 = tpu.memref_slice %arg2[%dma_wait3A_104, %dma_wait3A_105] : memref<10000x128xf32, #tpu.memory_space<hbm>> -> memref<96x128xf32, #tpu.memory_space<hbm>>
    %dma_wait3A_107 = arith.constant 0 : i32
    %dma_wait3A_108 = arith.constant 0 : i32
    %dma_wait3A_109 = tpu.memref_slice %arg12[%dma_wait3A_99, %dma_wait3A_107, %dma_wait3A_108] : memref<3x96x128xf32, #tpu.memory_space<vmem>> -> memref<1x96x128xf32, #tpu.memory_space<vmem>>
    %dma_wait3A_110 = tpu.memref_squeeze %dma_wait3A_109 : memref<1x96x128xf32, #tpu.memory_space<vmem>> -> memref<96x128xf32, #tpu.memory_space<vmem>>
    %dma_wait3A_111 = arith.constant 0 : i32
    %dma_wait3A_112 = arith.constant 0 : i32
    %dma_wait3A_113 = tpu.memref_slice %arg2[%dma_wait3A_111, %dma_wait3A_112] : memref<10000x128xf32, #tpu.memory_space<hbm>> -> memref<96x128xf32, #tpu.memory_space<hbm>>
    tpu.wait_dma2 semaphore(%arg17 : memref<!tpu.dma_semaphore, #tpu.memory_space<semaphore_mem>>) src(%dma_wait3A_113 : memref<96x128xf32, #tpu.memory_space<hbm>>) dst(%dma_wait3A_110 : memref<96x128xf32, #tpu.memory_space<vmem>>)
    %barrier3A_114 = arith.constant 0 : index
    tpu.barrier barrier_id(%barrier3A_114)
    %mul3A_115 = arith.constant 632 : i32
    %mul3A_116 = arith.muli %arg1, %mul3A_115 : i32
    %add3A_117 = arith.constant 0 : i32
    %add3A_118 = arith.addi %mul3A_116, %add3A_117 : i32
    "tpu.region"() ({
      %run_scoped3A_143 = tpu.sem_alloc : memref<!tpu.dma_semaphore, #tpu.memory_space<semaphore_mem>>
      %dma_start3A_144 = arith.constant 0 : i32
      %dma_start3A_145 = tpu.memref_slice %arg4[%arg0, %add3A_118, %dma_start3A_144] : memref<2x10112x128xf32, #tpu.memory_space<hbm>> -> memref<1x96x128xf32, #tpu.memory_space<hbm>>
      %dma_start3A_146 = tpu.memref_squeeze %dma_start3A_145 : memref<1x96x128xf32, #tpu.memory_space<hbm>> -> memref<96x128xf32, #tpu.memory_space<hbm>>
      %dma_start3A_147 = arith.constant 0 : i32
      %dma_start3A_148 = tpu.memref_slice %arg13[%add3A_118, %dma_start3A_147] : memref<10112x128xf32, #tpu.memory_space<vmem_shared>> -> memref<96x128xf32, #tpu.memory_space<vmem_shared>>
      tpu.enqueue_dma source(%dma_start3A_148 : memref<96x128xf32, #tpu.memory_space<vmem_shared>>) target(%dma_start3A_146 : memref<96x128xf32, #tpu.memory_space<hbm>>) target_semaphore(%run_scoped3A_143 : memref<!tpu.dma_semaphore, #tpu.memory_space<semaphore_mem>>)
      %dma_wait3A_149 = arith.constant 0 : i32
      %dma_wait3A_150 = tpu.memref_slice %arg4[%arg0, %add3A_118, %dma_wait3A_149] : memref<2x10112x128xf32, #tpu.memory_space<hbm>> -> memref<1x96x128xf32, #tpu.memory_space<hbm>>
      %dma_wait3A_151 = tpu.memref_squeeze %dma_wait3A_150 : memref<1x96x128xf32, #tpu.memory_space<hbm>> -> memref<96x128xf32, #tpu.memory_space<hbm>>
      %dma_wait3A_152 = arith.constant 0 : i32
      %dma_wait3A_153 = tpu.memref_slice %arg13[%add3A_118, %dma_wait3A_152] : memref<10112x128xf32, #tpu.memory_space<vmem_shared>> -> memref<96x128xf32, #tpu.memory_space<vmem_shared>>
      tpu.wait_dma2 semaphore(%run_scoped3A_143 : memref<!tpu.dma_semaphore, #tpu.memory_space<semaphore_mem>>) src(%dma_wait3A_153 : memref<96x128xf32, #tpu.memory_space<vmem_shared>>) dst(%dma_wait3A_151 : memref<96x128xf32, #tpu.memory_space<hbm>>)
      tpu.yield
    }) : () -> ()
    %mul3A_119 = arith.constant 632 : i32
    %mul3A_120 = arith.muli %arg1, %mul3A_119 : i32
    %add3A_121 = arith.constant 96 : i32
    %add3A_122 = arith.addi %mul3A_120, %add3A_121 : i32
    "tpu.region"() ({
      %run_scoped3A_143 = tpu.sem_alloc : memref<!tpu.dma_semaphore, #tpu.memory_space<semaphore_mem>>
      %dma_start3A_144 = arith.constant 0 : i32
      %dma_start3A_145 = tpu.memref_slice %arg4[%arg0, %add3A_122, %dma_start3A_144] : memref<2x10112x128xf32, #tpu.memory_space<hbm>> -> memref<1x96x128xf32, #tpu.memory_space<hbm>>
      %dma_start3A_146 = tpu.memref_squeeze %dma_start3A_145 : memref<1x96x128xf32, #tpu.memory_space<hbm>> -> memref<96x128xf32, #tpu.memory_space<hbm>>
      %dma_start3A_147 = arith.constant 0 : i32
      %dma_start3A_148 = tpu.memref_slice %arg13[%add3A_122, %dma_start3A_147] : memref<10112x128xf32, #tpu.memory_space<vmem_shared>> -> memref<96x128xf32, #tpu.memory_space<vmem_shared>>
      tpu.enqueue_dma source(%dma_start3A_148 : memref<96x128xf32, #tpu.memory_space<vmem_shared>>) target(%dma_start3A_146 : memref<96x128xf32, #tpu.memory_space<hbm>>) target_semaphore(%run_scoped3A_143 : memref<!tpu.dma_semaphore, #tpu.memory_space<semaphore_mem>>)
      %dma_wait3A_149 = arith.constant 0 : i32
      %dma_wait3A_150 = tpu.memref_slice %arg4[%arg0, %add3A_122, %dma_wait3A_149] : memref<2x10112x128xf32, #tpu.memory_space<hbm>> -> memref<1x96x128xf32, #tpu.memory_space<hbm>>
      %dma_wait3A_151 = tpu.memref_squeeze %dma_wait3A_150 : memref<1x96x128xf32, #tpu.memory_space<hbm>> -> memref<96x128xf32, #tpu.memory_space<hbm>>
      %dma_wait3A_152 = arith.constant 0 : i32
      %dma_wait3A_153 = tpu.memref_slice %arg13[%add3A_122, %dma_wait3A_152] : memref<10112x128xf32, #tpu.memory_space<vmem_shared>> -> memref<96x128xf32, #tpu.memory_space<vmem_shared>>
      tpu.wait_dma2 semaphore(%run_scoped3A_143 : memref<!tpu.dma_semaphore, #tpu.memory_space<semaphore_mem>>) src(%dma_wait3A_153 : memref<96x128xf32, #tpu.memory_space<vmem_shared>>) dst(%dma_wait3A_151 : memref<96x128xf32, #tpu.memory_space<hbm>>)
      tpu.yield
    }) : () -> ()
    %mul3A_123 = arith.constant 632 : i32
    %mul3A_124 = arith.muli %arg1, %mul3A_123 : i32
    %add3A_125 = arith.constant 192 : i32
    %add3A_126 = arith.addi %mul3A_124, %add3A_125 : i32
    "tpu.region"() ({
      %run_scoped3A_143 = tpu.sem_alloc : memref<!tpu.dma_semaphore, #tpu.memory_space<semaphore_mem>>
      %dma_start3A_144 = arith.constant 0 : i32
      %dma_start3A_145 = tpu.memref_slice %arg4[%arg0, %add3A_126, %dma_start3A_144] : memref<2x10112x128xf32, #tpu.memory_space<hbm>> -> memref<1x96x128xf32, #tpu.memory_space<hbm>>
      %dma_start3A_146 = tpu.memref_squeeze %dma_start3A_145 : memref<1x96x128xf32, #tpu.memory_space<hbm>> -> memref<96x128xf32, #tpu.memory_space<hbm>>
      %dma_start3A_147 = arith.constant 0 : i32
      %dma_start3A_148 = tpu.memref_slice %arg13[%add3A_126, %dma_start3A_147] : memref<10112x128xf32, #tpu.memory_space<vmem_shared>> -> memref<96x128xf32, #tpu.memory_space<vmem_shared>>
      tpu.enqueue_dma source(%dma_start3A_148 : memref<96x128xf32, #tpu.memory_space<vmem_shared>>) target(%dma_start3A_146 : memref<96x128xf32, #tpu.memory_space<hbm>>) target_semaphore(%run_scoped3A_143 : memref<!tpu.dma_semaphore, #tpu.memory_space<semaphore_mem>>)
      %dma_wait3A_149 = arith.constant 0 : i32
      %dma_wait3A_150 = tpu.memref_slice %arg4[%arg0, %add3A_126, %dma_wait3A_149] : memref<2x10112x128xf32, #tpu.memory_space<hbm>> -> memref<1x96x128xf32, #tpu.memory_space<hbm>>
      %dma_wait3A_151 = tpu.memref_squeeze %dma_wait3A_150 : memref<1x96x128xf32, #tpu.memory_space<hbm>> -> memref<96x128xf32, #tpu.memory_space<hbm>>
      %dma_wait3A_152 = arith.constant 0 : i32
      %dma_wait3A_153 = tpu.memref_slice %arg13[%add3A_126, %dma_wait3A_152] : memref<10112x128xf32, #tpu.memory_space<vmem_shared>> -> memref<96x128xf32, #tpu.memory_space<vmem_shared>>
      tpu.wait_dma2 semaphore(%run_scoped3A_143 : memref<!tpu.dma_semaphore, #tpu.memory_space<semaphore_mem>>) src(%dma_wait3A_153 : memref<96x128xf32, #tpu.memory_space<vmem_shared>>) dst(%dma_wait3A_151 : memref<96x128xf32, #tpu.memory_space<hbm>>)
      tpu.yield
    }) : () -> ()
    %mul3A_127 = arith.constant 632 : i32
    %mul3A_128 = arith.muli %arg1, %mul3A_127 : i32
    %add3A_129 = arith.constant 288 : i32
    %add3A_130 = arith.addi %mul3A_128, %add3A_129 : i32
    "tpu.region"() ({
      %run_scoped3A_143 = tpu.sem_alloc : memref<!tpu.dma_semaphore, #tpu.memory_space<semaphore_mem>>
      %dma_start3A_144 = arith.constant 0 : i32
      %dma_start3A_145 = tpu.memref_slice %arg4[%arg0, %add3A_130, %dma_start3A_144] : memref<2x10112x128xf32, #tpu.memory_space<hbm>> -> memref<1x96x128xf32, #tpu.memory_space<hbm>>
      %dma_start3A_146 = tpu.memref_squeeze %dma_start3A_145 : memref<1x96x128xf32, #tpu.memory_space<hbm>> -> memref<96x128xf32, #tpu.memory_space<hbm>>
      %dma_start3A_147 = arith.constant 0 : i32
      %dma_start3A_148 = tpu.memref_slice %arg13[%add3A_130, %dma_start3A_147] : memref<10112x128xf32, #tpu.memory_space<vmem_shared>> -> memref<96x128xf32, #tpu.memory_space<vmem_shared>>
      tpu.enqueue_dma source(%dma_start3A_148 : memref<96x128xf32, #tpu.memory_space<vmem_shared>>) target(%dma_start3A_146 : memref<96x128xf32, #tpu.memory_space<hbm>>) target_semaphore(%run_scoped3A_143 : memref<!tpu.dma_semaphore, #tpu.memory_space<semaphore_mem>>)
      %dma_wait3A_149 = arith.constant 0 : i32
      %dma_wait3A_150 = tpu.memref_slice %arg4[%arg0, %add3A_130, %dma_wait3A_149] : memref<2x10112x128xf32, #tpu.memory_space<hbm>> -> memref<1x96x128xf32, #tpu.memory_space<hbm>>
      %dma_wait3A_151 = tpu.memref_squeeze %dma_wait3A_150 : memref<1x96x128xf32, #tpu.memory_space<hbm>> -> memref<96x128xf32, #tpu.memory_space<hbm>>
      %dma_wait3A_152 = arith.constant 0 : i32
      %dma_wait3A_153 = tpu.memref_slice %arg13[%add3A_130, %dma_wait3A_152] : memref<10112x128xf32, #tpu.memory_space<vmem_shared>> -> memref<96x128xf32, #tpu.memory_space<vmem_shared>>
      tpu.wait_dma2 semaphore(%run_scoped3A_143 : memref<!tpu.dma_semaphore, #tpu.memory_space<semaphore_mem>>) src(%dma_wait3A_153 : memref<96x128xf32, #tpu.memory_space<vmem_shared>>) dst(%dma_wait3A_151 : memref<96x128xf32, #tpu.memory_space<hbm>>)
      tpu.yield
    }) : () -> ()
    %mul3A_131 = arith.constant 632 : i32
    %mul3A_132 = arith.muli %arg1, %mul3A_131 : i32
    %add3A_133 = arith.constant 384 : i32
    %add3A_134 = arith.addi %mul3A_132, %add3A_133 : i32
    "tpu.region"() ({
      %run_scoped3A_143 = tpu.sem_alloc : memref<!tpu.dma_semaphore, #tpu.memory_space<semaphore_mem>>
      %dma_start3A_144 = arith.constant 0 : i32
      %dma_start3A_145 = tpu.memref_slice %arg4[%arg0, %add3A_134, %dma_start3A_144] : memref<2x10112x128xf32, #tpu.memory_space<hbm>> -> memref<1x96x128xf32, #tpu.memory_space<hbm>>
      %dma_start3A_146 = tpu.memref_squeeze %dma_start3A_145 : memref<1x96x128xf32, #tpu.memory_space<hbm>> -> memref<96x128xf32, #tpu.memory_space<hbm>>
      %dma_start3A_147 = arith.constant 0 : i32
      %dma_start3A_148 = tpu.memref_slice %arg13[%add3A_134, %dma_start3A_147] : memref<10112x128xf32, #tpu.memory_space<vmem_shared>> -> memref<96x128xf32, #tpu.memory_space<vmem_shared>>
      tpu.enqueue_dma source(%dma_start3A_148 : memref<96x128xf32, #tpu.memory_space<vmem_shared>>) target(%dma_start3A_146 : memref<96x128xf32, #tpu.memory_space<hbm>>) target_semaphore(%run_scoped3A_143 : memref<!tpu.dma_semaphore, #tpu.memory_space<semaphore_mem>>)
      %dma_wait3A_149 = arith.constant 0 : i32
      %dma_wait3A_150 = tpu.memref_slice %arg4[%arg0, %add3A_134, %dma_wait3A_149] : memref<2x10112x128xf32, #tpu.memory_space<hbm>> -> memref<1x96x128xf32, #tpu.memory_space<hbm>>
      %dma_wait3A_151 = tpu.memref_squeeze %dma_wait3A_150 : memref<1x96x128xf32, #tpu.memory_space<hbm>> -> memref<96x128xf32, #tpu.memory_space<hbm>>
      %dma_wait3A_152 = arith.constant 0 : i32
      %dma_wait3A_153 = tpu.memref_slice %arg13[%add3A_134, %dma_wait3A_152] : memref<10112x128xf32, #tpu.memory_space<vmem_shared>> -> memref<96x128xf32, #tpu.memory_space<vmem_shared>>
      tpu.wait_dma2 semaphore(%run_scoped3A_143 : memref<!tpu.dma_semaphore, #tpu.memory_space<semaphore_mem>>) src(%dma_wait3A_153 : memref<96x128xf32, #tpu.memory_space<vmem_shared>>) dst(%dma_wait3A_151 : memref<96x128xf32, #tpu.memory_space<hbm>>)
      tpu.yield
    }) : () -> ()
    %mul3A_135 = arith.constant 632 : i32
    %mul3A_136 = arith.muli %arg1, %mul3A_135 : i32
    %add3A_137 = arith.constant 480 : i32
    %add3A_138 = arith.addi %mul3A_136, %add3A_137 : i32
    "tpu.region"() ({
      %run_scoped3A_143 = tpu.sem_alloc : memref<!tpu.dma_semaphore, #tpu.memory_space<semaphore_mem>>
      %dma_start3A_144 = arith.constant 0 : i32
      %dma_start3A_145 = tpu.memref_slice %arg4[%arg0, %add3A_138, %dma_start3A_144] : memref<2x10112x128xf32, #tpu.memory_space<hbm>> -> memref<1x96x128xf32, #tpu.memory_space<hbm>>
      %dma_start3A_146 = tpu.memref_squeeze %dma_start3A_145 : memref<1x96x128xf32, #tpu.memory_space<hbm>> -> memref<96x128xf32, #tpu.memory_space<hbm>>
      %dma_start3A_147 = arith.constant 0 : i32
      %dma_start3A_148 = tpu.memref_slice %arg13[%add3A_138, %dma_start3A_147] : memref<10112x128xf32, #tpu.memory_space<vmem_shared>> -> memref<96x128xf32, #tpu.memory_space<vmem_shared>>
      tpu.enqueue_dma source(%dma_start3A_148 : memref<96x128xf32, #tpu.memory_space<vmem_shared>>) target(%dma_start3A_146 : memref<96x128xf32, #tpu.memory_space<hbm>>) target_semaphore(%run_scoped3A_143 : memref<!tpu.dma_semaphore, #tpu.memory_space<semaphore_mem>>)
      %dma_wait3A_149 = arith.constant 0 : i32
      %dma_wait3A_150 = tpu.memref_slice %arg4[%arg0, %add3A_138, %dma_wait3A_149] : memref<2x10112x128xf32, #tpu.memory_space<hbm>> -> memref<1x96x128xf32, #tpu.memory_space<hbm>>
      %dma_wait3A_151 = tpu.memref_squeeze %dma_wait3A_150 : memref<1x96x128xf32, #tpu.memory_space<hbm>> -> memref<96x128xf32, #tpu.memory_space<hbm>>
      %dma_wait3A_152 = arith.constant 0 : i32
      %dma_wait3A_153 = tpu.memref_slice %arg13[%add3A_138, %dma_wait3A_152] : memref<10112x128xf32, #tpu.memory_space<vmem_shared>> -> memref<96x128xf32, #tpu.memory_space<vmem_shared>>
      tpu.wait_dma2 semaphore(%run_scoped3A_143 : memref<!tpu.dma_semaphore, #tpu.memory_space<semaphore_mem>>) src(%dma_wait3A_153 : memref<96x128xf32, #tpu.memory_space<vmem_shared>>) dst(%dma_wait3A_151 : memref<96x128xf32, #tpu.memory_space<hbm>>)
      tpu.yield
    }) : () -> ()
    %mul3A_139 = arith.constant 632 : i32
    %mul3A_140 = arith.muli %arg1, %mul3A_139 : i32
    %add3A_141 = arith.constant 576 : i32
    %add3A_142 = arith.addi %mul3A_140, %add3A_141 : i32
    "tpu.region"() ({
      %run_scoped3A_143 = tpu.sem_alloc : memref<!tpu.dma_semaphore, #tpu.memory_space<semaphore_mem>>
      %dma_start3A_144 = arith.constant 0 : i32
      %dma_start3A_145 = tpu.memref_slice %arg4[%arg0, %add3A_142, %dma_start3A_144] : memref<2x10112x128xf32, #tpu.memory_space<hbm>> -> memref<1x56x128xf32, #tpu.memory_space<hbm>>
      %dma_start3A_146 = tpu.memref_squeeze %dma_start3A_145 : memref<1x56x128xf32, #tpu.memory_space<hbm>> -> memref<56x128xf32, #tpu.memory_space<hbm>>
      %dma_start3A_147 = arith.constant 0 : i32
      %dma_start3A_148 = tpu.memref_slice %arg13[%add3A_142, %dma_start3A_147] : memref<10112x128xf32, #tpu.memory_space<vmem_shared>> -> memref<56x128xf32, #tpu.memory_space<vmem_shared>>
      tpu.enqueue_dma source(%dma_start3A_148 : memref<56x128xf32, #tpu.memory_space<vmem_shared>>) target(%dma_start3A_146 : memref<56x128xf32, #tpu.memory_space<hbm>>) target_semaphore(%run_scoped3A_143 : memref<!tpu.dma_semaphore, #tpu.memory_space<semaphore_mem>>)
      %dma_wait3A_149 = arith.constant 0 : i32
      %dma_wait3A_150 = tpu.memref_slice %arg4[%arg0, %add3A_142, %dma_wait3A_149] : memref<2x10112x128xf32, #tpu.memory_space<hbm>> -> memref<1x56x128xf32, #tpu.memory_space<hbm>>
      %dma_wait3A_151 = tpu.memref_squeeze %dma_wait3A_150 : memref<1x56x128xf32, #tpu.memory_space<hbm>> -> memref<56x128xf32, #tpu.memory_space<hbm>>
      %dma_wait3A_152 = arith.constant 0 : i32
      %dma_wait3A_153 = tpu.memref_slice %arg13[%add3A_142, %dma_wait3A_152] : memref<10112x128xf32, #tpu.memory_space<vmem_shared>> -> memref<56x128xf32, #tpu.memory_space<vmem_shared>>
      tpu.wait_dma2 semaphore(%run_scoped3A_143 : memref<!tpu.dma_semaphore, #tpu.memory_space<semaphore_mem>>) src(%dma_wait3A_153 : memref<56x128xf32, #tpu.memory_space<vmem_shared>>) dst(%dma_wait3A_151 : memref<56x128xf32, #tpu.memory_space<hbm>>)
      tpu.yield
    }) : () -> ()
    return
  }
}

#map = affine_map<(d0, d1) -> (0, 0)>
#map1 = affine_map<(d0, d1) -> (0, 0, 0)>
module attributes {stable_mosaic.version = 14 : i64} {
  func.func @_spmm_sc(%arg0: i32, %arg1: i32, %arg2: memref<10000x128xf32, #tpu.memory_space<hbm>>, %arg3: memref<32x10080xi32, #tpu.memory_space<hbm>>, %arg4: memref<2x10112x128xf32, #tpu.memory_space<hbm>>, %arg5: memref<10080xi32, #tpu.memory_space<vmem>>, %arg6: memref<96xi32, #tpu.memory_space<vmem>>, %arg7: memref<96xi32, #tpu.memory_space<vmem>>, %arg8: memref<96xi32, #tpu.memory_space<vmem>>, %arg9: memref<96xi32, #tpu.memory_space<vmem>>, %arg10: memref<96xi32, #tpu.memory_space<vmem>>, %arg11: memref<96xi32, #tpu.memory_space<vmem>>, %arg12: memref<3x96x128xf32, #tpu.memory_space<vmem>>, %arg13: memref<10112x128xf32, #tpu.memory_space<vmem_shared>>, %arg14: memref<!tpu.dma_semaphore, #tpu.memory_space<semaphore_mem>>, %arg15: memref<!tpu.dma_semaphore, #tpu.memory_space<semaphore_mem>>, %arg16: memref<!tpu.dma_semaphore, #tpu.memory_space<semaphore_mem>>, %arg17: memref<!tpu.dma_semaphore, #tpu.memory_space<semaphore_mem>>) attributes {dimension_semantics = [#tpu.dimension_semantics<core_parallel>, #tpu.dimension_semantics<subcore_parallel>], iteration_bounds = array<i64: 2, 16>, scalar_prefetch = 0 : i64, scratch_operands = 13 : i64, tpu.core_type = #tpu.core_type<sc_vector_subcore>, window_params = [{transform_indices = #map}, {transform_indices = #map}, {transform_indices = #map1}]} {
    %mul3A = arith.constant 2 : i32
    %mul3A_0 = arith.muli %arg1, %mul3A : i32
    %add3A = arith.addi %mul3A_0, %arg0 : i32
    "tpu.region"() ({
      %run_scoped3A_143 = tpu.sem_alloc : memref<!tpu.dma_semaphore, #tpu.memory_space<semaphore_mem>>
      %dma_start3A_144 = arith.constant 0 : i32
      %dma_start3A_145 = tpu.memref_slice %arg3[%add3A, %dma_start3A_144] : memref<32x10080xi32, #tpu.memory_space<hbm>> -> memref<1x10080xi32, #tpu.memory_space<hbm>>
      %dma_start3A_146 = tpu.memref_squeeze %dma_start3A_145 : memref<1x10080xi32, #tpu.memory_space<hbm>> -> memref<10080xi32, #tpu.memory_space<hbm>>
      %dma_start3A_147 = arith.constant 0 : i32
      %dma_start3A_148 = tpu.memref_slice %arg3[%add3A, %dma_start3A_147] : memref<32x10080xi32, #tpu.memory_space<hbm>> -> memref<1x10080xi32, #tpu.memory_space<hbm>>
      %dma_start3A_149 = tpu.memref_squeeze %dma_start3A_148 : memref<1x10080xi32, #tpu.memory_space<hbm>> -> memref<10080xi32, #tpu.memory_space<hbm>>
      tpu.enqueue_dma source(%dma_start3A_149 : memref<10080xi32, #tpu.memory_space<hbm>>) target(%arg5 : memref<10080xi32, #tpu.memory_space<vmem>>) target_semaphore(%run_scoped3A_143 : memref<!tpu.dma_semaphore, #tpu.memory_space<semaphore_mem>>)
      %dma_wait3A_150 = arith.constant 0 : i32
      %dma_wait3A_151 = tpu.memref_slice %arg3[%add3A, %dma_wait3A_150] : memref<32x10080xi32, #tpu.memory_space<hbm>> -> memref<1x10080xi32, #tpu.memory_space<hbm>>
      %dma_wait3A_152 = tpu.memref_squeeze %dma_wait3A_151 : memref<1x10080xi32, #tpu.memory_space<hbm>> -> memref<10080xi32, #tpu.memory_space<hbm>>
      %dma_wait3A_153 = arith.constant 0 : i32
      %dma_wait3A_154 = tpu.memref_slice %arg3[%add3A, %dma_wait3A_153] : memref<32x10080xi32, #tpu.memory_space<hbm>> -> memref<1x10080xi32, #tpu.memory_space<hbm>>
      %dma_wait3A_155 = tpu.memref_squeeze %dma_wait3A_154 : memref<1x10080xi32, #tpu.memory_space<hbm>> -> memref<10080xi32, #tpu.memory_space<hbm>>
      tpu.wait_dma2 semaphore(%run_scoped3A_143 : memref<!tpu.dma_semaphore, #tpu.memory_space<semaphore_mem>>) src(%dma_wait3A_155 : memref<10080xi32, #tpu.memory_space<hbm>>) dst(%arg5 : memref<10080xi32, #tpu.memory_space<vmem>>)
      tpu.yield
    }) : () -> ()
    %broadcast_in_dim3A = arith.constant 0.000000e+00 : f32
    %broadcast_in_dim3A_1 = vector.broadcast %broadcast_in_dim3A : f32 to vector<16xf32>
    %scan3A = arith.constant 0 : i32
    %scan3A_2 = arith.constant 96 : i32
    %scan3A_3 = arith.addi %scan3A, %scan3A_2 : i32
    %scan3A_4 = arith.constant 1 : i32
    scf.for %scan3A_143 = %scan3A to %scan3A_3 step %scan3A_4  : i32 {
      %mul3A_144 = arith.constant 1 : i32
      %mul3A_145 = arith.muli %scan3A_143, %mul3A_144 : i32
      %add3A_146 = arith.constant 0 : i32
      %add3A_147 = arith.addi %add3A_146, %mul3A_145 : i32
      %scan3A_148 = arith.constant 0 : i32
      %scan3A_149 = arith.constant 8 : i32
      %scan3A_150 = arith.addi %scan3A_148, %scan3A_149 : i32
      %scan3A_151 = arith.constant 1 : i32
      scf.for %scan3A_153 = %scan3A_148 to %scan3A_150 step %scan3A_151  : i32 {
        %mul3A_154 = arith.constant 1 : i32
        %mul3A_155 = arith.muli %scan3A_153, %mul3A_154 : i32
        %add3A_156 = arith.constant 0 : i32
        %add3A_157 = arith.addi %add3A_156, %mul3A_155 : i32
        %mul3A_158 = arith.constant 16 : i32
        %mul3A_159 = arith.muli %add3A_157, %mul3A_158 : i32
        %swap3A = arith.constant 0 : i32
        %swap3A_160 = arith.index_cast %swap3A : i32 to index
        %swap3A_161 = arith.index_cast %add3A_147 : i32 to index
        %swap3A_162 = arith.index_cast %mul3A_159 : i32 to index
        %swap3A_163 = tpu.vector_load %arg12[%swap3A_160, %swap3A_161, %swap3A_162] {strides = array<i32>} : memref<3x96x128xf32, #tpu.memory_space<vmem>>, vector<1x1x16xf32>,
        %swap3A_164 = vector.shape_cast %swap3A_163 : vector<1x1x16xf32> to vector<16xf32>
        %swap3A_165 = vector.shape_cast %broadcast_in_dim3A_1 : vector<16xf32> to vector<1x1x16xf32>
        tpu.vector_store %arg12[%swap3A_160, %swap3A_161, %swap3A_162], %swap3A_165 {strides = array<i32>} : memref<3x96x128xf32, #tpu.memory_space<vmem>>, vector<1x1x16xf32>,
      }
      %scan3A_152 = arith.constant 8 : i32
    }
    %scan3A_5 = arith.constant 96 : i32
    %mul3A_6 = arith.constant 632 : i32
    %mul3A_7 = arith.muli %arg1, %mul3A_6 : i32
    %add3A_8 = arith.constant 0 : i32
    %add3A_9 = arith.addi %mul3A_7, %add3A_8 : i32
    %run_scoped3A = arith.constant 0 : i32
    "tpu.region"() ({
      %run_scoped3A_143 = tpu.sem_alloc : memref<!tpu.dma_semaphore, #tpu.memory_space<semaphore_mem>>
      %dma_start3A_144 = arith.constant 0 : i32
      %dma_start3A_145 = arith.constant 0 : i32
      %dma_start3A_146 = tpu.memref_slice %arg12[%run_scoped3A, %dma_start3A_144, %dma_start3A_145] : memref<3x96x128xf32, #tpu.memory_space<vmem>> -> memref<1x96x128xf32, #tpu.memory_space<vmem>>
      %dma_start3A_147 = tpu.memref_squeeze %dma_start3A_146 : memref<1x96x128xf32, #tpu.memory_space<vmem>> -> memref<96x128xf32, #tpu.memory_space<vmem>>
      %dma_start3A_148 = arith.constant 0 : i32
      %dma_start3A_149 = tpu.memref_slice %arg13[%add3A_9, %dma_start3A_148] : memref<10112x128xf32, #tpu.memory_space<vmem_shared>> -> memref<96x128xf32, #tpu.memory_space<vmem_shared>>
      %dma_start3A_150 = arith.constant 0 : i32
      %dma_start3A_151 = tpu.memref_slice %arg13[%add3A_9, %dma_start3A_150] : memref<10112x128xf32, #tpu.memory_space<vmem_shared>> -> memref<96x128xf32, #tpu.memory_space<vmem_shared>>
      %dma_start3A_152 = arith.constant 0 : i32
      %dma_start3A_153 = arith.constant 0 : i32
      %dma_start3A_154 = tpu.memref_slice %arg12[%run_scoped3A, %dma_start3A_152, %dma_start3A_153] : memref<3x96x128xf32, #tpu.memory_space<vmem>> -> memref<1x96x128xf32, #tpu.memory_space<vmem>>
      %dma_start3A_155 = tpu.memref_squeeze %dma_start3A_154 : memref<1x96x128xf32, #tpu.memory_space<vmem>> -> memref<96x128xf32, #tpu.memory_space<vmem>>
      tpu.enqueue_dma source(%dma_start3A_155 : memref<96x128xf32, #tpu.memory_space<vmem>>) target(%dma_start3A_151 : memref<96x128xf32, #tpu.memory_space<vmem_shared>>) target_semaphore(%run_scoped3A_143 : memref<!tpu.dma_semaphore, #tpu.memory_space<semaphore_mem>>)
      %dma_wait3A_156 = arith.constant 0 : i32
      %dma_wait3A_157 = arith.constant 0 : i32
      %dma_wait3A_158 = tpu.memref_slice %arg12[%run_scoped3A, %dma_wait3A_156, %dma_wait3A_157] : memref<3x96x128xf32, #tpu.memory_space<vmem>> -> memref<1x96x128xf32, #tpu.memory_space<vmem>>
      %dma_wait3A_159 = tpu.memref_squeeze %dma_wait3A_158 : memref<1x96x128xf32, #tpu.memory_space<vmem>> -> memref<96x128xf32, #tpu.memory_space<vmem>>
      %dma_wait3A_160 = arith.constant 0 : i32
      %dma_wait3A_161 = tpu.memref_slice %arg13[%add3A_9, %dma_wait3A_160] : memref<10112x128xf32, #tpu.memory_space<vmem_shared>> -> memref<96x128xf32, #tpu.memory_space<vmem_shared>>
      %dma_wait3A_162 = arith.constant 0 : i32
      %dma_wait3A_163 = tpu.memref_slice %arg13[%add3A_9, %dma_wait3A_162] : memref<10112x128xf32, #tpu.memory_space<vmem_shared>> -> memref<96x128xf32, #tpu.memory_space<vmem_shared>>
      %dma_wait3A_164 = arith.constant 0 : i32
      %dma_wait3A_165 = arith.constant 0 : i32
      %dma_wait3A_166 = tpu.memref_slice %arg12[%run_scoped3A, %dma_wait3A_164, %dma_wait3A_165] : memref<3x96x128xf32, #tpu.memory_space<vmem>> -> memref<1x96x128xf32, #tpu.memory_space<vmem>>
      %dma_wait3A_167 = tpu.memref_squeeze %dma_wait3A_166 : memref<1x96x128xf32, #tpu.memory_space<vmem>> -> memref<96x128xf32, #tpu.memory_space<vmem>>
      tpu.wait_dma2 semaphore(%run_scoped3A_143 : memref<!tpu.dma_semaphore, #tpu.memory_space<semaphore_mem>>) src(%dma_wait3A_167 : memref<96x128xf32, #tpu.memory_space<vmem>>) dst(%dma_wait3A_163 : memref<96x128xf32, #tpu.memory_space<vmem_shared>>)
      tpu.yield
    }) : () -> ()
    %mul3A_10 = arith.constant 632 : i32
    %mul3A_11 = arith.muli %arg1, %mul3A_10 : i32
    %add3A_12 = arith.constant 96 : i32
    %add3A_13 = arith.addi %mul3A_11, %add3A_12 : i32
    %run_scoped3A_14 = arith.constant 0 : i32
    "tpu.region"() ({
      %run_scoped3A_143 = tpu.sem_alloc : memref<!tpu.dma_semaphore, #tpu.memory_space<semaphore_mem>>
      %dma_start3A_144 = arith.constant 0 : i32
      %dma_start3A_145 = arith.constant 0 : i32
      %dma_start3A_146 = tpu.memref_slice %arg12[%run_scoped3A_14, %dma_start3A_144, %dma_start3A_145] : memref<3x96x128xf32, #tpu.memory_space<vmem>> -> memref<1x96x128xf32, #tpu.memory_space<vmem>>
      %dma_start3A_147 = tpu.memref_squeeze %dma_start3A_146 : memref<1x96x128xf32, #tpu.memory_space<vmem>> -> memref<96x128xf32, #tpu.memory_space<vmem>>
      %dma_start3A_148 = arith.constant 0 : i32
      %dma_start3A_149 = tpu.memref_slice %arg13[%add3A_13, %dma_start3A_148] : memref<10112x128xf32, #tpu.memory_space<vmem_shared>> -> memref<96x128xf32, #tpu.memory_space<vmem_shared>>
      %dma_start3A_150 = arith.constant 0 : i32
      %dma_start3A_151 = tpu.memref_slice %arg13[%add3A_13, %dma_start3A_150] : memref<10112x128xf32, #tpu.memory_space<vmem_shared>> -> memref<96x128xf32, #tpu.memory_space<vmem_shared>>
      %dma_start3A_152 = arith.constant 0 : i32
      %dma_start3A_153 = arith.constant 0 : i32
      %dma_start3A_154 = tpu.memref_slice %arg12[%run_scoped3A_14, %dma_start3A_152, %dma_start3A_153] : memref<3x96x128xf32, #tpu.memory_space<vmem>> -> memref<1x96x128xf32, #tpu.memory_space<vmem>>
      %dma_start3A_155 = tpu.memref_squeeze %dma_start3A_154 : memref<1x96x128xf32, #tpu.memory_space<vmem>> -> memref<96x128xf32, #tpu.memory_space<vmem>>
      tpu.enqueue_dma source(%dma_start3A_155 : memref<96x128xf32, #tpu.memory_space<vmem>>) target(%dma_start3A_151 : memref<96x128xf32, #tpu.memory_space<vmem_shared>>) target_semaphore(%run_scoped3A_143 : memref<!tpu.dma_semaphore, #tpu.memory_space<semaphore_mem>>)
      %dma_wait3A_156 = arith.constant 0 : i32
      %dma_wait3A_157 = arith.constant 0 : i32
      %dma_wait3A_158 = tpu.memref_slice %arg12[%run_scoped3A_14, %dma_wait3A_156, %dma_wait3A_157] : memref<3x96x128xf32, #tpu.memory_space<vmem>> -> memref<1x96x128xf32, #tpu.memory_space<vmem>>
      %dma_wait3A_159 = tpu.memref_squeeze %dma_wait3A_158 : memref<1x96x128xf32, #tpu.memory_space<vmem>> -> memref<96x128xf32, #tpu.memory_space<vmem>>
      %dma_wait3A_160 = arith.constant 0 : i32
      %dma_wait3A_161 = tpu.memref_slice %arg13[%add3A_13, %dma_wait3A_160] : memref<10112x128xf32, #tpu.memory_space<vmem_shared>> -> memref<96x128xf32, #tpu.memory_space<vmem_shared>>
      %dma_wait3A_162 = arith.constant 0 : i32
      %dma_wait3A_163 = tpu.memref_slice %arg13[%add3A_13, %dma_wait3A_162] : memref<10112x128xf32, #tpu.memory_space<vmem_shared>> -> memref<96x128xf32, #tpu.memory_space<vmem_shared>>
      %dma_wait3A_164 = arith.constant 0 : i32
      %dma_wait3A_165 = arith.constant 0 : i32
      %dma_wait3A_166 = tpu.memref_slice %arg12[%run_scoped3A_14, %dma_wait3A_164, %dma_wait3A_165] : memref<3x96x128xf32, #tpu.memory_space<vmem>> -> memref<1x96x128xf32, #tpu.memory_space<vmem>>
      %dma_wait3A_167 = tpu.memref_squeeze %dma_wait3A_166 : memref<1x96x128xf32, #tpu.memory_space<vmem>> -> memref<96x128xf32, #tpu.memory_space<vmem>>
      tpu.wait_dma2 semaphore(%run_scoped3A_143 : memref<!tpu.dma_semaphore, #tpu.memory_space<semaphore_mem>>) src(%dma_wait3A_167 : memref<96x128xf32, #tpu.memory_space<vmem>>) dst(%dma_wait3A_163 : memref<96x128xf32, #tpu.memory_space<vmem_shared>>)
      tpu.yield
    }) : () -> ()
    %mul3A_15 = arith.constant 632 : i32
    %mul3A_16 = arith.muli %arg1, %mul3A_15 : i32
    %add3A_17 = arith.constant 192 : i32
    %add3A_18 = arith.addi %mul3A_16, %add3A_17 : i32
    %run_scoped3A_19 = arith.constant 0 : i32
    "tpu.region"() ({
      %run_scoped3A_143 = tpu.sem_alloc : memref<!tpu.dma_semaphore, #tpu.memory_space<semaphore_mem>>
      %dma_start3A_144 = arith.constant 0 : i32
      %dma_start3A_145 = arith.constant 0 : i32
      %dma_start3A_146 = tpu.memref_slice %arg12[%run_scoped3A_19, %dma_start3A_144, %dma_start3A_145] : memref<3x96x128xf32, #tpu.memory_space<vmem>> -> memref<1x96x128xf32, #tpu.memory_space<vmem>>
      %dma_start3A_147 = tpu.memref_squeeze %dma_start3A_146 : memref<1x96x128xf32, #tpu.memory_space<vmem>> -> memref<96x128xf32, #tpu.memory_space<vmem>>
      %dma_start3A_148 = arith.constant 0 : i32
      %dma_start3A_149 = tpu.memref_slice %arg13[%add3A_18, %dma_start3A_148] : memref<10112x128xf32, #tpu.memory_space<vmem_shared>> -> memref<96x128xf32, #tpu.memory_space<vmem_shared>>
      %dma_start3A_150 = arith.constant 0 : i32
      %dma_start3A_151 = tpu.memref_slice %arg13[%add3A_18, %dma_start3A_150] : memref<10112x128xf32, #tpu.memory_space<vmem_shared>> -> memref<96x128xf32, #tpu.memory_space<vmem_shared>>
      %dma_start3A_152 = arith.constant 0 : i32
      %dma_start3A_153 = arith.constant 0 : i32
      %dma_start3A_154 = tpu.memref_slice %arg12[%run_scoped3A_19, %dma_start3A_152, %dma_start3A_153] : memref<3x96x128xf32, #tpu.memory_space<vmem>> -> memref<1x96x128xf32, #tpu.memory_space<vmem>>
      %dma_start3A_155 = tpu.memref_squeeze %dma_start3A_154 : memref<1x96x128xf32, #tpu.memory_space<vmem>> -> memref<96x128xf32, #tpu.memory_space<vmem>>
      tpu.enqueue_dma source(%dma_start3A_155 : memref<96x128xf32, #tpu.memory_space<vmem>>) target(%dma_start3A_151 : memref<96x128xf32, #tpu.memory_space<vmem_shared>>) target_semaphore(%run_scoped3A_143 : memref<!tpu.dma_semaphore, #tpu.memory_space<semaphore_mem>>)
      %dma_wait3A_156 = arith.constant 0 : i32
      %dma_wait3A_157 = arith.constant 0 : i32
      %dma_wait3A_158 = tpu.memref_slice %arg12[%run_scoped3A_19, %dma_wait3A_156, %dma_wait3A_157] : memref<3x96x128xf32, #tpu.memory_space<vmem>> -> memref<1x96x128xf32, #tpu.memory_space<vmem>>
      %dma_wait3A_159 = tpu.memref_squeeze %dma_wait3A_158 : memref<1x96x128xf32, #tpu.memory_space<vmem>> -> memref<96x128xf32, #tpu.memory_space<vmem>>
      %dma_wait3A_160 = arith.constant 0 : i32
      %dma_wait3A_161 = tpu.memref_slice %arg13[%add3A_18, %dma_wait3A_160] : memref<10112x128xf32, #tpu.memory_space<vmem_shared>> -> memref<96x128xf32, #tpu.memory_space<vmem_shared>>
      %dma_wait3A_162 = arith.constant 0 : i32
      %dma_wait3A_163 = tpu.memref_slice %arg13[%add3A_18, %dma_wait3A_162] : memref<10112x128xf32, #tpu.memory_space<vmem_shared>> -> memref<96x128xf32, #tpu.memory_space<vmem_shared>>
      %dma_wait3A_164 = arith.constant 0 : i32
      %dma_wait3A_165 = arith.constant 0 : i32
      %dma_wait3A_166 = tpu.memref_slice %arg12[%run_scoped3A_19, %dma_wait3A_164, %dma_wait3A_165] : memref<3x96x128xf32, #tpu.memory_space<vmem>> -> memref<1x96x128xf32, #tpu.memory_space<vmem>>
      %dma_wait3A_167 = tpu.memref_squeeze %dma_wait3A_166 : memref<1x96x128xf32, #tpu.memory_space<vmem>> -> memref<96x128xf32, #tpu.memory_space<vmem>>
      tpu.wait_dma2 semaphore(%run_scoped3A_143 : memref<!tpu.dma_semaphore, #tpu.memory_space<semaphore_mem>>) src(%dma_wait3A_167 : memref<96x128xf32, #tpu.memory_space<vmem>>) dst(%dma_wait3A_163 : memref<96x128xf32, #tpu.memory_space<vmem_shared>>)
      tpu.yield
    }) : () -> ()
    %mul3A_20 = arith.constant 632 : i32
    %mul3A_21 = arith.muli %arg1, %mul3A_20 : i32
    %add3A_22 = arith.constant 288 : i32
    %add3A_23 = arith.addi %mul3A_21, %add3A_22 : i32
    %run_scoped3A_24 = arith.constant 0 : i32
    "tpu.region"() ({
      %run_scoped3A_143 = tpu.sem_alloc : memref<!tpu.dma_semaphore, #tpu.memory_space<semaphore_mem>>
      %dma_start3A_144 = arith.constant 0 : i32
      %dma_start3A_145 = arith.constant 0 : i32
      %dma_start3A_146 = tpu.memref_slice %arg12[%run_scoped3A_24, %dma_start3A_144, %dma_start3A_145] : memref<3x96x128xf32, #tpu.memory_space<vmem>> -> memref<1x96x128xf32, #tpu.memory_space<vmem>>
      %dma_start3A_147 = tpu.memref_squeeze %dma_start3A_146 : memref<1x96x128xf32, #tpu.memory_space<vmem>> -> memref<96x128xf32, #tpu.memory_space<vmem>>
      %dma_start3A_148 = arith.constant 0 : i32
      %dma_start3A_149 = tpu.memref_slice %arg13[%add3A_23, %dma_start3A_148] : memref<10112x128xf32, #tpu.memory_space<vmem_shared>> -> memref<96x128xf32, #tpu.memory_space<vmem_shared>>
      %dma_start3A_150 = arith.constant 0 : i32
      %dma_start3A_151 = tpu.memref_slice %arg13[%add3A_23, %dma_start3A_150] : memref<10112x128xf32, #tpu.memory_space<vmem_shared>> -> memref<96x128xf32, #tpu.memory_space<vmem_shared>>
      %dma_start3A_152 = arith.constant 0 : i32
      %dma_start3A_153 = arith.constant 0 : i32
      %dma_start3A_154 = tpu.memref_slice %arg12[%run_scoped3A_24, %dma_start3A_152, %dma_start3A_153] : memref<3x96x128xf32, #tpu.memory_space<vmem>> -> memref<1x96x128xf32, #tpu.memory_space<vmem>>
      %dma_start3A_155 = tpu.memref_squeeze %dma_start3A_154 : memref<1x96x128xf32, #tpu.memory_space<vmem>> -> memref<96x128xf32, #tpu.memory_space<vmem>>
      tpu.enqueue_dma source(%dma_start3A_155 : memref<96x128xf32, #tpu.memory_space<vmem>>) target(%dma_start3A_151 : memref<96x128xf32, #tpu.memory_space<vmem_shared>>) target_semaphore(%run_scoped3A_143 : memref<!tpu.dma_semaphore, #tpu.memory_space<semaphore_mem>>)
      %dma_wait3A_156 = arith.constant 0 : i32
      %dma_wait3A_157 = arith.constant 0 : i32
      %dma_wait3A_158 = tpu.memref_slice %arg12[%run_scoped3A_24, %dma_wait3A_156, %dma_wait3A_157] : memref<3x96x128xf32, #tpu.memory_space<vmem>> -> memref<1x96x128xf32, #tpu.memory_space<vmem>>
      %dma_wait3A_159 = tpu.memref_squeeze %dma_wait3A_158 : memref<1x96x128xf32, #tpu.memory_space<vmem>> -> memref<96x128xf32, #tpu.memory_space<vmem>>
      %dma_wait3A_160 = arith.constant 0 : i32
      %dma_wait3A_161 = tpu.memref_slice %arg13[%add3A_23, %dma_wait3A_160] : memref<10112x128xf32, #tpu.memory_space<vmem_shared>> -> memref<96x128xf32, #tpu.memory_space<vmem_shared>>
      %dma_wait3A_162 = arith.constant 0 : i32
      %dma_wait3A_163 = tpu.memref_slice %arg13[%add3A_23, %dma_wait3A_162] : memref<10112x128xf32, #tpu.memory_space<vmem_shared>> -> memref<96x128xf32, #tpu.memory_space<vmem_shared>>
      %dma_wait3A_164 = arith.constant 0 : i32
      %dma_wait3A_165 = arith.constant 0 : i32
      %dma_wait3A_166 = tpu.memref_slice %arg12[%run_scoped3A_24, %dma_wait3A_164, %dma_wait3A_165] : memref<3x96x128xf32, #tpu.memory_space<vmem>> -> memref<1x96x128xf32, #tpu.memory_space<vmem>>
      %dma_wait3A_167 = tpu.memref_squeeze %dma_wait3A_166 : memref<1x96x128xf32, #tpu.memory_space<vmem>> -> memref<96x128xf32, #tpu.memory_space<vmem>>
      tpu.wait_dma2 semaphore(%run_scoped3A_143 : memref<!tpu.dma_semaphore, #tpu.memory_space<semaphore_mem>>) src(%dma_wait3A_167 : memref<96x128xf32, #tpu.memory_space<vmem>>) dst(%dma_wait3A_163 : memref<96x128xf32, #tpu.memory_space<vmem_shared>>)
      tpu.yield
    }) : () -> ()
    %mul3A_25 = arith.constant 632 : i32
    %mul3A_26 = arith.muli %arg1, %mul3A_25 : i32
    %add3A_27 = arith.constant 384 : i32
    %add3A_28 = arith.addi %mul3A_26, %add3A_27 : i32
    %run_scoped3A_29 = arith.constant 0 : i32
    "tpu.region"() ({
      %run_scoped3A_143 = tpu.sem_alloc : memref<!tpu.dma_semaphore, #tpu.memory_space<semaphore_mem>>
      %dma_start3A_144 = arith.constant 0 : i32
      %dma_start3A_145 = arith.constant 0 : i32
      %dma_start3A_146 = tpu.memref_slice %arg12[%run_scoped3A_29, %dma_start3A_144, %dma_start3A_145] : memref<3x96x128xf32, #tpu.memory_space<vmem>> -> memref<1x96x128xf32, #tpu.memory_space<vmem>>
      %dma_start3A_147 = tpu.memref_squeeze %dma_start3A_146 : memref<1x96x128xf32, #tpu.memory_space<vmem>> -> memref<96x128xf32, #tpu.memory_space<vmem>>
      %dma_start3A_148 = arith.constant 0 : i32
      %dma_start3A_149 = tpu.memref_slice %arg13[%add3A_28, %dma_start3A_148] : memref<10112x128xf32, #tpu.memory_space<vmem_shared>> -> memref<96x128xf32, #tpu.memory_space<vmem_shared>>
      %dma_start3A_150 = arith.constant 0 : i32
      %dma_start3A_151 = tpu.memref_slice %arg13[%add3A_28, %dma_start3A_150] : memref<10112x128xf32, #tpu.memory_space<vmem_shared>> -> memref<96x128xf32, #tpu.memory_space<vmem_shared>>
      %dma_start3A_152 = arith.constant 0 : i32
      %dma_start3A_153 = arith.constant 0 : i32
      %dma_start3A_154 = tpu.memref_slice %arg12[%run_scoped3A_29, %dma_start3A_152, %dma_start3A_153] : memref<3x96x128xf32, #tpu.memory_space<vmem>> -> memref<1x96x128xf32, #tpu.memory_space<vmem>>
      %dma_start3A_155 = tpu.memref_squeeze %dma_start3A_154 : memref<1x96x128xf32, #tpu.memory_space<vmem>> -> memref<96x128xf32, #tpu.memory_space<vmem>>
      tpu.enqueue_dma source(%dma_start3A_155 : memref<96x128xf32, #tpu.memory_space<vmem>>) target(%dma_start3A_151 : memref<96x128xf32, #tpu.memory_space<vmem_shared>>) target_semaphore(%run_scoped3A_143 : memref<!tpu.dma_semaphore, #tpu.memory_space<semaphore_mem>>)
      %dma_wait3A_156 = arith.constant 0 : i32
      %dma_wait3A_157 = arith.constant 0 : i32
      %dma_wait3A_158 = tpu.memref_slice %arg12[%run_scoped3A_29, %dma_wait3A_156, %dma_wait3A_157] : memref<3x96x128xf32, #tpu.memory_space<vmem>> -> memref<1x96x128xf32, #tpu.memory_space<vmem>>
      %dma_wait3A_159 = tpu.memref_squeeze %dma_wait3A_158 : memref<1x96x128xf32, #tpu.memory_space<vmem>> -> memref<96x128xf32, #tpu.memory_space<vmem>>
      %dma_wait3A_160 = arith.constant 0 : i32
      %dma_wait3A_161 = tpu.memref_slice %arg13[%add3A_28, %dma_wait3A_160] : memref<10112x128xf32, #tpu.memory_space<vmem_shared>> -> memref<96x128xf32, #tpu.memory_space<vmem_shared>>
      %dma_wait3A_162 = arith.constant 0 : i32
      %dma_wait3A_163 = tpu.memref_slice %arg13[%add3A_28, %dma_wait3A_162] : memref<10112x128xf32, #tpu.memory_space<vmem_shared>> -> memref<96x128xf32, #tpu.memory_space<vmem_shared>>
      %dma_wait3A_164 = arith.constant 0 : i32
      %dma_wait3A_165 = arith.constant 0 : i32
      %dma_wait3A_166 = tpu.memref_slice %arg12[%run_scoped3A_29, %dma_wait3A_164, %dma_wait3A_165] : memref<3x96x128xf32, #tpu.memory_space<vmem>> -> memref<1x96x128xf32, #tpu.memory_space<vmem>>
      %dma_wait3A_167 = tpu.memref_squeeze %dma_wait3A_166 : memref<1x96x128xf32, #tpu.memory_space<vmem>> -> memref<96x128xf32, #tpu.memory_space<vmem>>
      tpu.wait_dma2 semaphore(%run_scoped3A_143 : memref<!tpu.dma_semaphore, #tpu.memory_space<semaphore_mem>>) src(%dma_wait3A_167 : memref<96x128xf32, #tpu.memory_space<vmem>>) dst(%dma_wait3A_163 : memref<96x128xf32, #tpu.memory_space<vmem_shared>>)
      tpu.yield
    }) : () -> ()
    %mul3A_30 = arith.constant 632 : i32
    %mul3A_31 = arith.muli %arg1, %mul3A_30 : i32
    %add3A_32 = arith.constant 480 : i32
    %add3A_33 = arith.addi %mul3A_31, %add3A_32 : i32
    %run_scoped3A_34 = arith.constant 0 : i32
    "tpu.region"() ({
      %run_scoped3A_143 = tpu.sem_alloc : memref<!tpu.dma_semaphore, #tpu.memory_space<semaphore_mem>>
      %dma_start3A_144 = arith.constant 0 : i32
      %dma_start3A_145 = arith.constant 0 : i32
      %dma_start3A_146 = tpu.memref_slice %arg12[%run_scoped3A_34, %dma_start3A_144, %dma_start3A_145] : memref<3x96x128xf32, #tpu.memory_space<vmem>> -> memref<1x96x128xf32, #tpu.memory_space<vmem>>
      %dma_start3A_147 = tpu.memref_squeeze %dma_start3A_146 : memref<1x96x128xf32, #tpu.memory_space<vmem>> -> memref<96x128xf32, #tpu.memory_space<vmem>>
      %dma_start3A_148 = arith.constant 0 : i32
      %dma_start3A_149 = tpu.memref_slice %arg13[%add3A_33, %dma_start3A_148] : memref<10112x128xf32, #tpu.memory_space<vmem_shared>> -> memref<96x128xf32, #tpu.memory_space<vmem_shared>>
      %dma_start3A_150 = arith.constant 0 : i32
      %dma_start3A_151 = tpu.memref_slice %arg13[%add3A_33, %dma_start3A_150] : memref<10112x128xf32, #tpu.memory_space<vmem_shared>> -> memref<96x128xf32, #tpu.memory_space<vmem_shared>>
      %dma_start3A_152 = arith.constant 0 : i32
      %dma_start3A_153 = arith.constant 0 : i32
      %dma_start3A_154 = tpu.memref_slice %arg12[%run_scoped3A_34, %dma_start3A_152, %dma_start3A_153] : memref<3x96x128xf32, #tpu.memory_space<vmem>> -> memref<1x96x128xf32, #tpu.memory_space<vmem>>
      %dma_start3A_155 = tpu.memref_squeeze %dma_start3A_154 : memref<1x96x128xf32, #tpu.memory_space<vmem>> -> memref<96x128xf32, #tpu.memory_space<vmem>>
      tpu.enqueue_dma source(%dma_start3A_155 : memref<96x128xf32, #tpu.memory_space<vmem>>) target(%dma_start3A_151 : memref<96x128xf32, #tpu.memory_space<vmem_shared>>) target_semaphore(%run_scoped3A_143 : memref<!tpu.dma_semaphore, #tpu.memory_space<semaphore_mem>>)
      %dma_wait3A_156 = arith.constant 0 : i32
      %dma_wait3A_157 = arith.constant 0 : i32
      %dma_wait3A_158 = tpu.memref_slice %arg12[%run_scoped3A_34, %dma_wait3A_156, %dma_wait3A_157] : memref<3x96x128xf32, #tpu.memory_space<vmem>> -> memref<1x96x128xf32, #tpu.memory_space<vmem>>
      %dma_wait3A_159 = tpu.memref_squeeze %dma_wait3A_158 : memref<1x96x128xf32, #tpu.memory_space<vmem>> -> memref<96x128xf32, #tpu.memory_space<vmem>>
      %dma_wait3A_160 = arith.constant 0 : i32
      %dma_wait3A_161 = tpu.memref_slice %arg13[%add3A_33, %dma_wait3A_160] : memref<10112x128xf32, #tpu.memory_space<vmem_shared>> -> memref<96x128xf32, #tpu.memory_space<vmem_shared>>
      %dma_wait3A_162 = arith.constant 0 : i32
      %dma_wait3A_163 = tpu.memref_slice %arg13[%add3A_33, %dma_wait3A_162] : memref<10112x128xf32, #tpu.memory_space<vmem_shared>> -> memref<96x128xf32, #tpu.memory_space<vmem_shared>>
      %dma_wait3A_164 = arith.constant 0 : i32
      %dma_wait3A_165 = arith.constant 0 : i32
      %dma_wait3A_166 = tpu.memref_slice %arg12[%run_scoped3A_34, %dma_wait3A_164, %dma_wait3A_165] : memref<3x96x128xf32, #tpu.memory_space<vmem>> -> memref<1x96x128xf32, #tpu.memory_space<vmem>>
      %dma_wait3A_167 = tpu.memref_squeeze %dma_wait3A_166 : memref<1x96x128xf32, #tpu.memory_space<vmem>> -> memref<96x128xf32, #tpu.memory_space<vmem>>
      tpu.wait_dma2 semaphore(%run_scoped3A_143 : memref<!tpu.dma_semaphore, #tpu.memory_space<semaphore_mem>>) src(%dma_wait3A_167 : memref<96x128xf32, #tpu.memory_space<vmem>>) dst(%dma_wait3A_163 : memref<96x128xf32, #tpu.memory_space<vmem_shared>>)
      tpu.yield
    }) : () -> ()
    %mul3A_35 = arith.constant 632 : i32
    %mul3A_36 = arith.muli %arg1, %mul3A_35 : i32
    %add3A_37 = arith.constant 576 : i32
    %add3A_38 = arith.addi %mul3A_36, %add3A_37 : i32
    %run_scoped3A_39 = arith.constant 0 : i32
    "tpu.region"() ({
      %run_scoped3A_143 = tpu.sem_alloc : memref<!tpu.dma_semaphore, #tpu.memory_space<semaphore_mem>>
      %dma_start3A_144 = arith.constant 0 : i32
      %dma_start3A_145 = arith.constant 0 : i32
      %dma_start3A_146 = tpu.memref_slice %arg12[%run_scoped3A_39, %dma_start3A_144, %dma_start3A_145] : memref<3x96x128xf32, #tpu.memory_space<vmem>> -> memref<1x56x128xf32, #tpu.memory_space<vmem>>
      %dma_start3A_147 = tpu.memref_squeeze %dma_start3A_146 : memref<1x56x128xf32, #tpu.memory_space<vmem>> -> memref<56x128xf32, #tpu.memory_space<vmem>>
      %dma_start3A_148 = arith.constant 0 : i32
      %dma_start3A_149 = tpu.memref_slice %arg13[%add3A_38, %dma_start3A_148] : memref<10112x128xf32, #tpu.memory_space<vmem_shared>> -> memref<56x128xf32, #tpu.memory_space<vmem_shared>>
      %dma_start3A_150 = arith.constant 0 : i32
      %dma_start3A_151 = tpu.memref_slice %arg13[%add3A_38, %dma_start3A_150] : memref<10112x128xf32, #tpu.memory_space<vmem_shared>> -> memref<56x128xf32, #tpu.memory_space<vmem_shared>>
      %dma_start3A_152 = arith.constant 0 : i32
      %dma_start3A_153 = arith.constant 0 : i32
      %dma_start3A_154 = tpu.memref_slice %arg12[%run_scoped3A_39, %dma_start3A_152, %dma_start3A_153] : memref<3x96x128xf32, #tpu.memory_space<vmem>> -> memref<1x56x128xf32, #tpu.memory_space<vmem>>
      %dma_start3A_155 = tpu.memref_squeeze %dma_start3A_154 : memref<1x56x128xf32, #tpu.memory_space<vmem>> -> memref<56x128xf32, #tpu.memory_space<vmem>>
      tpu.enqueue_dma source(%dma_start3A_155 : memref<56x128xf32, #tpu.memory_space<vmem>>) target(%dma_start3A_151 : memref<56x128xf32, #tpu.memory_space<vmem_shared>>) target_semaphore(%run_scoped3A_143 : memref<!tpu.dma_semaphore, #tpu.memory_space<semaphore_mem>>)
      %dma_wait3A_156 = arith.constant 0 : i32
      %dma_wait3A_157 = arith.constant 0 : i32
      %dma_wait3A_158 = tpu.memref_slice %arg12[%run_scoped3A_39, %dma_wait3A_156, %dma_wait3A_157] : memref<3x96x128xf32, #tpu.memory_space<vmem>> -> memref<1x56x128xf32, #tpu.memory_space<vmem>>
      %dma_wait3A_159 = tpu.memref_squeeze %dma_wait3A_158 : memref<1x56x128xf32, #tpu.memory_space<vmem>> -> memref<56x128xf32, #tpu.memory_space<vmem>>
      %dma_wait3A_160 = arith.constant 0 : i32
      %dma_wait3A_161 = tpu.memref_slice %arg13[%add3A_38, %dma_wait3A_160] : memref<10112x128xf32, #tpu.memory_space<vmem_shared>> -> memref<56x128xf32, #tpu.memory_space<vmem_shared>>
      %dma_wait3A_162 = arith.constant 0 : i32
      %dma_wait3A_163 = tpu.memref_slice %arg13[%add3A_38, %dma_wait3A_162] : memref<10112x128xf32, #tpu.memory_space<vmem_shared>> -> memref<56x128xf32, #tpu.memory_space<vmem_shared>>
      %dma_wait3A_164 = arith.constant 0 : i32
      %dma_wait3A_165 = arith.constant 0 : i32
      %dma_wait3A_166 = tpu.memref_slice %arg12[%run_scoped3A_39, %dma_wait3A_164, %dma_wait3A_165] : memref<3x96x128xf32, #tpu.memory_space<vmem>> -> memref<1x56x128xf32, #tpu.memory_space<vmem>>
      %dma_wait3A_167 = tpu.memref_squeeze %dma_wait3A_166 : memref<1x56x128xf32, #tpu.memory_space<vmem>> -> memref<56x128xf32, #tpu.memory_space<vmem>>
      tpu.wait_dma2 semaphore(%run_scoped3A_143 : memref<!tpu.dma_semaphore, #tpu.memory_space<semaphore_mem>>) src(%dma_wait3A_167 : memref<56x128xf32, #tpu.memory_space<vmem>>) dst(%dma_wait3A_163 : memref<56x128xf32, #tpu.memory_space<vmem_shared>>)
      tpu.yield
    }) : () -> ()
    %barrier3A = arith.constant 0 : index
    tpu.barrier barrier_id(%barrier3A)
    %scan3A_40 = arith.constant 0 : i32
    %scan3A_41 = arith.constant 6 : i32
    %scan3A_42 = arith.addi %scan3A_40, %scan3A_41 : i32
    %scan3A_43 = arith.constant 1 : i32
    scf.for %scan3A_143 = %scan3A_40 to %scan3A_42 step %scan3A_43  : i32 {
      %mul3A_144 = arith.constant 1 : i32
      %mul3A_145 = arith.muli %scan3A_143, %mul3A_144 : i32
      %add3A_146 = arith.constant 0 : i32
      %add3A_147 = arith.addi %add3A_146, %mul3A_145 : i32
      %mul3A_148 = arith.constant 16 : i32
      %mul3A_149 = arith.muli %add3A_147, %mul3A_148 : i32
      %add3A_150 = arith.constant 0 : i32
      %add3A_151 = arith.addi %add3A_150, %mul3A_149 : i32
      %get3A = arith.index_cast %add3A_151 : i32 to index
      %get3A_152 = tpu.vector_load %arg5[%get3A] {strides = array<i32>} : memref<10080xi32, #tpu.memory_space<vmem>>, vector<16xi32>,
      %get3A_153 = vector.shape_cast %get3A_152 : vector<16xi32> to vector<16xi32>
      %and3A = arith.constant 65535 : i32
      %and3A_154 = vector.broadcast %and3A : i32 to vector<16xi32>
      %and3A_155 = arith.andi %get3A_153, %and3A_154 : vector<16xi32>
      %mul3A_156 = arith.constant 16 : i32
      %mul3A_157 = arith.muli %add3A_147, %mul3A_156 : i32
      %swap3A = arith.index_cast %mul3A_157 : i32 to index
      %swap3A_158 = tpu.vector_load %arg6[%swap3A] {strides = array<i32>} : memref<96xi32, #tpu.memory_space<vmem>>, vector<16xi32>,
      %swap3A_159 = vector.shape_cast %swap3A_158 : vector<16xi32> to vector<16xi32>
      %swap3A_160 = vector.shape_cast %and3A_155 : vector<16xi32> to vector<16xi32>
      tpu.vector_store %arg6[%swap3A], %swap3A_160 {strides = array<i32>} : memref<96xi32, #tpu.memory_space<vmem>>, vector<16xi32>,
    }
    %scan3A_44 = arith.constant 6 : i32
    %dma_start3A = arith.constant 0 : i32
    %dma_start3A_45 = arith.constant 0 : i32
    %dma_start3A_46 = arith.constant 0 : i32
    %dma_start3A_47 = tpu.memref_slice %arg12[%dma_start3A, %dma_start3A_45, %dma_start3A_46] : memref<3x96x128xf32, #tpu.memory_space<vmem>> -> memref<1x96x128xf32, #tpu.memory_space<vmem>>
    %dma_start3A_48 = tpu.memref_squeeze %dma_start3A_47 : memref<1x96x128xf32, #tpu.memory_space<vmem>> -> memref<96x128xf32, #tpu.memory_space<vmem>>
    %dma_start3A_49 = arith.constant 0 : i32
    %dma_start3A_50 = arith.constant 0 : i32
    %dma_start3A_51 = tpu.memref_slice %arg2[%dma_start3A_49, %dma_start3A_50] : memref<10000x128xf32, #tpu.memory_space<hbm>> -> memref<10000x128xf32, #tpu.memory_space<hbm>>
    tpu.enqueue_indirect_dma source(%dma_start3A_51 : memref<10000x128xf32, #tpu.memory_space<hbm>>) target(%dma_start3A_48 : memref<96x128xf32, #tpu.memory_space<vmem>>) offsets(%arg6 : memref<96xi32, #tpu.memory_space<vmem>>) semaphore(%arg14 : memref<!tpu.dma_semaphore, #tpu.memory_space<semaphore_mem>>)
    %scan3A_52 = arith.constant 0 : i32
    %scan3A_53 = arith.constant 6 : i32
    %scan3A_54 = arith.addi %scan3A_52, %scan3A_53 : i32
    %scan3A_55 = arith.constant 1 : i32
    scf.for %scan3A_143 = %scan3A_52 to %scan3A_54 step %scan3A_55  : i32 {
      %mul3A_144 = arith.constant 1 : i32
      %mul3A_145 = arith.muli %scan3A_143, %mul3A_144 : i32
      %add3A_146 = arith.constant 0 : i32
      %add3A_147 = arith.addi %add3A_146, %mul3A_145 : i32
      %mul3A_148 = arith.constant 16 : i32
      %mul3A_149 = arith.muli %add3A_147, %mul3A_148 : i32
      %add3A_150 = arith.constant 96 : i32
      %add3A_151 = arith.addi %add3A_150, %mul3A_149 : i32
      %get3A = arith.index_cast %add3A_151 : i32 to index
      %get3A_152 = tpu.vector_load %arg5[%get3A] {strides = array<i32>} : memref<10080xi32, #tpu.memory_space<vmem>>, vector<16xi32>,
      %get3A_153 = vector.shape_cast %get3A_152 : vector<16xi32> to vector<16xi32>
      %and3A = arith.constant 65535 : i32
      %and3A_154 = vector.broadcast %and3A : i32 to vector<16xi32>
      %and3A_155 = arith.andi %get3A_153, %and3A_154 : vector<16xi32>
      %mul3A_156 = arith.constant 16 : i32
      %mul3A_157 = arith.muli %add3A_147, %mul3A_156 : i32
      %swap3A = arith.index_cast %mul3A_157 : i32 to index
      %swap3A_158 = tpu.vector_load %arg7[%swap3A] {strides = array<i32>} : memref<96xi32, #tpu.memory_space<vmem>>, vector<16xi32>,
      %swap3A_159 = vector.shape_cast %swap3A_158 : vector<16xi32> to vector<16xi32>
      %swap3A_160 = vector.shape_cast %and3A_155 : vector<16xi32> to vector<16xi32>
      tpu.vector_store %arg7[%swap3A], %swap3A_160 {strides = array<i32>} : memref<96xi32, #tpu.memory_space<vmem>>, vector<16xi32>,
    }
    %scan3A_56 = arith.constant 6 : i32
    %dma_start3A_57 = arith.constant 1 : i32
    %dma_start3A_58 = arith.constant 0 : i32
    %dma_start3A_59 = arith.constant 0 : i32
    %dma_start3A_60 = tpu.memref_slice %arg12[%dma_start3A_57, %dma_start3A_58, %dma_start3A_59] : memref<3x96x128xf32, #tpu.memory_space<vmem>> -> memref<1x96x128xf32, #tpu.memory_space<vmem>>
    %dma_start3A_61 = tpu.memref_squeeze %dma_start3A_60 : memref<1x96x128xf32, #tpu.memory_space<vmem>> -> memref<96x128xf32, #tpu.memory_space<vmem>>
    %dma_start3A_62 = arith.constant 0 : i32
    %dma_start3A_63 = arith.constant 0 : i32
    %dma_start3A_64 = tpu.memref_slice %arg2[%dma_start3A_62, %dma_start3A_63] : memref<10000x128xf32, #tpu.memory_space<hbm>> -> memref<10000x128xf32, #tpu.memory_space<hbm>>
    tpu.enqueue_indirect_dma source(%dma_start3A_64 : memref<10000x128xf32, #tpu.memory_space<hbm>>) target(%dma_start3A_61 : memref<96x128xf32, #tpu.memory_space<vmem>>) offsets(%arg7 : memref<96xi32, #tpu.memory_space<vmem>>) semaphore(%arg15 : memref<!tpu.dma_semaphore, #tpu.memory_space<semaphore_mem>>)
    %scan3A_65 = arith.constant 0 : i32
    %scan3A_66 = arith.constant 35 : i32
    %scan3A_67 = arith.addi %scan3A_65, %scan3A_66 : i32
    %scan3A_68 = arith.constant 1 : i32
    scf.for %scan3A_143 = %scan3A_65 to %scan3A_67 step %scan3A_68  : i32 {
      %mul3A_144 = arith.constant 3 : i32
      %mul3A_145 = arith.muli %scan3A_143, %mul3A_144 : i32
      %add3A_146 = arith.constant 0 : i32
      %add3A_147 = arith.addi %add3A_146, %mul3A_145 : i32
      %add3A_148 = arith.constant 0 : i32
      %add3A_149 = arith.addi %add3A_147, %add3A_148 : i32
      %dma_wait3A_150 = arith.constant 0 : i32
      %dma_wait3A_151 = arith.constant 0 : i32
      %dma_wait3A_152 = arith.constant 0 : i32
      %dma_wait3A_153 = tpu.memref_slice %arg12[%dma_wait3A_150, %dma_wait3A_151, %dma_wait3A_152] : memref<3x96x128xf32, #tpu.memory_space<vmem>> -> memref<1x96x128xf32, #tpu.memory_space<vmem>>
      %dma_wait3A_154 = tpu.memref_squeeze %dma_wait3A_153 : memref<1x96x128xf32, #tpu.memory_space<vmem>> -> memref<96x128xf32, #tpu.memory_space<vmem>>
      %dma_wait3A_155 = arith.constant 0 : i32
      %dma_wait3A_156 = arith.constant 0 : i32
      %dma_wait3A_157 = tpu.memref_slice %arg2[%dma_wait3A_155, %dma_wait3A_156] : memref<10000x128xf32, #tpu.memory_space<hbm>> -> memref<10000x128xf32, #tpu.memory_space<hbm>>
      tpu.wait_indirect_dma semaphore(%arg14 : memref<!tpu.dma_semaphore, #tpu.memory_space<semaphore_mem>>) src(%dma_wait3A_157 : memref<10000x128xf32, #tpu.memory_space<hbm>>) dst(%dma_wait3A_154 : memref<96x128xf32, #tpu.memory_space<vmem>>)
      %scan3A_158 = arith.constant 0 : i32
      %scan3A_159 = arith.constant 6 : i32
      %scan3A_160 = arith.addi %scan3A_158, %scan3A_159 : i32
      %scan3A_161 = arith.constant 1 : i32
      scf.for %scan3A_235 = %scan3A_158 to %scan3A_160 step %scan3A_161  : i32 {
        %mul3A_236 = arith.constant 1 : i32
        %mul3A_237 = arith.muli %scan3A_235, %mul3A_236 : i32
        %add3A_238 = arith.constant 0 : i32
        %add3A_239 = arith.addi %add3A_238, %mul3A_237 : i32
        %mul3A_240 = arith.constant 96 : i32
        %mul3A_241 = arith.muli %add3A_149, %mul3A_240 : i32
        %mul3A_242 = arith.constant 16 : i32
        %mul3A_243 = arith.muli %add3A_239, %mul3A_242 : i32
        %add3A_244 = arith.addi %mul3A_241, %mul3A_243 : i32
        %get3A = arith.index_cast %add3A_244 : i32 to index
        %get3A_245 = tpu.vector_load %arg5[%get3A] {strides = array<i32>} : memref<10080xi32, #tpu.memory_space<vmem>>, vector<16xi32>,
        %get3A_246 = vector.shape_cast %get3A_245 : vector<16xi32> to vector<16xi32>
        %shift_right_logical3A = arith.constant 16 : i32
        %shift_right_logical3A_247 = vector.broadcast %shift_right_logical3A : i32 to vector<16xi32>
        %shift_right_logical3A_248 = arith.shrui %get3A_246, %shift_right_logical3A_247 : vector<16xi32>
        %mul3A_249 = arith.constant 16 : i32
        %mul3A_250 = arith.muli %add3A_239, %mul3A_249 : i32
        %swap3A = arith.index_cast %mul3A_250 : i32 to index
        %swap3A_251 = tpu.vector_load %arg9[%swap3A] {strides = array<i32>} : memref<96xi32, #tpu.memory_space<vmem>>, vector<16xi32>,
        %swap3A_252 = vector.shape_cast %swap3A_251 : vector<16xi32> to vector<16xi32>
        %swap3A_253 = vector.shape_cast %shift_right_logical3A_248 : vector<16xi32> to vector<16xi32>
        tpu.vector_store %arg9[%swap3A], %swap3A_253 {strides = array<i32>} : memref<96xi32, #tpu.memory_space<vmem>>, vector<16xi32>,
      }
      %scan3A_162 = arith.constant 6 : i32
      %dma_start3A_163 = arith.constant 0 : i32
      %dma_start3A_164 = arith.constant 0 : i32
      %dma_start3A_165 = arith.constant 0 : i32
      %dma_start3A_166 = tpu.memref_slice %arg12[%dma_start3A_163, %dma_start3A_164, %dma_start3A_165] : memref<3x96x128xf32, #tpu.memory_space<vmem>> -> memref<1x96x128xf32, #tpu.memory_space<vmem>>
      %dma_start3A_167 = tpu.memref_squeeze %dma_start3A_166 : memref<1x96x128xf32, #tpu.memory_space<vmem>> -> memref<96x128xf32, #tpu.memory_space<vmem>>
      %dma_start3A_168 = arith.constant 0 : i32
      %dma_start3A_169 = arith.constant 0 : i32
      %dma_start3A_170 = tpu.memref_slice %arg13[%dma_start3A_168, %dma_start3A_169] : memref<10112x128xf32, #tpu.memory_space<vmem_shared>> -> memref<10112x128xf32, #tpu.memory_space<vmem_shared>>
      tpu.enqueue_indirect_dma source(%dma_start3A_167 : memref<96x128xf32, #tpu.memory_space<vmem>>) target(%dma_start3A_170 : memref<10112x128xf32, #tpu.memory_space<vmem_shared>>) offsets(%arg9 : memref<96xi32, #tpu.memory_space<vmem>>) semaphore(%arg17 : memref<!tpu.dma_semaphore, #tpu.memory_space<semaphore_mem>>) {add = true}
      %add3A_171 = arith.constant 2 : i32
      %add3A_172 = arith.addi %add3A_149, %add3A_171 : i32
      %lt3A = arith.constant 105 : i32
      %lt3A_173 = arith.cmpi slt, %add3A_172, %lt3A : i32
      %convert_element_type3A = arith.extui %lt3A_173 : i1 to i32
      %cond3A = arith.constant 0 : i32
      %cond3A_174 = arith.cmpi ne, %convert_element_type3A, %cond3A : i32
      scf.if %cond3A_174 {
        %ge3A = arith.constant 1 : i32
        %ge3A_235 = arith.cmpi sge, %add3A_149, %ge3A : i32
        %convert_element_type3A_236 = arith.extui %ge3A_235 : i1 to i32
        %cond3A_237 = arith.constant 0 : i32
        %cond3A_238 = arith.cmpi ne, %convert_element_type3A_236, %cond3A_237 : i32
        scf.if %cond3A_238 {
          %dma_wait3A_254 = arith.constant 0 : i32
          %dma_wait3A_255 = arith.constant 0 : i32
          %dma_wait3A_256 = arith.constant 0 : i32
          %dma_wait3A_257 = tpu.memref_slice %arg12[%dma_wait3A_254, %dma_wait3A_255, %dma_wait3A_256] : memref<3x96x128xf32, #tpu.memory_space<vmem>> -> memref<1x96x128xf32, #tpu.memory_space<vmem>>
          %dma_wait3A_258 = tpu.memref_squeeze %dma_wait3A_257 : memref<1x96x128xf32, #tpu.memory_space<vmem>> -> memref<96x128xf32, #tpu.memory_space<vmem>>
          %dma_wait3A_259 = arith.constant 0 : i32
          %dma_wait3A_260 = arith.constant 0 : i32
          %dma_wait3A_261 = tpu.memref_slice %arg2[%dma_wait3A_259, %dma_wait3A_260] : memref<10000x128xf32, #tpu.memory_space<hbm>> -> memref<96x128xf32, #tpu.memory_space<hbm>>
          %dma_wait3A_262 = arith.constant 0 : i32
          %dma_wait3A_263 = arith.constant 0 : i32
          %dma_wait3A_264 = tpu.memref_slice %arg12[%dma_wait3A_254, %dma_wait3A_262, %dma_wait3A_263] : memref<3x96x128xf32, #tpu.memory_space<vmem>> -> memref<1x96x128xf32, #tpu.memory_space<vmem>>
          %dma_wait3A_265 = tpu.memref_squeeze %dma_wait3A_264 : memref<1x96x128xf32, #tpu.memory_space<vmem>> -> memref<96x128xf32, #tpu.memory_space<vmem>>
          %dma_wait3A_266 = arith.constant 0 : i32
          %dma_wait3A_267 = arith.constant 0 : i32
          %dma_wait3A_268 = tpu.memref_slice %arg2[%dma_wait3A_266, %dma_wait3A_267] : memref<10000x128xf32, #tpu.memory_space<hbm>> -> memref<96x128xf32, #tpu.memory_space<hbm>>
          tpu.wait_dma2 semaphore(%arg17 : memref<!tpu.dma_semaphore, #tpu.memory_space<semaphore_mem>>) src(%dma_wait3A_268 : memref<96x128xf32, #tpu.memory_space<hbm>>) dst(%dma_wait3A_265 : memref<96x128xf32, #tpu.memory_space<vmem>>)
        } else {
        }
        %add3A_239 = arith.constant 2 : i32
        %add3A_240 = arith.addi %add3A_149, %add3A_239 : i32
        %scan3A_241 = arith.constant 0 : i32
        %scan3A_242 = arith.constant 6 : i32
        %scan3A_243 = arith.addi %scan3A_241, %scan3A_242 : i32
        %scan3A_244 = arith.constant 1 : i32
        scf.for %scan3A_254 = %scan3A_241 to %scan3A_243 step %scan3A_244  : i32 {
          %mul3A_255 = arith.constant 1 : i32
          %mul3A_256 = arith.muli %scan3A_254, %mul3A_255 : i32
          %add3A_257 = arith.constant 0 : i32
          %add3A_258 = arith.addi %add3A_257, %mul3A_256 : i32
          %mul3A_259 = arith.constant 96 : i32
          %mul3A_260 = arith.muli %add3A_240, %mul3A_259 : i32
          %mul3A_261 = arith.constant 16 : i32
          %mul3A_262 = arith.muli %add3A_258, %mul3A_261 : i32
          %add3A_263 = arith.addi %mul3A_260, %mul3A_262 : i32
          %get3A = arith.index_cast %add3A_263 : i32 to index
          %get3A_264 = tpu.vector_load %arg5[%get3A] {strides = array<i32>} : memref<10080xi32, #tpu.memory_space<vmem>>, vector<16xi32>,
          %get3A_265 = vector.shape_cast %get3A_264 : vector<16xi32> to vector<16xi32>
          %and3A = arith.constant 65535 : i32
          %and3A_266 = vector.broadcast %and3A : i32 to vector<16xi32>
          %and3A_267 = arith.andi %get3A_265, %and3A_266 : vector<16xi32>
          %mul3A_268 = arith.constant 16 : i32
          %mul3A_269 = arith.muli %add3A_258, %mul3A_268 : i32
          %swap3A = arith.index_cast %mul3A_269 : i32 to index
          %swap3A_270 = tpu.vector_load %arg8[%swap3A] {strides = array<i32>} : memref<96xi32, #tpu.memory_space<vmem>>, vector<16xi32>,
          %swap3A_271 = vector.shape_cast %swap3A_270 : vector<16xi32> to vector<16xi32>
          %swap3A_272 = vector.shape_cast %and3A_267 : vector<16xi32> to vector<16xi32>
          tpu.vector_store %arg8[%swap3A], %swap3A_272 {strides = array<i32>} : memref<96xi32, #tpu.memory_space<vmem>>, vector<16xi32>,
        }
        %scan3A_245 = arith.constant 6 : i32
        %dma_start3A_246 = arith.constant 2 : i32
        %dma_start3A_247 = arith.constant 0 : i32
        %dma_start3A_248 = arith.constant 0 : i32
        %dma_start3A_249 = tpu.memref_slice %arg12[%dma_start3A_246, %dma_start3A_247, %dma_start3A_248] : memref<3x96x128xf32, #tpu.memory_space<vmem>> -> memref<1x96x128xf32, #tpu.memory_space<vmem>>
        %dma_start3A_250 = tpu.memref_squeeze %dma_start3A_249 : memref<1x96x128xf32, #tpu.memory_space<vmem>> -> memref<96x128xf32, #tpu.memory_space<vmem>>
        %dma_start3A_251 = arith.constant 0 : i32
        %dma_start3A_252 = arith.constant 0 : i32
        %dma_start3A_253 = tpu.memref_slice %arg2[%dma_start3A_251, %dma_start3A_252] : memref<10000x128xf32, #tpu.memory_space<hbm>> -> memref<10000x128xf32, #tpu.memory_space<hbm>>
        tpu.enqueue_indirect_dma source(%dma_start3A_253 : memref<10000x128xf32, #tpu.memory_space<hbm>>) target(%dma_start3A_250 : memref<96x128xf32, #tpu.memory_space<vmem>>) offsets(%arg8 : memref<96xi32, #tpu.memory_space<vmem>>) semaphore(%arg16 : memref<!tpu.dma_semaphore, #tpu.memory_space<semaphore_mem>>)
      } else {
      }
      %add3A_175 = arith.constant 1 : i32
      %add3A_176 = arith.addi %add3A_147, %add3A_175 : i32
      %dma_wait3A_177 = arith.constant 1 : i32
      %dma_wait3A_178 = arith.constant 0 : i32
      %dma_wait3A_179 = arith.constant 0 : i32
      %dma_wait3A_180 = tpu.memref_slice %arg12[%dma_wait3A_177, %dma_wait3A_178, %dma_wait3A_179] : memref<3x96x128xf32, #tpu.memory_space<vmem>> -> memref<1x96x128xf32, #tpu.memory_space<vmem>>
      %dma_wait3A_181 = tpu.memref_squeeze %dma_wait3A_180 : memref<1x96x128xf32, #tpu.memory_space<vmem>> -> memref<96x128xf32, #tpu.memory_space<vmem>>
      %dma_wait3A_182 = arith.constant 0 : i32
      %dma_wait3A_183 = arith.constant 0 : i32
      %dma_wait3A_184 = tpu.memref_slice %arg2[%dma_wait3A_182, %dma_wait3A_183] : memref<10000x128xf32, #tpu.memory_space<hbm>> -> memref<10000x128xf32, #tpu.memory_space<hbm>>
      tpu.wait_indirect_dma semaphore(%arg15 : memref<!tpu.dma_semaphore, #tpu.memory_space<semaphore_mem>>) src(%dma_wait3A_184 : memref<10000x128xf32, #tpu.memory_space<hbm>>) dst(%dma_wait3A_181 : memref<96x128xf32, #tpu.memory_space<vmem>>)
      %scan3A_185 = arith.constant 0 : i32
      %scan3A_186 = arith.constant 6 : i32
      %scan3A_187 = arith.addi %scan3A_185, %scan3A_186 : i32
      %scan3A_188 = arith.constant 1 : i32
      scf.for %scan3A_235 = %scan3A_185 to %scan3A_187 step %scan3A_188  : i32 {
        %mul3A_236 = arith.constant 1 : i32
        %mul3A_237 = arith.muli %scan3A_235, %mul3A_236 : i32
        %add3A_238 = arith.constant 0 : i32
        %add3A_239 = arith.addi %add3A_238, %mul3A_237 : i32
        %mul3A_240 = arith.constant 96 : i32
        %mul3A_241 = arith.muli %add3A_176, %mul3A_240 : i32
        %mul3A_242 = arith.constant 16 : i32
        %mul3A_243 = arith.muli %add3A_239, %mul3A_242 : i32
        %add3A_244 = arith.addi %mul3A_241, %mul3A_243 : i32
        %get3A = arith.index_cast %add3A_244 : i32 to index
        %get3A_245 = tpu.vector_load %arg5[%get3A] {strides = array<i32>} : memref<10080xi32, #tpu.memory_space<vmem>>, vector<16xi32>,
        %get3A_246 = vector.shape_cast %get3A_245 : vector<16xi32> to vector<16xi32>
        %shift_right_logical3A = arith.constant 16 : i32
        %shift_right_logical3A_247 = vector.broadcast %shift_right_logical3A : i32 to vector<16xi32>
        %shift_right_logical3A_248 = arith.shrui %get3A_246, %shift_right_logical3A_247 : vector<16xi32>
        %mul3A_249 = arith.constant 16 : i32
        %mul3A_250 = arith.muli %add3A_239, %mul3A_249 : i32
        %swap3A = arith.index_cast %mul3A_250 : i32 to index
        %swap3A_251 = tpu.vector_load %arg10[%swap3A] {strides = array<i32>} : memref<96xi32, #tpu.memory_space<vmem>>, vector<16xi32>,
        %swap3A_252 = vector.shape_cast %swap3A_251 : vector<16xi32> to vector<16xi32>
        %swap3A_253 = vector.shape_cast %shift_right_logical3A_248 : vector<16xi32> to vector<16xi32>
        tpu.vector_store %arg10[%swap3A], %swap3A_253 {strides = array<i32>} : memref<96xi32, #tpu.memory_space<vmem>>, vector<16xi32>,
      }
      %scan3A_189 = arith.constant 6 : i32
      %dma_start3A_190 = arith.constant 1 : i32
      %dma_start3A_191 = arith.constant 0 : i32
      %dma_start3A_192 = arith.constant 0 : i32
      %dma_start3A_193 = tpu.memref_slice %arg12[%dma_start3A_190, %dma_start3A_191, %dma_start3A_192] : memref<3x96x128xf32, #tpu.memory_space<vmem>> -> memref<1x96x128xf32, #tpu.memory_space<vmem>>
      %dma_start3A_194 = tpu.memref_squeeze %dma_start3A_193 : memref<1x96x128xf32, #tpu.memory_space<vmem>> -> memref<96x128xf32, #tpu.memory_space<vmem>>
      %dma_start3A_195 = arith.constant 0 : i32
      %dma_start3A_196 = arith.constant 0 : i32
      %dma_start3A_197 = tpu.memref_slice %arg13[%dma_start3A_195, %dma_start3A_196] : memref<10112x128xf32, #tpu.memory_space<vmem_shared>> -> memref<10112x128xf32, #tpu.memory_space<vmem_shared>>
      tpu.enqueue_indirect_dma source(%dma_start3A_194 : memref<96x128xf32, #tpu.memory_space<vmem>>) target(%dma_start3A_197 : memref<10112x128xf32, #tpu.memory_space<vmem_shared>>) offsets(%arg10 : memref<96xi32, #tpu.memory_space<vmem>>) semaphore(%arg17 : memref<!tpu.dma_semaphore, #tpu.memory_space<semaphore_mem>>) {add = true}
      %add3A_198 = arith.constant 2 : i32
      %add3A_199 = arith.addi %add3A_176, %add3A_198 : i32
      %lt3A_200 = arith.constant 105 : i32
      %lt3A_201 = arith.cmpi slt, %add3A_199, %lt3A_200 : i32
      %convert_element_type3A_202 = arith.extui %lt3A_201 : i1 to i32
      %cond3A_203 = arith.constant 0 : i32
      %cond3A_204 = arith.cmpi ne, %convert_element_type3A_202, %cond3A_203 : i32
      scf.if %cond3A_204 {
        %ge3A = arith.constant 1 : i32
        %ge3A_235 = arith.cmpi sge, %add3A_176, %ge3A : i32
        %convert_element_type3A_236 = arith.extui %ge3A_235 : i1 to i32
        %cond3A_237 = arith.constant 0 : i32
        %cond3A_238 = arith.cmpi ne, %convert_element_type3A_236, %cond3A_237 : i32
        scf.if %cond3A_238 {
          %dma_wait3A_254 = arith.constant 0 : i32
          %dma_wait3A_255 = arith.constant 0 : i32
          %dma_wait3A_256 = arith.constant 0 : i32
          %dma_wait3A_257 = tpu.memref_slice %arg12[%dma_wait3A_254, %dma_wait3A_255, %dma_wait3A_256] : memref<3x96x128xf32, #tpu.memory_space<vmem>> -> memref<1x96x128xf32, #tpu.memory_space<vmem>>
          %dma_wait3A_258 = tpu.memref_squeeze %dma_wait3A_257 : memref<1x96x128xf32, #tpu.memory_space<vmem>> -> memref<96x128xf32, #tpu.memory_space<vmem>>
          %dma_wait3A_259 = arith.constant 0 : i32
          %dma_wait3A_260 = arith.constant 0 : i32
          %dma_wait3A_261 = tpu.memref_slice %arg2[%dma_wait3A_259, %dma_wait3A_260] : memref<10000x128xf32, #tpu.memory_space<hbm>> -> memref<96x128xf32, #tpu.memory_space<hbm>>
          %dma_wait3A_262 = arith.constant 0 : i32
          %dma_wait3A_263 = arith.constant 0 : i32
          %dma_wait3A_264 = tpu.memref_slice %arg12[%dma_wait3A_254, %dma_wait3A_262, %dma_wait3A_263] : memref<3x96x128xf32, #tpu.memory_space<vmem>> -> memref<1x96x128xf32, #tpu.memory_space<vmem>>
          %dma_wait3A_265 = tpu.memref_squeeze %dma_wait3A_264 : memref<1x96x128xf32, #tpu.memory_space<vmem>> -> memref<96x128xf32, #tpu.memory_space<vmem>>
          %dma_wait3A_266 = arith.constant 0 : i32
          %dma_wait3A_267 = arith.constant 0 : i32
          %dma_wait3A_268 = tpu.memref_slice %arg2[%dma_wait3A_266, %dma_wait3A_267] : memref<10000x128xf32, #tpu.memory_space<hbm>> -> memref<96x128xf32, #tpu.memory_space<hbm>>
          tpu.wait_dma2 semaphore(%arg17 : memref<!tpu.dma_semaphore, #tpu.memory_space<semaphore_mem>>) src(%dma_wait3A_268 : memref<96x128xf32, #tpu.memory_space<hbm>>) dst(%dma_wait3A_265 : memref<96x128xf32, #tpu.memory_space<vmem>>)
        } else {
        }
        %add3A_239 = arith.constant 2 : i32
        %add3A_240 = arith.addi %add3A_176, %add3A_239 : i32
        %scan3A_241 = arith.constant 0 : i32
        %scan3A_242 = arith.constant 6 : i32
        %scan3A_243 = arith.addi %scan3A_241, %scan3A_242 : i32
        %scan3A_244 = arith.constant 1 : i32
        scf.for %scan3A_254 = %scan3A_241 to %scan3A_243 step %scan3A_244  : i32 {
          %mul3A_255 = arith.constant 1 : i32
          %mul3A_256 = arith.muli %scan3A_254, %mul3A_255 : i32
          %add3A_257 = arith.constant 0 : i32
          %add3A_258 = arith.addi %add3A_257, %mul3A_256 : i32
          %mul3A_259 = arith.constant 96 : i32
          %mul3A_260 = arith.muli %add3A_240, %mul3A_259 : i32
          %mul3A_261 = arith.constant 16 : i32
          %mul3A_262 = arith.muli %add3A_258, %mul3A_261 : i32
          %add3A_263 = arith.addi %mul3A_260, %mul3A_262 : i32
          %get3A = arith.index_cast %add3A_263 : i32 to index
          %get3A_264 = tpu.vector_load %arg5[%get3A] {strides = array<i32>} : memref<10080xi32, #tpu.memory_space<vmem>>, vector<16xi32>,
          %get3A_265 = vector.shape_cast %get3A_264 : vector<16xi32> to vector<16xi32>
          %and3A = arith.constant 65535 : i32
          %and3A_266 = vector.broadcast %and3A : i32 to vector<16xi32>
          %and3A_267 = arith.andi %get3A_265, %and3A_266 : vector<16xi32>
          %mul3A_268 = arith.constant 16 : i32
          %mul3A_269 = arith.muli %add3A_258, %mul3A_268 : i32
          %swap3A = arith.index_cast %mul3A_269 : i32 to index
          %swap3A_270 = tpu.vector_load %arg6[%swap3A] {strides = array<i32>} : memref<96xi32, #tpu.memory_space<vmem>>, vector<16xi32>,
          %swap3A_271 = vector.shape_cast %swap3A_270 : vector<16xi32> to vector<16xi32>
          %swap3A_272 = vector.shape_cast %and3A_267 : vector<16xi32> to vector<16xi32>
          tpu.vector_store %arg6[%swap3A], %swap3A_272 {strides = array<i32>} : memref<96xi32, #tpu.memory_space<vmem>>, vector<16xi32>,
        }
        %scan3A_245 = arith.constant 6 : i32
        %dma_start3A_246 = arith.constant 0 : i32
        %dma_start3A_247 = arith.constant 0 : i32
        %dma_start3A_248 = arith.constant 0 : i32
        %dma_start3A_249 = tpu.memref_slice %arg12[%dma_start3A_246, %dma_start3A_247, %dma_start3A_248] : memref<3x96x128xf32, #tpu.memory_space<vmem>> -> memref<1x96x128xf32, #tpu.memory_space<vmem>>
        %dma_start3A_250 = tpu.memref_squeeze %dma_start3A_249 : memref<1x96x128xf32, #tpu.memory_space<vmem>> -> memref<96x128xf32, #tpu.memory_space<vmem>>
        %dma_start3A_251 = arith.constant 0 : i32
        %dma_start3A_252 = arith.constant 0 : i32
        %dma_start3A_253 = tpu.memref_slice %arg2[%dma_start3A_251, %dma_start3A_252] : memref<10000x128xf32, #tpu.memory_space<hbm>> -> memref<10000x128xf32, #tpu.memory_space<hbm>>
        tpu.enqueue_indirect_dma source(%dma_start3A_253 : memref<10000x128xf32, #tpu.memory_space<hbm>>) target(%dma_start3A_250 : memref<96x128xf32, #tpu.memory_space<vmem>>) offsets(%arg6 : memref<96xi32, #tpu.memory_space<vmem>>) semaphore(%arg14 : memref<!tpu.dma_semaphore, #tpu.memory_space<semaphore_mem>>)
      } else {
      }
      %add3A_205 = arith.constant 2 : i32
      %add3A_206 = arith.addi %add3A_147, %add3A_205 : i32
      %dma_wait3A_207 = arith.constant 2 : i32
      %dma_wait3A_208 = arith.constant 0 : i32
      %dma_wait3A_209 = arith.constant 0 : i32
      %dma_wait3A_210 = tpu.memref_slice %arg12[%dma_wait3A_207, %dma_wait3A_208, %dma_wait3A_209] : memref<3x96x128xf32, #tpu.memory_space<vmem>> -> memref<1x96x128xf32, #tpu.memory_space<vmem>>
      %dma_wait3A_211 = tpu.memref_squeeze %dma_wait3A_210 : memref<1x96x128xf32, #tpu.memory_space<vmem>> -> memref<96x128xf32, #tpu.memory_space<vmem>>
      %dma_wait3A_212 = arith.constant 0 : i32
      %dma_wait3A_213 = arith.constant 0 : i32
      %dma_wait3A_214 = tpu.memref_slice %arg2[%dma_wait3A_212, %dma_wait3A_213] : memref<10000x128xf32, #tpu.memory_space<hbm>> -> memref<10000x128xf32, #tpu.memory_space<hbm>>
      tpu.wait_indirect_dma semaphore(%arg16 : memref<!tpu.dma_semaphore, #tpu.memory_space<semaphore_mem>>) src(%dma_wait3A_214 : memref<10000x128xf32, #tpu.memory_space<hbm>>) dst(%dma_wait3A_211 : memref<96x128xf32, #tpu.memory_space<vmem>>)
      %scan3A_215 = arith.constant 0 : i32
      %scan3A_216 = arith.constant 6 : i32
      %scan3A_217 = arith.addi %scan3A_215, %scan3A_216 : i32
      %scan3A_218 = arith.constant 1 : i32
      scf.for %scan3A_235 = %scan3A_215 to %scan3A_217 step %scan3A_218  : i32 {
        %mul3A_236 = arith.constant 1 : i32
        %mul3A_237 = arith.muli %scan3A_235, %mul3A_236 : i32
        %add3A_238 = arith.constant 0 : i32
        %add3A_239 = arith.addi %add3A_238, %mul3A_237 : i32
        %mul3A_240 = arith.constant 96 : i32
        %mul3A_241 = arith.muli %add3A_206, %mul3A_240 : i32
        %mul3A_242 = arith.constant 16 : i32
        %mul3A_243 = arith.muli %add3A_239, %mul3A_242 : i32
        %add3A_244 = arith.addi %mul3A_241, %mul3A_243 : i32
        %get3A = arith.index_cast %add3A_244 : i32 to index
        %get3A_245 = tpu.vector_load %arg5[%get3A] {strides = array<i32>} : memref<10080xi32, #tpu.memory_space<vmem>>, vector<16xi32>,
        %get3A_246 = vector.shape_cast %get3A_245 : vector<16xi32> to vector<16xi32>
        %shift_right_logical3A = arith.constant 16 : i32
        %shift_right_logical3A_247 = vector.broadcast %shift_right_logical3A : i32 to vector<16xi32>
        %shift_right_logical3A_248 = arith.shrui %get3A_246, %shift_right_logical3A_247 : vector<16xi32>
        %mul3A_249 = arith.constant 16 : i32
        %mul3A_250 = arith.muli %add3A_239, %mul3A_249 : i32
        %swap3A = arith.index_cast %mul3A_250 : i32 to index
        %swap3A_251 = tpu.vector_load %arg11[%swap3A] {strides = array<i32>} : memref<96xi32, #tpu.memory_space<vmem>>, vector<16xi32>,
        %swap3A_252 = vector.shape_cast %swap3A_251 : vector<16xi32> to vector<16xi32>
        %swap3A_253 = vector.shape_cast %shift_right_logical3A_248 : vector<16xi32> to vector<16xi32>
        tpu.vector_store %arg11[%swap3A], %swap3A_253 {strides = array<i32>} : memref<96xi32, #tpu.memory_space<vmem>>, vector<16xi32>,
      }
      %scan3A_219 = arith.constant 6 : i32
      %dma_start3A_220 = arith.constant 2 : i32
      %dma_start3A_221 = arith.constant 0 : i32
      %dma_start3A_222 = arith.constant 0 : i32
      %dma_start3A_223 = tpu.memref_slice %arg12[%dma_start3A_220, %dma_start3A_221, %dma_start3A_222] : memref<3x96x128xf32, #tpu.memory_space<vmem>> -> memref<1x96x128xf32, #tpu.memory_space<vmem>>
      %dma_start3A_224 = tpu.memref_squeeze %dma_start3A_223 : memref<1x96x128xf32, #tpu.memory_space<vmem>> -> memref<96x128xf32, #tpu.memory_space<vmem>>
      %dma_start3A_225 = arith.constant 0 : i32
      %dma_start3A_226 = arith.constant 0 : i32
      %dma_start3A_227 = tpu.memref_slice %arg13[%dma_start3A_225, %dma_start3A_226] : memref<10112x128xf32, #tpu.memory_space<vmem_shared>> -> memref<10112x128xf32, #tpu.memory_space<vmem_shared>>
      tpu.enqueue_indirect_dma source(%dma_start3A_224 : memref<96x128xf32, #tpu.memory_space<vmem>>) target(%dma_start3A_227 : memref<10112x128xf32, #tpu.memory_space<vmem_shared>>) offsets(%arg11 : memref<96xi32, #tpu.memory_space<vmem>>) semaphore(%arg17 : memref<!tpu.dma_semaphore, #tpu.memory_space<semaphore_mem>>) {add = true}
      %add3A_228 = arith.constant 2 : i32
      %add3A_229 = arith.addi %add3A_206, %add3A_228 : i32
      %lt3A_230 = arith.constant 105 : i32
      %lt3A_231 = arith.cmpi slt, %add3A_229, %lt3A_230 : i32
      %convert_element_type3A_232 = arith.extui %lt3A_231 : i1 to i32
      %cond3A_233 = arith.constant 0 : i32
      %cond3A_234 = arith.cmpi ne, %convert_element_type3A_232, %cond3A_233 : i32
      scf.if %cond3A_234 {
        %ge3A = arith.constant 1 : i32
        %ge3A_235 = arith.cmpi sge, %add3A_206, %ge3A : i32
        %convert_element_type3A_236 = arith.extui %ge3A_235 : i1 to i32
        %cond3A_237 = arith.constant 0 : i32
        %cond3A_238 = arith.cmpi ne, %convert_element_type3A_236, %cond3A_237 : i32
        scf.if %cond3A_238 {
          %dma_wait3A_254 = arith.constant 0 : i32
          %dma_wait3A_255 = arith.constant 0 : i32
          %dma_wait3A_256 = arith.constant 0 : i32
          %dma_wait3A_257 = tpu.memref_slice %arg12[%dma_wait3A_254, %dma_wait3A_255, %dma_wait3A_256] : memref<3x96x128xf32, #tpu.memory_space<vmem>> -> memref<1x96x128xf32, #tpu.memory_space<vmem>>
          %dma_wait3A_258 = tpu.memref_squeeze %dma_wait3A_257 : memref<1x96x128xf32, #tpu.memory_space<vmem>> -> memref<96x128xf32, #tpu.memory_space<vmem>>
          %dma_wait3A_259 = arith.constant 0 : i32
          %dma_wait3A_260 = arith.constant 0 : i32
          %dma_wait3A_261 = tpu.memref_slice %arg2[%dma_wait3A_259, %dma_wait3A_260] : memref<10000x128xf32, #tpu.memory_space<hbm>> -> memref<96x128xf32, #tpu.memory_space<hbm>>
          %dma_wait3A_262 = arith.constant 0 : i32
          %dma_wait3A_263 = arith.constant 0 : i32
          %dma_wait3A_264 = tpu.memref_slice %arg12[%dma_wait3A_254, %dma_wait3A_262, %dma_wait3A_263] : memref<3x96x128xf32, #tpu.memory_space<vmem>> -> memref<1x96x128xf32, #tpu.memory_space<vmem>>
          %dma_wait3A_265 = tpu.memref_squeeze %dma_wait3A_264 : memref<1x96x128xf32, #tpu.memory_space<vmem>> -> memref<96x128xf32, #tpu.memory_space<vmem>>
          %dma_wait3A_266 = arith.constant 0 : i32
          %dma_wait3A_267 = arith.constant 0 : i32
          %dma_wait3A_268 = tpu.memref_slice %arg2[%dma_wait3A_266, %dma_wait3A_267] : memref<10000x128xf32, #tpu.memory_space<hbm>> -> memref<96x128xf32, #tpu.memory_space<hbm>>
          tpu.wait_dma2 semaphore(%arg17 : memref<!tpu.dma_semaphore, #tpu.memory_space<semaphore_mem>>) src(%dma_wait3A_268 : memref<96x128xf32, #tpu.memory_space<hbm>>) dst(%dma_wait3A_265 : memref<96x128xf32, #tpu.memory_space<vmem>>)
        } else {
        }
        %add3A_239 = arith.constant 2 : i32
        %add3A_240 = arith.addi %add3A_206, %add3A_239 : i32
        %scan3A_241 = arith.constant 0 : i32
        %scan3A_242 = arith.constant 6 : i32
        %scan3A_243 = arith.addi %scan3A_241, %scan3A_242 : i32
        %scan3A_244 = arith.constant 1 : i32
        scf.for %scan3A_254 = %scan3A_241 to %scan3A_243 step %scan3A_244  : i32 {
          %mul3A_255 = arith.constant 1 : i32
          %mul3A_256 = arith.muli %scan3A_254, %mul3A_255 : i32
          %add3A_257 = arith.constant 0 : i32
          %add3A_258 = arith.addi %add3A_257, %mul3A_256 : i32
          %mul3A_259 = arith.constant 96 : i32
          %mul3A_260 = arith.muli %add3A_240, %mul3A_259 : i32
          %mul3A_261 = arith.constant 16 : i32
          %mul3A_262 = arith.muli %add3A_258, %mul3A_261 : i32
          %add3A_263 = arith.addi %mul3A_260, %mul3A_262 : i32
          %get3A = arith.index_cast %add3A_263 : i32 to index
          %get3A_264 = tpu.vector_load %arg5[%get3A] {strides = array<i32>} : memref<10080xi32, #tpu.memory_space<vmem>>, vector<16xi32>,
          %get3A_265 = vector.shape_cast %get3A_264 : vector<16xi32> to vector<16xi32>
          %and3A = arith.constant 65535 : i32
          %and3A_266 = vector.broadcast %and3A : i32 to vector<16xi32>
          %and3A_267 = arith.andi %get3A_265, %and3A_266 : vector<16xi32>
          %mul3A_268 = arith.constant 16 : i32
          %mul3A_269 = arith.muli %add3A_258, %mul3A_268 : i32
          %swap3A = arith.index_cast %mul3A_269 : i32 to index
          %swap3A_270 = tpu.vector_load %arg7[%swap3A] {strides = array<i32>} : memref<96xi32, #tpu.memory_space<vmem>>, vector<16xi32>,
          %swap3A_271 = vector.shape_cast %swap3A_270 : vector<16xi32> to vector<16xi32>
          %swap3A_272 = vector.shape_cast %and3A_267 : vector<16xi32> to vector<16xi32>
          tpu.vector_store %arg7[%swap3A], %swap3A_272 {strides = array<i32>} : memref<96xi32, #tpu.memory_space<vmem>>, vector<16xi32>,
        }
        %scan3A_245 = arith.constant 6 : i32
        %dma_start3A_246 = arith.constant 1 : i32
        %dma_start3A_247 = arith.constant 0 : i32
        %dma_start3A_248 = arith.constant 0 : i32
        %dma_start3A_249 = tpu.memref_slice %arg12[%dma_start3A_246, %dma_start3A_247, %dma_start3A_248] : memref<3x96x128xf32, #tpu.memory_space<vmem>> -> memref<1x96x128xf32, #tpu.memory_space<vmem>>
        %dma_start3A_250 = tpu.memref_squeeze %dma_start3A_249 : memref<1x96x128xf32, #tpu.memory_space<vmem>> -> memref<96x128xf32, #tpu.memory_space<vmem>>
        %dma_start3A_251 = arith.constant 0 : i32
        %dma_start3A_252 = arith.constant 0 : i32
        %dma_start3A_253 = tpu.memref_slice %arg2[%dma_start3A_251, %dma_start3A_252] : memref<10000x128xf32, #tpu.memory_space<hbm>> -> memref<10000x128xf32, #tpu.memory_space<hbm>>
        tpu.enqueue_indirect_dma source(%dma_start3A_253 : memref<10000x128xf32, #tpu.memory_space<hbm>>) target(%dma_start3A_250 : memref<96x128xf32, #tpu.memory_space<vmem>>) offsets(%arg7 : memref<96xi32, #tpu.memory_space<vmem>>) semaphore(%arg15 : memref<!tpu.dma_semaphore, #tpu.memory_space<semaphore_mem>>)
      } else {
      }
    }
    %scan3A_69 = arith.constant 35 : i32
    %dma_wait3A = arith.constant 0 : i32
    %dma_wait3A_70 = arith.constant 0 : i32
    %dma_wait3A_71 = arith.constant 0 : i32
    %dma_wait3A_72 = tpu.memref_slice %arg12[%dma_wait3A, %dma_wait3A_70, %dma_wait3A_71] : memref<3x96x128xf32, #tpu.memory_space<vmem>> -> memref<1x96x128xf32, #tpu.memory_space<vmem>>
    %dma_wait3A_73 = tpu.memref_squeeze %dma_wait3A_72 : memref<1x96x128xf32, #tpu.memory_space<vmem>> -> memref<96x128xf32, #tpu.memory_space<vmem>>
    %dma_wait3A_74 = arith.constant 0 : i32
    %dma_wait3A_75 = arith.constant 0 : i32
    %dma_wait3A_76 = tpu.memref_slice %arg2[%dma_wait3A_74, %dma_wait3A_75] : memref<10000x128xf32, #tpu.memory_space<hbm>> -> memref<96x128xf32, #tpu.memory_space<hbm>>
    %dma_wait3A_77 = arith.constant 0 : i32
    %dma_wait3A_78 = arith.constant 0 : i32
    %dma_wait3A_79 = tpu.memref_slice %arg12[%dma_wait3A, %dma_wait3A_77, %dma_wait3A_78] : memref<3x96x128xf32, #tpu.memory_space<vmem>> -> memref<1x96x128xf32, #tpu.memory_space<vmem>>
    %dma_wait3A_80 = tpu.memref_squeeze %dma_wait3A_79 : memref<1x96x128xf32, #tpu.memory_space<vmem>> -> memref<96x128xf32, #tpu.memory_space<vmem>>
    %dma_wait3A_81 = arith.constant 0 : i32
    %dma_wait3A_82 = arith.constant 0 : i32
    %dma_wait3A_83 = tpu.memref_slice %arg2[%dma_wait3A_81, %dma_wait3A_82] : memref<10000x128xf32, #tpu.memory_space<hbm>> -> memref<96x128xf32, #tpu.memory_space<hbm>>
    tpu.wait_dma2 semaphore(%arg17 : memref<!tpu.dma_semaphore, #tpu.memory_space<semaphore_mem>>) src(%dma_wait3A_83 : memref<96x128xf32, #tpu.memory_space<hbm>>) dst(%dma_wait3A_80 : memref<96x128xf32, #tpu.memory_space<vmem>>)
    %dma_wait3A_84 = arith.constant 0 : i32
    %dma_wait3A_85 = arith.constant 0 : i32
    %dma_wait3A_86 = arith.constant 0 : i32
    %dma_wait3A_87 = tpu.memref_slice %arg12[%dma_wait3A_84, %dma_wait3A_85, %dma_wait3A_86] : memref<3x96x128xf32, #tpu.memory_space<vmem>> -> memref<1x96x128xf32, #tpu.memory_space<vmem>>
    %dma_wait3A_88 = tpu.memref_squeeze %dma_wait3A_87 : memref<1x96x128xf32, #tpu.memory_space<vmem>> -> memref<96x128xf32, #tpu.memory_space<vmem>>
    %dma_wait3A_89 = arith.constant 0 : i32
    %dma_wait3A_90 = arith.constant 0 : i32
    %dma_wait3A_91 = tpu.memref_slice %arg2[%dma_wait3A_89, %dma_wait3A_90] : memref<10000x128xf32, #tpu.memory_space<hbm>> -> memref<96x128xf32, #tpu.memory_space<hbm>>
    %dma_wait3A_92 = arith.constant 0 : i32
    %dma_wait3A_93 = arith.constant 0 : i32
    %dma_wait3A_94 = tpu.memref_slice %arg12[%dma_wait3A_84, %dma_wait3A_92, %dma_wait3A_93] : memref<3x96x128xf32, #tpu.memory_space<vmem>> -> memref<1x96x128xf32, #tpu.memory_space<vmem>>
    %dma_wait3A_95 = tpu.memref_squeeze %dma_wait3A_94 : memref<1x96x128xf32, #tpu.memory_space<vmem>> -> memref<96x128xf32, #tpu.memory_space<vmem>>
    %dma_wait3A_96 = arith.constant 0 : i32
    %dma_wait3A_97 = arith.constant 0 : i32
    %dma_wait3A_98 = tpu.memref_slice %arg2[%dma_wait3A_96, %dma_wait3A_97] : memref<10000x128xf32, #tpu.memory_space<hbm>> -> memref<96x128xf32, #tpu.memory_space<hbm>>
    tpu.wait_dma2 semaphore(%arg17 : memref<!tpu.dma_semaphore, #tpu.memory_space<semaphore_mem>>) src(%dma_wait3A_98 : memref<96x128xf32, #tpu.memory_space<hbm>>) dst(%dma_wait3A_95 : memref<96x128xf32, #tpu.memory_space<vmem>>)
    %dma_wait3A_99 = arith.constant 0 : i32
    %dma_wait3A_100 = arith.constant 0 : i32
    %dma_wait3A_101 = arith.constant 0 : i32
    %dma_wait3A_102 = tpu.memref_slice %arg12[%dma_wait3A_99, %dma_wait3A_100, %dma_wait3A_101] : memref<3x96x128xf32, #tpu.memory_space<vmem>> -> memref<1x96x128xf32, #tpu.memory_space<vmem>>
    %dma_wait3A_103 = tpu.memref_squeeze %dma_wait3A_102 : memref<1x96x128xf32, #tpu.memory_space<vmem>> -> memref<96x128xf32, #tpu.memory_space<vmem>>
    %dma_wait3A_104 = arith.constant 0 : i32
    %dma_wait3A_105 = arith.constant 0 : i32
    %dma_wait3A_106 = tpu.memref_slice %arg2[%dma_wait3A_104, %dma_wait3A_105] : memref<10000x128xf32, #tpu.memory_space<hbm>> -> memref<96x128xf32, #tpu.memory_space<hbm>>
    %dma_wait3A_107 = arith.constant 0 : i32
    %dma_wait3A_108 = arith.constant 0 : i32
    %dma_wait3A_109 = tpu.memref_slice %arg12[%dma_wait3A_99, %dma_wait3A_107, %dma_wait3A_108] : memref<3x96x128xf32, #tpu.memory_space<vmem>> -> memref<1x96x128xf32, #tpu.memory_space<vmem>>
    %dma_wait3A_110 = tpu.memref_squeeze %dma_wait3A_109 : memref<1x96x128xf32, #tpu.memory_space<vmem>> -> memref<96x128xf32, #tpu.memory_space<vmem>>
    %dma_wait3A_111 = arith.constant 0 : i32
    %dma_wait3A_112 = arith.constant 0 : i32
    %dma_wait3A_113 = tpu.memref_slice %arg2[%dma_wait3A_111, %dma_wait3A_112] : memref<10000x128xf32, #tpu.memory_space<hbm>> -> memref<96x128xf32, #tpu.memory_space<hbm>>
    tpu.wait_dma2 semaphore(%arg17 : memref<!tpu.dma_semaphore, #tpu.memory_space<semaphore_mem>>) src(%dma_wait3A_113 : memref<96x128xf32, #tpu.memory_space<hbm>>) dst(%dma_wait3A_110 : memref<96x128xf32, #tpu.memory_space<vmem>>)
    %barrier3A_114 = arith.constant 0 : index
    tpu.barrier barrier_id(%barrier3A_114)
    %mul3A_115 = arith.constant 632 : i32
    %mul3A_116 = arith.muli %arg1, %mul3A_115 : i32
    %add3A_117 = arith.constant 0 : i32
    %add3A_118 = arith.addi %mul3A_116, %add3A_117 : i32
    "tpu.region"() ({
      %run_scoped3A_143 = tpu.sem_alloc : memref<!tpu.dma_semaphore, #tpu.memory_space<semaphore_mem>>
      %dma_start3A_144 = arith.constant 0 : i32
      %dma_start3A_145 = tpu.memref_slice %arg4[%arg0, %add3A_118, %dma_start3A_144] : memref<2x10112x128xf32, #tpu.memory_space<hbm>> -> memref<1x96x128xf32, #tpu.memory_space<hbm>>
      %dma_start3A_146 = tpu.memref_squeeze %dma_start3A_145 : memref<1x96x128xf32, #tpu.memory_space<hbm>> -> memref<96x128xf32, #tpu.memory_space<hbm>>
      %dma_start3A_147 = arith.constant 0 : i32
      %dma_start3A_148 = tpu.memref_slice %arg13[%add3A_118, %dma_start3A_147] : memref<10112x128xf32, #tpu.memory_space<vmem_shared>> -> memref<96x128xf32, #tpu.memory_space<vmem_shared>>
      tpu.enqueue_dma source(%dma_start3A_148 : memref<96x128xf32, #tpu.memory_space<vmem_shared>>) target(%dma_start3A_146 : memref<96x128xf32, #tpu.memory_space<hbm>>) target_semaphore(%run_scoped3A_143 : memref<!tpu.dma_semaphore, #tpu.memory_space<semaphore_mem>>)
      %dma_wait3A_149 = arith.constant 0 : i32
      %dma_wait3A_150 = tpu.memref_slice %arg4[%arg0, %add3A_118, %dma_wait3A_149] : memref<2x10112x128xf32, #tpu.memory_space<hbm>> -> memref<1x96x128xf32, #tpu.memory_space<hbm>>
      %dma_wait3A_151 = tpu.memref_squeeze %dma_wait3A_150 : memref<1x96x128xf32, #tpu.memory_space<hbm>> -> memref<96x128xf32, #tpu.memory_space<hbm>>
      %dma_wait3A_152 = arith.constant 0 : i32
      %dma_wait3A_153 = tpu.memref_slice %arg13[%add3A_118, %dma_wait3A_152] : memref<10112x128xf32, #tpu.memory_space<vmem_shared>> -> memref<96x128xf32, #tpu.memory_space<vmem_shared>>
      tpu.wait_dma2 semaphore(%run_scoped3A_143 : memref<!tpu.dma_semaphore, #tpu.memory_space<semaphore_mem>>) src(%dma_wait3A_153 : memref<96x128xf32, #tpu.memory_space<vmem_shared>>) dst(%dma_wait3A_151 : memref<96x128xf32, #tpu.memory_space<hbm>>)
      tpu.yield
    }) : () -> ()
    %mul3A_119 = arith.constant 632 : i32
    %mul3A_120 = arith.muli %arg1, %mul3A_119 : i32
    %add3A_121 = arith.constant 96 : i32
    %add3A_122 = arith.addi %mul3A_120, %add3A_121 : i32
    "tpu.region"() ({
      %run_scoped3A_143 = tpu.sem_alloc : memref<!tpu.dma_semaphore, #tpu.memory_space<semaphore_mem>>
      %dma_start3A_144 = arith.constant 0 : i32
      %dma_start3A_145 = tpu.memref_slice %arg4[%arg0, %add3A_122, %dma_start3A_144] : memref<2x10112x128xf32, #tpu.memory_space<hbm>> -> memref<1x96x128xf32, #tpu.memory_space<hbm>>
      %dma_start3A_146 = tpu.memref_squeeze %dma_start3A_145 : memref<1x96x128xf32, #tpu.memory_space<hbm>> -> memref<96x128xf32, #tpu.memory_space<hbm>>
      %dma_start3A_147 = arith.constant 0 : i32
      %dma_start3A_148 = tpu.memref_slice %arg13[%add3A_122, %dma_start3A_147] : memref<10112x128xf32, #tpu.memory_space<vmem_shared>> -> memref<96x128xf32, #tpu.memory_space<vmem_shared>>
      tpu.enqueue_dma source(%dma_start3A_148 : memref<96x128xf32, #tpu.memory_space<vmem_shared>>) target(%dma_start3A_146 : memref<96x128xf32, #tpu.memory_space<hbm>>) target_semaphore(%run_scoped3A_143 : memref<!tpu.dma_semaphore, #tpu.memory_space<semaphore_mem>>)
      %dma_wait3A_149 = arith.constant 0 : i32
      %dma_wait3A_150 = tpu.memref_slice %arg4[%arg0, %add3A_122, %dma_wait3A_149] : memref<2x10112x128xf32, #tpu.memory_space<hbm>> -> memref<1x96x128xf32, #tpu.memory_space<hbm>>
      %dma_wait3A_151 = tpu.memref_squeeze %dma_wait3A_150 : memref<1x96x128xf32, #tpu.memory_space<hbm>> -> memref<96x128xf32, #tpu.memory_space<hbm>>
      %dma_wait3A_152 = arith.constant 0 : i32
      %dma_wait3A_153 = tpu.memref_slice %arg13[%add3A_122, %dma_wait3A_152] : memref<10112x128xf32, #tpu.memory_space<vmem_shared>> -> memref<96x128xf32, #tpu.memory_space<vmem_shared>>
      tpu.wait_dma2 semaphore(%run_scoped3A_143 : memref<!tpu.dma_semaphore, #tpu.memory_space<semaphore_mem>>) src(%dma_wait3A_153 : memref<96x128xf32, #tpu.memory_space<vmem_shared>>) dst(%dma_wait3A_151 : memref<96x128xf32, #tpu.memory_space<hbm>>)
      tpu.yield
    }) : () -> ()
    %mul3A_123 = arith.constant 632 : i32
    %mul3A_124 = arith.muli %arg1, %mul3A_123 : i32
    %add3A_125 = arith.constant 192 : i32
    %add3A_126 = arith.addi %mul3A_124, %add3A_125 : i32
    "tpu.region"() ({
      %run_scoped3A_143 = tpu.sem_alloc : memref<!tpu.dma_semaphore, #tpu.memory_space<semaphore_mem>>
      %dma_start3A_144 = arith.constant 0 : i32
      %dma_start3A_145 = tpu.memref_slice %arg4[%arg0, %add3A_126, %dma_start3A_144] : memref<2x10112x128xf32, #tpu.memory_space<hbm>> -> memref<1x96x128xf32, #tpu.memory_space<hbm>>
      %dma_start3A_146 = tpu.memref_squeeze %dma_start3A_145 : memref<1x96x128xf32, #tpu.memory_space<hbm>> -> memref<96x128xf32, #tpu.memory_space<hbm>>
      %dma_start3A_147 = arith.constant 0 : i32
      %dma_start3A_148 = tpu.memref_slice %arg13[%add3A_126, %dma_start3A_147] : memref<10112x128xf32, #tpu.memory_space<vmem_shared>> -> memref<96x128xf32, #tpu.memory_space<vmem_shared>>
      tpu.enqueue_dma source(%dma_start3A_148 : memref<96x128xf32, #tpu.memory_space<vmem_shared>>) target(%dma_start3A_146 : memref<96x128xf32, #tpu.memory_space<hbm>>) target_semaphore(%run_scoped3A_143 : memref<!tpu.dma_semaphore, #tpu.memory_space<semaphore_mem>>)
      %dma_wait3A_149 = arith.constant 0 : i32
      %dma_wait3A_150 = tpu.memref_slice %arg4[%arg0, %add3A_126, %dma_wait3A_149] : memref<2x10112x128xf32, #tpu.memory_space<hbm>> -> memref<1x96x128xf32, #tpu.memory_space<hbm>>
      %dma_wait3A_151 = tpu.memref_squeeze %dma_wait3A_150 : memref<1x96x128xf32, #tpu.memory_space<hbm>> -> memref<96x128xf32, #tpu.memory_space<hbm>>
      %dma_wait3A_152 = arith.constant 0 : i32
      %dma_wait3A_153 = tpu.memref_slice %arg13[%add3A_126, %dma_wait3A_152] : memref<10112x128xf32, #tpu.memory_space<vmem_shared>> -> memref<96x128xf32, #tpu.memory_space<vmem_shared>>
      tpu.wait_dma2 semaphore(%run_scoped3A_143 : memref<!tpu.dma_semaphore, #tpu.memory_space<semaphore_mem>>) src(%dma_wait3A_153 : memref<96x128xf32, #tpu.memory_space<vmem_shared>>) dst(%dma_wait3A_151 : memref<96x128xf32, #tpu.memory_space<hbm>>)
      tpu.yield
    }) : () -> ()
    %mul3A_127 = arith.constant 632 : i32
    %mul3A_128 = arith.muli %arg1, %mul3A_127 : i32
    %add3A_129 = arith.constant 288 : i32
    %add3A_130 = arith.addi %mul3A_128, %add3A_129 : i32
    "tpu.region"() ({
      %run_scoped3A_143 = tpu.sem_alloc : memref<!tpu.dma_semaphore, #tpu.memory_space<semaphore_mem>>
      %dma_start3A_144 = arith.constant 0 : i32
      %dma_start3A_145 = tpu.memref_slice %arg4[%arg0, %add3A_130, %dma_start3A_144] : memref<2x10112x128xf32, #tpu.memory_space<hbm>> -> memref<1x96x128xf32, #tpu.memory_space<hbm>>
      %dma_start3A_146 = tpu.memref_squeeze %dma_start3A_145 : memref<1x96x128xf32, #tpu.memory_space<hbm>> -> memref<96x128xf32, #tpu.memory_space<hbm>>
      %dma_start3A_147 = arith.constant 0 : i32
      %dma_start3A_148 = tpu.memref_slice %arg13[%add3A_130, %dma_start3A_147] : memref<10112x128xf32, #tpu.memory_space<vmem_shared>> -> memref<96x128xf32, #tpu.memory_space<vmem_shared>>
      tpu.enqueue_dma source(%dma_start3A_148 : memref<96x128xf32, #tpu.memory_space<vmem_shared>>) target(%dma_start3A_146 : memref<96x128xf32, #tpu.memory_space<hbm>>) target_semaphore(%run_scoped3A_143 : memref<!tpu.dma_semaphore, #tpu.memory_space<semaphore_mem>>)
      %dma_wait3A_149 = arith.constant 0 : i32
      %dma_wait3A_150 = tpu.memref_slice %arg4[%arg0, %add3A_130, %dma_wait3A_149] : memref<2x10112x128xf32, #tpu.memory_space<hbm>> -> memref<1x96x128xf32, #tpu.memory_space<hbm>>
      %dma_wait3A_151 = tpu.memref_squeeze %dma_wait3A_150 : memref<1x96x128xf32, #tpu.memory_space<hbm>> -> memref<96x128xf32, #tpu.memory_space<hbm>>
      %dma_wait3A_152 = arith.constant 0 : i32
      %dma_wait3A_153 = tpu.memref_slice %arg13[%add3A_130, %dma_wait3A_152] : memref<10112x128xf32, #tpu.memory_space<vmem_shared>> -> memref<96x128xf32, #tpu.memory_space<vmem_shared>>
      tpu.wait_dma2 semaphore(%run_scoped3A_143 : memref<!tpu.dma_semaphore, #tpu.memory_space<semaphore_mem>>) src(%dma_wait3A_153 : memref<96x128xf32, #tpu.memory_space<vmem_shared>>) dst(%dma_wait3A_151 : memref<96x128xf32, #tpu.memory_space<hbm>>)
      tpu.yield
    }) : () -> ()
    %mul3A_131 = arith.constant 632 : i32
    %mul3A_132 = arith.muli %arg1, %mul3A_131 : i32
    %add3A_133 = arith.constant 384 : i32
    %add3A_134 = arith.addi %mul3A_132, %add3A_133 : i32
    "tpu.region"() ({
      %run_scoped3A_143 = tpu.sem_alloc : memref<!tpu.dma_semaphore, #tpu.memory_space<semaphore_mem>>
      %dma_start3A_144 = arith.constant 0 : i32
      %dma_start3A_145 = tpu.memref_slice %arg4[%arg0, %add3A_134, %dma_start3A_144] : memref<2x10112x128xf32, #tpu.memory_space<hbm>> -> memref<1x96x128xf32, #tpu.memory_space<hbm>>
      %dma_start3A_146 = tpu.memref_squeeze %dma_start3A_145 : memref<1x96x128xf32, #tpu.memory_space<hbm>> -> memref<96x128xf32, #tpu.memory_space<hbm>>
      %dma_start3A_147 = arith.constant 0 : i32
      %dma_start3A_148 = tpu.memref_slice %arg13[%add3A_134, %dma_start3A_147] : memref<10112x128xf32, #tpu.memory_space<vmem_shared>> -> memref<96x128xf32, #tpu.memory_space<vmem_shared>>
      tpu.enqueue_dma source(%dma_start3A_148 : memref<96x128xf32, #tpu.memory_space<vmem_shared>>) target(%dma_start3A_146 : memref<96x128xf32, #tpu.memory_space<hbm>>) target_semaphore(%run_scoped3A_143 : memref<!tpu.dma_semaphore, #tpu.memory_space<semaphore_mem>>)
      %dma_wait3A_149 = arith.constant 0 : i32
      %dma_wait3A_150 = tpu.memref_slice %arg4[%arg0, %add3A_134, %dma_wait3A_149] : memref<2x10112x128xf32, #tpu.memory_space<hbm>> -> memref<1x96x128xf32, #tpu.memory_space<hbm>>
      %dma_wait3A_151 = tpu.memref_squeeze %dma_wait3A_150 : memref<1x96x128xf32, #tpu.memory_space<hbm>> -> memref<96x128xf32, #tpu.memory_space<hbm>>
      %dma_wait3A_152 = arith.constant 0 : i32
      %dma_wait3A_153 = tpu.memref_slice %arg13[%add3A_134, %dma_wait3A_152] : memref<10112x128xf32, #tpu.memory_space<vmem_shared>> -> memref<96x128xf32, #tpu.memory_space<vmem_shared>>
      tpu.wait_dma2 semaphore(%run_scoped3A_143 : memref<!tpu.dma_semaphore, #tpu.memory_space<semaphore_mem>>) src(%dma_wait3A_153 : memref<96x128xf32, #tpu.memory_space<vmem_shared>>) dst(%dma_wait3A_151 : memref<96x128xf32, #tpu.memory_space<hbm>>)
      tpu.yield
    }) : () -> ()
    %mul3A_135 = arith.constant 632 : i32
    %mul3A_136 = arith.muli %arg1, %mul3A_135 : i32
    %add3A_137 = arith.constant 480 : i32
    %add3A_138 = arith.addi %mul3A_136, %add3A_137 : i32
    "tpu.region"() ({
      %run_scoped3A_143 = tpu.sem_alloc : memref<!tpu.dma_semaphore, #tpu.memory_space<semaphore_mem>>
      %dma_start3A_144 = arith.constant 0 : i32
      %dma_start3A_145 = tpu.memref_slice %arg4[%arg0, %add3A_138, %dma_start3A_144] : memref<2x10112x128xf32, #tpu.memory_space<hbm>> -> memref<1x96x128xf32, #tpu.memory_space<hbm>>
      %dma_start3A_146 = tpu.memref_squeeze %dma_start3A_145 : memref<1x96x128xf32, #tpu.memory_space<hbm>> -> memref<96x128xf32, #tpu.memory_space<hbm>>
      %dma_start3A_147 = arith.constant 0 : i32
      %dma_start3A_148 = tpu.memref_slice %arg13[%add3A_138, %dma_start3A_147] : memref<10112x128xf32, #tpu.memory_space<vmem_shared>> -> memref<96x128xf32, #tpu.memory_space<vmem_shared>>
      tpu.enqueue_dma source(%dma_start3A_148 : memref<96x128xf32, #tpu.memory_space<vmem_shared>>) target(%dma_start3A_146 : memref<96x128xf32, #tpu.memory_space<hbm>>) target_semaphore(%run_scoped3A_143 : memref<!tpu.dma_semaphore, #tpu.memory_space<semaphore_mem>>)
      %dma_wait3A_149 = arith.constant 0 : i32
      %dma_wait3A_150 = tpu.memref_slice %arg4[%arg0, %add3A_138, %dma_wait3A_149] : memref<2x10112x128xf32, #tpu.memory_space<hbm>> -> memref<1x96x128xf32, #tpu.memory_space<hbm>>
      %dma_wait3A_151 = tpu.memref_squeeze %dma_wait3A_150 : memref<1x96x128xf32, #tpu.memory_space<hbm>> -> memref<96x128xf32, #tpu.memory_space<hbm>>
      %dma_wait3A_152 = arith.constant 0 : i32
      %dma_wait3A_153 = tpu.memref_slice %arg13[%add3A_138, %dma_wait3A_152] : memref<10112x128xf32, #tpu.memory_space<vmem_shared>> -> memref<96x128xf32, #tpu.memory_space<vmem_shared>>
      tpu.wait_dma2 semaphore(%run_scoped3A_143 : memref<!tpu.dma_semaphore, #tpu.memory_space<semaphore_mem>>) src(%dma_wait3A_153 : memref<96x128xf32, #tpu.memory_space<vmem_shared>>) dst(%dma_wait3A_151 : memref<96x128xf32, #tpu.memory_space<hbm>>)
      tpu.yield
    }) : () -> ()
    %mul3A_139 = arith.constant 632 : i32
    %mul3A_140 = arith.muli %arg1, %mul3A_139 : i32
    %add3A_141 = arith.constant 576 : i32
    %add3A_142 = arith.addi %mul3A_140, %add3A_141 : i32
    "tpu.region"() ({
      %run_scoped3A_143 = tpu.sem_alloc : memref<!tpu.dma_semaphore, #tpu.memory_space<semaphore_mem>>
      %dma_start3A_144 = arith.constant 0 : i32
      %dma_start3A_145 = tpu.memref_slice %arg4[%arg0, %add3A_142, %dma_start3A_144] : memref<2x10112x128xf32, #tpu.memory_space<hbm>> -> memref<1x56x128xf32, #tpu.memory_space<hbm>>
      %dma_start3A_146 = tpu.memref_squeeze %dma_start3A_145 : memref<1x56x128xf32, #tpu.memory_space<hbm>> -> memref<56x128xf32, #tpu.memory_space<hbm>>
      %dma_start3A_147 = arith.constant 0 : i32
      %dma_start3A_148 = tpu.memref_slice %arg13[%add3A_142, %dma_start3A_147] : memref<10112x128xf32, #tpu.memory_space<vmem_shared>> -> memref<56x128xf32, #tpu.memory_space<vmem_shared>>
      tpu.enqueue_dma source(%dma_start3A_148 : memref<56x128xf32, #tpu.memory_space<vmem_shared>>) target(%dma_start3A_146 : memref<56x128xf32, #tpu.memory_space<hbm>>) target_semaphore(%run_scoped3A_143 : memref<!tpu.dma_semaphore, #tpu.memory_space<semaphore_mem>>)
      %dma_wait3A_149 = arith.constant 0 : i32
      %dma_wait3A_150 = tpu.memref_slice %arg4[%arg0, %add3A_142, %dma_wait3A_149] : memref<2x10112x128xf32, #tpu.memory_space<hbm>> -> memref<1x56x128xf32, #tpu.memory_space<hbm>>
      %dma_wait3A_151 = tpu.memref_squeeze %dma_wait3A_150 : memref<1x56x128xf32, #tpu.memory_space<hbm>> -> memref<56x128xf32, #tpu.memory_space<hbm>>
      %dma_wait3A_152 = arith.constant 0 : i32
      %dma_wait3A_153 = tpu.memref_slice %arg13[%add3A_142, %dma_wait3A_152] : memref<10112x128xf32, #tpu.memory_space<vmem_shared>> -> memref<56x128xf32, #tpu.memory_space<vmem_shared>>
      tpu.wait_dma2 semaphore(%run_scoped3A_143 : memref<!tpu.dma_semaphore, #tpu.memory_space<semaphore_mem>>) src(%dma_wait3A_153 : memref<56x128xf32, #tpu.memory_space<vmem_shared>>) dst(%dma_wait3A_151 : memref<56x128xf32, #tpu.memory_space<hbm>>)
      tpu.yield
    }) : () -> ()
    return
  }
}

module attributes {stable_mosaic.version = 14 : i64} {
  func.func @_tc1_body(%arg0: memref<2x10240xf32, #tpu.memory_space<vmem>>, %arg1: memref<10000x128xf32, #tpu.memory_space<vmem>>, %arg2: memref<128x128xf32, #tpu.memory_space<vmem>>, %arg3: memref<10000x128xf32, #tpu.memory_space<vmem>>, %arg4: memref<10000xf32, #tpu.memory_space<vmem>>) attributes {dimension_semantics = [], scalar_prefetch = 0 : i64, scratch_operands = 0 : i64, tpu.core_type = #tpu.core_type<tc>} {
    %get3A = arith.constant 0 : index
    %get3A_0 = arith.constant 0 : index
    %get3A_1 = vector.load %arg0[%get3A, %get3A_0] : memref<2x10240xf32, #tpu.memory_space<vmem>>, vector<1x10000xf32>
    %get3A_2 = vector.shape_cast %get3A_1 : vector<1x10000xf32> to vector<10000xf32>
    %add3A = arith.constant 1.000000e+00 : f32
    %add3A_3 = vector.broadcast %add3A : f32 to vector<10000xf32>
    %add3A_4 = arith.addf %add3A_3, %get3A_2 : vector<10000xf32>
    %get3A_5 = arith.constant 1 : index
    %get3A_6 = arith.constant 0 : index
    %get3A_7 = vector.load %arg0[%get3A_5, %get3A_6] : memref<2x10240xf32, #tpu.memory_space<vmem>>, vector<1x10000xf32>
    %get3A_8 = vector.shape_cast %get3A_7 : vector<1x10000xf32> to vector<10000xf32>
    %add3A_9 = arith.addf %add3A_4, %get3A_8 : vector<10000xf32>
    %rsqrt3A = math.rsqrt %add3A_9 : vector<10000xf32>
    %swap3A = arith.constant 0 : index
    %swap3A_10 = vector.load %arg4[%swap3A] : memref<10000xf32, #tpu.memory_space<vmem>>, vector<10000xf32>
    tpu.vector_store %arg4[%swap3A], %rsqrt3A {strides = array<i32>} : memref<10000xf32, #tpu.memory_space<vmem>>, vector<10000xf32>,
    %get3A_11 = arith.constant 0 : index
    %get3A_12 = arith.constant 0 : index
    %get3A_13 = vector.load %arg1[%get3A_11, %get3A_12] : memref<10000x128xf32, #tpu.memory_space<vmem>>, vector<10000x128xf32>
    %get3A_14 = arith.constant 0 : index
    %get3A_15 = arith.constant 0 : index
    %get3A_16 = vector.load %arg2[%get3A_14, %get3A_15] : memref<128x128xf32, #tpu.memory_space<vmem>>, vector<128x128xf32>
    %dot_general3A = arith.constant dense<0.000000e+00> : vector<10000x128xf32>
    %dot_general3A_17 = tpu.matmul %get3A_13, %get3A_16, %dot_general3A {dimension_numbers = #tpu.dot_dimension_numbers<[1], [0], [0], [1], [0, 0, 1, 1], [], []>, transpose_lhs_hint = false} : vector<10000x128xf32>, vector<128x128xf32>, vector<10000x128xf32> -> vector<10000x128xf32>
    %broadcast_in_dim3A = vector.shape_cast %rsqrt3A : vector<10000xf32> to vector<10000x1xf32>
    %mul3A = vector.broadcast %broadcast_in_dim3A : vector<10000x1xf32> to vector<10000x128xf32>
    %mul3A_18 = arith.mulf %dot_general3A_17, %mul3A : vector<10000x128xf32>
    %swap3A_19 = arith.constant 0 : index
    %swap3A_20 = arith.constant 0 : index
    %swap3A_21 = vector.load %arg3[%swap3A_19, %swap3A_20] : memref<10000x128xf32, #tpu.memory_space<vmem>>, vector<10000x128xf32>
    tpu.vector_store %arg3[%swap3A_19, %swap3A_20], %mul3A_18 {strides = array<i32>} : memref<10000x128xf32, #tpu.memory_space<vmem>>, vector<10000x128xf32>,
    return
  }
}

module attributes {stable_mosaic.version = 14 : i64} {
  func.func @_tc_mid_body(%arg0: memref<2x10112x128xf32, #tpu.memory_space<vmem>>, %arg1: memref<10000x128xf32, #tpu.memory_space<vmem>>, %arg2: memref<10000xf32, #tpu.memory_space<vmem>>, %arg3: memref<128xf32, #tpu.memory_space<vmem>>, %arg4: memref<128x128xf32, #tpu.memory_space<vmem>>, %arg5: memref<10000x128xf32, #tpu.memory_space<vmem>>) attributes {dimension_semantics = [], scalar_prefetch = 0 : i64, scratch_operands = 0 : i64, tpu.core_type = #tpu.core_type<tc>} {
    %get3A = arith.constant 0 : index
    %get3A_0 = vector.load %arg2[%get3A] : memref<10000xf32, #tpu.memory_space<vmem>>, vector<10000xf32>
    %get3A_1 = arith.constant 0 : index
    %get3A_2 = arith.constant 0 : index
    %get3A_3 = arith.constant 0 : index
    %get3A_4 = vector.load %arg0[%get3A_1, %get3A_2, %get3A_3] : memref<2x10112x128xf32, #tpu.memory_space<vmem>>, vector<1x10000x128xf32>
    %get3A_5 = vector.shape_cast %get3A_4 : vector<1x10000x128xf32> to vector<10000x128xf32>
    %get3A_6 = arith.constant 1 : index
    %get3A_7 = arith.constant 0 : index
    %get3A_8 = arith.constant 0 : index
    %get3A_9 = vector.load %arg0[%get3A_6, %get3A_7, %get3A_8] : memref<2x10112x128xf32, #tpu.memory_space<vmem>>, vector<1x10000x128xf32>
    %get3A_10 = vector.shape_cast %get3A_9 : vector<1x10000x128xf32> to vector<10000x128xf32>
    %add3A = arith.addf %get3A_5, %get3A_10 : vector<10000x128xf32>
    %get3A_11 = arith.constant 0 : index
    %get3A_12 = arith.constant 0 : index
    %get3A_13 = vector.load %arg1[%get3A_11, %get3A_12] : memref<10000x128xf32, #tpu.memory_space<vmem>>, vector<10000x128xf32>
    %add3A_14 = arith.addf %add3A, %get3A_13 : vector<10000x128xf32>
    %broadcast_in_dim3A = vector.shape_cast %get3A_0 : vector<10000xf32> to vector<10000x1xf32>
    %mul3A = vector.broadcast %broadcast_in_dim3A : vector<10000x1xf32> to vector<10000x128xf32>
    %mul3A_15 = arith.mulf %add3A_14, %mul3A : vector<10000x128xf32>
    %get3A_16 = arith.constant 0 : index
    %get3A_17 = vector.load %arg3[%get3A_16] : memref<128xf32, #tpu.memory_space<vmem>>, vector<128xf32>
    %broadcast_in_dim3A_18 = vector.shape_cast %get3A_17 : vector<128xf32> to vector<1x128xf32>
    %add3A_19 = vector.broadcast %broadcast_in_dim3A_18 : vector<1x128xf32> to vector<10000x128xf32>
    %add3A_20 = arith.addf %mul3A_15, %add3A_19 : vector<10000x128xf32>
    %max3A = arith.constant 0.000000e+00 : f32
    %max3A_21 = vector.broadcast %max3A : f32 to vector<10000x128xf32>
    %max3A_22 = arith.maximumf %add3A_20, %max3A_21 : vector<10000x128xf32>
    %get3A_23 = arith.constant 0 : index
    %get3A_24 = arith.constant 0 : index
    %get3A_25 = vector.load %arg4[%get3A_23, %get3A_24] : memref<128x128xf32, #tpu.memory_space<vmem>>, vector<128x128xf32>
    %dot_general3A = arith.constant dense<0.000000e+00> : vector<10000x128xf32>
    %dot_general3A_26 = tpu.matmul %max3A_22, %get3A_25, %dot_general3A {dimension_numbers = #tpu.dot_dimension_numbers<[1], [0], [0], [1], [0, 0, 1, 1], [], []>, transpose_lhs_hint = false} : vector<10000x128xf32>, vector<128x128xf32>, vector<10000x128xf32> -> vector<10000x128xf32>
    %broadcast_in_dim3A_27 = vector.shape_cast %get3A_0 : vector<10000xf32> to vector<10000x1xf32>
    %mul3A_28 = vector.broadcast %broadcast_in_dim3A_27 : vector<10000x1xf32> to vector<10000x128xf32>
    %mul3A_29 = arith.mulf %dot_general3A_26, %mul3A_28 : vector<10000x128xf32>
    %swap3A = arith.constant 0 : index
    %swap3A_30 = arith.constant 0 : index
    %swap3A_31 = vector.load %arg5[%swap3A, %swap3A_30] : memref<10000x128xf32, #tpu.memory_space<vmem>>, vector<10000x128xf32>
    tpu.vector_store %arg5[%swap3A, %swap3A_30], %mul3A_29 {strides = array<i32>} : memref<10000x128xf32, #tpu.memory_space<vmem>>, vector<10000x128xf32>,
    return
  }
}

module attributes {stable_mosaic.version = 14 : i64} {
  func.func @_tc_final_body(%arg0: memref<2x10112x128xf32, #tpu.memory_space<vmem>>, %arg1: memref<10000x128xf32, #tpu.memory_space<vmem>>, %arg2: memref<10000xf32, #tpu.memory_space<vmem>>, %arg3: memref<128xf32, #tpu.memory_space<vmem>>, %arg4: memref<128x64xf32, #tpu.memory_space<vmem>>, %arg5: memref<64xf32, #tpu.memory_space<vmem>>, %arg6: memref<10000x64xf32, #tpu.memory_space<vmem>>, %arg7: memref<1x64xf32, #tpu.memory_space<vmem>>) attributes {dimension_semantics = [], scalar_prefetch = 0 : i64, scratch_operands = 0 : i64, tpu.core_type = #tpu.core_type<tc>} {
    %get3A = arith.constant 0 : index
    %get3A_0 = vector.load %arg2[%get3A] : memref<10000xf32, #tpu.memory_space<vmem>>, vector<10000xf32>
    %get3A_1 = arith.constant 0 : index
    %get3A_2 = arith.constant 0 : index
    %get3A_3 = arith.constant 0 : index
    %get3A_4 = vector.load %arg0[%get3A_1, %get3A_2, %get3A_3] : memref<2x10112x128xf32, #tpu.memory_space<vmem>>, vector<1x10000x128xf32>
    %get3A_5 = vector.shape_cast %get3A_4 : vector<1x10000x128xf32> to vector<10000x128xf32>
    %get3A_6 = arith.constant 1 : index
    %get3A_7 = arith.constant 0 : index
    %get3A_8 = arith.constant 0 : index
    %get3A_9 = vector.load %arg0[%get3A_6, %get3A_7, %get3A_8] : memref<2x10112x128xf32, #tpu.memory_space<vmem>>, vector<1x10000x128xf32>
    %get3A_10 = vector.shape_cast %get3A_9 : vector<1x10000x128xf32> to vector<10000x128xf32>
    %add3A = arith.addf %get3A_5, %get3A_10 : vector<10000x128xf32>
    %get3A_11 = arith.constant 0 : index
    %get3A_12 = arith.constant 0 : index
    %get3A_13 = vector.load %arg1[%get3A_11, %get3A_12] : memref<10000x128xf32, #tpu.memory_space<vmem>>, vector<10000x128xf32>
    %add3A_14 = arith.addf %add3A, %get3A_13 : vector<10000x128xf32>
    %broadcast_in_dim3A = vector.shape_cast %get3A_0 : vector<10000xf32> to vector<10000x1xf32>
    %mul3A = vector.broadcast %broadcast_in_dim3A : vector<10000x1xf32> to vector<10000x128xf32>
    %mul3A_15 = arith.mulf %add3A_14, %mul3A : vector<10000x128xf32>
    %get3A_16 = arith.constant 0 : index
    %get3A_17 = vector.load %arg3[%get3A_16] : memref<128xf32, #tpu.memory_space<vmem>>, vector<128xf32>
    %broadcast_in_dim3A_18 = vector.shape_cast %get3A_17 : vector<128xf32> to vector<1x128xf32>
    %add3A_19 = vector.broadcast %broadcast_in_dim3A_18 : vector<1x128xf32> to vector<10000x128xf32>
    %add3A_20 = arith.addf %mul3A_15, %add3A_19 : vector<10000x128xf32>
    %max3A = arith.constant 0.000000e+00 : f32
    %max3A_21 = vector.broadcast %max3A : f32 to vector<10000x128xf32>
    %max3A_22 = arith.maximumf %add3A_20, %max3A_21 : vector<10000x128xf32>
    %get3A_23 = arith.constant 0 : index
    %get3A_24 = arith.constant 0 : index
    %get3A_25 = vector.load %arg4[%get3A_23, %get3A_24] : memref<128x64xf32, #tpu.memory_space<vmem>>, vector<128x64xf32>
    %dot_general3A = arith.constant dense<0.000000e+00> : vector<10000x64xf32>
    %dot_general3A_26 = tpu.matmul %max3A_22, %get3A_25, %dot_general3A {dimension_numbers = #tpu.dot_dimension_numbers<[1], [0], [0], [1], [0, 0, 1, 1], [], []>, transpose_lhs_hint = false} : vector<10000x128xf32>, vector<128x64xf32>, vector<10000x64xf32> -> vector<10000x64xf32>
    %get3A_27 = arith.constant 0 : index
    %get3A_28 = vector.load %arg5[%get3A_27] : memref<64xf32, #tpu.memory_space<vmem>>, vector<64xf32>
    %broadcast_in_dim3A_29 = vector.shape_cast %get3A_28 : vector<64xf32> to vector<1x64xf32>
    %add3A_30 = vector.broadcast %broadcast_in_dim3A_29 : vector<1x64xf32> to vector<10000x64xf32>
    %add3A_31 = arith.addf %dot_general3A_26, %add3A_30 : vector<10000x64xf32>
    %swap3A = arith.constant 0 : index
    %swap3A_32 = arith.constant 0 : index
    %swap3A_33 = vector.load %arg6[%swap3A, %swap3A_32] : memref<10000x64xf32, #tpu.memory_space<vmem>>, vector<10000x64xf32>
    tpu.vector_store %arg6[%swap3A, %swap3A_32], %add3A_31 {strides = array<i32>} : memref<10000x64xf32, #tpu.memory_space<vmem>>, vector<10000x64xf32>,
    %reduce_sum3A = arith.constant dense<0.000000e+00> : vector<64xf32>
    %reduce_sum3A_34 = vector.multi_reduction <add>, %add3A_31, %reduce_sum3A [0] : vector<10000x64xf32> to vector<64xf32>
    %broadcast_in_dim3A_35 = vector.shape_cast %reduce_sum3A_34 : vector<64xf32> to vector<1x64xf32>
    %div3A = arith.constant 1.000000e+04 : f32
    %div3A_36 = vector.broadcast %div3A : f32 to vector<1x64xf32>
    %div3A_37 = arith.divf %broadcast_in_dim3A_35, %div3A_36 : vector<1x64xf32>
    %swap3A_38 = arith.constant 0 : index
    %swap3A_39 = arith.constant 0 : index
    %swap3A_40 = vector.load %arg7[%swap3A_38, %swap3A_39] : memref<1x64xf32, #tpu.memory_space<vmem>>, vector<1x64xf32>
    tpu.vector_store %arg7[%swap3A_38, %swap3A_39], %div3A_37 {strides = array<i32>} : memref<1x64xf32, #tpu.memory_space<vmem>>, vector<1x64xf32>,
    return
  }
}

</mosaic_0001>

<sc_bundles>
// kernel: kernel.10.cloned.1.call-start
scs
__scs_entry_jumppad:
0x0: {  	(pc) =	sbr.rel $0x88, $3  }
0x1: {  	(tag) =	ssettag $0x0;
	lr =	simm.s32 $0x1  }
0x2: {  	[smem:$0x3F97] =	sst lr;
	_ =	strace $0xD0000000  }
0x3: {  	_ = 	snop  }
0x4: {  	_ = 	snop  }
0x5: {  	_ = 	snop  }
0x6: {  	_ = 	snop  }
0x7: {  	_ = 	snop  }
__scs_overlays_trampoline_lowered:
0x8: {  	[smem:$0x3FA6] =	sst s0  }
0x9: {  	[smem:$0x3FA7] =	sst s1  }
0xa: {  	[smem:$0x3FA8] =	sst s2  }
0xb: {  	[smem:$0x3FA9] =	sst s3  }
0xc: {  	[smem:$0x3FAA] =	sst s4  }
0xd: {  	[smem:$0x3FAB] =	sst s5  }
0xe: {  	[smem:$0x3FAC] =	sst s6  }
0xf: {  	[smem:$0x3FAD] =	sst s7  }
0x10: {  	[smem:$0x3FAE] =	sst s8  }
0x11: {  	[smem:$0x3FAF] =	sst s9;
	s0 =	simm.s32 @!p0 $0x0  }
0x12: {  	s1 =	sld [smem:$0x3F95];
	s0 =	simm.s32 @p0 $0x1  }
0x13: {  	[smem:$0x3FB0] =	sst s0;
	s0 =	simm.s32 @!p1 $0x0  }
0x14: {  	s2 =	sld [smem:$0x3F94];
	s0 =	simm.s32 @p1 $0x1  }
0x15: {  	[smem:$0x3FB1] =	sst s0;
	s0 =	simm.s32 @!p2 $0x0  }
0x16: {  	s3 =	sld [smem:$0x3FDB];
	s0 =	simm.s32 @p2 $0x1  }
0x17: {  	s4 =	simm.s32 $0x1BF5;
	[smem:$0x3FB3] =	sst s0  }
0x18: {  	s0 =	sld [smem:$0x3F96];
	_ =	swait.ge [sflag:s4], $0x0  }
0x19: {  	s7 =	sld [smem:$0x3F97]  }
0x1a: {  	s8 =	sadd.s32 $0xFFFFE003, lr  }
0x1b: {  	s9 =	sadd.s32 $0xFFFFFEF7, lr;
	s5 =	simm.s32 $0xFFFFFFFF;
	p2 =	slt.u32 s8, $0xFFFFF086  }
0x1c: {  	p1 =	slt.u32 s9, $0xF7A;
	s5 =	simm.s32 @!p2 $0x0  }
0x1d: {  	s5 =	simm.s32 @p1 $0x1;
	p0 =	seq.s32 s7, s2  }
0x1e: {  	s7 =	smul.u32 @!p0 $0xF7A, s2;
	p2 =	seq.s32 @!p0 s5, $0x0  }
0x1f: {  	s9 =	smul.u32 $0xF7A, s1;
	s8 =	simm.s32 @!p0 $0x1BF5;
	p2 =	por !p2, p0  }
0x20: {  	[sflag:s8] =	ssyncset.s32 @!p0 $0xFFFFF086;
	s6 =	sadd.s32 @!p0 s3, s7;
	s7 =	simm.s32 @!p0 $0x108  }
0x21: {  	s3 =	sadd.s32 s3, s9;
	s6 =	sadd.s32 @!p0 $0x88, s6;
	s7 =	simm.s32 @p2 $0x1082  }
0x22: {  	[simem:s7], [sflag:s8] =	dma.local @!p0 [hbm:s6], $0xF7A  }
0x23: {  	s9 =	sor.u32 $0xD0000000, s2;
	s6 =	simm.s32 $0x108;
	_ =	swait.ge @!p0 [sflag:s8], $0x0  }
0x24: {  	s3 =	sadd.s32 $0x88, s3;
	s6 =	simm.s32 @!p1 $0x1082;
	[sflag:s4] =	ssyncset.s32 $0xFFFFF086  }
0x25: {  	[simem:s6], [sflag:s4] =	dma.local [hbm:s3], $0xF7A  }
0x26: {  	[smem:$0x3F97] =	sst s1;
	(tag) =	ssettag s2;
	_ =	strace s9  }
0x27: {  	s1 =	sld [smem:$0x3FA7]  }
0x28: {  	s2 =	sld [smem:$0x3FA8]  }
0x29: {  	s4 =	sld [smem:$0x3FAA]  }
0x2a: {  	p0 =	seq.s32 s5, $0x0;
	s5 =	sld [smem:$0x3FAB]  }
0x2b: {  	s6 =	sld [smem:$0x3FAC]  }
0x2c: {  	s7 =	sld [smem:$0x3FAD]  }
0x2d: {  	s3 =	simm.s32 $0x108;
	s8 =	sld [smem:$0x3FAE]  }
0x2e: {  	s3 =	simm.s32 @!p0 $0x1082;
	s9 =	sld [smem:$0x3FAF]  }
0x2f: {  	lr =	sadd.s32 s0, s3;
	s0 =	sld [smem:$0x3FA6]  }
0x30: {  	s3 =	sld [smem:$0x3FA9]  }
0x31: {  	[smem:$0x3FB2] =	sst s10  }
0x32: {  	s10 =	sld [smem:$0x3FB0];
	_ =	sdelay $0x3  }
0x33: {  	p0 =	seq.s32 s10, $0x1;
	s10 =	sld [smem:$0x3FB2];
	_ =	sdelay $0x3  }
0x34: {  	[smem:$0x3FB2] =	sst s10  }
0x35: {  	s10 =	sld [smem:$0x3FB1];
	_ =	sdelay $0x3  }
0x36: {  	p1 =	seq.s32 s10, $0x1;
	s10 =	sld [smem:$0x3FB2];
	_ =	sdelay $0x3  }
0x37: {  	[smem:$0x3FB2] =	sst s10  }
0x38: {  	s10 =	sld [smem:$0x3FB3]  }
0x39: {  	_ = 	snop;
	(pc) =	sbr.ind lr, $3  }
0x3a: {  	_ = 	snop  }
0x3b: {  	_ = 	snop  }
0x3c: {  	p2 =	seq.s32 s10, $0x1;
	s10 =	sld [smem:$0x3FB2]  }
0x3d: {  	_ =	shalt  }
0x3e: {  	_ =	shalt  }
0x3f: {  	_ =	shalt  }
0x40: {  	_ =	shalt  }
0x41: {  	_ =	shalt  }
0x42: {  	_ =	shalt  }
0x43: {  	_ =	shalt  }
0x44: {  	_ =	shalt  }
0x45: {  	_ =	shalt  }
0x46: {  	_ =	shalt  }
0x47: {  	_ =	shalt  }
0x48: {  	_ =	shalt  }
0x49: {  	_ =	shalt  }
0x4a: {  	_ =	shalt  }
0x4b: {  	_ =	shalt  }
0x4c: {  	_ =	shalt  }
0x4d: {  	_ =	shalt  }
0x4e: {  	_ =	shalt  }
0x4f: {  	_ =	shalt  }
0x50: {  	_ =	shalt  }
0x51: {  	_ =	shalt  }
0x52: {  	_ =	shalt  }
0x53: {  	_ =	shalt  }
0x54: {  	_ =	shalt  }
0x55: {  	_ =	shalt  }
0x56: {  	_ =	shalt  }
0x57: {  	_ =	shalt  }
0x58: {  	_ =	shalt  }
0x59: {  	_ =	shalt  }
0x5a: {  	_ =	shalt  }
0x5b: {  	_ =	shalt  }
0x5c: {  	_ =	shalt  }
0x5d: {  	_ =	shalt  }
0x5e: {  	_ =	shalt  }
0x5f: {  	_ =	shalt  }
0x60: {  	_ =	shalt  }
0x61: {  	_ =	shalt  }
0x62: {  	_ =	shalt  }
0x63: {  	_ =	shalt  }
0x64: {  	_ =	shalt  }
0x65: {  	_ =	shalt  }
0x66: {  	_ =	shalt  }
0x67: {  	_ =	shalt  }
0x68: {  	_ =	shalt  }
0x69: {  	_ =	shalt  }
0x6a: {  	_ =	shalt  }
0x6b: {  	_ =	shalt  }
0x6c: {  	_ =	shalt  }
0x6d: {  	_ =	shalt  }
0x6e: {  	_ =	shalt  }
0x6f: {  	_ =	shalt  }
0x70: {  	_ =	shalt  }
0x71: {  	_ =	shalt  }
0x72: {  	_ =	shalt  }
0x73: {  	_ =	shalt  }
0x74: {  	_ =	shalt  }
0x75: {  	_ =	shalt  }
0x76: {  	_ =	shalt  }
0x77: {  	_ =	shalt  }
0x78: {  	_ =	shalt  }
0x79: {  	_ =	shalt  }
0x7a: {  	_ =	shalt  }
0x7b: {  	_ =	shalt  }
0x7c: {  	_ =	shalt  }
0x7d: {  	_ =	shalt  }
0x7e: {  	_ =	shalt  }
0x7f: {  	_ =	shalt  }
0x80: {  	_ =	shalt  }
0x81: {  	_ =	shalt  }
0x82: {  	_ =	shalt  }
0x83: {  	_ =	shalt  }
0x84: {  	_ =	shalt  }
0x85: {  	_ =	shalt  }
0x86: {  	_ =	shalt  }
0x87: {  	_ =	shalt  }
.Lfunc_end0:
.L_simem_size_0:
called_computation_lowered:
.L_overlay_start_0:
0x88: {  	s2 =	sld [smem:$0x3FD9]  }
0x89: {  	s3 =	sld [smem:$0x3FFE];
	_ =	sdelay $0x1  }
0x8a: {  	s1 =	srdreg.scid  }
0x8b: {  	s0 =	sand.u32 $0x1, s1  }
0x8c: {  	s14 =	sshll.u32 s0, $0xA;
	s2 =	sadd.s32 s3, s2  }
0x8d: {  	s2 =	sadd.s32 s2, s14  }
0x8e: {  	[smem:$0x3FBE] =	sst s2  }
0x8f: {  	_ = 	snop  }
0x90: {  	s2 =	sld [smem:$0x3FD0];
	_ =	sdelay $0x2  }
0x91: {  	s15 =	simm.s32 $0xA;
	s4 =	simm.s32 $0x10  }
0x92: {  	[smem:s4], [sflag:s15] =	dma.local [hbm:s2], $0x1  }
0x93: {  	_ =	swait.eq [sflag:s15], $0x1  }
0x94: {  	[sflag:s15] =	ssyncset.done $0x0  }
0x95: {  	[sflag:s15] =	ssyncadd.s32 $0xFFFFFFFF  }
0x96: {  	s16 =	sld [smem:$0x10];
	(tm) =	ssettm $0x1  }
0x97: {  	s17 =	sld [smem:$0x3FFB];
	_ =	sdelay $0x3  }
0x98: {  	_ =	strace s17  }
0x99: {  	s3 =	sld [smem:$0x3FFC];
	_ =	sdelay $0x3  }
0x9a: {  	_ =	strace s3  }
0x9b: {  	s3 =	sld [smem:$0x3FFD];
	_ =	sdelay $0x3  }
0x9c: {  	_ =	strace s3  }
0x9d: {  	_ =	strace $0x8FFFFFFF  }
0x9e: {  	s18 =	sld [smem:$0x3FDB];
	_ =	sdelay $0x1  }
0x9f: {  	s19 =	simm.s32 $_scs_section_size  }
0xa0: {  	s5 =	simm.s32 $_size__tile_overlayer_lowered;
	s6 =	simm.s32 $_tile_overlayer_lowered  }
0xa1: {  	s22 =	simm.s32 $0x1BFF;
	s21 =	sshll.u32 s6, $0x1;
	s3 =	sadd.s32 s19, s18  }
0xa2: {  	s7 =	simm.s32 $0x0;
	s20 =	sshll.u32 s5, $0x1;
	s5 =	sadd.s32 s21, s3  }
0xa3: {  	[timem:s7], [sflag:s22] =	dma.local [hbm:s5], s20  }
0xa4: {  	_ =	swait.ge [sflag:s22], s20  }
0xa5: {  	s4 =	ssub.s32 $0x0, s20;
	[sflag:s22] =	ssyncset.done $0x0  }
0xa6: {  	[sflag:s22] =	ssyncadd.s32 s4;
	_ =	sdelay $0x1  }
0xa7: {  	s23 =	simm.s32 $0x1B8B  }
0xa8: {  	_ =	swait.ge [sflag:s23], $0x1  }
0xa9: {  	[sflag:s23] =	ssyncset.done $0x0  }
0xaa: {  	s25 =	simm.s32 $0x1B8E;
	s24 =	sld [smem:$0x3FFE];
	[sflag:s23] =	ssyncadd.s32 $0xFFFFFFFF  }
0xab: {  	s26 =	simm.s32 $execute0_lowered;
	[smem:$0x3FD2] =	sst s25  }
0xac: {  	s5 =	sshll.u32 s26, $0x1;
	_ =	strace $0x80000046;
	[dreg:$0x1] =	wrdreg $0xFFFFFFFF  }
0xad: {  	s28 =	simm.s32 $_size_execute0_lowered;
	s3 =	sadd.s32 s3, s5;
	[dreg:$0x0] =	wrdreg $0x0  }
0xae: {  	s5 =	sshll.u32 s28, $0x1;
	[dreg:$0x2] =	wrdreg s3  }
0xaf: {  	[dreg:$0x3] =	wrdreg s5  }
0xb0: {  	[dreg:$0x4] =	wrdreg $0xC0  }
0xb1: {  	_ =	task [dreg:s7], $0x5FFFF  }
0xb2: {  	[dreg:$0x1] =	wrdreg $0xFFFFFFFF  }
0xb3: {  	[dreg:$0x0] =	wrdreg $0x60  }
0xb4: {  	[dreg:$0x2] =	wrdreg s16  }
0xb5: {  	[dreg:$0x3] =	wrdreg s24  }
0xb6: {  	[dreg:$0x4] =	wrdreg $0x3C000  }
0xb7: {  	[dreg:$0x5] =	wrdreg $0x9  }
0xb8: {  	_ =	task.clear_ibuf [dreg:s7], $0x6FFFF;
	_ =	strace $0x90000046  }
0xb9: {  	s29 =	simm.s32 $0x9;
	_ =	strace $0x80000048  }
0xba: {  	_ =	swait.ge [sflag:s29], $0x1  }
0xbb: {  	[sflag:s29] =	ssyncadd.s32 $0xFFFFFFFF  }
0xbc: {  	_ =	strace $0x90000048  }
0xbd: {  	_ =	sfence  }
0xbe: {  	s30 =	sld [smem:$0x0];
	_ =	sdelay $0x2  }
0xbf: {  	s31 =	sshll.u32 s1, $0xD;
	s1 =	sshrl.u32 s1, $0x2  }
0xc0: {  	s3 =	sand.u32 $0x4000, s31;
	s1 =	sadd.s32 s1, s30  }
0xc1: {  	s0 =	sor.u32 s3, s0;
	s1 =	sshll.u32 s1, $0x11  }
0xc2: {  	s0 =	sor.u32 s1, s0  }
0xc3: {  	s0 =	sadd.s32 $0x8F2B, s0  }
0xc4: {  	[sflag:s0] =	ssyncadd.remote.s32 $0x1  }
0xc5: {  	_ =	sfence.sel $0xFFFF  }
0xc6: {  	[dreg:$0x0] =	wrdreg $0xFFFFFFFF;
	(pc) =	sbr.abs _section_cstart, $3  }
0xc7: {  	[dreg:$0x1] =	wrdreg $0xFFFFFFFF  }
0xc8: {  	_ =	task.clear_ibuf [dreg:s7], $0x2FFFF;
	_ =	strace $0x9FFFFFFF  }
0xc9: {  	(tm) =	ssettm $0x7FFFFFFF  }
tec
execute0_lowered:
.L_overlay_start_1:
0x0: {  	(tag) =	ssettag $0x1  }
0x1: {  	s4 =	rddreg [dreg:$0x0]  }
0x2: {  	s5 =	rddreg [dreg:$0x1]  }
0x3: {  	s2 =	rddreg [dreg:$0x2]  }
0x4: {  	s0 =	rddreg [dreg:$0x3]  }
0x5: {  	s3 =	simm.s32 $0x0;
	s6 =	srdreg.scid;
	s1 =	stileid.u32  }
0x6: {  	s11 =	simm.s32 $0x3800;
	s12 =	simm.s32 $0x3900;
	s13 =	simm.s32 $0x3880  }
0x7: {  	s14 =	simm.s32 $0x1;
	s17 =	simm.s32 $0x20;
	s18 =	simm.s32 $0x10  }
0x8: {  	s19 =	simm.s32 $0x0;
	[smem:$0x7FF] =	sst s3;
	s7 =	smul.u32 $0x500, s1  }
0x9: {  	s6 =	sand.u32 $0x1, s6;
	s9 =	sshll.u32 s1, $0x1;
	s30 =	smul.u32 $0xA00, s1  }
0xa: {  	s15 =	sshll.u32 s1, $0x6;
	_ =	strace $0x80000047;
	s8 =	sshll.u32 s6, $0x7  }
0xb: {  	s29 =	sor.u32 s6, s9;
	s6 =	ssub.s32 $0x2, s6;
	s15 =	sor.u32 $0x1C02, s15  }
0xc: {  	s7 =	sor.u32 s8, s7;
	s8 =	smul.u32 $0x700, s29;
	s31 =	sshrl.u32 s6, $0x1  }
0xd: {  	s9 =	sshrl.u32 s30, $0x2;
	s7 =	sshrl.u32 s7, $0x3;
	s10 =	ssub.s32 s6, s31  }
0xe: {  	s7 =	sadd.s32 s7, s5;
	s4 =	sadd.s32 s4, s8;
	s5 =	sadd.s32 s9, s2  }
0xf: {  	s8 =	simm.s32 $0x2;
	s9 =	simm.s32 $0x3980;
	s6 =	sadd.s32 $0x3E00, s7  }
0x10: {  	v0 =	vimm.f32 $1.000000000e+00;
	v1 =	vimm.f32 $0.0e+00;
	s7 =	smax.u32 s10, $0x1;
	s10 =	simm.s32 $0x60;
	s16 =	sshrl.u32 s5, $0x3  }
.LBB2_1:
0x11: {  	[tilespmem:$0x3900] =	vst v0  }
0x12: {  	[tilespmem:$0x3910] =	vst v0  }
0x13: {  	[tilespmem:$0x3920] =	vst v0  }
0x14: {  	[tilespmem:$0x3930] =	vst v0  }
0x15: {  	[tilespmem:$0x3940] =	vst v0  }
0x16: {  	[tilespmem:$0x3950] =	vst v0  }
0x17: {  	[tilespmem:$0x3980] =	vst v1  }
0x18: {  	[tilespmem:$0x3990] =	vst v1  }
0x19: {  	[tilespmem:$0x39A0] =	vst v1  }
0x1a: {  	[tilespmem:$0x39B0] =	vst v1  }
0x1b: {  	[tilespmem:$0x39C0] =	vst v1  }
0x1c: {  	[tilespmem:$0x39D0] =	vst v1  }
0x1d: {  	[tilespmem:$0x39E0] =	vst v1  }
0x1e: {  	[tilespmem:$0x39F0] =	vst v1  }
0x1f: {  	[tilespmem:$0x3A00] =	vst v1  }
0x20: {  	[tilespmem:$0x3A10] =	vst v1  }
0x21: {  	[tilespmem:$0x3A20] =	vst v1  }
0x22: {  	[tilespmem:$0x3A30] =	vst v1  }
0x23: {  	[tilespmem:$0x3A40] =	vst v1  }
0x24: {  	[tilespmem:$0x3A50] =	vst v1  }
0x25: {  	[tilespmem:$0x3A60] =	vst v1  }
0x26: {  	[tilespmem:$0x3A70] =	vst v1  }
0x27: {  	[tilespmem:$0x3A80] =	vst v1  }
0x28: {  	[tilespmem:$0x3A90] =	vst v1  }
0x29: {  	[tilespmem:$0x3AA0] =	vst v1  }
0x2a: {  	[tilespmem:$0x3AB0] =	vst v1  }
0x2b: {  	[tilespmem:$0x3AC0] =	vst v1  }
0x2c: {  	[tilespmem:$0x3AD0] =	vst v1  }
0x2d: {  	[tilespmem:$0x3AE0] =	vst v1  }
0x2e: {  	[tilespmem:$0x3AF0] =	vst v1  }
0x2f: {  	[tilespmem:$0x3B00] =	vst v1  }
0x30: {  	[tilespmem:$0x3B10] =	vst v1  }
0x31: {  	[tilespmem:$0x3B20] =	vst v1  }
0x32: {  	[tilespmem:$0x3B30] =	vst v1  }
0x33: {  	[tilespmem:$0x3B40] =	vst v1  }
0x34: {  	[tilespmem:$0x3B50] =	vst v1  }
0x35: {  	[tilespmem:$0x3B60] =	vst v1  }
0x36: {  	[tilespmem:$0x3B70] =	vst v1  }
0x37: {  	[tilespmem:$0x3B80] =	vst v1  }
0x38: {  	[tilespmem:$0x3B90] =	vst v1  }
0x39: {  	[tilespmem:$0x3BA0] =	vst v1  }
0x3a: {  	[tilespmem:$0x3BB0] =	vst v1  }
0x3b: {  	[tilespmem:$0x3BC0] =	vst v1  }
0x3c: {  	[tilespmem:$0x3BD0] =	vst v1  }
0x3d: {  	[tilespmem:$0x3BE0] =	vst v1  }
0x3e: {  	[tilespmem:$0x3BF0] =	vst v1  }
0x3f: {  	[tilespmem:s3], [sflag:$0x2] =	stream.linear.gather [hbm4b:s4+s3], $0x3480, $0x38;
	[tilespmem:$0x3E80] =	vst v63  }
0x40: {  	_ =	swait.ge [sflag:s8], $0x3480  }
0x41: {  	[sflag:s8] =	ssyncset.done $0x0  }
0x42: {  	[sflag:s8] =	ssyncadd.s32 $0xFFFFCB80  }
0x43: {  	[spmem:s5] =	stream.linear.scatter [tilespmem:s9], [sflag:$0x2], $0x280, $0x38;
	[tilespmem:$0x3E80] =	vst v63  }
0x44: {  	_ =	swait.ge [sflag:s8], $0x280  }
0x45: {  	[sflag:s8] =	ssyncset.done $0x0  }
0x46: {  	[sflag:s8] =	ssyncadd.s32 $0xFFFFFD80  }
0x47: {  	[bflag:$0x0] =	sbarrier.arrive $0xFFFF  }
0x48: {  	v2 =	vld [tilespmem:$0x0]  }
0x49: {  	v3 =	vld [tilespmem:$0x10]  }
0x4a: {  	v4 =	vld [tilespmem:$0x20]  }
0x4b: {  	v5 =	vld [tilespmem:$0x30]  }
0x4c: {  	v6 =	vld [tilespmem:$0x40]  }
0x4d: {  	v7 =	vld [tilespmem:$0x50];
	v2 =	vshrl.u32 v2, $0x10  }
0x4e: {  	[tilespmem:$0x3800] =	vst v2;
	v2 =	vshrl.u32 v3, $0x10  }
0x4f: {  	[tilespmem:$0x3810] =	vst v2;
	v2 =	vshrl.u32 v4, $0x10  }
0x50: {  	[tilespmem:$0x3820] =	vst v2;
	v2 =	vshrl.u32 v5, $0x10  }
0x51: {  	[tilespmem:$0x3830] =	vst v2;
	v2 =	vshrl.u32 v6, $0x10  }
0x52: {  	[tilespmem:$0x3840] =	vst v2;
	v2 =	vshrl.u32 v7, $0x10  }
0x53: {  	[tilespmem:$0x3850] =	vst v2  }
0x54: {  	[spmem:s2] =	stream.indirect.scatter.add.f32 [tilespmem:s12], [sflag:$0x1], $0x1, s11, s10, $0xb8;
	[tilespmem:$0x3E80] =	vst v63  }
0x55: {  	v2 =	vld [tilespmem:$0x80]  }
0x56: {  	v3 =	vld [tilespmem:$0x90]  }
0x57: {  	v60 =	vld [tilespmem:$0xA0]  }
0x58: {  	v61 =	vld [tilespmem:$0xB0]  }
0x59: {  	v62 =	vld [tilespmem:$0xC0]  }
0x5a: {  	v63 =	vld [tilespmem:$0xD0];
	v2 =	vshrl.u32 v2, $0x10  }
0x5b: {  	[tilespmem:$0x3880] =	vst v2;
	v2 =	vshrl.u32 v3, $0x10  }
0x5c: {  	[tilespmem:$0x3890] =	vst v2;
	v2 =	vshrl.u32 v60, $0x10  }
0x5d: {  	[tilespmem:$0x38A0] =	vst v2;
	v2 =	vshrl.u32 v61, $0x10  }
0x5e: {  	[tilespmem:$0x38B0] =	vst v2;
	v2 =	vshrl.u32 v62, $0x10  }
0x5f: {  	[tilespmem:$0x38C0] =	vst v2;
	v2 =	vshrl.u32 v63, $0x10  }
0x60: {  	[tilespmem:$0x38D0] =	vst v2  }
0x61: {  	[spmem:s2] =	stream.indirect.scatter.add.f32 [tilespmem:s12], [sflag:$0x1], $0x1, s13, s10, $0xb8;
	[tilespmem:$0x3E80] =	vst v63  }
0x62: {  	_ =	swait.ge [sflag:s14], $0x60  }
0x63: {  	[sflag:s14] =	ssyncset.done $0x0  }
0x64: {  	s20 =	simm.s32 $0x0;
	[sflag:s14] =	ssyncadd.s32 $0xFFFFFFA0  }
0x65: {  	v2 =	vld [tilespmem:s20+$0x100];
	_ =	sdelay $0x4  }
0x66: {  	v2 =	vshrl.u32 v2, $0x10  }
0x67: {  	[tilespmem:$0x3800] =	vst v2  }
0x68: {  	v2 =	vld [tilespmem:s20+$0x110];
	_ =	sdelay $0x4  }
0x69: {  	v2 =	vshrl.u32 v2, $0x10  }
0x6a: {  	[tilespmem:$0x3810] =	vst v2  }
0x6b: {  	v2 =	vld [tilespmem:s20+$0x120];
	_ =	sdelay $0x4  }
0x6c: {  	v2 =	vshrl.u32 v2, $0x10  }
0x6d: {  	[tilespmem:$0x3820] =	vst v2  }
0x6e: {  	v2 =	vld [tilespmem:s20+$0x130];
	_ =	sdelay $0x4  }
0x6f: {  	v2 =	vshrl.u32 v2, $0x10  }
0x70: {  	[tilespmem:$0x3830] =	vst v2  }
0x71: {  	v2 =	vld [tilespmem:s20+$0x140];
	_ =	sdelay $0x4  }
0x72: {  	v2 =	vshrl.u32 v2, $0x10  }
0x73: {  	[tilespmem:$0x3840] =	vst v2  }
0x74: {  	v2 =	vld [tilespmem:s20+$0x150];
	_ =	sdelay $0x4  }
0x75: {  	v2 =	vshrl.u32 v2, $0x10  }
0x76: {  	[tilespmem:$0x3850] =	vst v2  }
0x77: {  	[spmem:s2] =	stream.indirect.scatter.add.f32 [tilespmem:s12], [sflag:$0x1], $0x1, s11, s10, $0xb8;
	[tilespmem:$0x3E80] =	vst v63  }
0x78: {  	_ =	swait.ge [sflag:s14], $0x60  }
0x79: {  	[sflag:s14] =	ssyncset.done $0x0  }
0x7a: {  	[sflag:s14] =	ssyncadd.s32 $0xFFFFFFA0  }
0x7b: {  	v2 =	vld [tilespmem:s20+$0x180];
	_ =	sdelay $0x4  }
0x7c: {  	v2 =	vshrl.u32 v2, $0x10  }
0x7d: {  	[tilespmem:$0x3880] =	vst v2  }
0x7e: {  	v2 =	vld [tilespmem:s20+$0x190];
	_ =	sdelay $0x4  }
0x7f: {  	v2 =	vshrl.u32 v2, $0x10  }
0x80: {  	[tilespmem:$0x3890] =	vst v2  }
0x81: {  	v2 =	vld [tilespmem:s20+$0x1A0];
	_ =	sdelay $0x4  }
0x82: {  	v2 =	vshrl.u32 v2, $0x10  }
0x83: {  	[tilespmem:$0x38A0] =	vst v2  }
0x84: {  	v2 =	vld [tilespmem:s20+$0x1B0];
	_ =	sdelay $0x4  }
0x85: {  	v2 =	vshrl.u32 v2, $0x10  }
0x86: {  	[tilespmem:$0x38B0] =	vst v2  }
0x87: {  	v2 =	vld [tilespmem:s20+$0x1C0];
	_ =	sdelay $0x4  }
0x88: {  	v2 =	vshrl.u32 v2, $0x10  }
0x89: {  	[tilespmem:$0x38C0] =	vst v2  }
0x8a: {  	v2 =	vld [tilespmem:s20+$0x1D0];
	_ =	sdelay $0x4  }
0x8b: {  	v2 =	vshrl.u32 v2, $0x10  }
0x8c: {  	s20 =	simm.s32 $0x400;
	[tilespmem:$0x38D0] =	vst v2  }
.LBB2_2:
0x8d: {  	[spmem:s2] =	stream.indirect.scatter.add.f32 [tilespmem:s12], [sflag:$0x1], $0x1, s13, s10, $0xb8;
	[tilespmem:$0x3E80] =	vst v63  }
0x8e: {  	s21 =	smov.u32 s20  }
0x8f: {  	p0 =	sne.s32 s20, $0xC800;
	s20 =	sadd.s32 $0x400, s20;
	_ =	swait.ge [sflag:s14], $0x60  }
0x90: {  	[sflag:s14] =	ssyncset.done $0x0  }
0x91: {  	s21 =	sshra.s32 s21, $0x2;
	[sflag:s14] =	ssyncadd.s32 $0xFFFFFFA0  }
0x92: {  	v2 =	vld [tilespmem:s21+$0x100];
	_ =	sdelay $0x4  }
0x93: {  	v2 =	vshrl.u32 v2, $0x10  }
0x94: {  	[tilespmem:$0x3800] =	vst v2  }
0x95: {  	v2 =	vld [tilespmem:s21+$0x110];
	_ =	sdelay $0x4  }
0x96: {  	v2 =	vshrl.u32 v2, $0x10  }
0x97: {  	[tilespmem:$0x3810] =	vst v2  }
0x98: {  	v2 =	vld [tilespmem:s21+$0x120];
	_ =	sdelay $0x4  }
0x99: {  	v2 =	vshrl.u32 v2, $0x10  }
0x9a: {  	[tilespmem:$0x3820] =	vst v2  }
0x9b: {  	v2 =	vld [tilespmem:s21+$0x130];
	_ =	sdelay $0x4  }
0x9c: {  	v2 =	vshrl.u32 v2, $0x10  }
0x9d: {  	[tilespmem:$0x3830] =	vst v2  }
0x9e: {  	v2 =	vld [tilespmem:s21+$0x140];
	_ =	sdelay $0x4  }
0x9f: {  	v2 =	vshrl.u32 v2, $0x10  }
0xa0: {  	[tilespmem:$0x3840] =	vst v2  }
0xa1: {  	v2 =	vld [tilespmem:s21+$0x150];
	_ =	sdelay $0x4  }
0xa2: {  	v2 =	vshrl.u32 v2, $0x10  }
0xa3: {  	[tilespmem:$0x3850] =	vst v2  }
0xa4: {  	[spmem:s2] =	stream.indirect.scatter.add.f32 [tilespmem:s12], [sflag:$0x1], $0x1, s11, s10, $0xb8;
	[tilespmem:$0x3E80] =	vst v63  }
0xa5: {  	_ =	swait.ge [sflag:s14], $0x60  }
0xa6: {  	[sflag:s14] =	ssyncset.done $0x0  }
0xa7: {  	[sflag:s14] =	ssyncadd.s32 $0xFFFFFFA0  }
0xa8: {  	v2 =	vld [tilespmem:s21+$0x180];
	_ =	sdelay $0x4  }
0xa9: {  	v2 =	vshrl.u32 v2, $0x10  }
0xaa: {  	[tilespmem:$0x3880] =	vst v2  }
0xab: {  	v2 =	vld [tilespmem:s21+$0x190];
	_ =	sdelay $0x4  }
0xac: {  	v2 =	vshrl.u32 v2, $0x10  }
0xad: {  	[tilespmem:$0x3890] =	vst v2  }
0xae: {  	v2 =	vld [tilespmem:s21+$0x1A0];
	_ =	sdelay $0x4  }
0xaf: {  	v2 =	vshrl.u32 v2, $0x10  }
0xb0: {  	[tilespmem:$0x38A0] =	vst v2  }
0xb1: {  	v2 =	vld [tilespmem:s21+$0x1B0];
	_ =	sdelay $0x4  }
0xb2: {  	v2 =	vshrl.u32 v2, $0x10  }
0xb3: {  	[tilespmem:$0x38B0] =	vst v2  }
0xb4: {  	v2 =	vld [tilespmem:s21+$0x1C0];
	_ =	sdelay $0x4  }
0xb5: {  	v2 =	vshrl.u32 v2, $0x10  }
0xb6: {  	[tilespmem:$0x38C0] =	vst v2  }
0xb7: {  	v2 =	vld [tilespmem:s21+$0x1D0];
	_ =	sdelay $0x1  }
.Ltmp0:
0xb8: {  	(pc) =	sbr.rel @p0 .LBB2_2-.Ltmp0, $3  }
0xb9: {  	_ =	sdelay $0x1  }
0xba: {  	v2 =	vshrl.u32 v2, $0x10  }
0xbb: {  	[tilespmem:$0x38D0] =	vst v2  }
0xbc: {  	[spmem:s2] =	stream.indirect.scatter.add.f32 [tilespmem:s12], [sflag:$0x1], $0x1, s13, s10, $0xb8;
	[tilespmem:$0x3E80] =	vst v63  }
0xbd: {  	_ =	swait.ge [sflag:s14], $0x60  }
0xbe: {  	[sflag:s14] =	ssyncset.done $0x0  }
0xbf: {  	[sflag:s14] =	ssyncadd.s32 $0xFFFFFFA0  }
0xc0: {  	v2 =	vld [tilespmem:$0x3400]  }
0xc1: {  	v3 =	vld [tilespmem:$0x3410]  }
0xc2: {  	v4 =	vld [tilespmem:$0x3420]  }
0xc3: {  	v5 =	vld [tilespmem:$0x3430]  }
0xc4: {  	v6 =	vld [tilespmem:$0x3440]  }
0xc5: {  	v7 =	vld [tilespmem:$0x3450];
	v2 =	vshrl.u32 v2, $0x10  }
0xc6: {  	[tilespmem:$0x3800] =	vst v2;
	v2 =	vshrl.u32 v3, $0x10  }
0xc7: {  	[tilespmem:$0x3810] =	vst v2;
	v2 =	vshrl.u32 v4, $0x10  }
0xc8: {  	[tilespmem:$0x3820] =	vst v2;
	v2 =	vshrl.u32 v5, $0x10  }
0xc9: {  	[tilespmem:$0x3830] =	vst v2;
	v2 =	vshrl.u32 v6, $0x10  }
0xca: {  	[tilespmem:$0x3840] =	vst v2;
	v2 =	vshrl.u32 v7, $0x10  }
0xcb: {  	[tilespmem:$0x3850] =	vst v2  }
0xcc: {  	[spmem:s2] =	stream.indirect.scatter.add.f32 [tilespmem:s12], [sflag:$0x1], $0x1, s11, s10, $0xb8;
	[tilespmem:$0x3E80] =	vst v63  }
0xcd: {  	_ =	swait.ge [sflag:s14], $0x60  }
0xce: {  	[sflag:s14] =	ssyncset.done $0x0  }
0xcf: {  	[sflag:s14] =	ssyncadd.s32 $0xFFFFFFA0  }
0xd0: {  	_ =	swait.ge [sflag:s14], $0x60  }
0xd1: {  	s19 =	sadd.s32 $0x1, s19;
	[sflag:s14] =	ssyncset.done $0x0  }
0xd2: {  	p0 =	sne.s32 s19, s7;
	[sflag:s14] =	ssyncadd.s32 $0xFFFFFFA0  }
.Ltmp1:
0xd3: {  	[bflag:$0x0] =	sbarrier.arrive $0xFFFF;
	(pc) =	sbr.rel @p0 .LBB2_1-.Ltmp1, $4  }
0xd4: {  	[hbm:s6@s17], [sflag:s15] =	dma.strided [spmem:s16@s18], $0x50, s14, $0x10   }
0xd5: {  	_ =	swait.ge [sflag:s8], $0x50  }
0xd6: {  	[sflag:s8] =	ssyncset.done $0x0  }
0xd7: {  	[sflag:s8] =	ssyncadd.s32 $0xFFFFFFB0  }
0xd8: {  	_ =	sfence.sel $0x180000  }
0xd9: {  	[bflag:$0x0] =	sbarrier.arrive $0xFFFF  }
0xda: {  	p0 =	sne.s32 s1, $0x0;
	_ =	strace $0x90000047  }
0xdb: {  	s0 =	sadd.s32 @!p0 $0x100000, s0;
	[bflag:$0x2] =	sbarrier.arrive $0xFFFF  }
0xdc: {  	[sflag:s0] =	ssyncadd.tile.s32 @!p0 $0x1;
	_ =	shalt  }
.Lfunc_end2:
_tile_overlayer_lowered:
.L_overlay_start_2:
0xdd: {  	(tag) =	ssettag $0x2  }
0xde: {  	s0 =	rddreg [dreg:$0x0];
	s2 =	stileid.u32  }
0xdf: {  	s1 =	rddreg [dreg:$0x1];
	p0 =	sne.s32 s2, $0x0  }
0xe0: {  	s3 =	rddreg [dreg:$0x2];
	[bflag:$0x3] =	sbarrier.arrive $0xFFFF;
	s2 =	simm.s32 @!p0 $0x1C02  }
0xe1: {  	[timem:s3], [sflag:s2] =	dma.local @!p0 [hbm:s0], s1  }
0xe2: {  	s0 =	simm.s32 @!p0 $0x2  }
0xe3: {  	_ =	swait.ge @!p0 [sflag:s0], s1  }
0xe4: {  	s1 =	ssub.s32 @!p0 $0x0, s1;
	[sflag:s0] =	ssyncset.done @!p0 $0x0  }
0xe5: {  	[sflag:s0] =	ssyncadd.s32 @!p0 s1  }
0xe6: {  	[bflag:$0x3] =	sbarrier.arrive $0xFFFF  }
0xe7: {  	_ =	shalt  }

// kernel: kernel.13.cloned.1.call-start
scs
__scs_entry_jumppad:
0x0: {  	(pc) =	sbr.rel $0x88, $3  }
0x1: {  	(tag) =	ssettag $0x0;
	lr =	simm.s32 $0x1  }
0x2: {  	[smem:$0x3F97] =	sst lr;
	_ =	strace $0xD0000000  }
0x3: {  	_ = 	snop  }
0x4: {  	_ = 	snop  }
0x5: {  	_ = 	snop  }
0x6: {  	_ = 	snop  }
0x7: {  	_ = 	snop  }
__scs_overlays_trampoline_lowered:
0x8: {  	[smem:$0x3FA6] =	sst s0  }
0x9: {  	[smem:$0x3FA7] =	sst s1  }
0xa: {  	[smem:$0x3FA8] =	sst s2  }
0xb: {  	[smem:$0x3FA9] =	sst s3  }
0xc: {  	[smem:$0x3FAA] =	sst s4  }
0xd: {  	[smem:$0x3FAB] =	sst s5  }
0xe: {  	[smem:$0x3FAC] =	sst s6  }
0xf: {  	[smem:$0x3FAD] =	sst s7  }
0x10: {  	[smem:$0x3FAE] =	sst s8  }
0x11: {  	[smem:$0x3FAF] =	sst s9;
	s0 =	simm.s32 @!p0 $0x0  }
0x12: {  	s1 =	sld [smem:$0x3F95];
	s0 =	simm.s32 @p0 $0x1  }
0x13: {  	[smem:$0x3FB0] =	sst s0;
	s0 =	simm.s32 @!p1 $0x0  }
0x14: {  	s2 =	sld [smem:$0x3F94];
	s0 =	simm.s32 @p1 $0x1  }
0x15: {  	[smem:$0x3FB1] =	sst s0;
	s0 =	simm.s32 @!p2 $0x0  }
0x16: {  	s3 =	sld [smem:$0x3FDB];
	s0 =	simm.s32 @p2 $0x1  }
0x17: {  	s4 =	simm.s32 $0x1BF5;
	[smem:$0x3FB3] =	sst s0  }
0x18: {  	s0 =	sld [smem:$0x3F96];
	_ =	swait.ge [sflag:s4], $0x0  }
0x19: {  	s7 =	sld [smem:$0x3F97]  }
0x1a: {  	s8 =	sadd.s32 $0xFFFFE003, lr  }
0x1b: {  	s9 =	sadd.s32 $0xFFFFFEF7, lr;
	s5 =	simm.s32 $0xFFFFFFFF;
	p2 =	slt.u32 s8, $0xFFFFF086  }
0x1c: {  	p1 =	slt.u32 s9, $0xF7A;
	s5 =	simm.s32 @!p2 $0x0  }
0x1d: {  	s5 =	simm.s32 @p1 $0x1;
	p0 =	seq.s32 s7, s2  }
0x1e: {  	s7 =	smul.u32 @!p0 $0xF7A, s2;
	p2 =	seq.s32 @!p0 s5, $0x0  }
0x1f: {  	s9 =	smul.u32 $0xF7A, s1;
	s8 =	simm.s32 @!p0 $0x1BF5;
	p2 =	por !p2, p0  }
0x20: {  	[sflag:s8] =	ssyncset.s32 @!p0 $0xFFFFF086;
	s6 =	sadd.s32 @!p0 s3, s7;
	s7 =	simm.s32 @!p0 $0x108  }
0x21: {  	s3 =	sadd.s32 s3, s9;
	s6 =	sadd.s32 @!p0 $0x88, s6;
	s7 =	simm.s32 @p2 $0x1082  }
0x22: {  	[simem:s7], [sflag:s8] =	dma.local @!p0 [hbm:s6], $0xF7A  }
0x23: {  	s9 =	sor.u32 $0xD0000000, s2;
	s6 =	simm.s32 $0x108;
	_ =	swait.ge @!p0 [sflag:s8], $0x0  }
0x24: {  	s3 =	sadd.s32 $0x88, s3;
	s6 =	simm.s32 @!p1 $0x1082;
	[sflag:s4] =	ssyncset.s32 $0xFFFFF086  }
0x25: {  	[simem:s6], [sflag:s4] =	dma.local [hbm:s3], $0xF7A  }
0x26: {  	[smem:$0x3F97] =	sst s1;
	(tag) =	ssettag s2;
	_ =	strace s9  }
0x27: {  	s1 =	sld [smem:$0x3FA7]  }
0x28: {  	s2 =	sld [smem:$0x3FA8]  }
0x29: {  	s4 =	sld [smem:$0x3FAA]  }
0x2a: {  	p0 =	seq.s32 s5, $0x0;
	s5 =	sld [smem:$0x3FAB]  }
0x2b: {  	s6 =	sld [smem:$0x3FAC]  }
0x2c: {  	s7 =	sld [smem:$0x3FAD]  }
0x2d: {  	s3 =	simm.s32 $0x108;
	s8 =	sld [smem:$0x3FAE]  }
0x2e: {  	s3 =	simm.s32 @!p0 $0x1082;
	s9 =	sld [smem:$0x3FAF]  }
0x2f: {  	lr =	sadd.s32 s0, s3;
	s0 =	sld [smem:$0x3FA6]  }
0x30: {  	s3 =	sld [smem:$0x3FA9]  }
0x31: {  	[smem:$0x3FB2] =	sst s10  }
0x32: {  	s10 =	sld [smem:$0x3FB0];
	_ =	sdelay $0x3  }
0x33: {  	p0 =	seq.s32 s10, $0x1;
	s10 =	sld [smem:$0x3FB2];
	_ =	sdelay $0x3  }
0x34: {  	[smem:$0x3FB2] =	sst s10  }
0x35: {  	s10 =	sld [smem:$0x3FB1];
	_ =	sdelay $0x3  }
0x36: {  	p1 =	seq.s32 s10, $0x1;
	s10 =	sld [smem:$0x3FB2];
	_ =	sdelay $0x3  }
0x37: {  	[smem:$0x3FB2] =	sst s10  }
0x38: {  	s10 =	sld [smem:$0x3FB3]  }
0x39: {  	_ = 	snop;
	(pc) =	sbr.ind lr, $3  }
0x3a: {  	_ = 	snop  }
0x3b: {  	_ = 	snop  }
0x3c: {  	p2 =	seq.s32 s10, $0x1;
	s10 =	sld [smem:$0x3FB2]  }
0x3d: {  	_ =	shalt  }
0x3e: {  	_ =	shalt  }
0x3f: {  	_ =	shalt  }
0x40: {  	_ =	shalt  }
0x41: {  	_ =	shalt  }
0x42: {  	_ =	shalt  }
0x43: {  	_ =	shalt  }
0x44: {  	_ =	shalt  }
0x45: {  	_ =	shalt  }
0x46: {  	_ =	shalt  }
0x47: {  	_ =	shalt  }
0x48: {  	_ =	shalt  }
0x49: {  	_ =	shalt  }
0x4a: {  	_ =	shalt  }
0x4b: {  	_ =	shalt  }
0x4c: {  	_ =	shalt  }
0x4d: {  	_ =	shalt  }
0x4e: {  	_ =	shalt  }
0x4f: {  	_ =	shalt  }
0x50: {  	_ =	shalt  }
0x51: {  	_ =	shalt  }
0x52: {  	_ =	shalt  }
0x53: {  	_ =	shalt  }
0x54: {  	_ =	shalt  }
0x55: {  	_ =	shalt  }
0x56: {  	_ =	shalt  }
0x57: {  	_ =	shalt  }
0x58: {  	_ =	shalt  }
0x59: {  	_ =	shalt  }
0x5a: {  	_ =	shalt  }
0x5b: {  	_ =	shalt  }
0x5c: {  	_ =	shalt  }
0x5d: {  	_ =	shalt  }
0x5e: {  	_ =	shalt  }
0x5f: {  	_ =	shalt  }
0x60: {  	_ =	shalt  }
0x61: {  	_ =	shalt  }
0x62: {  	_ =	shalt  }
0x63: {  	_ =	shalt  }
0x64: {  	_ =	shalt  }
0x65: {  	_ =	shalt  }
0x66: {  	_ =	shalt  }
0x67: {  	_ =	shalt  }
0x68: {  	_ =	shalt  }
0x69: {  	_ =	shalt  }
0x6a: {  	_ =	shalt  }
0x6b: {  	_ =	shalt  }
0x6c: {  	_ =	shalt  }
0x6d: {  	_ =	shalt  }
0x6e: {  	_ =	shalt  }
0x6f: {  	_ =	shalt  }
0x70: {  	_ =	shalt  }
0x71: {  	_ =	shalt  }
0x72: {  	_ =	shalt  }
0x73: {  	_ =	shalt  }
0x74: {  	_ =	shalt  }
0x75: {  	_ =	shalt  }
0x76: {  	_ =	shalt  }
0x77: {  	_ =	shalt  }
0x78: {  	_ =	shalt  }
0x79: {  	_ =	shalt  }
0x7a: {  	_ =	shalt  }
0x7b: {  	_ =	shalt  }
0x7c: {  	_ =	shalt  }
0x7d: {  	_ =	shalt  }
0x7e: {  	_ =	shalt  }
0x7f: {  	_ =	shalt  }
0x80: {  	_ =	shalt  }
0x81: {  	_ =	shalt  }
0x82: {  	_ =	shalt  }
0x83: {  	_ =	shalt  }
0x84: {  	_ =	shalt  }
0x85: {  	_ =	shalt  }
0x86: {  	_ =	shalt  }
0x87: {  	_ =	shalt  }
.Lfunc_end0:
.L_simem_size_0:
called_computation.1_lowered:
.L_overlay_start_0:
0x88: {  	s2 =	sld [smem:$0x3FD9]  }
0x89: {  	s3 =	sld [smem:$0x3FFE];
	_ =	sdelay $0x1  }
0x8a: {  	s1 =	srdreg.scid  }
0x8b: {  	s0 =	sand.u32 $0x1, s1  }
0x8c: {  	s16 =	sshll.u32 s0, $0xA;
	s2 =	sadd.s32 s3, s2  }
0x8d: {  	s2 =	sadd.s32 s2, s16  }
0x8e: {  	[smem:$0x3FBE] =	sst s2  }
0x8f: {  	_ = 	snop  }
0x90: {  	(tm) =	ssettm $0x1  }
0x91: {  	s17 =	sld [smem:$0x3FFB];
	_ =	sdelay $0x3  }
0x92: {  	_ =	strace s17  }
0x93: {  	s2 =	sld [smem:$0x3FFC];
	_ =	sdelay $0x3  }
0x94: {  	_ =	strace s2  }
0x95: {  	s2 =	sld [smem:$0x3FFD];
	_ =	sdelay $0x3  }
0x96: {  	_ =	strace s2  }
0x97: {  	_ =	strace $0x8FFFFFFF  }
0x98: {  	s18 =	sld [smem:$0x3FDB];
	_ =	sdelay $0x1  }
0x99: {  	s19 =	simm.s32 $_scs_section_size  }
0x9a: {  	s4 =	simm.s32 $_size__tile_overlayer_lowered;
	s5 =	simm.s32 $_tile_overlayer_lowered  }
0x9b: {  	s22 =	simm.s32 $0x1BFF;
	s21 =	sshll.u32 s5, $0x1;
	s2 =	sadd.s32 s19, s18  }
0x9c: {  	s6 =	simm.s32 $0x0;
	s20 =	sshll.u32 s4, $0x1;
	s4 =	sadd.s32 s21, s2  }
0x9d: {  	[timem:s6], [sflag:s22] =	dma.local [hbm:s4], s20  }
0x9e: {  	_ =	swait.ge [sflag:s22], s20  }
0x9f: {  	s3 =	ssub.s32 $0x0, s20;
	[sflag:s22] =	ssyncset.done $0x0  }
0xa0: {  	[sflag:s22] =	ssyncadd.s32 s3;
	_ =	sdelay $0x1  }
0xa1: {  	s23 =	simm.s32 $0x1B8B  }
0xa2: {  	_ =	swait.ge [sflag:s23], $0x1  }
0xa3: {  	[sflag:s23] =	ssyncset.done $0x0  }
0xa4: {  	s25 =	simm.s32 $0x1B8E;
	s24 =	sld [smem:$0x3FFE];
	[sflag:s23] =	ssyncadd.s32 $0xFFFFFFFF  }
0xa5: {  	s26 =	simm.s32 $execute0_lowered;
	[smem:$0x3FD2] =	sst s25  }
0xa6: {  	s4 =	sshll.u32 s26, $0x1;
	_ =	strace $0x80000049;
	[dreg:$0x1] =	wrdreg $0xFFFFFFFF  }
0xa7: {  	s28 =	simm.s32 $_size_execute0_lowered;
	s2 =	sadd.s32 s2, s4;
	[dreg:$0x0] =	wrdreg $0x0  }
0xa8: {  	s4 =	sshll.u32 s28, $0x1;
	[dreg:$0x2] =	wrdreg s2  }
0xa9: {  	[dreg:$0x3] =	wrdreg s4  }
0xaa: {  	[dreg:$0x4] =	wrdreg $0xC0  }
0xab: {  	_ =	task [dreg:s6], $0x5FFFF  }
0xac: {  	[dreg:$0x1] =	wrdreg $0xFFFFFFFF  }
0xad: {  	[dreg:$0x0] =	wrdreg $0x60  }
0xae: {  	[dreg:$0x2] =	wrdreg s24  }
0xaf: {  	[dreg:$0x3] =	wrdreg $0xBA800  }
0xb0: {  	[dreg:$0x4] =	wrdreg $0x9  }
0xb1: {  	_ =	task.clear_ibuf [dreg:s6], $0x5FFFF;
	_ =	strace $0x90000049  }
0xb2: {  	s29 =	simm.s32 $0x9;
	_ =	strace $0x8000004B  }
0xb3: {  	_ =	swait.ge [sflag:s29], $0x1  }
0xb4: {  	[sflag:s29] =	ssyncadd.s32 $0xFFFFFFFF  }
0xb5: {  	_ =	strace $0x9000004B  }
0xb6: {  	_ =	sfence  }
0xb7: {  	s30 =	sld [smem:$0x0];
	_ =	sdelay $0x2  }
0xb8: {  	s31 =	sshll.u32 s1, $0xD;
	s1 =	sshrl.u32 s1, $0x2  }
0xb9: {  	s3 =	sand.u32 $0x4000, s31;
	s1 =	sadd.s32 s1, s30  }
0xba: {  	s0 =	sor.u32 s3, s0;
	s1 =	sshll.u32 s1, $0x11  }
0xbb: {  	s0 =	sor.u32 s1, s0  }
0xbc: {  	s0 =	sadd.s32 $0x8F2B, s0  }
0xbd: {  	[sflag:s0] =	ssyncadd.remote.s32 $0x1  }
0xbe: {  	_ =	sfence.sel $0xFFFF  }
0xbf: {  	[dreg:$0x0] =	wrdreg $0xFFFFFFFF;
	(pc) =	sbr.abs _section_cstart, $3  }
0xc0: {  	[dreg:$0x1] =	wrdreg $0xFFFFFFFF  }
0xc1: {  	_ =	task.clear_ibuf [dreg:s6], $0x2FFFF;
	_ =	strace $0x9FFFFFFF  }
0xc2: {  	(tm) =	ssettm $0x7FFFFFFF  }
0xc3: {  	_ =	shalt  }
tec
execute0_lowered:
.L_overlay_start_1:
0x0: {  	(tag) =	ssettag $0x1  }
0x1: {  	s0 =	rddreg [dreg:$0x0]  }
0x2: {  	s1 =	rddreg [dreg:$0x1];
	s2 =	simm.s32 $0x0;
	s18 =	srdreg.scid  }
0x3: {  	s7 =	stileid.u32;
	s28 =	simm.s32 $0x2800;
	s29 =	simm.s32 $0x5A80  }
0x4: {  	s30 =	simm.s32 $0x1;
	s31 =	simm.s32 $0x2900;
	s19 =	smul.u32 $0x4F000, s7  }
0x5: {  	[smem:$0x7FF] =	sst s2;
	s3 =	sshrl.u32 s7, $0x2;
	s12 =	smul.u32 $0x13C00, s7  }
0x6: {  	s2 =	sand.u32 $0x1, s18;
	s4 =	sshll.u32 s7, $0x8;
	s3 =	smul.u32 $0x13C00, s3  }
0x7: {  	s5 =	sshll.u32 s2, $0x7;
	s4 =	sand.u32 $0x300, s4;
	_ =	strace $0x8000004A  }
0x8: {  	s6 =	ssub.s32 $0x2, s2;
	s2 =	smul.u32 $0x13C000, s2;
	s5 =	sor.u32 s5, s4  }
0x9: {  	s4 =	sadd.s32 $0xE600, s0;
	s20 =	sshrl.u32 s6, $0x1;
	s14 =	sadd.s32 $0x3000, s12  }
0xa: {  	s21 =	sadd.s32 $0x6000, s12;
	s22 =	sadd.s32 $0x9000, s12;
	s15 =	sadd.s32 $0xC000, s12  }
0xb: {  	s17 =	sadd.s32 $0xF000, s12;
	s18 =	sadd.s32 $0x12000, s12;
	s3 =	sor.u32 s3, s5  }
0xc: {  	s13 =	ssub.s32 s6, s20;
	s5 =	sshrl.u32 s19, $0x2;
	s7 =	sadd.s32 s14, s1  }
0xd: {  	s8 =	sadd.s32 s21, s1;
	s9 =	sadd.s32 s22, s1;
	s10 =	sadd.s32 s15, s1  }
0xe: {  	s16 =	sadd.s32 s12, s2;
	s11 =	sadd.s32 s17, s1;
	s12 =	sadd.s32 s18, s1  }
0xf: {  	s14 =	sadd.s32 s2, s14;
	s24 =	sadd.s32 s2, s15;
	s25 =	sadd.s32 s2, s17  }
0x10: {  	s3 =	sshrl.u32 s3, $0x3;
	s6 =	sadd.s32 s5, s1;
	s16 =	sshrl.u32 s16, $0x3  }
0x11: {  	s14 =	sshrl.u32 s14, $0x3;
	s5 =	sadd.s32 s2, s22;
	s26 =	sshrl.u32 s25, $0x3  }
0x12: {  	s20 =	smax.u32 s13, $0x1;
	s25 =	simm.s32 $0x60;
	s3 =	sadd.s32 s3, s0  }
0x13: {  	s22 =	simm.s32 $0x3;
	s0 =	sadd.s32 $0x35800, s0;
	s3 =	sadd.s32 $0x4800, s3  }
0x14: {  	s13 =	simm.s32 $0x0;
	s16 =	sadd.s32 s0, s16;
	[dreg:$0x3] =	wrdreg s3  }
0x15: {  	s5 =	sshrl.u32 s5, $0x3;
	s14 =	sadd.s32 s0, s14;
	[dreg:$0x4] =	wrdreg s16  }
0x16: {  	s23 =	sadd.s32 s0, s5;
	s5 =	simm.s32 $0x4;
	[dreg:$0x5] =	wrdreg s14  }
0x17: {  	s3 =	sadd.s32 s2, s21;
	[dreg:$0x7] =	wrdreg s23;
	s2 =	sadd.s32 s2, s18  }
0x18: {  	s23 =	simm.s32 $0x5;
	s21 =	simm.s32 $0x2980;
	s3 =	sshrl.u32 s3, $0x3  }
.Ltmp0:
0x19: {  	s2 =	sshrl.u32 s2, $0x3;
	s3 =	sadd.s32 s0, s3;
	(pc) =	sbr.rel .LBB2_1-.Ltmp0, $4  }
0x1a: {  	s19 =	sadd.s32 s0, s2;
	[dreg:$0x6] =	wrdreg s3;
	s3 =	sshrl.u32 s24, $0x3  }
0x1b: {  	s2 =	simm.s32 $0x2;
	s24 =	simm.s32 $0x2A80;
	s3 =	sadd.s32 s0, s3  }
0x1c: {  	[dreg:$0x8] =	wrdreg s3;
	s3 =	sadd.s32 s0, s26;
	s0 =	simm.s32 $0x2880  }
0x1d: {  	v0 =	vimm.f32 $0.0e+00;
	s26 =	simm.s32 $0x2A00;
	[dreg:$0x9] =	wrdreg s3;
	s3 =	simm.s32 $0x8A80  }
.LBB2_6:
0x1e: {  	_ =	swait.ge [sflag:s5], $0x3000  }
0x1f: {  	[sflag:s5] =	ssyncset.done $0x0  }
0x20: {  	[sflag:s5] =	ssyncadd.s32 $0xFFFFD000  }
0x21: {  	_ =	swait.ge [sflag:s5], $0x3000  }
0x22: {  	[sflag:s5] =	ssyncset.done $0x0  }
0x23: {  	s14 =	stileid.u32;
	[sflag:s5] =	ssyncadd.s32 $0xFFFFD000  }
0x24: {  	s14 =	sshll.u32 s14, $0x6;
	[bflag:$0x0] =	sbarrier.arrive $0xFFFF  }
0x25: {  	s15 =	sshrl.u32 s6, $0x3;
	s14 =	sor.u32 $0x1C05, s14;
	s16 =	rddreg [dreg:$0x4]  }
0x26: {  	[hbm:s16], [sflag:s14] =	dma.local [spmem:s15], $0x600  }
0x27: {  	_ =	swait.ge [sflag:s23], $0x600  }
0x28: {  	[sflag:s23] =	ssyncset.done $0x0  }
0x29: {  	s17 =	sshrl.u32 s7, $0x3;
	s18 =	rddreg [dreg:$0x5];
	[sflag:s23] =	ssyncadd.s32 $0xFFFFFA00  }
0x2a: {  	[hbm:s18], [sflag:s14] =	dma.local [spmem:s17], $0x600  }
0x2b: {  	_ =	swait.ge [sflag:s23], $0x600  }
0x2c: {  	[sflag:s23] =	ssyncset.done $0x0  }
0x2d: {  	s17 =	sshrl.u32 s8, $0x3;
	s18 =	rddreg [dreg:$0x6];
	[sflag:s23] =	ssyncadd.s32 $0xFFFFFA00  }
0x2e: {  	[hbm:s18], [sflag:s14] =	dma.local [spmem:s17], $0x600  }
0x2f: {  	_ =	swait.ge [sflag:s23], $0x600  }
0x30: {  	[sflag:s23] =	ssyncset.done $0x0  }
0x31: {  	s17 =	sshrl.u32 s9, $0x3;
	s18 =	rddreg [dreg:$0x7];
	[sflag:s23] =	ssyncadd.s32 $0xFFFFFA00  }
0x32: {  	[hbm:s18], [sflag:s14] =	dma.local [spmem:s17], $0x600  }
0x33: {  	_ =	swait.ge [sflag:s23], $0x600  }
0x34: {  	[sflag:s23] =	ssyncset.done $0x0  }
0x35: {  	s17 =	sshrl.u32 s10, $0x3;
	s18 =	rddreg [dreg:$0x8];
	[sflag:s23] =	ssyncadd.s32 $0xFFFFFA00  }
0x36: {  	[hbm:s18], [sflag:s14] =	dma.local [spmem:s17], $0x600  }
0x37: {  	_ =	swait.ge [sflag:s23], $0x600  }
0x38: {  	[sflag:s23] =	ssyncset.done $0x0  }
0x39: {  	s16 =	sshrl.u32 s11, $0x3;
	s17 =	rddreg [dreg:$0x9];
	[sflag:s23] =	ssyncadd.s32 $0xFFFFFA00  }
0x3a: {  	[hbm:s17], [sflag:s14] =	dma.local [spmem:s16], $0x600  }
0x3b: {  	s13 =	sadd.s32 $0x1, s13;
	_ =	swait.ge [sflag:s23], $0x600  }
0x3c: {  	p0 =	sne.s32 s13, s20;
	[sflag:s23] =	ssyncset.done $0x0  }
.Ltmp1:
0x3d: {  	s18 =	sshrl.u32 s12, $0x3;
	[sflag:s23] =	ssyncadd.s32 $0xFFFFFA00;
	(pc) =	sbr.rel @!p0 .LBB2_7-.Ltmp1, $4  }
0x3e: {  	[hbm:s19], [sflag:s14] =	dma.local [spmem:s18], $0x380  }
0x3f: {  	_ =	swait.ge [sflag:s23], $0x380  }
0x40: {  	[sflag:s23] =	ssyncset.done $0x0  }
0x41: {  	[sflag:s23] =	ssyncadd.s32 $0xFFFFFC80  }
.LBB2_1:
0x42: {  	s14 =	simm.s32 $0x0  }
0x43: {  	s15 =	rddreg [dreg:$0x3];
	s16 =	simm.s32 $0x80;
	s17 =	simm.s32 $0x400  }
0x44: {  	[tilespmem:s14], [sflag:$0x5] =	stream.strided.gather [hbm4b:s15+s16], $0x2780, s17, s16, $0x38;
	[tilespmem:$0x1F680] =	vst v63  }
0x45: {  	_ =	swait.ge [sflag:s23], $0x2780  }
0x46: {  	[sflag:s23] =	ssyncset.done $0x0  }
0x47: {  	s14 =	simm.s32 $0x70;
	s15 =	simm.s32 $0x3C0;
	[sflag:s23] =	ssyncadd.s32 $0xFFFFD880  }
.LBB2_2:
0x48: {  	p0 =	sne.s32 s15, $0xBFC0;
	[tilespmem:s14+$0x2A80] =	vst v0  }
0x49: {  	[tilespmem:s14+$0x2A10] =	vst v0  }
0x4a: {  	[tilespmem:s14+$0x2A20] =	vst v0  }
.Ltmp2:
0x4b: {  	[tilespmem:s14+$0x2A30] =	vst v0;
	(pc) =	sbr.rel @p0 .LBB2_2-.Ltmp2, $4  }
0x4c: {  	[tilespmem:s14+$0x2A40] =	vst v0  }
0x4d: {  	[tilespmem:s14+$0x2A50] =	vst v0  }
0x4e: {  	[tilespmem:s14+$0x2A60] =	vst v0  }
0x4f: {  	[tilespmem:s14+$0x2A70] =	vst v0;
	s14 =	sshra.s32 s15, $0x2;
	s15 =	sadd.s32 $0x200, s15  }
0x50: {  	[tilespmem:s14+$0x2A80] =	vst v0  }
0x51: {  	[tilespmem:s14+$0x2A10] =	vst v0  }
0x52: {  	[tilespmem:s14+$0x2A20] =	vst v0  }
0x53: {  	[tilespmem:s14+$0x2A30] =	vst v0  }
0x54: {  	[tilespmem:s14+$0x2A40] =	vst v0  }
0x55: {  	[tilespmem:s14+$0x2A50] =	vst v0  }
0x56: {  	[tilespmem:s14+$0x2A60] =	vst v0  }
0x57: {  	[tilespmem:s14+$0x2A70] =	vst v0  }
0x58: {  	[spmem:s6] =	stream.linear.scatter [tilespmem:s24], [sflag:$0x5], $0x3000, $0x38;
	[tilespmem:$0x1F680] =	vst v63  }
0x59: {  	_ =	swait.ge [sflag:s23], $0x3000  }
0x5a: {  	[sflag:s23] =	ssyncset.done $0x0  }
0x5b: {  	[sflag:s23] =	ssyncadd.s32 $0xFFFFD000  }
0x5c: {  	[spmem:s7] =	stream.linear.scatter [tilespmem:s24], [sflag:$0x5], $0x3000, $0x38;
	[tilespmem:$0x1F680] =	vst v63  }
0x5d: {  	_ =	swait.ge [sflag:s23], $0x3000  }
0x5e: {  	[sflag:s23] =	ssyncset.done $0x0  }
0x5f: {  	[sflag:s23] =	ssyncadd.s32 $0xFFFFD000  }
0x60: {  	[spmem:s8] =	stream.linear.scatter [tilespmem:s24], [sflag:$0x5], $0x3000, $0x38;
	[tilespmem:$0x1F680] =	vst v63  }
0x61: {  	_ =	swait.ge [sflag:s23], $0x3000  }
0x62: {  	[sflag:s23] =	ssyncset.done $0x0  }
0x63: {  	[sflag:s23] =	ssyncadd.s32 $0xFFFFD000  }
0x64: {  	[spmem:s9] =	stream.linear.scatter [tilespmem:s24], [sflag:$0x5], $0x3000, $0x38;
	[tilespmem:$0x1F680] =	vst v63  }
0x65: {  	_ =	swait.ge [sflag:s23], $0x3000  }
0x66: {  	[sflag:s23] =	ssyncset.done $0x0  }
0x67: {  	[sflag:s23] =	ssyncadd.s32 $0xFFFFD000  }
0x68: {  	[spmem:s10] =	stream.linear.scatter [tilespmem:s24], [sflag:$0x5], $0x3000, $0x38;
	[tilespmem:$0x1F680] =	vst v63  }
0x69: {  	_ =	swait.ge [sflag:s23], $0x3000  }
0x6a: {  	[sflag:s23] =	ssyncset.done $0x0  }
0x6b: {  	[sflag:s23] =	ssyncadd.s32 $0xFFFFD000  }
0x6c: {  	[spmem:s11] =	stream.linear.scatter [tilespmem:s24], [sflag:$0x5], $0x3000, $0x38;
	[tilespmem:$0x1F680] =	vst v63  }
0x6d: {  	_ =	swait.ge [sflag:s23], $0x3000  }
0x6e: {  	[sflag:s23] =	ssyncset.done $0x0  }
0x6f: {  	[sflag:s23] =	ssyncadd.s32 $0xFFFFD000  }
0x70: {  	[spmem:s12] =	stream.linear.scatter [tilespmem:s24], [sflag:$0x5], $0x1C00, $0x38;
	[tilespmem:$0x1F680] =	vst v63  }
0x71: {  	_ =	swait.ge [sflag:s23], $0x1C00  }
0x72: {  	[sflag:s23] =	ssyncset.done $0x0  }
0x73: {  	[sflag:s23] =	ssyncadd.s32 $0xFFFFE400  }
0x74: {  	[bflag:$0x0] =	sbarrier.arrive $0xFFFF  }
0x75: {  	v1 =	vld [tilespmem:$0x0]  }
0x76: {  	v2 =	vld [tilespmem:$0x10]  }
0x77: {  	v3 =	vld [tilespmem:$0x20]  }
0x78: {  	v4 =	vld [tilespmem:$0x30]  }
0x79: {  	v5 =	vld [tilespmem:$0x40]  }
0x7a: {  	v6 =	vld [tilespmem:$0x50];
	v1 =	vand.u32 $0xFFFF, v1  }
0x7b: {  	[tilespmem:$0x2780] =	vst v1;
	v1 =	vand.u32 $0xFFFF, v2  }
0x7c: {  	[tilespmem:$0x2790] =	vst v1;
	v1 =	vand.u32 $0xFFFF, v3  }
0x7d: {  	[tilespmem:$0x27A0] =	vst v1;
	v1 =	vand.u32 $0xFFFF, v4  }
0x7e: {  	[tilespmem:$0x27B0] =	vst v1;
	v1 =	vand.u32 $0xFFFF, v5  }
0x7f: {  	[tilespmem:$0x27C0] =	vst v1;
	v1 =	vand.u32 $0xFFFF, v6  }
0x80: {  	s18 =	simm.s32 $0x2780;
	[tilespmem:$0x27D0] =	vst v1  }
0x81: {  	[tilespmem:s24], [sflag:$0x1] =	stream.indirect.gather [hbm4b:s4+s25], $0x80, s18, s25, $0xb8;
	[tilespmem:$0x1F680] =	vst v63  }
0x82: {  	v1 =	vld [tilespmem:$0x60]  }
0x83: {  	v2 =	vld [tilespmem:$0x70]  }
0x84: {  	v3 =	vld [tilespmem:$0x80]  }
0x85: {  	v61 =	vld [tilespmem:$0x90]  }
0x86: {  	v62 =	vld [tilespmem:$0xA0]  }
0x87: {  	v63 =	vld [tilespmem:$0xB0];
	v1 =	vand.u32 $0xFFFF, v1  }
0x88: {  	[tilespmem:$0x2800] =	vst v1;
	v1 =	vand.u32 $0xFFFF, v2  }
0x89: {  	[tilespmem:$0x2810] =	vst v1;
	v1 =	vand.u32 $0xFFFF, v3  }
0x8a: {  	[tilespmem:$0x2820] =	vst v1;
	v1 =	vand.u32 $0xFFFF, v61  }
0x8b: {  	[tilespmem:$0x2830] =	vst v1;
	v1 =	vand.u32 $0xFFFF, v62  }
0x8c: {  	[tilespmem:$0x2840] =	vst v1;
	v1 =	vand.u32 $0xFFFF, v63  }
0x8d: {  	s14 =	simm.s32 $0x0;
	[tilespmem:$0x2850] =	vst v1  }
0x8e: {  	[tilespmem:s29], [sflag:$0x2] =	stream.indirect.gather [hbm4b:s4+s25], $0x80, s28, s25, $0xb8;
	[tilespmem:$0x1F680] =	vst v63  }
.LBB2_4:
0x8f: {  	_ =	swait.ge [sflag:s30], $0x3000  }
0x90: {  	[sflag:s30] =	ssyncset.done $0x0  }
0x91: {  	s15 =	sshra.s32 s14, $0x2;
	[sflag:s30] =	ssyncadd.s32 $0xFFFFD000  }
0x92: {  	v1 =	vld [tilespmem:s15+$0x0];
	_ =	sdelay $0x4  }
0x93: {  	v1 =	vshrl.u32 v1, $0x10  }
0x94: {  	[tilespmem:$0x2900] =	vst v1  }
0x95: {  	v1 =	vld [tilespmem:s15+$0x10];
	_ =	sdelay $0x4  }
0x96: {  	v1 =	vshrl.u32 v1, $0x10  }
0x97: {  	[tilespmem:$0x2910] =	vst v1  }
0x98: {  	v1 =	vld [tilespmem:s15+$0x20];
	_ =	sdelay $0x4  }
0x99: {  	v1 =	vshrl.u32 v1, $0x10  }
0x9a: {  	[tilespmem:$0x2920] =	vst v1  }
0x9b: {  	v1 =	vld [tilespmem:s15+$0x30];
	_ =	sdelay $0x4  }
0x9c: {  	v1 =	vshrl.u32 v1, $0x10  }
0x9d: {  	[tilespmem:$0x2930] =	vst v1  }
0x9e: {  	v1 =	vld [tilespmem:s15+$0x40];
	_ =	sdelay $0x4  }
0x9f: {  	v1 =	vshrl.u32 v1, $0x10  }
0xa0: {  	[tilespmem:$0x2940] =	vst v1  }
0xa1: {  	v1 =	vld [tilespmem:s15+$0x50];
	_ =	sdelay $0x4  }
0xa2: {  	p0 =	seq.s32 s14, $0x0;
	v1 =	vshrl.u32 v1, $0x10  }
0xa3: {  	s16 =	simm.s32 @!p0 $0x4;
	[tilespmem:$0x2950] =	vst v1  }
0xa4: {  	[spmem:s1] =	stream.indirect.scatter.add.f32 [tilespmem:s24], [sflag:$0x4], $0x80, s31, s25, $0xb8;
	[tilespmem:$0x1F680] =	vst v63  }
0xa5: {  	_ =	swait.ge @!p0 [sflag:s16], $0x3000  }
0xa6: {  	[sflag:s16] =	ssyncset.done @!p0 $0x0  }
0xa7: {  	[sflag:s16] =	ssyncadd.s32 @!p0 $0xFFFFD000  }
0xa8: {  	v1 =	vld [tilespmem:s15+$0xC0];
	_ =	sdelay $0x4  }
0xa9: {  	v1 =	vand.u32 $0xFFFF, v1  }
0xaa: {  	[tilespmem:$0x2880] =	vst v1  }
0xab: {  	v1 =	vld [tilespmem:s15+$0xD0];
	_ =	sdelay $0x4  }
0xac: {  	v1 =	vand.u32 $0xFFFF, v1  }
0xad: {  	[tilespmem:$0x2890] =	vst v1  }
0xae: {  	v1 =	vld [tilespmem:s15+$0xE0];
	_ =	sdelay $0x4  }
0xaf: {  	v1 =	vand.u32 $0xFFFF, v1  }
0xb0: {  	[tilespmem:$0x28A0] =	vst v1  }
0xb1: {  	v1 =	vld [tilespmem:s15+$0xF0];
	_ =	sdelay $0x4  }
0xb2: {  	v1 =	vand.u32 $0xFFFF, v1  }
0xb3: {  	[tilespmem:$0x28B0] =	vst v1  }
0xb4: {  	v1 =	vld [tilespmem:s15+$0x100];
	_ =	sdelay $0x4  }
0xb5: {  	v1 =	vand.u32 $0xFFFF, v1  }
0xb6: {  	[tilespmem:$0x28C0] =	vst v1  }
0xb7: {  	v1 =	vld [tilespmem:s15+$0x110];
	_ =	sdelay $0x4  }
0xb8: {  	v1 =	vand.u32 $0xFFFF, v1  }
0xb9: {  	[tilespmem:$0x28D0] =	vst v1  }
0xba: {  	[tilespmem:s3], [sflag:$0x3] =	stream.indirect.gather [hbm4b:s4+s25], $0x80, s0, s25, $0xb8;
	[tilespmem:$0x1F680] =	vst v63  }
0xbb: {  	_ =	swait.ge [sflag:s2], $0x3000  }
0xbc: {  	[sflag:s2] =	ssyncset.done $0x0  }
0xbd: {  	[sflag:s2] =	ssyncadd.s32 $0xFFFFD000  }
0xbe: {  	v1 =	vld [tilespmem:s15+$0x60];
	_ =	sdelay $0x4  }
0xbf: {  	v1 =	vshrl.u32 v1, $0x10  }
0xc0: {  	[tilespmem:$0x2980] =	vst v1  }
0xc1: {  	v1 =	vld [tilespmem:s15+$0x70];
	_ =	sdelay $0x4  }
0xc2: {  	v1 =	vshrl.u32 v1, $0x10  }
0xc3: {  	[tilespmem:$0x2990] =	vst v1  }
0xc4: {  	v1 =	vld [tilespmem:s15+$0x80];
	_ =	sdelay $0x4  }
0xc5: {  	v1 =	vshrl.u32 v1, $0x10  }
0xc6: {  	[tilespmem:$0x29A0] =	vst v1  }
0xc7: {  	v1 =	vld [tilespmem:s15+$0x90];
	_ =	sdelay $0x4  }
0xc8: {  	v1 =	vshrl.u32 v1, $0x10  }
0xc9: {  	[tilespmem:$0x29B0] =	vst v1  }
0xca: {  	v1 =	vld [tilespmem:s15+$0xA0];
	_ =	sdelay $0x4  }
0xcb: {  	v1 =	vshrl.u32 v1, $0x10  }
0xcc: {  	[tilespmem:$0x29C0] =	vst v1  }
0xcd: {  	v1 =	vld [tilespmem:s15+$0xB0];
	_ =	sdelay $0x4  }
0xce: {  	p0 =	seq.s32 s14, $0x9900;
	v1 =	vshrl.u32 v1, $0x10  }
0xcf: {  	s16 =	simm.s32 @!p0 $0x4;
	[tilespmem:$0x29D0] =	vst v1  }
0xd0: {  	[spmem:s1] =	stream.indirect.scatter.add.f32 [tilespmem:s29], [sflag:$0x4], $0x80, s21, s25, $0xb8;
	[tilespmem:$0x1F680] =	vst v63  }
0xd1: {  	_ =	swait.ge @!p0 [sflag:s16], $0x3000  }
0xd2: {  	[sflag:s16] =	ssyncset.done @!p0 $0x0  }
0xd3: {  	[sflag:s16] =	ssyncadd.s32 @!p0 $0xFFFFD000;
	s16 =	sshra.s32 @!p0 s14, $0x2  }
0xd4: {  	v1 =	vld @!p0 [tilespmem:s16+$0x120];
	_ =	sdelay $0x4  }
0xd5: {  	v1 =	vand.u32 @!p0 $0xFFFF, v1  }
0xd6: {  	[tilespmem:$0x2780] =	vst @!p0 v1  }
0xd7: {  	v1 =	vld @!p0 [tilespmem:s16+$0x130];
	_ =	sdelay $0x4  }
0xd8: {  	v1 =	vand.u32 @!p0 $0xFFFF, v1  }
0xd9: {  	[tilespmem:$0x2790] =	vst @!p0 v1  }
0xda: {  	v1 =	vld @!p0 [tilespmem:s16+$0x140];
	_ =	sdelay $0x4  }
0xdb: {  	v1 =	vand.u32 @!p0 $0xFFFF, v1  }
0xdc: {  	[tilespmem:$0x27A0] =	vst @!p0 v1  }
0xdd: {  	v1 =	vld @!p0 [tilespmem:s16+$0x150];
	_ =	sdelay $0x4  }
0xde: {  	v1 =	vand.u32 @!p0 $0xFFFF, v1  }
0xdf: {  	[tilespmem:$0x27B0] =	vst @!p0 v1  }
0xe0: {  	v1 =	vld @!p0 [tilespmem:s16+$0x160];
	_ =	sdelay $0x4  }
0xe1: {  	v1 =	vand.u32 @!p0 $0xFFFF, v1  }
0xe2: {  	[tilespmem:$0x27C0] =	vst @!p0 v1  }
0xe3: {  	v1 =	vld @!p0 [tilespmem:s16+$0x170];
	_ =	sdelay $0x4  }
0xe4: {  	v1 =	vand.u32 @!p0 $0xFFFF, v1  }
0xe5: {  	s17 =	simm.s32 @!p0 $0x2780;
	s18 =	simm.s32 @!p0 $0x2A80;
	s16 =	simm.s32 @!p0 $0x60;
	[tilespmem:$0x27D0] =	vst @!p0 v1  }
0xe6: {  	[tilespmem:s18], [sflag:$0x1] =	stream.indirect.gather @!p0 [hbm4b:s4+s16], $0x80, s17, s16, $0xb8;
	[tilespmem:$0x1F680] =	vst v63  }
0xe7: {  	_ =	swait.ge [sflag:s22], $0x3000  }
0xe8: {  	[sflag:s22] =	ssyncset.done $0x0  }
0xe9: {  	[sflag:s22] =	ssyncadd.s32 $0xFFFFD000  }
0xea: {  	v1 =	vld [tilespmem:s15+$0xC0];
	_ =	sdelay $0x4  }
0xeb: {  	v1 =	vshrl.u32 v1, $0x10  }
0xec: {  	[tilespmem:$0x2A00] =	vst v1  }
0xed: {  	v1 =	vld [tilespmem:s15+$0xD0];
	_ =	sdelay $0x4  }
0xee: {  	v1 =	vshrl.u32 v1, $0x10  }
0xef: {  	[tilespmem:$0x2A10] =	vst v1  }
0xf0: {  	v1 =	vld [tilespmem:s15+$0xE0];
	_ =	sdelay $0x4  }
0xf1: {  	v1 =	vshrl.u32 v1, $0x10  }
0xf2: {  	[tilespmem:$0x2A20] =	vst v1  }
0xf3: {  	v1 =	vld [tilespmem:s15+$0xF0];
	_ =	sdelay $0x4  }
0xf4: {  	v1 =	vshrl.u32 v1, $0x10  }
0xf5: {  	[tilespmem:$0x2A30] =	vst v1  }
0xf6: {  	v1 =	vld [tilespmem:s15+$0x100];
	_ =	sdelay $0x4  }
0xf7: {  	v1 =	vshrl.u32 v1, $0x10  }
0xf8: {  	[tilespmem:$0x2A40] =	vst v1  }
0xf9: {  	v1 =	vld [tilespmem:s15+$0x110];
	_ =	sdelay $0x4  }
0xfa: {  	v1 =	vshrl.u32 v1, $0x10  }
.Ltmp3:
0xfb: {  	[tilespmem:$0x2A50] =	vst v1;
	(pc) =	sbr.rel @p0 .LBB2_6-.Ltmp3, $4  }
0xfc: {  	[spmem:s1] =	stream.indirect.scatter.add.f32 [tilespmem:s3], [sflag:$0x4], $0x80, s26, s25, $0xb8;
	[tilespmem:$0x1F680] =	vst v63  }
0xfd: {  	_ =	swait.ge [sflag:s5], $0x3000  }
0xfe: {  	[sflag:s5] =	ssyncset.done $0x0  }
0xff: {  	[sflag:s5] =	ssyncadd.s32 $0xFFFFD000  }
0x100: {  	v1 =	vld [tilespmem:s15+$0x180];
	_ =	sdelay $0x4  }
0x101: {  	v1 =	vand.u32 $0xFFFF, v1  }
0x102: {  	[tilespmem:$0x2800] =	vst v1  }
0x103: {  	v1 =	vld [tilespmem:s15+$0x190];
	_ =	sdelay $0x4  }
0x104: {  	v1 =	vand.u32 $0xFFFF, v1  }
0x105: {  	[tilespmem:$0x2810] =	vst v1  }
0x106: {  	v1 =	vld [tilespmem:s15+$0x1A0];
	_ =	sdelay $0x4  }
0x107: {  	v1 =	vand.u32 $0xFFFF, v1  }
0x108: {  	[tilespmem:$0x2820] =	vst v1  }
0x109: {  	v1 =	vld [tilespmem:s15+$0x1B0];
	_ =	sdelay $0x4  }
0x10a: {  	v1 =	vand.u32 $0xFFFF, v1  }
0x10b: {  	[tilespmem:$0x2830] =	vst v1  }
0x10c: {  	v1 =	vld [tilespmem:s15+$0x1C0];
	_ =	sdelay $0x4  }
0x10d: {  	v1 =	vand.u32 $0xFFFF, v1  }
0x10e: {  	[tilespmem:$0x2840] =	vst v1  }
0x10f: {  	v1 =	vld [tilespmem:s15+$0x1D0];
	_ =	sdelay $0x2  }
.Ltmp4:
0x110: {  	_ = 	snop;
	(pc) =	sbr.rel .LBB2_4-.Ltmp4, $4  }
0x111: {  	_ = 	snop  }
0x112: {  	v1 =	vand.u32 $0xFFFF, v1  }
0x113: {  	s14 =	sadd.s32 $0x480, s14;
	[tilespmem:$0x2850] =	vst v1  }
0x114: {  	[tilespmem:s29], [sflag:$0x2] =	stream.indirect.gather [hbm4b:s4+s25], $0x80, s28, s25, $0xb8;
	[tilespmem:$0x1F680] =	vst v63  }
.LBB2_7:
0x115: {  	_ =	sfence.sel $0x180000  }
0x116: {  	[bflag:$0x0] =	sbarrier.arrive $0xFFFF  }
0x117: {  	_ =	strace $0x9000004A  }
0x118: {  	s0 =	stileid.u32;
	[bflag:$0x2] =	sbarrier.arrive $0xFFFF  }
0x119: {  	p0 =	sne.s32 s0, $0x0;
	s0 =	rddreg [dreg:$0x2]  }
0x11a: {  	s0 =	sadd.s32 @!p0 $0x100000, s0  }
0x11b: {  	[sflag:s0] =	ssyncadd.tile.s32 @!p0 $0x1;
	_ =	shalt  }
.Lfunc_end2:
_tile_overlayer_lowered:
.L_overlay_start_2:
0x11c: {  	(tag) =	ssettag $0x2  }
0x11d: {  	s0 =	rddreg [dreg:$0x0];
	s2 =	stileid.u32  }
0x11e: {  	s1 =	rddreg [dreg:$0x1];
	p0 =	sne.s32 s2, $0x0  }
0x11f: {  	s3 =	rddreg [dreg:$0x2];
	[bflag:$0x3] =	sbarrier.arrive $0xFFFF;
	s2 =	simm.s32 @!p0 $0x1C05  }
0x120: {  	[timem:s3], [sflag:s2] =	dma.local @!p0 [hbm:s0], s1  }
0x121: {  	s0 =	simm.s32 @!p0 $0x5  }
0x122: {  	_ =	swait.ge @!p0 [sflag:s0], s1  }
0x123: {  	s1 =	ssub.s32 @!p0 $0x0, s1;
	[sflag:s0] =	ssyncset.done @!p0 $0x0  }
0x124: {  	[sflag:s0] =	ssyncadd.s32 @!p0 s1  }
0x125: {  	[bflag:$0x3] =	sbarrier.arrive $0xFFFF  }
0x126: {  	_ =	shalt  }

// kernel: kernel.16.cloned.1.call-start
scs
__scs_entry_jumppad:
0x0: {  	(pc) =	sbr.rel $0x88, $3  }
0x1: {  	(tag) =	ssettag $0x0;
	lr =	simm.s32 $0x1  }
0x2: {  	[smem:$0x3F97] =	sst lr;
	_ =	strace $0xD0000000  }
0x3: {  	_ = 	snop  }
0x4: {  	_ = 	snop  }
0x5: {  	_ = 	snop  }
0x6: {  	_ = 	snop  }
0x7: {  	_ = 	snop  }
__scs_overlays_trampoline_lowered:
0x8: {  	[smem:$0x3FA6] =	sst s0  }
0x9: {  	[smem:$0x3FA7] =	sst s1  }
0xa: {  	[smem:$0x3FA8] =	sst s2  }
0xb: {  	[smem:$0x3FA9] =	sst s3  }
0xc: {  	[smem:$0x3FAA] =	sst s4  }
0xd: {  	[smem:$0x3FAB] =	sst s5  }
0xe: {  	[smem:$0x3FAC] =	sst s6  }
0xf: {  	[smem:$0x3FAD] =	sst s7  }
0x10: {  	[smem:$0x3FAE] =	sst s8  }
0x11: {  	[smem:$0x3FAF] =	sst s9;
	s0 =	simm.s32 @!p0 $0x0  }
0x12: {  	s1 =	sld [smem:$0x3F95];
	s0 =	simm.s32 @p0 $0x1  }
0x13: {  	[smem:$0x3FB0] =	sst s0;
	s0 =	simm.s32 @!p1 $0x0  }
0x14: {  	s2 =	sld [smem:$0x3F94];
	s0 =	simm.s32 @p1 $0x1  }
0x15: {  	[smem:$0x3FB1] =	sst s0;
	s0 =	simm.s32 @!p2 $0x0  }
0x16: {  	s3 =	sld [smem:$0x3FDB];
	s0 =	simm.s32 @p2 $0x1  }
0x17: {  	s4 =	simm.s32 $0x1BF5;
	[smem:$0x3FB3] =	sst s0  }
0x18: {  	s0 =	sld [smem:$0x3F96];
	_ =	swait.ge [sflag:s4], $0x0  }
0x19: {  	s7 =	sld [smem:$0x3F97]  }
0x1a: {  	s8 =	sadd.s32 $0xFFFFE003, lr  }
0x1b: {  	s9 =	sadd.s32 $0xFFFFFEF7, lr;
	s5 =	simm.s32 $0xFFFFFFFF;
	p2 =	slt.u32 s8, $0xFFFFF086  }
0x1c: {  	p1 =	slt.u32 s9, $0xF7A;
	s5 =	simm.s32 @!p2 $0x0  }
0x1d: {  	s5 =	simm.s32 @p1 $0x1;
	p0 =	seq.s32 s7, s2  }
0x1e: {  	s7 =	smul.u32 @!p0 $0xF7A, s2;
	p2 =	seq.s32 @!p0 s5, $0x0  }
0x1f: {  	s9 =	smul.u32 $0xF7A, s1;
	s8 =	simm.s32 @!p0 $0x1BF5;
	p2 =	por !p2, p0  }
0x20: {  	[sflag:s8] =	ssyncset.s32 @!p0 $0xFFFFF086;
	s6 =	sadd.s32 @!p0 s3, s7;
	s7 =	simm.s32 @!p0 $0x108  }
0x21: {  	s3 =	sadd.s32 s3, s9;
	s6 =	sadd.s32 @!p0 $0x88, s6;
	s7 =	simm.s32 @p2 $0x1082  }
0x22: {  	[simem:s7], [sflag:s8] =	dma.local @!p0 [hbm:s6], $0xF7A  }
0x23: {  	s9 =	sor.u32 $0xD0000000, s2;
	s6 =	simm.s32 $0x108;
	_ =	swait.ge @!p0 [sflag:s8], $0x0  }
0x24: {  	s3 =	sadd.s32 $0x88, s3;
	s6 =	simm.s32 @!p1 $0x1082;
	[sflag:s4] =	ssyncset.s32 $0xFFFFF086  }
0x25: {  	[simem:s6], [sflag:s4] =	dma.local [hbm:s3], $0xF7A  }
0x26: {  	[smem:$0x3F97] =	sst s1;
	(tag) =	ssettag s2;
	_ =	strace s9  }
0x27: {  	s1 =	sld [smem:$0x3FA7]  }
0x28: {  	s2 =	sld [smem:$0x3FA8]  }
0x29: {  	s4 =	sld [smem:$0x3FAA]  }
0x2a: {  	p0 =	seq.s32 s5, $0x0;
	s5 =	sld [smem:$0x3FAB]  }
0x2b: {  	s6 =	sld [smem:$0x3FAC]  }
0x2c: {  	s7 =	sld [smem:$0x3FAD]  }
0x2d: {  	s3 =	simm.s32 $0x108;
	s8 =	sld [smem:$0x3FAE]  }
0x2e: {  	s3 =	simm.s32 @!p0 $0x1082;
	s9 =	sld [smem:$0x3FAF]  }
0x2f: {  	lr =	sadd.s32 s0, s3;
	s0 =	sld [smem:$0x3FA6]  }
0x30: {  	s3 =	sld [smem:$0x3FA9]  }
0x31: {  	[smem:$0x3FB2] =	sst s10  }
0x32: {  	s10 =	sld [smem:$0x3FB0];
	_ =	sdelay $0x3  }
0x33: {  	p0 =	seq.s32 s10, $0x1;
	s10 =	sld [smem:$0x3FB2];
	_ =	sdelay $0x3  }
0x34: {  	[smem:$0x3FB2] =	sst s10  }
0x35: {  	s10 =	sld [smem:$0x3FB1];
	_ =	sdelay $0x3  }
0x36: {  	p1 =	seq.s32 s10, $0x1;
	s10 =	sld [smem:$0x3FB2];
	_ =	sdelay $0x3  }
0x37: {  	[smem:$0x3FB2] =	sst s10  }
0x38: {  	s10 =	sld [smem:$0x3FB3]  }
0x39: {  	_ = 	snop;
	(pc) =	sbr.ind lr, $3  }
0x3a: {  	_ = 	snop  }
0x3b: {  	_ = 	snop  }
0x3c: {  	p2 =	seq.s32 s10, $0x1;
	s10 =	sld [smem:$0x3FB2]  }
0x3d: {  	_ =	shalt  }
0x3e: {  	_ =	shalt  }
0x3f: {  	_ =	shalt  }
0x40: {  	_ =	shalt  }
0x41: {  	_ =	shalt  }
0x42: {  	_ =	shalt  }
0x43: {  	_ =	shalt  }
0x44: {  	_ =	shalt  }
0x45: {  	_ =	shalt  }
0x46: {  	_ =	shalt  }
0x47: {  	_ =	shalt  }
0x48: {  	_ =	shalt  }
0x49: {  	_ =	shalt  }
0x4a: {  	_ =	shalt  }
0x4b: {  	_ =	shalt  }
0x4c: {  	_ =	shalt  }
0x4d: {  	_ =	shalt  }
0x4e: {  	_ =	shalt  }
0x4f: {  	_ =	shalt  }
0x50: {  	_ =	shalt  }
0x51: {  	_ =	shalt  }
0x52: {  	_ =	shalt  }
0x53: {  	_ =	shalt  }
0x54: {  	_ =	shalt  }
0x55: {  	_ =	shalt  }
0x56: {  	_ =	shalt  }
0x57: {  	_ =	shalt  }
0x58: {  	_ =	shalt  }
0x59: {  	_ =	shalt  }
0x5a: {  	_ =	shalt  }
0x5b: {  	_ =	shalt  }
0x5c: {  	_ =	shalt  }
0x5d: {  	_ =	shalt  }
0x5e: {  	_ =	shalt  }
0x5f: {  	_ =	shalt  }
0x60: {  	_ =	shalt  }
0x61: {  	_ =	shalt  }
0x62: {  	_ =	shalt  }
0x63: {  	_ =	shalt  }
0x64: {  	_ =	shalt  }
0x65: {  	_ =	shalt  }
0x66: {  	_ =	shalt  }
0x67: {  	_ =	shalt  }
0x68: {  	_ =	shalt  }
0x69: {  	_ =	shalt  }
0x6a: {  	_ =	shalt  }
0x6b: {  	_ =	shalt  }
0x6c: {  	_ =	shalt  }
0x6d: {  	_ =	shalt  }
0x6e: {  	_ =	shalt  }
0x6f: {  	_ =	shalt  }
0x70: {  	_ =	shalt  }
0x71: {  	_ =	shalt  }
0x72: {  	_ =	shalt  }
0x73: {  	_ =	shalt  }
0x74: {  	_ =	shalt  }
0x75: {  	_ =	shalt  }
0x76: {  	_ =	shalt  }
0x77: {  	_ =	shalt  }
0x78: {  	_ =	shalt  }
0x79: {  	_ =	shalt  }
0x7a: {  	_ =	shalt  }
0x7b: {  	_ =	shalt  }
0x7c: {  	_ =	shalt  }
0x7d: {  	_ =	shalt  }
0x7e: {  	_ =	shalt  }
0x7f: {  	_ =	shalt  }
0x80: {  	_ =	shalt  }
0x81: {  	_ =	shalt  }
0x82: {  	_ =	shalt  }
0x83: {  	_ =	shalt  }
0x84: {  	_ =	shalt  }
0x85: {  	_ =	shalt  }
0x86: {  	_ =	shalt  }
0x87: {  	_ =	shalt  }
.Lfunc_end0:
.L_simem_size_0:
called_computation.2_lowered:
.L_overlay_start_0:
0x88: {  	s2 =	sld [smem:$0x3FD9]  }
0x89: {  	s3 =	sld [smem:$0x3FFE];
	_ =	sdelay $0x1  }
0x8a: {  	s1 =	srdreg.scid  }
0x8b: {  	s0 =	sand.u32 $0x1, s1  }
0x8c: {  	s16 =	sshll.u32 s0, $0xA;
	s2 =	sadd.s32 s3, s2  }
0x8d: {  	s2 =	sadd.s32 s2, s16  }
0x8e: {  	[smem:$0x3FBE] =	sst s2  }
0x8f: {  	_ = 	snop  }
0x90: {  	(tm) =	ssettm $0x1  }
0x91: {  	s17 =	sld [smem:$0x3FFB];
	_ =	sdelay $0x3  }
0x92: {  	_ =	strace s17  }
0x93: {  	s2 =	sld [smem:$0x3FFC];
	_ =	sdelay $0x3  }
0x94: {  	_ =	strace s2  }
0x95: {  	s2 =	sld [smem:$0x3FFD];
	_ =	sdelay $0x3  }
0x96: {  	_ =	strace s2  }
0x97: {  	_ =	strace $0x8FFFFFFF  }
0x98: {  	s18 =	sld [smem:$0x3FDB];
	_ =	sdelay $0x1  }
0x99: {  	s19 =	simm.s32 $_scs_section_size  }
0x9a: {  	s4 =	simm.s32 $_size__tile_overlayer_lowered;
	s5 =	simm.s32 $_tile_overlayer_lowered  }
0x9b: {  	s22 =	simm.s32 $0x1BFF;
	s21 =	sshll.u32 s5, $0x1;
	s2 =	sadd.s32 s19, s18  }
0x9c: {  	s6 =	simm.s32 $0x0;
	s20 =	sshll.u32 s4, $0x1;
	s4 =	sadd.s32 s21, s2  }
0x9d: {  	[timem:s6], [sflag:s22] =	dma.local [hbm:s4], s20  }
0x9e: {  	_ =	swait.ge [sflag:s22], s20  }
0x9f: {  	s3 =	ssub.s32 $0x0, s20;
	[sflag:s22] =	ssyncset.done $0x0  }
0xa0: {  	[sflag:s22] =	ssyncadd.s32 s3;
	_ =	sdelay $0x1  }
0xa1: {  	s23 =	simm.s32 $0x1B8B  }
0xa2: {  	_ =	swait.ge [sflag:s23], $0x1  }
0xa3: {  	[sflag:s23] =	ssyncset.done $0x0  }
0xa4: {  	s25 =	simm.s32 $0x1B8E;
	s24 =	sld [smem:$0x3FFE];
	[sflag:s23] =	ssyncadd.s32 $0xFFFFFFFF  }
0xa5: {  	s26 =	simm.s32 $execute0_lowered;
	[smem:$0x3FD2] =	sst s25  }
0xa6: {  	s4 =	sshll.u32 s26, $0x1;
	_ =	strace $0x8000004C;
	[dreg:$0x1] =	wrdreg $0xFFFFFFFF  }
0xa7: {  	s28 =	simm.s32 $_size_execute0_lowered;
	s2 =	sadd.s32 s2, s4;
	[dreg:$0x0] =	wrdreg $0x0  }
0xa8: {  	s4 =	sshll.u32 s28, $0x1;
	[dreg:$0x2] =	wrdreg s2  }
0xa9: {  	[dreg:$0x3] =	wrdreg s4  }
0xaa: {  	[dreg:$0x4] =	wrdreg $0xC0  }
0xab: {  	_ =	task [dreg:s6], $0x5FFFF  }
0xac: {  	[dreg:$0x1] =	wrdreg $0xFFFFFFFF  }
0xad: {  	[dreg:$0x0] =	wrdreg $0x60  }
0xae: {  	[dreg:$0x2] =	wrdreg s24  }
0xaf: {  	[dreg:$0x3] =	wrdreg $0xBA800  }
0xb0: {  	[dreg:$0x4] =	wrdreg $0x9  }
0xb1: {  	_ =	task.clear_ibuf [dreg:s6], $0x5FFFF;
	_ =	strace $0x9000004C  }
0xb2: {  	s29 =	simm.s32 $0x9;
	_ =	strace $0x8000004E  }
0xb3: {  	_ =	swait.ge [sflag:s29], $0x1  }
0xb4: {  	[sflag:s29] =	ssyncadd.s32 $0xFFFFFFFF  }
0xb5: {  	_ =	strace $0x9000004E  }
0xb6: {  	_ =	sfence  }
0xb7: {  	s30 =	sld [smem:$0x0];
	_ =	sdelay $0x2  }
0xb8: {  	s31 =	sshll.u32 s1, $0xD;
	s1 =	sshrl.u32 s1, $0x2  }
0xb9: {  	s3 =	sand.u32 $0x4000, s31;
	s1 =	sadd.s32 s1, s30  }
0xba: {  	s0 =	sor.u32 s3, s0;
	s1 =	sshll.u32 s1, $0x11  }
0xbb: {  	s0 =	sor.u32 s1, s0  }
0xbc: {  	s0 =	sadd.s32 $0x8F2B, s0  }
0xbd: {  	[sflag:s0] =	ssyncadd.remote.s32 $0x1  }
0xbe: {  	_ =	sfence.sel $0xFFFF  }
0xbf: {  	[dreg:$0x0] =	wrdreg $0xFFFFFFFF;
	(pc) =	sbr.abs _section_cstart, $3  }
0xc0: {  	[dreg:$0x1] =	wrdreg $0xFFFFFFFF  }
0xc1: {  	_ =	task.clear_ibuf [dreg:s6], $0x2FFFF;
	_ =	strace $0x9FFFFFFF  }
0xc2: {  	(tm) =	ssettm $0x7FFFFFFF  }
0xc3: {  	_ =	shalt  }
tec
execute0_lowered:
.L_overlay_start_1:
0x0: {  	(tag) =	ssettag $0x1  }
0x1: {  	s0 =	rddreg [dreg:$0x0]  }
0x2: {  	s1 =	rddreg [dreg:$0x1];
	s2 =	simm.s32 $0x0;
	s18 =	srdreg.scid  }
0x3: {  	s7 =	stileid.u32;
	s28 =	simm.s32 $0x2800;
	s29 =	simm.s32 $0x5A80  }
0x4: {  	s30 =	simm.s32 $0x1;
	s31 =	simm.s32 $0x2900;
	s19 =	smul.u32 $0x4F000, s7  }
0x5: {  	[smem:$0x7FF] =	sst s2;
	s3 =	sshrl.u32 s7, $0x2;
	s12 =	smul.u32 $0x13C00, s7  }
0x6: {  	s2 =	sand.u32 $0x1, s18;
	s4 =	sshll.u32 s7, $0x8;
	s3 =	smul.u32 $0x13C00, s3  }
0x7: {  	s5 =	sshll.u32 s2, $0x7;
	s4 =	sand.u32 $0x300, s4;
	_ =	strace $0x8000004D  }
0x8: {  	s6 =	ssub.s32 $0x2, s2;
	s2 =	smul.u32 $0x13C000, s2;
	s5 =	sor.u32 s5, s4  }
0x9: {  	s4 =	sadd.s32 $0xE600, s0;
	s20 =	sshrl.u32 s6, $0x1;
	s14 =	sadd.s32 $0x3000, s12  }
0xa: {  	s21 =	sadd.s32 $0x6000, s12;
	s22 =	sadd.s32 $0x9000, s12;
	s15 =	sadd.s32 $0xC000, s12  }
0xb: {  	s17 =	sadd.s32 $0xF000, s12;
	s18 =	sadd.s32 $0x12000, s12;
	s3 =	sor.u32 s3, s5  }
0xc: {  	s13 =	ssub.s32 s6, s20;
	s5 =	sshrl.u32 s19, $0x2;
	s7 =	sadd.s32 s14, s1  }
0xd: {  	s8 =	sadd.s32 s21, s1;
	s9 =	sadd.s32 s22, s1;
	s10 =	sadd.s32 s15, s1  }
0xe: {  	s16 =	sadd.s32 s12, s2;
	s11 =	sadd.s32 s17, s1;
	s12 =	sadd.s32 s18, s1  }
0xf: {  	s14 =	sadd.s32 s2, s14;
	s24 =	sadd.s32 s2, s15;
	s25 =	sadd.s32 s2, s17  }
0x10: {  	s3 =	sshrl.u32 s3, $0x3;
	s6 =	sadd.s32 s5, s1;
	s16 =	sshrl.u32 s16, $0x3  }
0x11: {  	s14 =	sshrl.u32 s14, $0x3;
	s5 =	sadd.s32 s2, s22;
	s26 =	sshrl.u32 s25, $0x3  }
0x12: {  	s20 =	smax.u32 s13, $0x1;
	s25 =	simm.s32 $0x60;
	s3 =	sadd.s32 s3, s0  }
0x13: {  	s22 =	simm.s32 $0x3;
	s0 =	sadd.s32 $0x35800, s0;
	s3 =	sadd.s32 $0x4800, s3  }
0x14: {  	s13 =	simm.s32 $0x0;
	s16 =	sadd.s32 s0, s16;
	[dreg:$0x3] =	wrdreg s3  }
0x15: {  	s5 =	sshrl.u32 s5, $0x3;
	s14 =	sadd.s32 s0, s14;
	[dreg:$0x4] =	wrdreg s16  }
0x16: {  	s23 =	sadd.s32 s0, s5;
	s5 =	simm.s32 $0x4;
	[dreg:$0x5] =	wrdreg s14  }
0x17: {  	s3 =	sadd.s32 s2, s21;
	[dreg:$0x7] =	wrdreg s23;
	s2 =	sadd.s32 s2, s18  }
0x18: {  	s23 =	simm.s32 $0x5;
	s21 =	simm.s32 $0x2980;
	s3 =	sshrl.u32 s3, $0x3  }
.Ltmp0:
0x19: {  	s2 =	sshrl.u32 s2, $0x3;
	s3 =	sadd.s32 s0, s3;
	(pc) =	sbr.rel .LBB2_1-.Ltmp0, $4  }
0x1a: {  	s19 =	sadd.s32 s0, s2;
	[dreg:$0x6] =	wrdreg s3;
	s3 =	sshrl.u32 s24, $0x3  }
0x1b: {  	s2 =	simm.s32 $0x2;
	s24 =	simm.s32 $0x2A80;
	s3 =	sadd.s32 s0, s3  }
0x1c: {  	[dreg:$0x8] =	wrdreg s3;
	s3 =	sadd.s32 s0, s26;
	s0 =	simm.s32 $0x2880  }
0x1d: {  	v0 =	vimm.f32 $0.0e+00;
	s26 =	simm.s32 $0x2A00;
	[dreg:$0x9] =	wrdreg s3;
	s3 =	simm.s32 $0x8A80  }
.LBB2_6:
0x1e: {  	_ =	swait.ge [sflag:s5], $0x3000  }
0x1f: {  	[sflag:s5] =	ssyncset.done $0x0  }
0x20: {  	[sflag:s5] =	ssyncadd.s32 $0xFFFFD000  }
0x21: {  	_ =	swait.ge [sflag:s5], $0x3000  }
0x22: {  	[sflag:s5] =	ssyncset.done $0x0  }
0x23: {  	s14 =	stileid.u32;
	[sflag:s5] =	ssyncadd.s32 $0xFFFFD000  }
0x24: {  	s14 =	sshll.u32 s14, $0x6;
	[bflag:$0x0] =	sbarrier.arrive $0xFFFF  }
0x25: {  	s15 =	sshrl.u32 s6, $0x3;
	s14 =	sor.u32 $0x1C05, s14;
	s16 =	rddreg [dreg:$0x4]  }
0x26: {  	[hbm:s16], [sflag:s14] =	dma.local [spmem:s15], $0x600  }
0x27: {  	_ =	swait.ge [sflag:s23], $0x600  }
0x28: {  	[sflag:s23] =	ssyncset.done $0x0  }
0x29: {  	s17 =	sshrl.u32 s7, $0x3;
	s18 =	rddreg [dreg:$0x5];
	[sflag:s23] =	ssyncadd.s32 $0xFFFFFA00  }
0x2a: {  	[hbm:s18], [sflag:s14] =	dma.local [spmem:s17], $0x600  }
0x2b: {  	_ =	swait.ge [sflag:s23], $0x600  }
0x2c: {  	[sflag:s23] =	ssyncset.done $0x0  }
0x2d: {  	s17 =	sshrl.u32 s8, $0x3;
	s18 =	rddreg [dreg:$0x6];
	[sflag:s23] =	ssyncadd.s32 $0xFFFFFA00  }
0x2e: {  	[hbm:s18], [sflag:s14] =	dma.local [spmem:s17], $0x600  }
0x2f: {  	_ =	swait.ge [sflag:s23], $0x600  }
0x30: {  	[sflag:s23] =	ssyncset.done $0x0  }
0x31: {  	s17 =	sshrl.u32 s9, $0x3;
	s18 =	rddreg [dreg:$0x7];
	[sflag:s23] =	ssyncadd.s32 $0xFFFFFA00  }
0x32: {  	[hbm:s18], [sflag:s14] =	dma.local [spmem:s17], $0x600  }
0x33: {  	_ =	swait.ge [sflag:s23], $0x600  }
0x34: {  	[sflag:s23] =	ssyncset.done $0x0  }
0x35: {  	s17 =	sshrl.u32 s10, $0x3;
	s18 =	rddreg [dreg:$0x8];
	[sflag:s23] =	ssyncadd.s32 $0xFFFFFA00  }
0x36: {  	[hbm:s18], [sflag:s14] =	dma.local [spmem:s17], $0x600  }
0x37: {  	_ =	swait.ge [sflag:s23], $0x600  }
0x38: {  	[sflag:s23] =	ssyncset.done $0x0  }
0x39: {  	s16 =	sshrl.u32 s11, $0x3;
	s17 =	rddreg [dreg:$0x9];
	[sflag:s23] =	ssyncadd.s32 $0xFFFFFA00  }
0x3a: {  	[hbm:s17], [sflag:s14] =	dma.local [spmem:s16], $0x600  }
0x3b: {  	s13 =	sadd.s32 $0x1, s13;
	_ =	swait.ge [sflag:s23], $0x600  }
0x3c: {  	p0 =	sne.s32 s13, s20;
	[sflag:s23] =	ssyncset.done $0x0  }
.Ltmp1:
0x3d: {  	s18 =	sshrl.u32 s12, $0x3;
	[sflag:s23] =	ssyncadd.s32 $0xFFFFFA00;
	(pc) =	sbr.rel @!p0 .LBB2_7-.Ltmp1, $4  }
0x3e: {  	[hbm:s19], [sflag:s14] =	dma.local [spmem:s18], $0x380  }
0x3f: {  	_ =	swait.ge [sflag:s23], $0x380  }
0x40: {  	[sflag:s23] =	ssyncset.done $0x0  }
0x41: {  	[sflag:s23] =	ssyncadd.s32 $0xFFFFFC80  }
.LBB2_1:
0x42: {  	s14 =	simm.s32 $0x0  }
0x43: {  	s15 =	rddreg [dreg:$0x3];
	s16 =	simm.s32 $0x80;
	s17 =	simm.s32 $0x400  }
0x44: {  	[tilespmem:s14], [sflag:$0x5] =	stream.strided.gather [hbm4b:s15+s16], $0x2780, s17, s16, $0x38;
	[tilespmem:$0x1F680] =	vst v63  }
0x45: {  	_ =	swait.ge [sflag:s23], $0x2780  }
0x46: {  	[sflag:s23] =	ssyncset.done $0x0  }
0x47: {  	s14 =	simm.s32 $0x70;
	s15 =	simm.s32 $0x3C0;
	[sflag:s23] =	ssyncadd.s32 $0xFFFFD880  }
.LBB2_2:
0x48: {  	p0 =	sne.s32 s15, $0xBFC0;
	[tilespmem:s14+$0x2A80] =	vst v0  }
0x49: {  	[tilespmem:s14+$0x2A10] =	vst v0  }
0x4a: {  	[tilespmem:s14+$0x2A20] =	vst v0  }
.Ltmp2:
0x4b: {  	[tilespmem:s14+$0x2A30] =	vst v0;
	(pc) =	sbr.rel @p0 .LBB2_2-.Ltmp2, $4  }
0x4c: {  	[tilespmem:s14+$0x2A40] =	vst v0  }
0x4d: {  	[tilespmem:s14+$0x2A50] =	vst v0  }
0x4e: {  	[tilespmem:s14+$0x2A60] =	vst v0  }
0x4f: {  	[tilespmem:s14+$0x2A70] =	vst v0;
	s14 =	sshra.s32 s15, $0x2;
	s15 =	sadd.s32 $0x200, s15  }
0x50: {  	[tilespmem:s14+$0x2A80] =	vst v0  }
0x51: {  	[tilespmem:s14+$0x2A10] =	vst v0  }
0x52: {  	[tilespmem:s14+$0x2A20] =	vst v0  }
0x53: {  	[tilespmem:s14+$0x2A30] =	vst v0  }
0x54: {  	[tilespmem:s14+$0x2A40] =	vst v0  }
0x55: {  	[tilespmem:s14+$0x2A50] =	vst v0  }
0x56: {  	[tilespmem:s14+$0x2A60] =	vst v0  }
0x57: {  	[tilespmem:s14+$0x2A70] =	vst v0  }
0x58: {  	[spmem:s6] =	stream.linear.scatter [tilespmem:s24], [sflag:$0x5], $0x3000, $0x38;
	[tilespmem:$0x1F680] =	vst v63  }
0x59: {  	_ =	swait.ge [sflag:s23], $0x3000  }
0x5a: {  	[sflag:s23] =	ssyncset.done $0x0  }
0x5b: {  	[sflag:s23] =	ssyncadd.s32 $0xFFFFD000  }
0x5c: {  	[spmem:s7] =	stream.linear.scatter [tilespmem:s24], [sflag:$0x5], $0x3000, $0x38;
	[tilespmem:$0x1F680] =	vst v63  }
0x5d: {  	_ =	swait.ge [sflag:s23], $0x3000  }
0x5e: {  	[sflag:s23] =	ssyncset.done $0x0  }
0x5f: {  	[sflag:s23] =	ssyncadd.s32 $0xFFFFD000  }
0x60: {  	[spmem:s8] =	stream.linear.scatter [tilespmem:s24], [sflag:$0x5], $0x3000, $0x38;
	[tilespmem:$0x1F680] =	vst v63  }
0x61: {  	_ =	swait.ge [sflag:s23], $0x3000  }
0x62: {  	[sflag:s23] =	ssyncset.done $0x0  }
0x63: {  	[sflag:s23] =	ssyncadd.s32 $0xFFFFD000  }
0x64: {  	[spmem:s9] =	stream.linear.scatter [tilespmem:s24], [sflag:$0x5], $0x3000, $0x38;
	[tilespmem:$0x1F680] =	vst v63  }
0x65: {  	_ =	swait.ge [sflag:s23], $0x3000  }
0x66: {  	[sflag:s23] =	ssyncset.done $0x0  }
0x67: {  	[sflag:s23] =	ssyncadd.s32 $0xFFFFD000  }
0x68: {  	[spmem:s10] =	stream.linear.scatter [tilespmem:s24], [sflag:$0x5], $0x3000, $0x38;
	[tilespmem:$0x1F680] =	vst v63  }
0x69: {  	_ =	swait.ge [sflag:s23], $0x3000  }
0x6a: {  	[sflag:s23] =	ssyncset.done $0x0  }
0x6b: {  	[sflag:s23] =	ssyncadd.s32 $0xFFFFD000  }
0x6c: {  	[spmem:s11] =	stream.linear.scatter [tilespmem:s24], [sflag:$0x5], $0x3000, $0x38;
	[tilespmem:$0x1F680] =	vst v63  }
0x6d: {  	_ =	swait.ge [sflag:s23], $0x3000  }
0x6e: {  	[sflag:s23] =	ssyncset.done $0x0  }
0x6f: {  	[sflag:s23] =	ssyncadd.s32 $0xFFFFD000  }
0x70: {  	[spmem:s12] =	stream.linear.scatter [tilespmem:s24], [sflag:$0x5], $0x1C00, $0x38;
	[tilespmem:$0x1F680] =	vst v63  }
0x71: {  	_ =	swait.ge [sflag:s23], $0x1C00  }
0x72: {  	[sflag:s23] =	ssyncset.done $0x0  }
0x73: {  	[sflag:s23] =	ssyncadd.s32 $0xFFFFE400  }
0x74: {  	[bflag:$0x0] =	sbarrier.arrive $0xFFFF  }
0x75: {  	v1 =	vld [tilespmem:$0x0]  }
0x76: {  	v2 =	vld [tilespmem:$0x10]  }
0x77: {  	v3 =	vld [tilespmem:$0x20]  }
0x78: {  	v4 =	vld [tilespmem:$0x30]  }
0x79: {  	v5 =	vld [tilespmem:$0x40]  }
0x7a: {  	v6 =	vld [tilespmem:$0x50];
	v1 =	vand.u32 $0xFFFF, v1  }
0x7b: {  	[tilespmem:$0x2780] =	vst v1;
	v1 =	vand.u32 $0xFFFF, v2  }
0x7c: {  	[tilespmem:$0x2790] =	vst v1;
	v1 =	vand.u32 $0xFFFF, v3  }
0x7d: {  	[tilespmem:$0x27A0] =	vst v1;
	v1 =	vand.u32 $0xFFFF, v4  }
0x7e: {  	[tilespmem:$0x27B0] =	vst v1;
	v1 =	vand.u32 $0xFFFF, v5  }
0x7f: {  	[tilespmem:$0x27C0] =	vst v1;
	v1 =	vand.u32 $0xFFFF, v6  }
0x80: {  	s18 =	simm.s32 $0x2780;
	[tilespmem:$0x27D0] =	vst v1  }
0x81: {  	[tilespmem:s24], [sflag:$0x1] =	stream.indirect.gather [hbm4b:s4+s25], $0x80, s18, s25, $0xb8;
	[tilespmem:$0x1F680] =	vst v63  }
0x82: {  	v1 =	vld [tilespmem:$0x60]  }
0x83: {  	v2 =	vld [tilespmem:$0x70]  }
0x84: {  	v3 =	vld [tilespmem:$0x80]  }
0x85: {  	v61 =	vld [tilespmem:$0x90]  }
0x86: {  	v62 =	vld [tilespmem:$0xA0]  }
0x87: {  	v63 =	vld [tilespmem:$0xB0];
	v1 =	vand.u32 $0xFFFF, v1  }
0x88: {  	[tilespmem:$0x2800] =	vst v1;
	v1 =	vand.u32 $0xFFFF, v2  }
0x89: {  	[tilespmem:$0x2810] =	vst v1;
	v1 =	vand.u32 $0xFFFF, v3  }
0x8a: {  	[tilespmem:$0x2820] =	vst v1;
	v1 =	vand.u32 $0xFFFF, v61  }
0x8b: {  	[tilespmem:$0x2830] =	vst v1;
	v1 =	vand.u32 $0xFFFF, v62  }
0x8c: {  	[tilespmem:$0x2840] =	vst v1;
	v1 =	vand.u32 $0xFFFF, v63  }
0x8d: {  	s14 =	simm.s32 $0x0;
	[tilespmem:$0x2850] =	vst v1  }
0x8e: {  	[tilespmem:s29], [sflag:$0x2] =	stream.indirect.gather [hbm4b:s4+s25], $0x80, s28, s25, $0xb8;
	[tilespmem:$0x1F680] =	vst v63  }
.LBB2_4:
0x8f: {  	_ =	swait.ge [sflag:s30], $0x3000  }
0x90: {  	[sflag:s30] =	ssyncset.done $0x0  }
0x91: {  	s15 =	sshra.s32 s14, $0x2;
	[sflag:s30] =	ssyncadd.s32 $0xFFFFD000  }
0x92: {  	v1 =	vld [tilespmem:s15+$0x0];
	_ =	sdelay $0x4  }
0x93: {  	v1 =	vshrl.u32 v1, $0x10  }
0x94: {  	[tilespmem:$0x2900] =	vst v1  }
0x95: {  	v1 =	vld [tilespmem:s15+$0x10];
	_ =	sdelay $0x4  }
0x96: {  	v1 =	vshrl.u32 v1, $0x10  }
0x97: {  	[tilespmem:$0x2910] =	vst v1  }
0x98: {  	v1 =	vld [tilespmem:s15+$0x20];
	_ =	sdelay $0x4  }
0x99: {  	v1 =	vshrl.u32 v1, $0x10  }
0x9a: {  	[tilespmem:$0x2920] =	vst v1  }
0x9b: {  	v1 =	vld [tilespmem:s15+$0x30];
	_ =	sdelay $0x4  }
0x9c: {  	v1 =	vshrl.u32 v1, $0x10  }
0x9d: {  	[tilespmem:$0x2930] =	vst v1  }
0x9e: {  	v1 =	vld [tilespmem:s15+$0x40];
	_ =	sdelay $0x4  }
0x9f: {  	v1 =	vshrl.u32 v1, $0x10  }
0xa0: {  	[tilespmem:$0x2940] =	vst v1  }
0xa1: {  	v1 =	vld [tilespmem:s15+$0x50];
	_ =	sdelay $0x4  }
0xa2: {  	p0 =	seq.s32 s14, $0x0;
	v1 =	vshrl.u32 v1, $0x10  }
0xa3: {  	s16 =	simm.s32 @!p0 $0x4;
	[tilespmem:$0x2950] =	vst v1  }
0xa4: {  	[spmem:s1] =	stream.indirect.scatter.add.f32 [tilespmem:s24], [sflag:$0x4], $0x80, s31, s25, $0xb8;
	[tilespmem:$0x1F680] =	vst v63  }
0xa5: {  	_ =	swait.ge @!p0 [sflag:s16], $0x3000  }
0xa6: {  	[sflag:s16] =	ssyncset.done @!p0 $0x0  }
0xa7: {  	[sflag:s16] =	ssyncadd.s32 @!p0 $0xFFFFD000  }
0xa8: {  	v1 =	vld [tilespmem:s15+$0xC0];
	_ =	sdelay $0x4  }
0xa9: {  	v1 =	vand.u32 $0xFFFF, v1  }
0xaa: {  	[tilespmem:$0x2880] =	vst v1  }
0xab: {  	v1 =	vld [tilespmem:s15+$0xD0];
	_ =	sdelay $0x4  }
0xac: {  	v1 =	vand.u32 $0xFFFF, v1  }
0xad: {  	[tilespmem:$0x2890] =	vst v1  }
0xae: {  	v1 =	vld [tilespmem:s15+$0xE0];
	_ =	sdelay $0x4  }
0xaf: {  	v1 =	vand.u32 $0xFFFF, v1  }
0xb0: {  	[tilespmem:$0x28A0] =	vst v1  }
0xb1: {  	v1 =	vld [tilespmem:s15+$0xF0];
	_ =	sdelay $0x4  }
0xb2: {  	v1 =	vand.u32 $0xFFFF, v1  }
0xb3: {  	[tilespmem:$0x28B0] =	vst v1  }
0xb4: {  	v1 =	vld [tilespmem:s15+$0x100];
	_ =	sdelay $0x4  }
0xb5: {  	v1 =	vand.u32 $0xFFFF, v1  }
0xb6: {  	[tilespmem:$0x28C0] =	vst v1  }
0xb7: {  	v1 =	vld [tilespmem:s15+$0x110];
	_ =	sdelay $0x4  }
0xb8: {  	v1 =	vand.u32 $0xFFFF, v1  }
0xb9: {  	[tilespmem:$0x28D0] =	vst v1  }
0xba: {  	[tilespmem:s3], [sflag:$0x3] =	stream.indirect.gather [hbm4b:s4+s25], $0x80, s0, s25, $0xb8;
	[tilespmem:$0x1F680] =	vst v63  }
0xbb: {  	_ =	swait.ge [sflag:s2], $0x3000  }
0xbc: {  	[sflag:s2] =	ssyncset.done $0x0  }
0xbd: {  	[sflag:s2] =	ssyncadd.s32 $0xFFFFD000  }
0xbe: {  	v1 =	vld [tilespmem:s15+$0x60];
	_ =	sdelay $0x4  }
0xbf: {  	v1 =	vshrl.u32 v1, $0x10  }
0xc0: {  	[tilespmem:$0x2980] =	vst v1  }
0xc1: {  	v1 =	vld [tilespmem:s15+$0x70];
	_ =	sdelay $0x4  }
0xc2: {  	v1 =	vshrl.u32 v1, $0x10  }
0xc3: {  	[tilespmem:$0x2990] =	vst v1  }
0xc4: {  	v1 =	vld [tilespmem:s15+$0x80];
	_ =	sdelay $0x4  }
0xc5: {  	v1 =	vshrl.u32 v1, $0x10  }
0xc6: {  	[tilespmem:$0x29A0] =	vst v1  }
0xc7: {  	v1 =	vld [tilespmem:s15+$0x90];
	_ =	sdelay $0x4  }
0xc8: {  	v1 =	vshrl.u32 v1, $0x10  }
0xc9: {  	[tilespmem:$0x29B0] =	vst v1  }
0xca: {  	v1 =	vld [tilespmem:s15+$0xA0];
	_ =	sdelay $0x4  }
0xcb: {  	v1 =	vshrl.u32 v1, $0x10  }
0xcc: {  	[tilespmem:$0x29C0] =	vst v1  }
0xcd: {  	v1 =	vld [tilespmem:s15+$0xB0];
	_ =	sdelay $0x4  }
0xce: {  	p0 =	seq.s32 s14, $0x9900;
	v1 =	vshrl.u32 v1, $0x10  }
0xcf: {  	s16 =	simm.s32 @!p0 $0x4;
	[tilespmem:$0x29D0] =	vst v1  }
0xd0: {  	[spmem:s1] =	stream.indirect.scatter.add.f32 [tilespmem:s29], [sflag:$0x4], $0x80, s21, s25, $0xb8;
	[tilespmem:$0x1F680] =	vst v63  }
0xd1: {  	_ =	swait.ge @!p0 [sflag:s16], $0x3000  }
0xd2: {  	[sflag:s16] =	ssyncset.done @!p0 $0x0  }
0xd3: {  	[sflag:s16] =	ssyncadd.s32 @!p0 $0xFFFFD000;
	s16 =	sshra.s32 @!p0 s14, $0x2  }
0xd4: {  	v1 =	vld @!p0 [tilespmem:s16+$0x120];
	_ =	sdelay $0x4  }
0xd5: {  	v1 =	vand.u32 @!p0 $0xFFFF, v1  }
0xd6: {  	[tilespmem:$0x2780] =	vst @!p0 v1  }
0xd7: {  	v1 =	vld @!p0 [tilespmem:s16+$0x130];
	_ =	sdelay $0x4  }
0xd8: {  	v1 =	vand.u32 @!p0 $0xFFFF, v1  }
0xd9: {  	[tilespmem:$0x2790] =	vst @!p0 v1  }
0xda: {  	v1 =	vld @!p0 [tilespmem:s16+$0x140];
	_ =	sdelay $0x4  }
0xdb: {  	v1 =	vand.u32 @!p0 $0xFFFF, v1  }
0xdc: {  	[tilespmem:$0x27A0] =	vst @!p0 v1  }
0xdd: {  	v1 =	vld @!p0 [tilespmem:s16+$0x150];
	_ =	sdelay $0x4  }
0xde: {  	v1 =	vand.u32 @!p0 $0xFFFF, v1  }
0xdf: {  	[tilespmem:$0x27B0] =	vst @!p0 v1  }
0xe0: {  	v1 =	vld @!p0 [tilespmem:s16+$0x160];
	_ =	sdelay $0x4  }
0xe1: {  	v1 =	vand.u32 @!p0 $0xFFFF, v1  }
0xe2: {  	[tilespmem:$0x27C0] =	vst @!p0 v1  }
0xe3: {  	v1 =	vld @!p0 [tilespmem:s16+$0x170];
	_ =	sdelay $0x4  }
0xe4: {  	v1 =	vand.u32 @!p0 $0xFFFF, v1  }
0xe5: {  	s17 =	simm.s32 @!p0 $0x2780;
	s18 =	simm.s32 @!p0 $0x2A80;
	s16 =	simm.s32 @!p0 $0x60;
	[tilespmem:$0x27D0] =	vst @!p0 v1  }
0xe6: {  	[tilespmem:s18], [sflag:$0x1] =	stream.indirect.gather @!p0 [hbm4b:s4+s16], $0x80, s17, s16, $0xb8;
	[tilespmem:$0x1F680] =	vst v63  }
0xe7: {  	_ =	swait.ge [sflag:s22], $0x3000  }
0xe8: {  	[sflag:s22] =	ssyncset.done $0x0  }
0xe9: {  	[sflag:s22] =	ssyncadd.s32 $0xFFFFD000  }
0xea: {  	v1 =	vld [tilespmem:s15+$0xC0];
	_ =	sdelay $0x4  }
0xeb: {  	v1 =	vshrl.u32 v1, $0x10  }
0xec: {  	[tilespmem:$0x2A00] =	vst v1  }
0xed: {  	v1 =	vld [tilespmem:s15+$0xD0];
	_ =	sdelay $0x4  }
0xee: {  	v1 =	vshrl.u32 v1, $0x10  }
0xef: {  	[tilespmem:$0x2A10] =	vst v1  }
0xf0: {  	v1 =	vld [tilespmem:s15+$0xE0];
	_ =	sdelay $0x4  }
0xf1: {  	v1 =	vshrl.u32 v1, $0x10  }
0xf2: {  	[tilespmem:$0x2A20] =	vst v1  }
0xf3: {  	v1 =	vld [tilespmem:s15+$0xF0];
	_ =	sdelay $0x4  }
0xf4: {  	v1 =	vshrl.u32 v1, $0x10  }
0xf5: {  	[tilespmem:$0x2A30] =	vst v1  }
0xf6: {  	v1 =	vld [tilespmem:s15+$0x100];
	_ =	sdelay $0x4  }
0xf7: {  	v1 =	vshrl.u32 v1, $0x10  }
0xf8: {  	[tilespmem:$0x2A40] =	vst v1  }
0xf9: {  	v1 =	vld [tilespmem:s15+$0x110];
	_ =	sdelay $0x4  }
0xfa: {  	v1 =	vshrl.u32 v1, $0x10  }
.Ltmp3:
0xfb: {  	[tilespmem:$0x2A50] =	vst v1;
	(pc) =	sbr.rel @p0 .LBB2_6-.Ltmp3, $4  }
0xfc: {  	[spmem:s1] =	stream.indirect.scatter.add.f32 [tilespmem:s3], [sflag:$0x4], $0x80, s26, s25, $0xb8;
	[tilespmem:$0x1F680] =	vst v63  }
0xfd: {  	_ =	swait.ge [sflag:s5], $0x3000  }
0xfe: {  	[sflag:s5] =	ssyncset.done $0x0  }
0xff: {  	[sflag:s5] =	ssyncadd.s32 $0xFFFFD000  }
0x100: {  	v1 =	vld [tilespmem:s15+$0x180];
	_ =	sdelay $0x4  }
0x101: {  	v1 =	vand.u32 $0xFFFF, v1  }
0x102: {  	[tilespmem:$0x2800] =	vst v1  }
0x103: {  	v1 =	vld [tilespmem:s15+$0x190];
	_ =	sdelay $0x4  }
0x104: {  	v1 =	vand.u32 $0xFFFF, v1  }
0x105: {  	[tilespmem:$0x2810] =	vst v1  }
0x106: {  	v1 =	vld [tilespmem:s15+$0x1A0];
	_ =	sdelay $0x4  }
0x107: {  	v1 =	vand.u32 $0xFFFF, v1  }
0x108: {  	[tilespmem:$0x2820] =	vst v1  }
0x109: {  	v1 =	vld [tilespmem:s15+$0x1B0];
	_ =	sdelay $0x4  }
0x10a: {  	v1 =	vand.u32 $0xFFFF, v1  }
0x10b: {  	[tilespmem:$0x2830] =	vst v1  }
0x10c: {  	v1 =	vld [tilespmem:s15+$0x1C0];
	_ =	sdelay $0x4  }
0x10d: {  	v1 =	vand.u32 $0xFFFF, v1  }
0x10e: {  	[tilespmem:$0x2840] =	vst v1  }
0x10f: {  	v1 =	vld [tilespmem:s15+$0x1D0];
	_ =	sdelay $0x2  }
.Ltmp4:
0x110: {  	_ = 	snop;
	(pc) =	sbr.rel .LBB2_4-.Ltmp4, $4  }
0x111: {  	_ = 	snop  }
0x112: {  	v1 =	vand.u32 $0xFFFF, v1  }
0x113: {  	s14 =	sadd.s32 $0x480, s14;
	[tilespmem:$0x2850] =	vst v1  }
0x114: {  	[tilespmem:s29], [sflag:$0x2] =	stream.indirect.gather [hbm4b:s4+s25], $0x80, s28, s25, $0xb8;
	[tilespmem:$0x1F680] =	vst v63  }
.LBB2_7:
0x115: {  	_ =	sfence.sel $0x180000  }
0x116: {  	[bflag:$0x0] =	sbarrier.arrive $0xFFFF  }
0x117: {  	_ =	strace $0x9000004D  }
0x118: {  	s0 =	stileid.u32;
	[bflag:$0x2] =	sbarrier.arrive $0xFFFF  }
0x119: {  	p0 =	sne.s32 s0, $0x0;
	s0 =	rddreg [dreg:$0x2]  }
0x11a: {  	s0 =	sadd.s32 @!p0 $0x100000, s0  }
0x11b: {  	[sflag:s0] =	ssyncadd.tile.s32 @!p0 $0x1;
	_ =	shalt  }
.Lfunc_end2:
_tile_overlayer_lowered:
.L_overlay_start_2:
0x11c: {  	(tag) =	ssettag $0x2  }
0x11d: {  	s0 =	rddreg [dreg:$0x0];
	s2 =	stileid.u32  }
0x11e: {  	s1 =	rddreg [dreg:$0x1];
	p0 =	sne.s32 s2, $0x0  }
0x11f: {  	s3 =	rddreg [dreg:$0x2];
	[bflag:$0x3] =	sbarrier.arrive $0xFFFF;
	s2 =	simm.s32 @!p0 $0x1C05  }
0x120: {  	[timem:s3], [sflag:s2] =	dma.local @!p0 [hbm:s0], s1  }
0x121: {  	s0 =	simm.s32 @!p0 $0x5  }
0x122: {  	_ =	swait.ge @!p0 [sflag:s0], s1  }
0x123: {  	s1 =	ssub.s32 @!p0 $0x0, s1;
	[sflag:s0] =	ssyncset.done @!p0 $0x0  }
0x124: {  	[sflag:s0] =	ssyncadd.s32 @!p0 s1  }
0x125: {  	[bflag:$0x3] =	sbarrier.arrive $0xFFFF  }
0x126: {  	_ =	shalt  }

// kernel: kernel.19.cloned.1.call-start
scs
__scs_entry_jumppad:
0x0: {  	(pc) =	sbr.rel $0x88, $3  }
0x1: {  	(tag) =	ssettag $0x0;
	lr =	simm.s32 $0x1  }
0x2: {  	[smem:$0x3F97] =	sst lr;
	_ =	strace $0xD0000000  }
0x3: {  	_ = 	snop  }
0x4: {  	_ = 	snop  }
0x5: {  	_ = 	snop  }
0x6: {  	_ = 	snop  }
0x7: {  	_ = 	snop  }
__scs_overlays_trampoline_lowered:
0x8: {  	[smem:$0x3FA6] =	sst s0  }
0x9: {  	[smem:$0x3FA7] =	sst s1  }
0xa: {  	[smem:$0x3FA8] =	sst s2  }
0xb: {  	[smem:$0x3FA9] =	sst s3  }
0xc: {  	[smem:$0x3FAA] =	sst s4  }
0xd: {  	[smem:$0x3FAB] =	sst s5  }
0xe: {  	[smem:$0x3FAC] =	sst s6  }
0xf: {  	[smem:$0x3FAD] =	sst s7  }
0x10: {  	[smem:$0x3FAE] =	sst s8  }
0x11: {  	[smem:$0x3FAF] =	sst s9;
	s0 =	simm.s32 @!p0 $0x0  }
0x12: {  	s1 =	sld [smem:$0x3F95];
	s0 =	simm.s32 @p0 $0x1  }
0x13: {  	[smem:$0x3FB0] =	sst s0;
	s0 =	simm.s32 @!p1 $0x0  }
0x14: {  	s2 =	sld [smem:$0x3F94];
	s0 =	simm.s32 @p1 $0x1  }
0x15: {  	[smem:$0x3FB1] =	sst s0;
	s0 =	simm.s32 @!p2 $0x0  }
0x16: {  	s3 =	sld [smem:$0x3FDB];
	s0 =	simm.s32 @p2 $0x1  }
0x17: {  	s4 =	simm.s32 $0x1BF5;
	[smem:$0x3FB3] =	sst s0  }
0x18: {  	s0 =	sld [smem:$0x3F96];
	_ =	swait.ge [sflag:s4], $0x0  }
0x19: {  	s7 =	sld [smem:$0x3F97]  }
0x1a: {  	s8 =	sadd.s32 $0xFFFFE003, lr  }
0x1b: {  	s9 =	sadd.s32 $0xFFFFFEF7, lr;
	s5 =	simm.s32 $0xFFFFFFFF;
	p2 =	slt.u32 s8, $0xFFFFF086  }
0x1c: {  	p1 =	slt.u32 s9, $0xF7A;
	s5 =	simm.s32 @!p2 $0x0  }
0x1d: {  	s5 =	simm.s32 @p1 $0x1;
	p0 =	seq.s32 s7, s2  }
0x1e: {  	s7 =	smul.u32 @!p0 $0xF7A, s2;
	p2 =	seq.s32 @!p0 s5, $0x0  }
0x1f: {  	s9 =	smul.u32 $0xF7A, s1;
	s8 =	simm.s32 @!p0 $0x1BF5;
	p2 =	por !p2, p0  }
0x20: {  	[sflag:s8] =	ssyncset.s32 @!p0 $0xFFFFF086;
	s6 =	sadd.s32 @!p0 s3, s7;
	s7 =	simm.s32 @!p0 $0x108  }
0x21: {  	s3 =	sadd.s32 s3, s9;
	s6 =	sadd.s32 @!p0 $0x88, s6;
	s7 =	simm.s32 @p2 $0x1082  }
0x22: {  	[simem:s7], [sflag:s8] =	dma.local @!p0 [hbm:s6], $0xF7A  }
0x23: {  	s9 =	sor.u32 $0xD0000000, s2;
	s6 =	simm.s32 $0x108;
	_ =	swait.ge @!p0 [sflag:s8], $0x0  }
0x24: {  	s3 =	sadd.s32 $0x88, s3;
	s6 =	simm.s32 @!p1 $0x1082;
	[sflag:s4] =	ssyncset.s32 $0xFFFFF086  }
0x25: {  	[simem:s6], [sflag:s4] =	dma.local [hbm:s3], $0xF7A  }
0x26: {  	[smem:$0x3F97] =	sst s1;
	(tag) =	ssettag s2;
	_ =	strace s9  }
0x27: {  	s1 =	sld [smem:$0x3FA7]  }
0x28: {  	s2 =	sld [smem:$0x3FA8]  }
0x29: {  	s4 =	sld [smem:$0x3FAA]  }
0x2a: {  	p0 =	seq.s32 s5, $0x0;
	s5 =	sld [smem:$0x3FAB]  }
0x2b: {  	s6 =	sld [smem:$0x3FAC]  }
0x2c: {  	s7 =	sld [smem:$0x3FAD]  }
0x2d: {  	s3 =	simm.s32 $0x108;
	s8 =	sld [smem:$0x3FAE]  }
0x2e: {  	s3 =	simm.s32 @!p0 $0x1082;
	s9 =	sld [smem:$0x3FAF]  }
0x2f: {  	lr =	sadd.s32 s0, s3;
	s0 =	sld [smem:$0x3FA6]  }
0x30: {  	s3 =	sld [smem:$0x3FA9]  }
0x31: {  	[smem:$0x3FB2] =	sst s10  }
0x32: {  	s10 =	sld [smem:$0x3FB0];
	_ =	sdelay $0x3  }
0x33: {  	p0 =	seq.s32 s10, $0x1;
	s10 =	sld [smem:$0x3FB2];
	_ =	sdelay $0x3  }
0x34: {  	[smem:$0x3FB2] =	sst s10  }
0x35: {  	s10 =	sld [smem:$0x3FB1];
	_ =	sdelay $0x3  }
0x36: {  	p1 =	seq.s32 s10, $0x1;
	s10 =	sld [smem:$0x3FB2];
	_ =	sdelay $0x3  }
0x37: {  	[smem:$0x3FB2] =	sst s10  }
0x38: {  	s10 =	sld [smem:$0x3FB3]  }
0x39: {  	_ = 	snop;
	(pc) =	sbr.ind lr, $3  }
0x3a: {  	_ = 	snop  }
0x3b: {  	_ = 	snop  }
0x3c: {  	p2 =	seq.s32 s10, $0x1;
	s10 =	sld [smem:$0x3FB2]  }
0x3d: {  	_ =	shalt  }
0x3e: {  	_ =	shalt  }
0x3f: {  	_ =	shalt  }
0x40: {  	_ =	shalt  }
0x41: {  	_ =	shalt  }
0x42: {  	_ =	shalt  }
0x43: {  	_ =	shalt  }
0x44: {  	_ =	shalt  }
0x45: {  	_ =	shalt  }
0x46: {  	_ =	shalt  }
0x47: {  	_ =	shalt  }
0x48: {  	_ =	shalt  }
0x49: {  	_ =	shalt  }
0x4a: {  	_ =	shalt  }
0x4b: {  	_ =	shalt  }
0x4c: {  	_ =	shalt  }
0x4d: {  	_ =	shalt  }
0x4e: {  	_ =	shalt  }
0x4f: {  	_ =	shalt  }
0x50: {  	_ =	shalt  }
0x51: {  	_ =	shalt  }
0x52: {  	_ =	shalt  }
0x53: {  	_ =	shalt  }
0x54: {  	_ =	shalt  }
0x55: {  	_ =	shalt  }
0x56: {  	_ =	shalt  }
0x57: {  	_ =	shalt  }
0x58: {  	_ =	shalt  }
0x59: {  	_ =	shalt  }
0x5a: {  	_ =	shalt  }
0x5b: {  	_ =	shalt  }
0x5c: {  	_ =	shalt  }
0x5d: {  	_ =	shalt  }
0x5e: {  	_ =	shalt  }
0x5f: {  	_ =	shalt  }
0x60: {  	_ =	shalt  }
0x61: {  	_ =	shalt  }
0x62: {  	_ =	shalt  }
0x63: {  	_ =	shalt  }
0x64: {  	_ =	shalt  }
0x65: {  	_ =	shalt  }
0x66: {  	_ =	shalt  }
0x67: {  	_ =	shalt  }
0x68: {  	_ =	shalt  }
0x69: {  	_ =	shalt  }
0x6a: {  	_ =	shalt  }
0x6b: {  	_ =	shalt  }
0x6c: {  	_ =	shalt  }
0x6d: {  	_ =	shalt  }
0x6e: {  	_ =	shalt  }
0x6f: {  	_ =	shalt  }
0x70: {  	_ =	shalt  }
0x71: {  	_ =	shalt  }
0x72: {  	_ =	shalt  }
0x73: {  	_ =	shalt  }
0x74: {  	_ =	shalt  }
0x75: {  	_ =	shalt  }
0x76: {  	_ =	shalt  }
0x77: {  	_ =	shalt  }
0x78: {  	_ =	shalt  }
0x79: {  	_ =	shalt  }
0x7a: {  	_ =	shalt  }
0x7b: {  	_ =	shalt  }
0x7c: {  	_ =	shalt  }
0x7d: {  	_ =	shalt  }
0x7e: {  	_ =	shalt  }
0x7f: {  	_ =	shalt  }
0x80: {  	_ =	shalt  }
0x81: {  	_ =	shalt  }
0x82: {  	_ =	shalt  }
0x83: {  	_ =	shalt  }
0x84: {  	_ =	shalt  }
0x85: {  	_ =	shalt  }
0x86: {  	_ =	shalt  }
0x87: {  	_ =	shalt  }
.Lfunc_end0:
.L_simem_size_0:
called_computation.3_lowered:
.L_overlay_start_0:
0x88: {  	s2 =	sld [smem:$0x3FD9]  }
0x89: {  	s3 =	sld [smem:$0x3FFE];
	_ =	sdelay $0x1  }
0x8a: {  	s1 =	srdreg.scid  }
0x8b: {  	s0 =	sand.u32 $0x1, s1  }
0x8c: {  	s16 =	sshll.u32 s0, $0xA;
	s2 =	sadd.s32 s3, s2  }
0x8d: {  	s2 =	sadd.s32 s2, s16  }
0x8e: {  	[smem:$0x3FBE] =	sst s2  }
0x8f: {  	_ = 	snop  }
0x90: {  	(tm) =	ssettm $0x1  }
0x91: {  	s17 =	sld [smem:$0x3FFB];
	_ =	sdelay $0x3  }
0x92: {  	_ =	strace s17  }
0x93: {  	s2 =	sld [smem:$0x3FFC];
	_ =	sdelay $0x3  }
0x94: {  	_ =	strace s2  }
0x95: {  	s2 =	sld [smem:$0x3FFD];
	_ =	sdelay $0x3  }
0x96: {  	_ =	strace s2  }
0x97: {  	_ =	strace $0x8FFFFFFF  }
0x98: {  	s18 =	sld [smem:$0x3FDB];
	_ =	sdelay $0x1  }
0x99: {  	s19 =	simm.s32 $_scs_section_size  }
0x9a: {  	s4 =	simm.s32 $_size__tile_overlayer_lowered;
	s5 =	simm.s32 $_tile_overlayer_lowered  }
0x9b: {  	s22 =	simm.s32 $0x1BFF;
	s21 =	sshll.u32 s5, $0x1;
	s2 =	sadd.s32 s19, s18  }
0x9c: {  	s6 =	simm.s32 $0x0;
	s20 =	sshll.u32 s4, $0x1;
	s4 =	sadd.s32 s21, s2  }
0x9d: {  	[timem:s6], [sflag:s22] =	dma.local [hbm:s4], s20  }
0x9e: {  	_ =	swait.ge [sflag:s22], s20  }
0x9f: {  	s3 =	ssub.s32 $0x0, s20;
	[sflag:s22] =	ssyncset.done $0x0  }
0xa0: {  	[sflag:s22] =	ssyncadd.s32 s3;
	_ =	sdelay $0x1  }
0xa1: {  	s23 =	simm.s32 $0x1B8B  }
0xa2: {  	_ =	swait.ge [sflag:s23], $0x1  }
0xa3: {  	[sflag:s23] =	ssyncset.done $0x0  }
0xa4: {  	s25 =	simm.s32 $0x1B8E;
	s24 =	sld [smem:$0x3FFE];
	[sflag:s23] =	ssyncadd.s32 $0xFFFFFFFF  }
0xa5: {  	s26 =	simm.s32 $execute0_lowered;
	[smem:$0x3FD2] =	sst s25  }
0xa6: {  	s4 =	sshll.u32 s26, $0x1;
	_ =	strace $0x8000004F;
	[dreg:$0x1] =	wrdreg $0xFFFFFFFF  }
0xa7: {  	s28 =	simm.s32 $_size_execute0_lowered;
	s2 =	sadd.s32 s2, s4;
	[dreg:$0x0] =	wrdreg $0x0  }
0xa8: {  	s4 =	sshll.u32 s28, $0x1;
	[dreg:$0x2] =	wrdreg s2  }
0xa9: {  	[dreg:$0x3] =	wrdreg s4  }
0xaa: {  	[dreg:$0x4] =	wrdreg $0xC0  }
0xab: {  	_ =	task [dreg:s6], $0x5FFFF  }
0xac: {  	[dreg:$0x1] =	wrdreg $0xFFFFFFFF  }
0xad: {  	[dreg:$0x0] =	wrdreg $0x60  }
0xae: {  	[dreg:$0x2] =	wrdreg s24  }
0xaf: {  	[dreg:$0x3] =	wrdreg $0xBA800  }
0xb0: {  	[dreg:$0x4] =	wrdreg $0x9  }
0xb1: {  	_ =	task.clear_ibuf [dreg:s6], $0x5FFFF;
	_ =	strace $0x9000004F  }
0xb2: {  	s29 =	simm.s32 $0x9;
	_ =	strace $0x80000051  }
0xb3: {  	_ =	swait.ge [sflag:s29], $0x1  }
0xb4: {  	[sflag:s29] =	ssyncadd.s32 $0xFFFFFFFF  }
0xb5: {  	_ =	strace $0x90000051  }
0xb6: {  	_ =	sfence  }
0xb7: {  	s30 =	sld [smem:$0x0];
	_ =	sdelay $0x2  }
0xb8: {  	s31 =	sshll.u32 s1, $0xD;
	s1 =	sshrl.u32 s1, $0x2  }
0xb9: {  	s3 =	sand.u32 $0x4000, s31;
	s1 =	sadd.s32 s1, s30  }
0xba: {  	s0 =	sor.u32 s3, s0;
	s1 =	sshll.u32 s1, $0x11  }
0xbb: {  	s0 =	sor.u32 s1, s0  }
0xbc: {  	s0 =	sadd.s32 $0x8F2B, s0  }
0xbd: {  	[sflag:s0] =	ssyncadd.remote.s32 $0x1  }
0xbe: {  	_ =	sfence.sel $0xFFFF  }
0xbf: {  	[dreg:$0x0] =	wrdreg $0xFFFFFFFF;
	(pc) =	sbr.abs _section_cstart, $3  }
0xc0: {  	[dreg:$0x1] =	wrdreg $0xFFFFFFFF  }
0xc1: {  	_ =	task.clear_ibuf [dreg:s6], $0x2FFFF;
	_ =	strace $0x9FFFFFFF  }
0xc2: {  	(tm) =	ssettm $0x7FFFFFFF  }
0xc3: {  	_ =	shalt  }
tec
execute0_lowered:
.L_overlay_start_1:
0x0: {  	(tag) =	ssettag $0x1  }
0x1: {  	s0 =	rddreg [dreg:$0x0]  }
0x2: {  	s1 =	rddreg [dreg:$0x1];
	s2 =	simm.s32 $0x0;
	s18 =	srdreg.scid  }
0x3: {  	s7 =	stileid.u32;
	s28 =	simm.s32 $0x2800;
	s29 =	simm.s32 $0x5A80  }
0x4: {  	s30 =	simm.s32 $0x1;
	s31 =	simm.s32 $0x2900;
	s19 =	smul.u32 $0x4F000, s7  }
0x5: {  	[smem:$0x7FF] =	sst s2;
	s3 =	sshrl.u32 s7, $0x2;
	s12 =	smul.u32 $0x13C00, s7  }
0x6: {  	s2 =	sand.u32 $0x1, s18;
	s4 =	sshll.u32 s7, $0x8;
	s3 =	smul.u32 $0x13C00, s3  }
0x7: {  	s5 =	sshll.u32 s2, $0x7;
	s4 =	sand.u32 $0x300, s4;
	_ =	strace $0x80000050  }
0x8: {  	s6 =	ssub.s32 $0x2, s2;
	s2 =	smul.u32 $0x13C000, s2;
	s5 =	sor.u32 s5, s4  }
0x9: {  	s4 =	sadd.s32 $0xE600, s0;
	s20 =	sshrl.u32 s6, $0x1;
	s14 =	sadd.s32 $0x3000, s12  }
0xa: {  	s21 =	sadd.s32 $0x6000, s12;
	s22 =	sadd.s32 $0x9000, s12;
	s15 =	sadd.s32 $0xC000, s12  }
0xb: {  	s17 =	sadd.s32 $0xF000, s12;
	s18 =	sadd.s32 $0x12000, s12;
	s3 =	sor.u32 s3, s5  }
0xc: {  	s13 =	ssub.s32 s6, s20;
	s5 =	sshrl.u32 s19, $0x2;
	s7 =	sadd.s32 s14, s1  }
0xd: {  	s8 =	sadd.s32 s21, s1;
	s9 =	sadd.s32 s22, s1;
	s10 =	sadd.s32 s15, s1  }
0xe: {  	s16 =	sadd.s32 s12, s2;
	s11 =	sadd.s32 s17, s1;
	s12 =	sadd.s32 s18, s1  }
0xf: {  	s14 =	sadd.s32 s2, s14;
	s24 =	sadd.s32 s2, s15;
	s25 =	sadd.s32 s2, s17  }
0x10: {  	s3 =	sshrl.u32 s3, $0x3;
	s6 =	sadd.s32 s5, s1;
	s16 =	sshrl.u32 s16, $0x3  }
0x11: {  	s14 =	sshrl.u32 s14, $0x3;
	s5 =	sadd.s32 s2, s22;
	s26 =	sshrl.u32 s25, $0x3  }
0x12: {  	s20 =	smax.u32 s13, $0x1;
	s25 =	simm.s32 $0x60;
	s3 =	sadd.s32 s3, s0  }
0x13: {  	s22 =	simm.s32 $0x3;
	s0 =	sadd.s32 $0x35800, s0;
	s3 =	sadd.s32 $0x4800, s3  }
0x14: {  	s13 =	simm.s32 $0x0;
	s16 =	sadd.s32 s0, s16;
	[dreg:$0x3] =	wrdreg s3  }
0x15: {  	s5 =	sshrl.u32 s5, $0x3;
	s14 =	sadd.s32 s0, s14;
	[dreg:$0x4] =	wrdreg s16  }
0x16: {  	s23 =	sadd.s32 s0, s5;
	s5 =	simm.s32 $0x4;
	[dreg:$0x5] =	wrdreg s14  }
0x17: {  	s3 =	sadd.s32 s2, s21;
	[dreg:$0x7] =	wrdreg s23;
	s2 =	sadd.s32 s2, s18  }
0x18: {  	s23 =	simm.s32 $0x5;
	s21 =	simm.s32 $0x2980;
	s3 =	sshrl.u32 s3, $0x3  }
.Ltmp0:
0x19: {  	s2 =	sshrl.u32 s2, $0x3;
	s3 =	sadd.s32 s0, s3;
	(pc) =	sbr.rel .LBB2_1-.Ltmp0, $4  }
0x1a: {  	s19 =	sadd.s32 s0, s2;
	[dreg:$0x6] =	wrdreg s3;
	s3 =	sshrl.u32 s24, $0x3  }
0x1b: {  	s2 =	simm.s32 $0x2;
	s24 =	simm.s32 $0x2A80;
	s3 =	sadd.s32 s0, s3  }
0x1c: {  	[dreg:$0x8] =	wrdreg s3;
	s3 =	sadd.s32 s0, s26;
	s0 =	simm.s32 $0x2880  }
0x1d: {  	v0 =	vimm.f32 $0.0e+00;
	s26 =	simm.s32 $0x2A00;
	[dreg:$0x9] =	wrdreg s3;
	s3 =	simm.s32 $0x8A80  }
.LBB2_6:
0x1e: {  	_ =	swait.ge [sflag:s5], $0x3000  }
0x1f: {  	[sflag:s5] =	ssyncset.done $0x0  }
0x20: {  	[sflag:s5] =	ssyncadd.s32 $0xFFFFD000  }
0x21: {  	_ =	swait.ge [sflag:s5], $0x3000  }
0x22: {  	[sflag:s5] =	ssyncset.done $0x0  }
0x23: {  	s14 =	stileid.u32;
	[sflag:s5] =	ssyncadd.s32 $0xFFFFD000  }
0x24: {  	s14 =	sshll.u32 s14, $0x6;
	[bflag:$0x0] =	sbarrier.arrive $0xFFFF  }
0x25: {  	s15 =	sshrl.u32 s6, $0x3;
	s14 =	sor.u32 $0x1C05, s14;
	s16 =	rddreg [dreg:$0x4]  }
0x26: {  	[hbm:s16], [sflag:s14] =	dma.local [spmem:s15], $0x600  }
0x27: {  	_ =	swait.ge [sflag:s23], $0x600  }
0x28: {  	[sflag:s23] =	ssyncset.done $0x0  }
0x29: {  	s17 =	sshrl.u32 s7, $0x3;
	s18 =	rddreg [dreg:$0x5];
	[sflag:s23] =	ssyncadd.s32 $0xFFFFFA00  }
0x2a: {  	[hbm:s18], [sflag:s14] =	dma.local [spmem:s17], $0x600  }
0x2b: {  	_ =	swait.ge [sflag:s23], $0x600  }
0x2c: {  	[sflag:s23] =	ssyncset.done $0x0  }
0x2d: {  	s17 =	sshrl.u32 s8, $0x3;
	s18 =	rddreg [dreg:$0x6];
	[sflag:s23] =	ssyncadd.s32 $0xFFFFFA00  }
0x2e: {  	[hbm:s18], [sflag:s14] =	dma.local [spmem:s17], $0x600  }
0x2f: {  	_ =	swait.ge [sflag:s23], $0x600  }
0x30: {  	[sflag:s23] =	ssyncset.done $0x0  }
0x31: {  	s17 =	sshrl.u32 s9, $0x3;
	s18 =	rddreg [dreg:$0x7];
	[sflag:s23] =	ssyncadd.s32 $0xFFFFFA00  }
0x32: {  	[hbm:s18], [sflag:s14] =	dma.local [spmem:s17], $0x600  }
0x33: {  	_ =	swait.ge [sflag:s23], $0x600  }
0x34: {  	[sflag:s23] =	ssyncset.done $0x0  }
0x35: {  	s17 =	sshrl.u32 s10, $0x3;
	s18 =	rddreg [dreg:$0x8];
	[sflag:s23] =	ssyncadd.s32 $0xFFFFFA00  }
0x36: {  	[hbm:s18], [sflag:s14] =	dma.local [spmem:s17], $0x600  }
0x37: {  	_ =	swait.ge [sflag:s23], $0x600  }
0x38: {  	[sflag:s23] =	ssyncset.done $0x0  }
0x39: {  	s16 =	sshrl.u32 s11, $0x3;
	s17 =	rddreg [dreg:$0x9];
	[sflag:s23] =	ssyncadd.s32 $0xFFFFFA00  }
0x3a: {  	[hbm:s17], [sflag:s14] =	dma.local [spmem:s16], $0x600  }
0x3b: {  	s13 =	sadd.s32 $0x1, s13;
	_ =	swait.ge [sflag:s23], $0x600  }
0x3c: {  	p0 =	sne.s32 s13, s20;
	[sflag:s23] =	ssyncset.done $0x0  }
.Ltmp1:
0x3d: {  	s18 =	sshrl.u32 s12, $0x3;
	[sflag:s23] =	ssyncadd.s32 $0xFFFFFA00;
	(pc) =	sbr.rel @!p0 .LBB2_7-.Ltmp1, $4  }
0x3e: {  	[hbm:s19], [sflag:s14] =	dma.local [spmem:s18], $0x380  }
0x3f: {  	_ =	swait.ge [sflag:s23], $0x380  }
0x40: {  	[sflag:s23] =	ssyncset.done $0x0  }
0x41: {  	[sflag:s23] =	ssyncadd.s32 $0xFFFFFC80  }
.LBB2_1:
0x42: {  	s14 =	simm.s32 $0x0  }
0x43: {  	s15 =	rddreg [dreg:$0x3];
	s16 =	simm.s32 $0x80;
	s17 =	simm.s32 $0x400  }
0x44: {  	[tilespmem:s14], [sflag:$0x5] =	stream.strided.gather [hbm4b:s15+s16], $0x2780, s17, s16, $0x38;
	[tilespmem:$0x1F680] =	vst v63  }
0x45: {  	_ =	swait.ge [sflag:s23], $0x2780  }
0x46: {  	[sflag:s23] =	ssyncset.done $0x0  }
0x47: {  	s14 =	simm.s32 $0x70;
	s15 =	simm.s32 $0x3C0;
	[sflag:s23] =	ssyncadd.s32 $0xFFFFD880  }
.LBB2_2:
0x48: {  	p0 =	sne.s32 s15, $0xBFC0;
	[tilespmem:s14+$0x2A80] =	vst v0  }
0x49: {  	[tilespmem:s14+$0x2A10] =	vst v0  }
0x4a: {  	[tilespmem:s14+$0x2A20] =	vst v0  }
.Ltmp2:
0x4b: {  	[tilespmem:s14+$0x2A30] =	vst v0;
	(pc) =	sbr.rel @p0 .LBB2_2-.Ltmp2, $4  }
0x4c: {  	[tilespmem:s14+$0x2A40] =	vst v0  }
0x4d: {  	[tilespmem:s14+$0x2A50] =	vst v0  }
0x4e: {  	[tilespmem:s14+$0x2A60] =	vst v0  }
0x4f: {  	[tilespmem:s14+$0x2A70] =	vst v0;
	s14 =	sshra.s32 s15, $0x2;
	s15 =	sadd.s32 $0x200, s15  }
0x50: {  	[tilespmem:s14+$0x2A80] =	vst v0  }
0x51: {  	[tilespmem:s14+$0x2A10] =	vst v0  }
0x52: {  	[tilespmem:s14+$0x2A20] =	vst v0  }
0x53: {  	[tilespmem:s14+$0x2A30] =	vst v0  }
0x54: {  	[tilespmem:s14+$0x2A40] =	vst v0  }
0x55: {  	[tilespmem:s14+$0x2A50] =	vst v0  }
0x56: {  	[tilespmem:s14+$0x2A60] =	vst v0  }
0x57: {  	[tilespmem:s14+$0x2A70] =	vst v0  }
0x58: {  	[spmem:s6] =	stream.linear.scatter [tilespmem:s24], [sflag:$0x5], $0x3000, $0x38;
	[tilespmem:$0x1F680] =	vst v63  }
0x59: {  	_ =	swait.ge [sflag:s23], $0x3000  }
0x5a: {  	[sflag:s23] =	ssyncset.done $0x0  }
0x5b: {  	[sflag:s23] =	ssyncadd.s32 $0xFFFFD000  }
0x5c: {  	[spmem:s7] =	stream.linear.scatter [tilespmem:s24], [sflag:$0x5], $0x3000, $0x38;
	[tilespmem:$0x1F680] =	vst v63  }
0x5d: {  	_ =	swait.ge [sflag:s23], $0x3000  }
0x5e: {  	[sflag:s23] =	ssyncset.done $0x0  }
0x5f: {  	[sflag:s23] =	ssyncadd.s32 $0xFFFFD000  }
0x60: {  	[spmem:s8] =	stream.linear.scatter [tilespmem:s24], [sflag:$0x5], $0x3000, $0x38;
	[tilespmem:$0x1F680] =	vst v63  }
0x61: {  	_ =	swait.ge [sflag:s23], $0x3000  }
0x62: {  	[sflag:s23] =	ssyncset.done $0x0  }
0x63: {  	[sflag:s23] =	ssyncadd.s32 $0xFFFFD000  }
0x64: {  	[spmem:s9] =	stream.linear.scatter [tilespmem:s24], [sflag:$0x5], $0x3000, $0x38;
	[tilespmem:$0x1F680] =	vst v63  }
0x65: {  	_ =	swait.ge [sflag:s23], $0x3000  }
0x66: {  	[sflag:s23] =	ssyncset.done $0x0  }
0x67: {  	[sflag:s23] =	ssyncadd.s32 $0xFFFFD000  }
0x68: {  	[spmem:s10] =	stream.linear.scatter [tilespmem:s24], [sflag:$0x5], $0x3000, $0x38;
	[tilespmem:$0x1F680] =	vst v63  }
0x69: {  	_ =	swait.ge [sflag:s23], $0x3000  }
0x6a: {  	[sflag:s23] =	ssyncset.done $0x0  }
0x6b: {  	[sflag:s23] =	ssyncadd.s32 $0xFFFFD000  }
0x6c: {  	[spmem:s11] =	stream.linear.scatter [tilespmem:s24], [sflag:$0x5], $0x3000, $0x38;
	[tilespmem:$0x1F680] =	vst v63  }
0x6d: {  	_ =	swait.ge [sflag:s23], $0x3000  }
0x6e: {  	[sflag:s23] =	ssyncset.done $0x0  }
0x6f: {  	[sflag:s23] =	ssyncadd.s32 $0xFFFFD000  }
0x70: {  	[spmem:s12] =	stream.linear.scatter [tilespmem:s24], [sflag:$0x5], $0x1C00, $0x38;
	[tilespmem:$0x1F680] =	vst v63  }
0x71: {  	_ =	swait.ge [sflag:s23], $0x1C00  }
0x72: {  	[sflag:s23] =	ssyncset.done $0x0  }
0x73: {  	[sflag:s23] =	ssyncadd.s32 $0xFFFFE400  }
0x74: {  	[bflag:$0x0] =	sbarrier.arrive $0xFFFF  }
0x75: {  	v1 =	vld [tilespmem:$0x0]  }
0x76: {  	v2 =	vld [tilespmem:$0x10]  }
0x77: {  	v3 =	vld [tilespmem:$0x20]  }
0x78: {  	v4 =	vld [tilespmem:$0x30]  }
0x79: {  	v5 =	vld [tilespmem:$0x40]  }
0x7a: {  	v6 =	vld [tilespmem:$0x50];
	v1 =	vand.u32 $0xFFFF, v1  }
0x7b: {  	[tilespmem:$0x2780] =	vst v1;
	v1 =	vand.u32 $0xFFFF, v2  }
0x7c: {  	[tilespmem:$0x2790] =	vst v1;
	v1 =	vand.u32 $0xFFFF, v3  }
0x7d: {  	[tilespmem:$0x27A0] =	vst v1;
	v1 =	vand.u32 $0xFFFF, v4  }
0x7e: {  	[tilespmem:$0x27B0] =	vst v1;
	v1 =	vand.u32 $0xFFFF, v5  }
0x7f: {  	[tilespmem:$0x27C0] =	vst v1;
	v1 =	vand.u32 $0xFFFF, v6  }
0x80: {  	s18 =	simm.s32 $0x2780;
	[tilespmem:$0x27D0] =	vst v1  }
0x81: {  	[tilespmem:s24], [sflag:$0x1] =	stream.indirect.gather [hbm4b:s4+s25], $0x80, s18, s25, $0xb8;
	[tilespmem:$0x1F680] =	vst v63  }
0x82: {  	v1 =	vld [tilespmem:$0x60]  }
0x83: {  	v2 =	vld [tilespmem:$0x70]  }
0x84: {  	v3 =	vld [tilespmem:$0x80]  }
0x85: {  	v61 =	vld [tilespmem:$0x90]  }
0x86: {  	v62 =	vld [tilespmem:$0xA0]  }
0x87: {  	v63 =	vld [tilespmem:$0xB0];
	v1 =	vand.u32 $0xFFFF, v1  }
0x88: {  	[tilespmem:$0x2800] =	vst v1;
	v1 =	vand.u32 $0xFFFF, v2  }
0x89: {  	[tilespmem:$0x2810] =	vst v1;
	v1 =	vand.u32 $0xFFFF, v3  }
0x8a: {  	[tilespmem:$0x2820] =	vst v1;
	v1 =	vand.u32 $0xFFFF, v61  }
0x8b: {  	[tilespmem:$0x2830] =	vst v1;
	v1 =	vand.u32 $0xFFFF, v62  }
0x8c: {  	[tilespmem:$0x2840] =	vst v1;
	v1 =	vand.u32 $0xFFFF, v63  }
0x8d: {  	s14 =	simm.s32 $0x0;
	[tilespmem:$0x2850] =	vst v1  }
0x8e: {  	[tilespmem:s29], [sflag:$0x2] =	stream.indirect.gather [hbm4b:s4+s25], $0x80, s28, s25, $0xb8;
	[tilespmem:$0x1F680] =	vst v63  }
.LBB2_4:
0x8f: {  	_ =	swait.ge [sflag:s30], $0x3000  }
0x90: {  	[sflag:s30] =	ssyncset.done $0x0  }
0x91: {  	s15 =	sshra.s32 s14, $0x2;
	[sflag:s30] =	ssyncadd.s32 $0xFFFFD000  }
0x92: {  	v1 =	vld [tilespmem:s15+$0x0];
	_ =	sdelay $0x4  }
0x93: {  	v1 =	vshrl.u32 v1, $0x10  }
0x94: {  	[tilespmem:$0x2900] =	vst v1  }
0x95: {  	v1 =	vld [tilespmem:s15+$0x10];
	_ =	sdelay $0x4  }
0x96: {  	v1 =	vshrl.u32 v1, $0x10  }
0x97: {  	[tilespmem:$0x2910] =	vst v1  }
0x98: {  	v1 =	vld [tilespmem:s15+$0x20];
	_ =	sdelay $0x4  }
0x99: {  	v1 =	vshrl.u32 v1, $0x10  }
0x9a: {  	[tilespmem:$0x2920] =	vst v1  }
0x9b: {  	v1 =	vld [tilespmem:s15+$0x30];
	_ =	sdelay $0x4  }
0x9c: {  	v1 =	vshrl.u32 v1, $0x10  }
0x9d: {  	[tilespmem:$0x2930] =	vst v1  }
0x9e: {  	v1 =	vld [tilespmem:s15+$0x40];
	_ =	sdelay $0x4  }
0x9f: {  	v1 =	vshrl.u32 v1, $0x10  }
0xa0: {  	[tilespmem:$0x2940] =	vst v1  }
0xa1: {  	v1 =	vld [tilespmem:s15+$0x50];
	_ =	sdelay $0x4  }
0xa2: {  	p0 =	seq.s32 s14, $0x0;
	v1 =	vshrl.u32 v1, $0x10  }
0xa3: {  	s16 =	simm.s32 @!p0 $0x4;
	[tilespmem:$0x2950] =	vst v1  }
0xa4: {  	[spmem:s1] =	stream.indirect.scatter.add.f32 [tilespmem:s24], [sflag:$0x4], $0x80, s31, s25, $0xb8;
	[tilespmem:$0x1F680] =	vst v63  }
0xa5: {  	_ =	swait.ge @!p0 [sflag:s16], $0x3000  }
0xa6: {  	[sflag:s16] =	ssyncset.done @!p0 $0x0  }
0xa7: {  	[sflag:s16] =	ssyncadd.s32 @!p0 $0xFFFFD000  }
0xa8: {  	v1 =	vld [tilespmem:s15+$0xC0];
	_ =	sdelay $0x4  }
0xa9: {  	v1 =	vand.u32 $0xFFFF, v1  }
0xaa: {  	[tilespmem:$0x2880] =	vst v1  }
0xab: {  	v1 =	vld [tilespmem:s15+$0xD0];
	_ =	sdelay $0x4  }
0xac: {  	v1 =	vand.u32 $0xFFFF, v1  }
0xad: {  	[tilespmem:$0x2890] =	vst v1  }
0xae: {  	v1 =	vld [tilespmem:s15+$0xE0];
	_ =	sdelay $0x4  }
0xaf: {  	v1 =	vand.u32 $0xFFFF, v1  }
0xb0: {  	[tilespmem:$0x28A0] =	vst v1  }
0xb1: {  	v1 =	vld [tilespmem:s15+$0xF0];
	_ =	sdelay $0x4  }
0xb2: {  	v1 =	vand.u32 $0xFFFF, v1  }
0xb3: {  	[tilespmem:$0x28B0] =	vst v1  }
0xb4: {  	v1 =	vld [tilespmem:s15+$0x100];
	_ =	sdelay $0x4  }
0xb5: {  	v1 =	vand.u32 $0xFFFF, v1  }
0xb6: {  	[tilespmem:$0x28C0] =	vst v1  }
0xb7: {  	v1 =	vld [tilespmem:s15+$0x110];
	_ =	sdelay $0x4  }
0xb8: {  	v1 =	vand.u32 $0xFFFF, v1  }
0xb9: {  	[tilespmem:$0x28D0] =	vst v1  }
0xba: {  	[tilespmem:s3], [sflag:$0x3] =	stream.indirect.gather [hbm4b:s4+s25], $0x80, s0, s25, $0xb8;
	[tilespmem:$0x1F680] =	vst v63  }
0xbb: {  	_ =	swait.ge [sflag:s2], $0x3000  }
0xbc: {  	[sflag:s2] =	ssyncset.done $0x0  }
0xbd: {  	[sflag:s2] =	ssyncadd.s32 $0xFFFFD000  }
0xbe: {  	v1 =	vld [tilespmem:s15+$0x60];
	_ =	sdelay $0x4  }
0xbf: {  	v1 =	vshrl.u32 v1, $0x10  }
0xc0: {  	[tilespmem:$0x2980] =	vst v1  }
0xc1: {  	v1 =	vld [tilespmem:s15+$0x70];
	_ =	sdelay $0x4  }
0xc2: {  	v1 =	vshrl.u32 v1, $0x10  }
0xc3: {  	[tilespmem:$0x2990] =	vst v1  }
0xc4: {  	v1 =	vld [tilespmem:s15+$0x80];
	_ =	sdelay $0x4  }
0xc5: {  	v1 =	vshrl.u32 v1, $0x10  }
0xc6: {  	[tilespmem:$0x29A0] =	vst v1  }
0xc7: {  	v1 =	vld [tilespmem:s15+$0x90];
	_ =	sdelay $0x4  }
0xc8: {  	v1 =	vshrl.u32 v1, $0x10  }
0xc9: {  	[tilespmem:$0x29B0] =	vst v1  }
0xca: {  	v1 =	vld [tilespmem:s15+$0xA0];
	_ =	sdelay $0x4  }
0xcb: {  	v1 =	vshrl.u32 v1, $0x10  }
0xcc: {  	[tilespmem:$0x29C0] =	vst v1  }
0xcd: {  	v1 =	vld [tilespmem:s15+$0xB0];
	_ =	sdelay $0x4  }
0xce: {  	p0 =	seq.s32 s14, $0x9900;
	v1 =	vshrl.u32 v1, $0x10  }
0xcf: {  	s16 =	simm.s32 @!p0 $0x4;
	[tilespmem:$0x29D0] =	vst v1  }
0xd0: {  	[spmem:s1] =	stream.indirect.scatter.add.f32 [tilespmem:s29], [sflag:$0x4], $0x80, s21, s25, $0xb8;
	[tilespmem:$0x1F680] =	vst v63  }
0xd1: {  	_ =	swait.ge @!p0 [sflag:s16], $0x3000  }
0xd2: {  	[sflag:s16] =	ssyncset.done @!p0 $0x0  }
0xd3: {  	[sflag:s16] =	ssyncadd.s32 @!p0 $0xFFFFD000;
	s16 =	sshra.s32 @!p0 s14, $0x2  }
0xd4: {  	v1 =	vld @!p0 [tilespmem:s16+$0x120];
	_ =	sdelay $0x4  }
0xd5: {  	v1 =	vand.u32 @!p0 $0xFFFF, v1  }
0xd6: {  	[tilespmem:$0x2780] =	vst @!p0 v1  }
0xd7: {  	v1 =	vld @!p0 [tilespmem:s16+$0x130];
	_ =	sdelay $0x4  }
0xd8: {  	v1 =	vand.u32 @!p0 $0xFFFF, v1  }
0xd9: {  	[tilespmem:$0x2790] =	vst @!p0 v1  }
0xda: {  	v1 =	vld @!p0 [tilespmem:s16+$0x140];
	_ =	sdelay $0x4  }
0xdb: {  	v1 =	vand.u32 @!p0 $0xFFFF, v1  }
0xdc: {  	[tilespmem:$0x27A0] =	vst @!p0 v1  }
0xdd: {  	v1 =	vld @!p0 [tilespmem:s16+$0x150];
	_ =	sdelay $0x4  }
0xde: {  	v1 =	vand.u32 @!p0 $0xFFFF, v1  }
0xdf: {  	[tilespmem:$0x27B0] =	vst @!p0 v1  }
0xe0: {  	v1 =	vld @!p0 [tilespmem:s16+$0x160];
	_ =	sdelay $0x4  }
0xe1: {  	v1 =	vand.u32 @!p0 $0xFFFF, v1  }
0xe2: {  	[tilespmem:$0x27C0] =	vst @!p0 v1  }
0xe3: {  	v1 =	vld @!p0 [tilespmem:s16+$0x170];
	_ =	sdelay $0x4  }
0xe4: {  	v1 =	vand.u32 @!p0 $0xFFFF, v1  }
0xe5: {  	s17 =	simm.s32 @!p0 $0x2780;
	s18 =	simm.s32 @!p0 $0x2A80;
	s16 =	simm.s32 @!p0 $0x60;
	[tilespmem:$0x27D0] =	vst @!p0 v1  }
0xe6: {  	[tilespmem:s18], [sflag:$0x1] =	stream.indirect.gather @!p0 [hbm4b:s4+s16], $0x80, s17, s16, $0xb8;
	[tilespmem:$0x1F680] =	vst v63  }
0xe7: {  	_ =	swait.ge [sflag:s22], $0x3000  }
0xe8: {  	[sflag:s22] =	ssyncset.done $0x0  }
0xe9: {  	[sflag:s22] =	ssyncadd.s32 $0xFFFFD000  }
0xea: {  	v1 =	vld [tilespmem:s15+$0xC0];
	_ =	sdelay $0x4  }
0xeb: {  	v1 =	vshrl.u32 v1, $0x10  }
0xec: {  	[tilespmem:$0x2A00] =	vst v1  }
0xed: {  	v1 =	vld [tilespmem:s15+$0xD0];
	_ =	sdelay $0x4  }
0xee: {  	v1 =	vshrl.u32 v1, $0x10  }
0xef: {  	[tilespmem:$0x2A10] =	vst v1  }
0xf0: {  	v1 =	vld [tilespmem:s15+$0xE0];
	_ =	sdelay $0x4  }
0xf1: {  	v1 =	vshrl.u32 v1, $0x10  }
0xf2: {  	[tilespmem:$0x2A20] =	vst v1  }
0xf3: {  	v1 =	vld [tilespmem:s15+$0xF0];
	_ =	sdelay $0x4  }
0xf4: {  	v1 =	vshrl.u32 v1, $0x10  }
0xf5: {  	[tilespmem:$0x2A30] =	vst v1  }
0xf6: {  	v1 =	vld [tilespmem:s15+$0x100];
	_ =	sdelay $0x4  }
0xf7: {  	v1 =	vshrl.u32 v1, $0x10  }
0xf8: {  	[tilespmem:$0x2A40] =	vst v1  }
0xf9: {  	v1 =	vld [tilespmem:s15+$0x110];
	_ =	sdelay $0x4  }
0xfa: {  	v1 =	vshrl.u32 v1, $0x10  }
.Ltmp3:
0xfb: {  	[tilespmem:$0x2A50] =	vst v1;
	(pc) =	sbr.rel @p0 .LBB2_6-.Ltmp3, $4  }
0xfc: {  	[spmem:s1] =	stream.indirect.scatter.add.f32 [tilespmem:s3], [sflag:$0x4], $0x80, s26, s25, $0xb8;
	[tilespmem:$0x1F680] =	vst v63  }
0xfd: {  	_ =	swait.ge [sflag:s5], $0x3000  }
0xfe: {  	[sflag:s5] =	ssyncset.done $0x0  }
0xff: {  	[sflag:s5] =	ssyncadd.s32 $0xFFFFD000  }
0x100: {  	v1 =	vld [tilespmem:s15+$0x180];
	_ =	sdelay $0x4  }
0x101: {  	v1 =	vand.u32 $0xFFFF, v1  }
0x102: {  	[tilespmem:$0x2800] =	vst v1  }
0x103: {  	v1 =	vld [tilespmem:s15+$0x190];
	_ =	sdelay $0x4  }
0x104: {  	v1 =	vand.u32 $0xFFFF, v1  }
0x105: {  	[tilespmem:$0x2810] =	vst v1  }
0x106: {  	v1 =	vld [tilespmem:s15+$0x1A0];
	_ =	sdelay $0x4  }
0x107: {  	v1 =	vand.u32 $0xFFFF, v1  }
0x108: {  	[tilespmem:$0x2820] =	vst v1  }
0x109: {  	v1 =	vld [tilespmem:s15+$0x1B0];
	_ =	sdelay $0x4  }
0x10a: {  	v1 =	vand.u32 $0xFFFF, v1  }
0x10b: {  	[tilespmem:$0x2830] =	vst v1  }
0x10c: {  	v1 =	vld [tilespmem:s15+$0x1C0];
	_ =	sdelay $0x4  }
0x10d: {  	v1 =	vand.u32 $0xFFFF, v1  }
0x10e: {  	[tilespmem:$0x2840] =	vst v1  }
0x10f: {  	v1 =	vld [tilespmem:s15+$0x1D0];
	_ =	sdelay $0x2  }
.Ltmp4:
0x110: {  	_ = 	snop;
	(pc) =	sbr.rel .LBB2_4-.Ltmp4, $4  }
0x111: {  	_ = 	snop  }
0x112: {  	v1 =	vand.u32 $0xFFFF, v1  }
0x113: {  	s14 =	sadd.s32 $0x480, s14;
	[tilespmem:$0x2850] =	vst v1  }
0x114: {  	[tilespmem:s29], [sflag:$0x2] =	stream.indirect.gather [hbm4b:s4+s25], $0x80, s28, s25, $0xb8;
	[tilespmem:$0x1F680] =	vst v63  }
.LBB2_7:
0x115: {  	_ =	sfence.sel $0x180000  }
0x116: {  	[bflag:$0x0] =	sbarrier.arrive $0xFFFF  }
0x117: {  	_ =	strace $0x90000050  }
0x118: {  	s0 =	stileid.u32;
	[bflag:$0x2] =	sbarrier.arrive $0xFFFF  }
0x119: {  	p0 =	sne.s32 s0, $0x0;
	s0 =	rddreg [dreg:$0x2]  }
0x11a: {  	s0 =	sadd.s32 @!p0 $0x100000, s0  }
0x11b: {  	[sflag:s0] =	ssyncadd.tile.s32 @!p0 $0x1;
	_ =	shalt  }
.Lfunc_end2:
_tile_overlayer_lowered:
.L_overlay_start_2:
0x11c: {  	(tag) =	ssettag $0x2  }
0x11d: {  	s0 =	rddreg [dreg:$0x0];
	s2 =	stileid.u32  }
0x11e: {  	s1 =	rddreg [dreg:$0x1];
	p0 =	sne.s32 s2, $0x0  }
0x11f: {  	s3 =	rddreg [dreg:$0x2];
	[bflag:$0x3] =	sbarrier.arrive $0xFFFF;
	s2 =	simm.s32 @!p0 $0x1C05  }
0x120: {  	[timem:s3], [sflag:s2] =	dma.local @!p0 [hbm:s0], s1  }
0x121: {  	s0 =	simm.s32 @!p0 $0x5  }
0x122: {  	_ =	swait.ge @!p0 [sflag:s0], s1  }
0x123: {  	s1 =	ssub.s32 @!p0 $0x0, s1;
	[sflag:s0] =	ssyncset.done @!p0 $0x0  }
0x124: {  	[sflag:s0] =	ssyncadd.s32 @!p0 s1  }
0x125: {  	[bflag:$0x3] =	sbarrier.arrive $0xFFFF  }
0x126: {  	_ =	shalt  }

</sc_bundles>
